<compile_context>
chip_gen: v7x
topology: tpu7x:2x2x1
jax: 0.10.2.dev20260603
libtpu: 0.0.44.dev20260713+nightly
codegen_flags: <defaults>
</compile_context>

<pallas_src>
import functools

import jax
import jax.numpy as jnp
from jax import lax
from jax.experimental import pallas as pl
from jax.experimental.pallas import tpu as pltpu
from jax.experimental.pallas import tpu_sc as plsc

VOCAB = 100000
VOCAB_PAD = 100096
EMBED_DIM = 64
BATCH = 4096
MAX_LEN = 200

NUM_WORKERS = 32
D_PER_WORKER = EMBED_DIM // NUM_WORKERS
PHASE_L = 12
N_FULL_PHASES = 16

_MESH = plsc.VectorSubcoreMesh(core_axis_name="c", subcore_axis_name="s")


@functools.partial(
    pl.kernel,
    mesh=_MESH,
    out_type=jax.ShapeDtypeStruct((MAX_LEN, 8, 32, 8, 128), jnp.float32),
    scratch_types=[
        pltpu.VMEM((782, 128), jnp.float32),
        pltpu.VMEM((2, 32, 128), jnp.int32),
        pltpu.VMEM((2, 32, 128), jnp.int32),
        pltpu.VMEM((32, 128), jnp.float32),
        pltpu.VMEM((32, 128), jnp.float32),
        pltpu.VMEM_SHARED((12, 32, 128), jnp.int32),
        pltpu.VMEM_SHARED((12, 32, 128), jnp.int32),
        pltpu.SemaphoreType.DMA,
        pltpu.SemaphoreType.DMA,
        pltpu.SemaphoreType.DMA,
        pltpu.SemaphoreType.DMA,
        pltpu.SemaphoreType.DMA,
    ],
    compiler_params=pltpu.CompilerParams(
        use_tc_tiling_on_sc=False, needs_layout_passes=False
    ),
)
def _lookup_t(
    idx_hbm, table_hbm, out_hbm,
    row_v, ib0, ib1, ob0, ob1, sha, shb,
    si0, si1, so0, so1, ssem,
):
    cid = lax.axis_index("c")
    sid = lax.axis_index("s")
    wid = sid * 2 + cid

    ibufs = (ib0, ib1)
    isems = (si0, si1)
    obufs = (ob0, ob1)
    osems = (so0, so1)
    shbufs = (sha, shb)

    def stage2_start(p, buf):
        @pl.when(sid == 0)
        def _():
            pltpu.async_copy(idx_hbm.at[pl.ds(PHASE_L * p, PHASE_L)], buf, ssem)

    def stage2_wait(p, buf):
        @pl.when(sid == 0)
        def _():
            pltpu.make_async_copy(
                idx_hbm.at[pl.ds(PHASE_L * p, PHASE_L)], buf, ssem
            ).wait()

    def stage1_start(buf):
        @pl.when(sid == 0)
        def _():
            pltpu.async_copy(
                idx_hbm.at[pl.ds(192, 8)], buf.at[pl.ds(0, 8)], ssem
            )

    def stage1_wait(buf):
        @pl.when(sid == 0)
        def _():
            pltpu.make_async_copy(
                idx_hbm.at[pl.ds(192, 8)], buf.at[pl.ds(0, 8)], ssem
            ).wait()

    def out_dst(l, dp, dq):
        return out_hbm.at[l, dp, :, dq]

    def sweep(buf, n_pairs, l0, dp, dq):

        def idx_src(j):
            return buf.at[pl.ds(2 * j, 2)]

        pltpu.async_copy(idx_src(0), ib0, si0)
        pltpu.async_copy(idx_src(1), ib1, si1)

        def m_body(j, carry):
            jb = j % 2
            for jbs in range(2):
                @pl.when(jb == jbs)
                def _(jbs=jbs):
                    ib, isem = ibufs[jbs], isems[jbs]
                    pltpu.make_async_copy(idx_src(j), ib, isem).wait()
                    for i in range(2):
                        ll = 2 * j + i
                        l = l0 + ll
                        ob, osem = obufs[i], osems[i]

                        @pl.when(l >= 2)
                        def _():
                            pltpu.make_async_copy(
                                ob, out_dst(l - 2, dp, dq), osem
                            ).wait()

                        @plsc.parallel_loop(0, 32, unroll=4)
                        def _(g, ib=ib, ob=ob, i=i):
                            for u in range(8):
                                v16 = ib[i, g, pl.ds(u * 16, 16)]
                                h16 = lax.shift_right_logical(v16, 7)
                                l16 = lax.bitwise_and(v16, 127)
                                ob[g, pl.ds(u * 16, 16)] = plsc.load_gather(
                                    row_v, [h16, l16]
                                )

                        pltpu.async_copy(ob, out_dst(l, dp, dq), osem)

                    @pl.when(j + 2 < n_pairs)
                    def _():
                        pltpu.async_copy(idx_src(j + 2), ib, isem)

            return carry

        lax.fori_loop(0, n_pairs, m_body, 0)

    def d_body(k, carry):
        d = wid * D_PER_WORKER + k
        dp, dq = d // 8, d % 8
        pltpu.sync_copy(table_hbm.at[dp, :, dq], row_v)

        stage2_start(0, shbufs[0])
        stage2_wait(0, shbufs[0])
        plsc.subcore_barrier()

        def p_body(p, carry2):
            for parity in range(2):
                @pl.when(p % 2 == parity)
                def _(parity=parity):
                    buf = shbufs[parity]
                    nxt = shbufs[1 - parity]

                    @pl.when(p + 1 < N_FULL_PHASES)
                    def _():
                        stage2_start(p + 1, nxt)

                    @pl.when(p + 1 == N_FULL_PHASES)
                    def _():
                        stage1_start(nxt)

                    sweep(buf, PHASE_L // 2, PHASE_L * p, dp, dq)

                    @pl.when(p + 1 < N_FULL_PHASES)
                    def _():
                        stage2_wait(p + 1, nxt)

                    @pl.when(p + 1 == N_FULL_PHASES)
                    def _():
                        stage1_wait(nxt)

            plsc.subcore_barrier()
            return carry2

        lax.fori_loop(0, N_FULL_PHASES, p_body, 0)
        sweep(shbufs[0], 4, 192, dp, dq)
        plsc.subcore_barrier()
        pltpu.make_async_copy(ob0, out_dst(MAX_LEN - 2, dp, dq), so0).wait()
        pltpu.make_async_copy(ob1, out_dst(MAX_LEN - 1, dp, dq), so1).wait()
        return carry

    lax.fori_loop(0, D_PER_WORKER, d_body, 0)


def kernel(indices, table):
    idx4 = indices.T.reshape(200, 32, 128)
    table_t = jnp.pad(table.T, ((0, 0), (0, VOCAB_PAD - VOCAB)))
    table4 = table_t.reshape(8, 8, 782, 128).transpose(0, 2, 1, 3)
    out5 = _lookup_t(idx4, table4)
    out = out5.transpose(2, 4, 0, 1, 3).reshape(BATCH, MAX_LEN, EMBED_DIM)
    return out

# --- scband reference (transcript-rebuilt; emitter-appended) ---
"""Pipeline reference for scband-text-vectorizer-38620345925834 (READ-ONLY COPY).

The authoritative reference and input builder live on the scoring server;
editing this copy changes nothing except your own understanding.
"""

import jax, jax.numpy as jnp
import numpy as np

VOCAB = 100000
EMBED_DIM = 64
BATCH = 4096
MAX_LEN = 200
PAD_IDX = 1


def setup_inputs(seed: int = 0) -> dict:
    key = jax.random.key(seed)
    k1, k2 = jax.random.split(key)
    # token indices already ordinally-encoded (tokenizer+vocab lookup is string preprocessing,
    # not part of the tensor compute); values in [0, VOCAB)
    indices = jax.random.randint(k1, (BATCH, MAX_LEN), 0, VOCAB, dtype=jnp.int32)
    # embedding table (nn.Embedding weight), padding row zeroed like padding_idx
    table = jax.random.normal(k2, (VOCAB, EMBED_DIM), dtype=jnp.float32)
    table = table.at[PAD_IDX].set(0.0)
    return {"indices": indices, "table": table}


def reference(indices, table):
    # truncate to max_len (already max_len here, but keep faithful)
    idx = indices[:, :MAX_LEN]
    # enforce padding_idx semantics: padding row contributes zeros
    t = table.at[PAD_IDX].set(0.0)
    # embedding lookup == row gather
    out = jnp.take(t, idx, axis=0)
    return out

if __name__ == "__main__":
    import jax
    _d = setup_inputs()
    print(jax.jit(kernel)(*tuple(_d.values())))

</pallas_src>

<mosaic_0001>
#map = affine_map<(d0, d1) -> (0, 0, 0)>
#map1 = affine_map<(d0, d1) -> (0, 0, 0, 0)>
#map2 = affine_map<(d0, d1) -> (0, 0, 0, 0, 0)>
module attributes {stable_mosaic.version = 14 : i64} {
  func.func @_lookup_t(%arg0: i32, %arg1: i32, %arg2: memref<200x32x128xi32, #tpu.memory_space<hbm>>, %arg3: memref<8x782x8x128xf32, #tpu.memory_space<hbm>>, %arg4: memref<200x8x32x8x128xf32, #tpu.memory_space<hbm>>, %arg5: memref<782x128xf32, #tpu.memory_space<vmem>>, %arg6: memref<2x32x128xi32, #tpu.memory_space<vmem>>, %arg7: memref<2x32x128xi32, #tpu.memory_space<vmem>>, %arg8: memref<32x128xf32, #tpu.memory_space<vmem>>, %arg9: memref<32x128xf32, #tpu.memory_space<vmem>>, %arg10: memref<12x32x128xi32, #tpu.memory_space<vmem_shared>>, %arg11: memref<12x32x128xi32, #tpu.memory_space<vmem_shared>>, %arg12: memref<!tpu.dma_semaphore, #tpu.memory_space<semaphore_mem>>, %arg13: memref<!tpu.dma_semaphore, #tpu.memory_space<semaphore_mem>>, %arg14: memref<!tpu.dma_semaphore, #tpu.memory_space<semaphore_mem>>, %arg15: memref<!tpu.dma_semaphore, #tpu.memory_space<semaphore_mem>>, %arg16: memref<!tpu.dma_semaphore, #tpu.memory_space<semaphore_mem>>) attributes {dimension_semantics = [#tpu.dimension_semantics<core_parallel>, #tpu.dimension_semantics<subcore_parallel>], iteration_bounds = array<i64: 2, 16>, scalar_prefetch = 0 : i64, scratch_operands = 12 : i64, tpu.core_type = #tpu.core_type<sc_vector_subcore>, window_params = [{transform_indices = #map}, {transform_indices = #map1}, {transform_indices = #map2}]} {
    %mul3A = arith.constant 2 : i32
    %mul3A_0 = arith.muli %arg1, %mul3A : i32
    %add3A = arith.addi %mul3A_0, %arg0 : i32
    %scan3A = arith.constant 0 : i32
    %scan3A_1 = arith.constant 0 : i32
    %scan3A_2 = arith.constant 2 : i32
    %scan3A_3 = arith.addi %scan3A_1, %scan3A_2 : i32
    %scan3A_4 = arith.constant 1 : i32
    scf.for %scan3A_6 = %scan3A_1 to %scan3A_3 step %scan3A_4  : i32 {
      %mul3A_7 = arith.constant 2 : i32
      %mul3A_8 = arith.muli %add3A, %mul3A_7 : i32
      %add3A_9 = arith.addi %mul3A_8, %scan3A_6 : i32
      %jit3A = arith.constant 8 : i32
      %div3A = arith.divsi %add3A_9, %jit3A : i32
      %sign3A = arith.constant 0 : i32
      %sign3A_10 = arith.cmpi sgt, %add3A_9, %sign3A : i32
      %sign3A_11 = arith.extui %sign3A_10 : i1 to i32
      %sign3A_12 = arith.constant 0 : i32
      %sign3A_13 = arith.cmpi slt, %add3A_9, %sign3A_12 : i32
      %sign3A_14 = arith.extui %sign3A_13 : i1 to i32
      %sign3A_15 = arith.subi %sign3A_11, %sign3A_14 : i32
      %sign3A_16 = arith.constant 0 : i32
      %sign3A_17 = arith.cmpi sgt, %jit3A, %sign3A_16 : i32
      %sign3A_18 = arith.extui %sign3A_17 : i1 to i32
      %sign3A_19 = arith.constant 0 : i32
      %sign3A_20 = arith.cmpi slt, %jit3A, %sign3A_19 : i32
      %sign3A_21 = arith.extui %sign3A_20 : i1 to i32
      %sign3A_22 = arith.subi %sign3A_18, %sign3A_21 : i32
      %ne3A = arith.cmpi ne, %sign3A_15, %sign3A_22 : i32
      %rem3A = arith.remsi %add3A_9, %jit3A : i32
      %ne3A_23 = arith.constant 0 : i32
      %ne3A_24 = arith.cmpi ne, %rem3A, %ne3A_23 : i32
      %and3A = arith.andi %ne3A, %ne3A_24 : i1
      %sub3A = arith.constant 1 : i32
      %sub3A_25 = arith.subi %div3A, %sub3A : i32
      %select_n3A = arith.select %and3A, %sub3A_25, %div3A : i32
      %jit3A_26 = arith.constant 8 : i32
      %eq3A = arith.constant 0 : i32
      %eq3A_27 = arith.cmpi eq, %jit3A_26, %eq3A : i32
      %jit3A_28 = arith.constant 1 : i32
      %select_n3A_29 = arith.select %eq3A_27, %jit3A_28, %jit3A_26 : i32
      %rem3A_30 = arith.remsi %add3A_9, %select_n3A_29 : i32
      %ne3A_31 = arith.constant 0 : i32
      %ne3A_32 = arith.cmpi ne, %rem3A_30, %ne3A_31 : i32
      %lt3A = arith.constant 0 : i32
      %lt3A_33 = arith.cmpi slt, %rem3A_30, %lt3A : i32
      %lt3A_34 = arith.constant 0 : i32
      %lt3A_35 = arith.cmpi slt, %select_n3A_29, %lt3A_34 : i32
      %ne3A_36 = arith.xori %lt3A_33, %lt3A_35 : i1
      %and3A_37 = arith.andi %ne3A_36, %ne3A_32 : i1
      %add3A_38 = arith.addi %rem3A_30, %select_n3A_29 : i32
      %select_n3A_39 = arith.select %and3A_37, %add3A_38, %rem3A_30 : i32
      "tpu.region"() ({
        %run_scoped3A = tpu.sem_alloc : memref<!tpu.dma_semaphore, #tpu.memory_space<semaphore_mem>>
        %dma_start3A_93 = arith.constant 0 : i32
        %dma_start3A_94 = arith.constant 0 : i32
        %dma_start3A_95 = tpu.memref_slice %arg3[%select_n3A, %dma_start3A_93, %select_n3A_39, %dma_start3A_94] : memref<8x782x8x128xf32, #tpu.memory_space<hbm>> -> memref<1x782x1x128xf32, #tpu.memory_space<hbm>>
        %dma_start3A_96 = tpu.memref_squeeze %dma_start3A_95 : memref<1x782x1x128xf32, #tpu.memory_space<hbm>> -> memref<782x128xf32, #tpu.memory_space<hbm>>
        %dma_start3A_97 = arith.constant 0 : i32
        %dma_start3A_98 = arith.constant 0 : i32
        %dma_start3A_99 = tpu.memref_slice %arg3[%select_n3A, %dma_start3A_97, %select_n3A_39, %dma_start3A_98] : memref<8x782x8x128xf32, #tpu.memory_space<hbm>> -> memref<1x782x1x128xf32, #tpu.memory_space<hbm>>
        %dma_start3A_100 = tpu.memref_squeeze %dma_start3A_99 : memref<1x782x1x128xf32, #tpu.memory_space<hbm>> -> memref<782x128xf32, #tpu.memory_space<hbm>>
        tpu.enqueue_dma source(%dma_start3A_100 : memref<782x128xf32, #tpu.memory_space<hbm>>) target(%arg5 : memref<782x128xf32, #tpu.memory_space<vmem>>) target_semaphore(%run_scoped3A : memref<!tpu.dma_semaphore, #tpu.memory_space<semaphore_mem>>)
        %dma_wait3A_101 = arith.constant 0 : i32
        %dma_wait3A_102 = arith.constant 0 : i32
        %dma_wait3A_103 = tpu.memref_slice %arg3[%select_n3A, %dma_wait3A_101, %select_n3A_39, %dma_wait3A_102] : memref<8x782x8x128xf32, #tpu.memory_space<hbm>> -> memref<1x782x1x128xf32, #tpu.memory_space<hbm>>
        %dma_wait3A_104 = tpu.memref_squeeze %dma_wait3A_103 : memref<1x782x1x128xf32, #tpu.memory_space<hbm>> -> memref<782x128xf32, #tpu.memory_space<hbm>>
        %dma_wait3A_105 = arith.constant 0 : i32
        %dma_wait3A_106 = arith.constant 0 : i32
        %dma_wait3A_107 = tpu.memref_slice %arg3[%select_n3A, %dma_wait3A_105, %select_n3A_39, %dma_wait3A_106] : memref<8x782x8x128xf32, #tpu.memory_space<hbm>> -> memref<1x782x1x128xf32, #tpu.memory_space<hbm>>
        %dma_wait3A_108 = tpu.memref_squeeze %dma_wait3A_107 : memref<1x782x1x128xf32, #tpu.memory_space<hbm>> -> memref<782x128xf32, #tpu.memory_space<hbm>>
        tpu.wait_dma2 semaphore(%run_scoped3A : memref<!tpu.dma_semaphore, #tpu.memory_space<semaphore_mem>>) src(%dma_wait3A_108 : memref<782x128xf32, #tpu.memory_space<hbm>>) dst(%arg5 : memref<782x128xf32, #tpu.memory_space<vmem>>)
        tpu.yield
      }) : () -> ()
      %eq3A_40 = arith.constant 0 : i32
      %eq3A_41 = arith.cmpi eq, %arg1, %eq3A_40 : i32
      %convert_element_type3A = arith.extui %eq3A_41 : i1 to i32
      %cond3A = arith.constant 0 : i32
      %cond3A_42 = arith.cmpi ne, %convert_element_type3A, %cond3A : i32
      scf.if %cond3A_42 {
        %dma_start3A_93 = arith.constant 0 : i32
        %dma_start3A_94 = arith.constant 0 : i32
        %dma_start3A_95 = arith.constant 0 : i32
        %dma_start3A_96 = tpu.memref_slice %arg2[%dma_start3A_93, %dma_start3A_94, %dma_start3A_95] : memref<200x32x128xi32, #tpu.memory_space<hbm>> -> memref<12x32x128xi32, #tpu.memory_space<hbm>>
        tpu.enqueue_dma source(%dma_start3A_96 : memref<12x32x128xi32, #tpu.memory_space<hbm>>) target(%arg10 : memref<12x32x128xi32, #tpu.memory_space<vmem_shared>>) target_semaphore(%arg16 : memref<!tpu.dma_semaphore, #tpu.memory_space<semaphore_mem>>)
      } else {
      }
      %eq3A_43 = arith.constant 0 : i32
      %eq3A_44 = arith.cmpi eq, %arg1, %eq3A_43 : i32
      %convert_element_type3A_45 = arith.extui %eq3A_44 : i1 to i32
      %cond3A_46 = arith.constant 0 : i32
      %cond3A_47 = arith.cmpi ne, %convert_element_type3A_45, %cond3A_46 : i32
      scf.if %cond3A_47 {
        %dma_wait3A_93 = arith.constant 0 : i32
        %dma_wait3A_94 = arith.constant 0 : i32
        %dma_wait3A_95 = arith.constant 0 : i32
        %dma_wait3A_96 = tpu.memref_slice %arg2[%dma_wait3A_93, %dma_wait3A_94, %dma_wait3A_95] : memref<200x32x128xi32, #tpu.memory_space<hbm>> -> memref<12x32x128xi32, #tpu.memory_space<hbm>>
        tpu.wait_dma2 semaphore(%arg16 : memref<!tpu.dma_semaphore, #tpu.memory_space<semaphore_mem>>) src(%dma_wait3A_96 : memref<12x32x128xi32, #tpu.memory_space<hbm>>) dst(%arg10 : memref<12x32x128xi32, #tpu.memory_space<vmem_shared>>)
      } else {
      }
      %barrier3A = arith.constant 0 : index
      tpu.barrier barrier_id(%barrier3A)
      %scan3A_48 = arith.constant 0 : i32
      %scan3A_49 = arith.constant 0 : i32
      %scan3A_50 = arith.constant 16 : i32
      %scan3A_51 = arith.addi %scan3A_49, %scan3A_50 : i32
      %scan3A_52 = arith.constant 1 : i32
      scf.for %scan3A_93 = %scan3A_49 to %scan3A_51 step %scan3A_52  : i32 {
        %jit3A_94 = arith.constant 2 : i32
        %eq3A_95 = arith.constant 0 : i32
        %eq3A_96 = arith.cmpi eq, %jit3A_94, %eq3A_95 : i32
        %jit3A_97 = arith.constant 1 : i32
        %select_n3A_98 = arith.select %eq3A_96, %jit3A_97, %jit3A_94 : i32
        %rem3A_99 = arith.remsi %scan3A_93, %select_n3A_98 : i32
        %ne3A_100 = arith.constant 0 : i32
        %ne3A_101 = arith.cmpi ne, %rem3A_99, %ne3A_100 : i32
        %lt3A_102 = arith.constant 0 : i32
        %lt3A_103 = arith.cmpi slt, %rem3A_99, %lt3A_102 : i32
        %lt3A_104 = arith.constant 0 : i32
        %lt3A_105 = arith.cmpi slt, %select_n3A_98, %lt3A_104 : i32
        %ne3A_106 = arith.xori %lt3A_103, %lt3A_105 : i1
        %and3A_107 = arith.andi %ne3A_106, %ne3A_101 : i1
        %add3A_108 = arith.addi %rem3A_99, %select_n3A_98 : i32
        %select_n3A_109 = arith.select %and3A_107, %add3A_108, %rem3A_99 : i32
        %eq3A_110 = arith.constant 0 : i32
        %eq3A_111 = arith.cmpi eq, %select_n3A_109, %eq3A_110 : i32
        %convert_element_type3A_112 = arith.extui %eq3A_111 : i1 to i32
        %cond3A_113 = arith.constant 0 : i32
        %cond3A_114 = arith.cmpi ne, %convert_element_type3A_112, %cond3A_113 : i32
        scf.if %cond3A_114 {
          %add3A_137 = arith.constant 1 : i32
          %add3A_138 = arith.addi %scan3A_93, %add3A_137 : i32
          %lt3A_139 = arith.constant 16 : i32
          %lt3A_140 = arith.cmpi slt, %add3A_138, %lt3A_139 : i32
          %convert_element_type3A_141 = arith.extui %lt3A_140 : i1 to i32
          %cond3A_142 = arith.constant 0 : i32
          %cond3A_143 = arith.cmpi ne, %convert_element_type3A_141, %cond3A_142 : i32
          scf.if %cond3A_143 {
            %add3A_189 = arith.constant 1 : i32
            %add3A_190 = arith.addi %scan3A_93, %add3A_189 : i32
            %eq3A_191 = arith.constant 0 : i32
            %eq3A_192 = arith.cmpi eq, %arg1, %eq3A_191 : i32
            %convert_element_type3A_193 = arith.extui %eq3A_192 : i1 to i32
            %cond3A_194 = arith.constant 0 : i32
            %cond3A_195 = arith.cmpi ne, %convert_element_type3A_193, %cond3A_194 : i32
            scf.if %cond3A_195 {
              %mul3A_196 = arith.constant 12 : i32
              %mul3A_197 = arith.muli %mul3A_196, %add3A_190 : i32
              %dma_start3A_198 = arith.constant 0 : i32
              %dma_start3A_199 = arith.constant 0 : i32
              %dma_start3A_200 = tpu.memref_slice %arg2[%mul3A_197, %dma_start3A_198, %dma_start3A_199] : memref<200x32x128xi32, #tpu.memory_space<hbm>> -> memref<12x32x128xi32, #tpu.memory_space<hbm>>
              tpu.enqueue_dma source(%dma_start3A_200 : memref<12x32x128xi32, #tpu.memory_space<hbm>>) target(%arg11 : memref<12x32x128xi32, #tpu.memory_space<vmem_shared>>) target_semaphore(%arg16 : memref<!tpu.dma_semaphore, #tpu.memory_space<semaphore_mem>>)
            } else {
            }
          } else {
          }
          %add3A_144 = arith.constant 1 : i32
          %add3A_145 = arith.addi %scan3A_93, %add3A_144 : i32
          %eq3A_146 = arith.constant 16 : i32
          %eq3A_147 = arith.cmpi eq, %add3A_145, %eq3A_146 : i32
          %convert_element_type3A_148 = arith.extui %eq3A_147 : i1 to i32
          %cond3A_149 = arith.constant 0 : i32
          %cond3A_150 = arith.cmpi ne, %convert_element_type3A_148, %cond3A_149 : i32
          scf.if %cond3A_150 {
            %eq3A_189 = arith.constant 0 : i32
            %eq3A_190 = arith.cmpi eq, %arg1, %eq3A_189 : i32
            %convert_element_type3A_191 = arith.extui %eq3A_190 : i1 to i32
            %cond3A_192 = arith.constant 0 : i32
            %cond3A_193 = arith.cmpi ne, %convert_element_type3A_191, %cond3A_192 : i32
            scf.if %cond3A_193 {
              %dma_start3A_194 = arith.constant 0 : i32
              %dma_start3A_195 = arith.constant 0 : i32
              %dma_start3A_196 = arith.constant 0 : i32
              %dma_start3A_197 = tpu.memref_slice %arg11[%dma_start3A_194, %dma_start3A_195, %dma_start3A_196] : memref<12x32x128xi32, #tpu.memory_space<vmem_shared>> -> memref<8x32x128xi32, #tpu.memory_space<vmem_shared>>
              %dma_start3A_198 = arith.constant 192 : i32
              %dma_start3A_199 = arith.constant 0 : i32
              %dma_start3A_200 = arith.constant 0 : i32
              %dma_start3A_201 = tpu.memref_slice %arg2[%dma_start3A_198, %dma_start3A_199, %dma_start3A_200] : memref<200x32x128xi32, #tpu.memory_space<hbm>> -> memref<8x32x128xi32, #tpu.memory_space<hbm>>
              tpu.enqueue_dma source(%dma_start3A_201 : memref<8x32x128xi32, #tpu.memory_space<hbm>>) target(%dma_start3A_197 : memref<8x32x128xi32, #tpu.memory_space<vmem_shared>>) target_semaphore(%arg16 : memref<!tpu.dma_semaphore, #tpu.memory_space<semaphore_mem>>)
            } else {
            }
          } else {
          }
          %mul3A_151 = arith.constant 12 : i32
          %mul3A_152 = arith.muli %mul3A_151, %scan3A_93 : i32
          %dma_start3A_153 = arith.constant 0 : i32
          %dma_start3A_154 = arith.constant 0 : i32
          %dma_start3A_155 = arith.constant 0 : i32
          %dma_start3A_156 = tpu.memref_slice %arg10[%dma_start3A_153, %dma_start3A_154, %dma_start3A_155] : memref<12x32x128xi32, #tpu.memory_space<vmem_shared>> -> memref<2x32x128xi32, #tpu.memory_space<vmem_shared>>
          %dma_start3A_157 = arith.constant 0 : i32
          %dma_start3A_158 = arith.constant 0 : i32
          %dma_start3A_159 = arith.constant 0 : i32
          %dma_start3A_160 = tpu.memref_slice %arg10[%dma_start3A_157, %dma_start3A_158, %dma_start3A_159] : memref<12x32x128xi32, #tpu.memory_space<vmem_shared>> -> memref<2x32x128xi32, #tpu.memory_space<vmem_shared>>
          tpu.enqueue_dma source(%dma_start3A_160 : memref<2x32x128xi32, #tpu.memory_space<vmem_shared>>) target(%arg6 : memref<2x32x128xi32, #tpu.memory_space<vmem>>) target_semaphore(%arg12 : memref<!tpu.dma_semaphore, #tpu.memory_space<semaphore_mem>>)
          %dma_start3A_161 = arith.constant 2 : i32
          %dma_start3A_162 = arith.constant 0 : i32
          %dma_start3A_163 = arith.constant 0 : i32
          %dma_start3A_164 = tpu.memref_slice %arg10[%dma_start3A_161, %dma_start3A_162, %dma_start3A_163] : memref<12x32x128xi32, #tpu.memory_space<vmem_shared>> -> memref<2x32x128xi32, #tpu.memory_space<vmem_shared>>
          %dma_start3A_165 = arith.constant 2 : i32
          %dma_start3A_166 = arith.constant 0 : i32
          %dma_start3A_167 = arith.constant 0 : i32
          %dma_start3A_168 = tpu.memref_slice %arg10[%dma_start3A_165, %dma_start3A_166, %dma_start3A_167] : memref<12x32x128xi32, #tpu.memory_space<vmem_shared>> -> memref<2x32x128xi32, #tpu.memory_space<vmem_shared>>
          tpu.enqueue_dma source(%dma_start3A_168 : memref<2x32x128xi32, #tpu.memory_space<vmem_shared>>) target(%arg7 : memref<2x32x128xi32, #tpu.memory_space<vmem>>) target_semaphore(%arg13 : memref<!tpu.dma_semaphore, #tpu.memory_space<semaphore_mem>>)
          %scan3A_169 = arith.constant 0 : i32
          %scan3A_170 = arith.constant 0 : i32
          %scan3A_171 = arith.constant 6 : i32
          %scan3A_172 = arith.addi %scan3A_170, %scan3A_171 : i32
          %scan3A_173 = arith.constant 1 : i32
          scf.for %scan3A_189 = %scan3A_170 to %scan3A_172 step %scan3A_173  : i32 {
            %jit3A_190 = arith.constant 2 : i32
            %eq3A_191 = arith.constant 0 : i32
            %eq3A_192 = arith.cmpi eq, %jit3A_190, %eq3A_191 : i32
            %jit3A_193 = arith.constant 1 : i32
            %select_n3A_194 = arith.select %eq3A_192, %jit3A_193, %jit3A_190 : i32
            %rem3A_195 = arith.remsi %scan3A_189, %select_n3A_194 : i32
            %ne3A_196 = arith.constant 0 : i32
            %ne3A_197 = arith.cmpi ne, %rem3A_195, %ne3A_196 : i32
            %lt3A_198 = arith.constant 0 : i32
            %lt3A_199 = arith.cmpi slt, %rem3A_195, %lt3A_198 : i32
            %lt3A_200 = arith.constant 0 : i32
            %lt3A_201 = arith.cmpi slt, %select_n3A_194, %lt3A_200 : i32
            %ne3A_202 = arith.xori %lt3A_199, %lt3A_201 : i1
            %and3A_203 = arith.andi %ne3A_202, %ne3A_197 : i1
            %add3A_204 = arith.addi %rem3A_195, %select_n3A_194 : i32
            %select_n3A_205 = arith.select %and3A_203, %add3A_204, %rem3A_195 : i32
            %eq3A_206 = arith.constant 0 : i32
            %eq3A_207 = arith.cmpi eq, %select_n3A_205, %eq3A_206 : i32
            %convert_element_type3A_208 = arith.extui %eq3A_207 : i1 to i32
            %cond3A_209 = arith.constant 0 : i32
            %cond3A_210 = arith.cmpi ne, %convert_element_type3A_208, %cond3A_209 : i32
            scf.if %cond3A_210 {
              %mul3A_216 = arith.constant 2 : i32
              %mul3A_217 = arith.muli %mul3A_216, %scan3A_189 : i32
              %dma_wait3A_218 = arith.constant 0 : i32
              %dma_wait3A_219 = arith.constant 0 : i32
              %dma_wait3A_220 = tpu.memref_slice %arg10[%mul3A_217, %dma_wait3A_218, %dma_wait3A_219] : memref<12x32x128xi32, #tpu.memory_space<vmem_shared>> -> memref<2x32x128xi32, #tpu.memory_space<vmem_shared>>
              %dma_wait3A_221 = arith.constant 0 : i32
              %dma_wait3A_222 = arith.constant 0 : i32
              %dma_wait3A_223 = tpu.memref_slice %arg10[%mul3A_217, %dma_wait3A_221, %dma_wait3A_222] : memref<12x32x128xi32, #tpu.memory_space<vmem_shared>> -> memref<2x32x128xi32, #tpu.memory_space<vmem_shared>>
              tpu.wait_dma2 semaphore(%arg12 : memref<!tpu.dma_semaphore, #tpu.memory_space<semaphore_mem>>) src(%dma_wait3A_223 : memref<2x32x128xi32, #tpu.memory_space<vmem_shared>>) dst(%arg6 : memref<2x32x128xi32, #tpu.memory_space<vmem>>)
              %mul3A_224 = arith.constant 2 : i32
              %mul3A_225 = arith.muli %mul3A_224, %scan3A_189 : i32
              %add3A_226 = arith.constant 0 : i32
              %add3A_227 = arith.addi %mul3A_225, %add3A_226 : i32
              %add3A_228 = arith.addi %mul3A_152, %add3A_227 : i32
              %ge3A = arith.constant 2 : i32
              %ge3A_229 = arith.cmpi sge, %add3A_228, %ge3A : i32
              %convert_element_type3A_230 = arith.extui %ge3A_229 : i1 to i32
              %cond3A_231 = arith.constant 0 : i32
              %cond3A_232 = arith.cmpi ne, %convert_element_type3A_230, %cond3A_231 : i32
              scf.if %cond3A_232 {
                %sub3A_271 = arith.constant 2 : i32
                %sub3A_272 = arith.subi %add3A_228, %sub3A_271 : i32
                %dma_wait3A_273 = arith.constant 0 : i32
                %dma_wait3A_274 = arith.constant 0 : i32
                %dma_wait3A_275 = tpu.memref_slice %arg4[%sub3A_272, %select_n3A, %dma_wait3A_273, %select_n3A_39, %dma_wait3A_274] : memref<200x8x32x8x128xf32, #tpu.memory_space<hbm>> -> memref<1x1x32x1x128xf32, #tpu.memory_space<hbm>>
                %dma_wait3A_276 = tpu.memref_squeeze %dma_wait3A_275 : memref<1x1x32x1x128xf32, #tpu.memory_space<hbm>> -> memref<32x128xf32, #tpu.memory_space<hbm>>
                %dma_wait3A_277 = arith.constant 0 : i32
                %dma_wait3A_278 = arith.constant 0 : i32
                %dma_wait3A_279 = tpu.memref_slice %arg4[%sub3A_272, %select_n3A, %dma_wait3A_277, %select_n3A_39, %dma_wait3A_278] : memref<200x8x32x8x128xf32, #tpu.memory_space<hbm>> -> memref<1x1x32x1x128xf32, #tpu.memory_space<hbm>>
                %dma_wait3A_280 = tpu.memref_squeeze %dma_wait3A_279 : memref<1x1x32x1x128xf32, #tpu.memory_space<hbm>> -> memref<32x128xf32, #tpu.memory_space<hbm>>
                tpu.wait_dma2 semaphore(%arg14 : memref<!tpu.dma_semaphore, #tpu.memory_space<semaphore_mem>>) src(%arg8 : memref<32x128xf32, #tpu.memory_space<vmem>>) dst(%dma_wait3A_280 : memref<32x128xf32, #tpu.memory_space<hbm>>)
              } else {
              }
              %parallel_loop3A = arith.constant 0 : i32
              %parallel_loop3A_233 = arith.constant 32 : i32
              %parallel_loop3A_234 = arith.constant 1 : i32
              scf.for %parallel_loop3A_271 = %parallel_loop3A to %parallel_loop3A_233 step %parallel_loop3A_234  : i32 {
                %parallel_loop3A_272 = arith.constant 0 : i32
                %parallel_loop3A_273 = arith.index_cast %parallel_loop3A_272 : i32 to index
                %parallel_loop3A_274 = arith.index_cast %parallel_loop3A_271 : i32 to index
                %parallel_loop3A_275 = arith.constant 0 : index
                %parallel_loop3A_276 = tpu.vector_load %arg6[%parallel_loop3A_273, %parallel_loop3A_274, %parallel_loop3A_275] {strides = array<i32>} : memref<2x32x128xi32, #tpu.memory_space<vmem>>, vector<16xi32>,
                %parallel_loop3A_277 = arith.constant 7 : i32
                %parallel_loop3A_278 = vector.broadcast %parallel_loop3A_277 : i32 to vector<16xi32>
                %parallel_loop3A_279 = arith.shrui %parallel_loop3A_276, %parallel_loop3A_278 : vector<16xi32>
                %parallel_loop3A_280 = arith.constant 127 : i32
                %parallel_loop3A_281 = vector.broadcast %parallel_loop3A_280 : i32 to vector<16xi32>
                %parallel_loop3A_282 = arith.andi %parallel_loop3A_276, %parallel_loop3A_281 : vector<16xi32>
                %parallel_loop3A_283 = tpu.vector_load_idx %arg5[%parallel_loop3A_279, %parallel_loop3A_282] : memref<782x128xf32, #tpu.memory_space<vmem>>[vector<16xi32>, vector<16xi32>], vector<16xf32>,
                %parallel_loop3A_284 = arith.index_cast %parallel_loop3A_271 : i32 to index
                %parallel_loop3A_285 = arith.constant 0 : index
                %parallel_loop3A_286 = tpu.vector_load %arg8[%parallel_loop3A_284, %parallel_loop3A_285] {strides = array<i32>} : memref<32x128xf32, #tpu.memory_space<vmem>>, vector<16xf32>,
                tpu.vector_store %arg8[%parallel_loop3A_284, %parallel_loop3A_285], %parallel_loop3A_283 {strides = array<i32>} : memref<32x128xf32, #tpu.memory_space<vmem>>, vector<16xf32>,
                %parallel_loop3A_287 = arith.constant 0 : i32
                %parallel_loop3A_288 = arith.index_cast %parallel_loop3A_287 : i32 to index
                %parallel_loop3A_289 = arith.index_cast %parallel_loop3A_271 : i32 to index
                %parallel_loop3A_290 = arith.constant 16 : index
                %parallel_loop3A_291 = tpu.vector_load %arg6[%parallel_loop3A_288, %parallel_loop3A_289, %parallel_loop3A_290] {strides = array<i32>} : memref<2x32x128xi32, #tpu.memory_space<vmem>>, vector<16xi32>,
                %parallel_loop3A_292 = arith.constant 7 : i32
                %parallel_loop3A_293 = vector.broadcast %parallel_loop3A_292 : i32 to vector<16xi32>
                %parallel_loop3A_294 = arith.shrui %parallel_loop3A_291, %parallel_loop3A_293 : vector<16xi32>
                %parallel_loop3A_295 = arith.constant 127 : i32
                %parallel_loop3A_296 = vector.broadcast %parallel_loop3A_295 : i32 to vector<16xi32>
                %parallel_loop3A_297 = arith.andi %parallel_loop3A_291, %parallel_loop3A_296 : vector<16xi32>
                %parallel_loop3A_298 = tpu.vector_load_idx %arg5[%parallel_loop3A_294, %parallel_loop3A_297] : memref<782x128xf32, #tpu.memory_space<vmem>>[vector<16xi32>, vector<16xi32>], vector<16xf32>,
                %parallel_loop3A_299 = arith.index_cast %parallel_loop3A_271 : i32 to index
                %parallel_loop3A_300 = arith.constant 16 : index
                %parallel_loop3A_301 = tpu.vector_load %arg8[%parallel_loop3A_299, %parallel_loop3A_300] {strides = array<i32>} : memref<32x128xf32, #tpu.memory_space<vmem>>, vector<16xf32>,
                tpu.vector_store %arg8[%parallel_loop3A_299, %parallel_loop3A_300], %parallel_loop3A_298 {strides = array<i32>} : memref<32x128xf32, #tpu.memory_space<vmem>>, vector<16xf32>,
                %parallel_loop3A_302 = arith.constant 0 : i32
                %parallel_loop3A_303 = arith.index_cast %parallel_loop3A_302 : i32 to index
                %parallel_loop3A_304 = arith.index_cast %parallel_loop3A_271 : i32 to index
                %parallel_loop3A_305 = arith.constant 32 : index
                %parallel_loop3A_306 = tpu.vector_load %arg6[%parallel_loop3A_303, %parallel_loop3A_304, %parallel_loop3A_305] {strides = array<i32>} : memref<2x32x128xi32, #tpu.memory_space<vmem>>, vector<16xi32>,
                %parallel_loop3A_307 = arith.constant 7 : i32
                %parallel_loop3A_308 = vector.broadcast %parallel_loop3A_307 : i32 to vector<16xi32>
                %parallel_loop3A_309 = arith.shrui %parallel_loop3A_306, %parallel_loop3A_308 : vector<16xi32>
                %parallel_loop3A_310 = arith.constant 127 : i32
                %parallel_loop3A_311 = vector.broadcast %parallel_loop3A_310 : i32 to vector<16xi32>
                %parallel_loop3A_312 = arith.andi %parallel_loop3A_306, %parallel_loop3A_311 : vector<16xi32>
                %parallel_loop3A_313 = tpu.vector_load_idx %arg5[%parallel_loop3A_309, %parallel_loop3A_312] : memref<782x128xf32, #tpu.memory_space<vmem>>[vector<16xi32>, vector<16xi32>], vector<16xf32>,
                %parallel_loop3A_314 = arith.index_cast %parallel_loop3A_271 : i32 to index
                %parallel_loop3A_315 = arith.constant 32 : index
                %parallel_loop3A_316 = tpu.vector_load %arg8[%parallel_loop3A_314, %parallel_loop3A_315] {strides = array<i32>} : memref<32x128xf32, #tpu.memory_space<vmem>>, vector<16xf32>,
                tpu.vector_store %arg8[%parallel_loop3A_314, %parallel_loop3A_315], %parallel_loop3A_313 {strides = array<i32>} : memref<32x128xf32, #tpu.memory_space<vmem>>, vector<16xf32>,
                %parallel_loop3A_317 = arith.constant 0 : i32
                %parallel_loop3A_318 = arith.index_cast %parallel_loop3A_317 : i32 to index
                %parallel_loop3A_319 = arith.index_cast %parallel_loop3A_271 : i32 to index
                %parallel_loop3A_320 = arith.constant 48 : index
                %parallel_loop3A_321 = tpu.vector_load %arg6[%parallel_loop3A_318, %parallel_loop3A_319, %parallel_loop3A_320] {strides = array<i32>} : memref<2x32x128xi32, #tpu.memory_space<vmem>>, vector<16xi32>,
                %parallel_loop3A_322 = arith.constant 7 : i32
                %parallel_loop3A_323 = vector.broadcast %parallel_loop3A_322 : i32 to vector<16xi32>
                %parallel_loop3A_324 = arith.shrui %parallel_loop3A_321, %parallel_loop3A_323 : vector<16xi32>
                %parallel_loop3A_325 = arith.constant 127 : i32
                %parallel_loop3A_326 = vector.broadcast %parallel_loop3A_325 : i32 to vector<16xi32>
                %parallel_loop3A_327 = arith.andi %parallel_loop3A_321, %parallel_loop3A_326 : vector<16xi32>
                %parallel_loop3A_328 = tpu.vector_load_idx %arg5[%parallel_loop3A_324, %parallel_loop3A_327] : memref<782x128xf32, #tpu.memory_space<vmem>>[vector<16xi32>, vector<16xi32>], vector<16xf32>,
                %parallel_loop3A_329 = arith.index_cast %parallel_loop3A_271 : i32 to index
                %parallel_loop3A_330 = arith.constant 48 : index
                %parallel_loop3A_331 = tpu.vector_load %arg8[%parallel_loop3A_329, %parallel_loop3A_330] {strides = array<i32>} : memref<32x128xf32, #tpu.memory_space<vmem>>, vector<16xf32>,
                tpu.vector_store %arg8[%parallel_loop3A_329, %parallel_loop3A_330], %parallel_loop3A_328 {strides = array<i32>} : memref<32x128xf32, #tpu.memory_space<vmem>>, vector<16xf32>,
                %parallel_loop3A_332 = arith.constant 0 : i32
                %parallel_loop3A_333 = arith.index_cast %parallel_loop3A_332 : i32 to index
                %parallel_loop3A_334 = arith.index_cast %parallel_loop3A_271 : i32 to index
                %parallel_loop3A_335 = arith.constant 64 : index
                %parallel_loop3A_336 = tpu.vector_load %arg6[%parallel_loop3A_333, %parallel_loop3A_334, %parallel_loop3A_335] {strides = array<i32>} : memref<2x32x128xi32, #tpu.memory_space<vmem>>, vector<16xi32>,
                %parallel_loop3A_337 = arith.constant 7 : i32
                %parallel_loop3A_338 = vector.broadcast %parallel_loop3A_337 : i32 to vector<16xi32>
                %parallel_loop3A_339 = arith.shrui %parallel_loop3A_336, %parallel_loop3A_338 : vector<16xi32>
                %parallel_loop3A_340 = arith.constant 127 : i32
                %parallel_loop3A_341 = vector.broadcast %parallel_loop3A_340 : i32 to vector<16xi32>
                %parallel_loop3A_342 = arith.andi %parallel_loop3A_336, %parallel_loop3A_341 : vector<16xi32>
                %parallel_loop3A_343 = tpu.vector_load_idx %arg5[%parallel_loop3A_339, %parallel_loop3A_342] : memref<782x128xf32, #tpu.memory_space<vmem>>[vector<16xi32>, vector<16xi32>], vector<16xf32>,
                %parallel_loop3A_344 = arith.index_cast %parallel_loop3A_271 : i32 to index
                %parallel_loop3A_345 = arith.constant 64 : index
                %parallel_loop3A_346 = tpu.vector_load %arg8[%parallel_loop3A_344, %parallel_loop3A_345] {strides = array<i32>} : memref<32x128xf32, #tpu.memory_space<vmem>>, vector<16xf32>,
                tpu.vector_store %arg8[%parallel_loop3A_344, %parallel_loop3A_345], %parallel_loop3A_343 {strides = array<i32>} : memref<32x128xf32, #tpu.memory_space<vmem>>, vector<16xf32>,
                %parallel_loop3A_347 = arith.constant 0 : i32
                %parallel_loop3A_348 = arith.index_cast %parallel_loop3A_347 : i32 to index
                %parallel_loop3A_349 = arith.index_cast %parallel_loop3A_271 : i32 to index
                %parallel_loop3A_350 = arith.constant 80 : index
                %parallel_loop3A_351 = tpu.vector_load %arg6[%parallel_loop3A_348, %parallel_loop3A_349, %parallel_loop3A_350] {strides = array<i32>} : memref<2x32x128xi32, #tpu.memory_space<vmem>>, vector<16xi32>,
                %parallel_loop3A_352 = arith.constant 7 : i32
                %parallel_loop3A_353 = vector.broadcast %parallel_loop3A_352 : i32 to vector<16xi32>
                %parallel_loop3A_354 = arith.shrui %parallel_loop3A_351, %parallel_loop3A_353 : vector<16xi32>
                %parallel_loop3A_355 = arith.constant 127 : i32
                %parallel_loop3A_356 = vector.broadcast %parallel_loop3A_355 : i32 to vector<16xi32>
                %parallel_loop3A_357 = arith.andi %parallel_loop3A_351, %parallel_loop3A_356 : vector<16xi32>
                %parallel_loop3A_358 = tpu.vector_load_idx %arg5[%parallel_loop3A_354, %parallel_loop3A_357] : memref<782x128xf32, #tpu.memory_space<vmem>>[vector<16xi32>, vector<16xi32>], vector<16xf32>,
                %parallel_loop3A_359 = arith.index_cast %parallel_loop3A_271 : i32 to index
                %parallel_loop3A_360 = arith.constant 80 : index
                %parallel_loop3A_361 = tpu.vector_load %arg8[%parallel_loop3A_359, %parallel_loop3A_360] {strides = array<i32>} : memref<32x128xf32, #tpu.memory_space<vmem>>, vector<16xf32>,
                tpu.vector_store %arg8[%parallel_loop3A_359, %parallel_loop3A_360], %parallel_loop3A_358 {strides = array<i32>} : memref<32x128xf32, #tpu.memory_space<vmem>>, vector<16xf32>,
                %parallel_loop3A_362 = arith.constant 0 : i32
                %parallel_loop3A_363 = arith.index_cast %parallel_loop3A_362 : i32 to index
                %parallel_loop3A_364 = arith.index_cast %parallel_loop3A_271 : i32 to index
                %parallel_loop3A_365 = arith.constant 96 : index
                %parallel_loop3A_366 = tpu.vector_load %arg6[%parallel_loop3A_363, %parallel_loop3A_364, %parallel_loop3A_365] {strides = array<i32>} : memref<2x32x128xi32, #tpu.memory_space<vmem>>, vector<16xi32>,
                %parallel_loop3A_367 = arith.constant 7 : i32
                %parallel_loop3A_368 = vector.broadcast %parallel_loop3A_367 : i32 to vector<16xi32>
                %parallel_loop3A_369 = arith.shrui %parallel_loop3A_366, %parallel_loop3A_368 : vector<16xi32>
                %parallel_loop3A_370 = arith.constant 127 : i32
                %parallel_loop3A_371 = vector.broadcast %parallel_loop3A_370 : i32 to vector<16xi32>
                %parallel_loop3A_372 = arith.andi %parallel_loop3A_366, %parallel_loop3A_371 : vector<16xi32>
                %parallel_loop3A_373 = tpu.vector_load_idx %arg5[%parallel_loop3A_369, %parallel_loop3A_372] : memref<782x128xf32, #tpu.memory_space<vmem>>[vector<16xi32>, vector<16xi32>], vector<16xf32>,
                %parallel_loop3A_374 = arith.index_cast %parallel_loop3A_271 : i32 to index
                %parallel_loop3A_375 = arith.constant 96 : index
                %parallel_loop3A_376 = tpu.vector_load %arg8[%parallel_loop3A_374, %parallel_loop3A_375] {strides = array<i32>} : memref<32x128xf32, #tpu.memory_space<vmem>>, vector<16xf32>,
                tpu.vector_store %arg8[%parallel_loop3A_374, %parallel_loop3A_375], %parallel_loop3A_373 {strides = array<i32>} : memref<32x128xf32, #tpu.memory_space<vmem>>, vector<16xf32>,
                %parallel_loop3A_377 = arith.constant 0 : i32
                %parallel_loop3A_378 = arith.index_cast %parallel_loop3A_377 : i32 to index
                %parallel_loop3A_379 = arith.index_cast %parallel_loop3A_271 : i32 to index
                %parallel_loop3A_380 = arith.constant 112 : index
                %parallel_loop3A_381 = tpu.vector_load %arg6[%parallel_loop3A_378, %parallel_loop3A_379, %parallel_loop3A_380] {strides = array<i32>} : memref<2x32x128xi32, #tpu.memory_space<vmem>>, vector<16xi32>,
                %parallel_loop3A_382 = arith.constant 7 : i32
                %parallel_loop3A_383 = vector.broadcast %parallel_loop3A_382 : i32 to vector<16xi32>
                %parallel_loop3A_384 = arith.shrui %parallel_loop3A_381, %parallel_loop3A_383 : vector<16xi32>
                %parallel_loop3A_385 = arith.constant 127 : i32
                %parallel_loop3A_386 = vector.broadcast %parallel_loop3A_385 : i32 to vector<16xi32>
                %parallel_loop3A_387 = arith.andi %parallel_loop3A_381, %parallel_loop3A_386 : vector<16xi32>
                %parallel_loop3A_388 = tpu.vector_load_idx %arg5[%parallel_loop3A_384, %parallel_loop3A_387] : memref<782x128xf32, #tpu.memory_space<vmem>>[vector<16xi32>, vector<16xi32>], vector<16xf32>,
                %parallel_loop3A_389 = arith.index_cast %parallel_loop3A_271 : i32 to index
                %parallel_loop3A_390 = arith.constant 112 : index
                %parallel_loop3A_391 = tpu.vector_load %arg8[%parallel_loop3A_389, %parallel_loop3A_390] {strides = array<i32>} : memref<32x128xf32, #tpu.memory_space<vmem>>, vector<16xf32>,
                tpu.vector_store %arg8[%parallel_loop3A_389, %parallel_loop3A_390], %parallel_loop3A_388 {strides = array<i32>} : memref<32x128xf32, #tpu.memory_space<vmem>>, vector<16xf32>,
              } {sc.loop_unroll_factor = 4 : i64, sc.parallel_access}
              %dma_start3A_235 = arith.constant 0 : i32
              %dma_start3A_236 = arith.constant 0 : i32
              %dma_start3A_237 = tpu.memref_slice %arg4[%add3A_228, %select_n3A, %dma_start3A_235, %select_n3A_39, %dma_start3A_236] : memref<200x8x32x8x128xf32, #tpu.memory_space<hbm>> -> memref<1x1x32x1x128xf32, #tpu.memory_space<hbm>>
              %dma_start3A_238 = tpu.memref_squeeze %dma_start3A_237 : memref<1x1x32x1x128xf32, #tpu.memory_space<hbm>> -> memref<32x128xf32, #tpu.memory_space<hbm>>
              %dma_start3A_239 = arith.constant 0 : i32
              %dma_start3A_240 = arith.constant 0 : i32
              %dma_start3A_241 = tpu.memref_slice %arg4[%add3A_228, %select_n3A, %dma_start3A_239, %select_n3A_39, %dma_start3A_240] : memref<200x8x32x8x128xf32, #tpu.memory_space<hbm>> -> memref<1x1x32x1x128xf32, #tpu.memory_space<hbm>>
              %dma_start3A_242 = tpu.memref_squeeze %dma_start3A_241 : memref<1x1x32x1x128xf32, #tpu.memory_space<hbm>> -> memref<32x128xf32, #tpu.memory_space<hbm>>
              tpu.enqueue_dma source(%arg8 : memref<32x128xf32, #tpu.memory_space<vmem>>) target(%dma_start3A_242 : memref<32x128xf32, #tpu.memory_space<hbm>>) target_semaphore(%arg14 : memref<!tpu.dma_semaphore, #tpu.memory_space<semaphore_mem>>)
              %mul3A_243 = arith.constant 2 : i32
              %mul3A_244 = arith.muli %mul3A_243, %scan3A_189 : i32
              %add3A_245 = arith.constant 1 : i32
              %add3A_246 = arith.addi %mul3A_244, %add3A_245 : i32
              %add3A_247 = arith.addi %mul3A_152, %add3A_246 : i32
              %ge3A_248 = arith.constant 2 : i32
              %ge3A_249 = arith.cmpi sge, %add3A_247, %ge3A_248 : i32
              %convert_element_type3A_250 = arith.extui %ge3A_249 : i1 to i32
              %cond3A_251 = arith.constant 0 : i32
              %cond3A_252 = arith.cmpi ne, %convert_element_type3A_250, %cond3A_251 : i32
              scf.if %cond3A_252 {
                %sub3A_271 = arith.constant 2 : i32
                %sub3A_272 = arith.subi %add3A_247, %sub3A_271 : i32
                %dma_wait3A_273 = arith.constant 0 : i32
                %dma_wait3A_274 = arith.constant 0 : i32
                %dma_wait3A_275 = tpu.memref_slice %arg4[%sub3A_272, %select_n3A, %dma_wait3A_273, %select_n3A_39, %dma_wait3A_274] : memref<200x8x32x8x128xf32, #tpu.memory_space<hbm>> -> memref<1x1x32x1x128xf32, #tpu.memory_space<hbm>>
                %dma_wait3A_276 = tpu.memref_squeeze %dma_wait3A_275 : memref<1x1x32x1x128xf32, #tpu.memory_space<hbm>> -> memref<32x128xf32, #tpu.memory_space<hbm>>
                %dma_wait3A_277 = arith.constant 0 : i32
                %dma_wait3A_278 = arith.constant 0 : i32
                %dma_wait3A_279 = tpu.memref_slice %arg4[%sub3A_272, %select_n3A, %dma_wait3A_277, %select_n3A_39, %dma_wait3A_278] : memref<200x8x32x8x128xf32, #tpu.memory_space<hbm>> -> memref<1x1x32x1x128xf32, #tpu.memory_space<hbm>>
                %dma_wait3A_280 = tpu.memref_squeeze %dma_wait3A_279 : memref<1x1x32x1x128xf32, #tpu.memory_space<hbm>> -> memref<32x128xf32, #tpu.memory_space<hbm>>
                tpu.wait_dma2 semaphore(%arg15 : memref<!tpu.dma_semaphore, #tpu.memory_space<semaphore_mem>>) src(%arg9 : memref<32x128xf32, #tpu.memory_space<vmem>>) dst(%dma_wait3A_280 : memref<32x128xf32, #tpu.memory_space<hbm>>)
              } else {
              }
              %parallel_loop3A_253 = arith.constant 0 : i32
              %parallel_loop3A_254 = arith.constant 32 : i32
              %parallel_loop3A_255 = arith.constant 1 : i32
              scf.for %parallel_loop3A_271 = %parallel_loop3A_253 to %parallel_loop3A_254 step %parallel_loop3A_255  : i32 {
                %parallel_loop3A_272 = arith.constant 1 : i32
                %parallel_loop3A_273 = arith.index_cast %parallel_loop3A_272 : i32 to index
                %parallel_loop3A_274 = arith.index_cast %parallel_loop3A_271 : i32 to index
                %parallel_loop3A_275 = arith.constant 0 : index
                %parallel_loop3A_276 = tpu.vector_load %arg6[%parallel_loop3A_273, %parallel_loop3A_274, %parallel_loop3A_275] {strides = array<i32>} : memref<2x32x128xi32, #tpu.memory_space<vmem>>, vector<16xi32>,
                %parallel_loop3A_277 = arith.constant 7 : i32
                %parallel_loop3A_278 = vector.broadcast %parallel_loop3A_277 : i32 to vector<16xi32>
                %parallel_loop3A_279 = arith.shrui %parallel_loop3A_276, %parallel_loop3A_278 : vector<16xi32>
                %parallel_loop3A_280 = arith.constant 127 : i32
                %parallel_loop3A_281 = vector.broadcast %parallel_loop3A_280 : i32 to vector<16xi32>
                %parallel_loop3A_282 = arith.andi %parallel_loop3A_276, %parallel_loop3A_281 : vector<16xi32>
                %parallel_loop3A_283 = tpu.vector_load_idx %arg5[%parallel_loop3A_279, %parallel_loop3A_282] : memref<782x128xf32, #tpu.memory_space<vmem>>[vector<16xi32>, vector<16xi32>], vector<16xf32>,
                %parallel_loop3A_284 = arith.index_cast %parallel_loop3A_271 : i32 to index
                %parallel_loop3A_285 = arith.constant 0 : index
                %parallel_loop3A_286 = tpu.vector_load %arg9[%parallel_loop3A_284, %parallel_loop3A_285] {strides = array<i32>} : memref<32x128xf32, #tpu.memory_space<vmem>>, vector<16xf32>,
                tpu.vector_store %arg9[%parallel_loop3A_284, %parallel_loop3A_285], %parallel_loop3A_283 {strides = array<i32>} : memref<32x128xf32, #tpu.memory_space<vmem>>, vector<16xf32>,
                %parallel_loop3A_287 = arith.constant 1 : i32
                %parallel_loop3A_288 = arith.index_cast %parallel_loop3A_287 : i32 to index
                %parallel_loop3A_289 = arith.index_cast %parallel_loop3A_271 : i32 to index
                %parallel_loop3A_290 = arith.constant 16 : index
                %parallel_loop3A_291 = tpu.vector_load %arg6[%parallel_loop3A_288, %parallel_loop3A_289, %parallel_loop3A_290] {strides = array<i32>} : memref<2x32x128xi32, #tpu.memory_space<vmem>>, vector<16xi32>,
                %parallel_loop3A_292 = arith.constant 7 : i32
                %parallel_loop3A_293 = vector.broadcast %parallel_loop3A_292 : i32 to vector<16xi32>
                %parallel_loop3A_294 = arith.shrui %parallel_loop3A_291, %parallel_loop3A_293 : vector<16xi32>
                %parallel_loop3A_295 = arith.constant 127 : i32
                %parallel_loop3A_296 = vector.broadcast %parallel_loop3A_295 : i32 to vector<16xi32>
                %parallel_loop3A_297 = arith.andi %parallel_loop3A_291, %parallel_loop3A_296 : vector<16xi32>
                %parallel_loop3A_298 = tpu.vector_load_idx %arg5[%parallel_loop3A_294, %parallel_loop3A_297] : memref<782x128xf32, #tpu.memory_space<vmem>>[vector<16xi32>, vector<16xi32>], vector<16xf32>,
                %parallel_loop3A_299 = arith.index_cast %parallel_loop3A_271 : i32 to index
                %parallel_loop3A_300 = arith.constant 16 : index
                %parallel_loop3A_301 = tpu.vector_load %arg9[%parallel_loop3A_299, %parallel_loop3A_300] {strides = array<i32>} : memref<32x128xf32, #tpu.memory_space<vmem>>, vector<16xf32>,
                tpu.vector_store %arg9[%parallel_loop3A_299, %parallel_loop3A_300], %parallel_loop3A_298 {strides = array<i32>} : memref<32x128xf32, #tpu.memory_space<vmem>>, vector<16xf32>,
                %parallel_loop3A_302 = arith.constant 1 : i32
                %parallel_loop3A_303 = arith.index_cast %parallel_loop3A_302 : i32 to index
                %parallel_loop3A_304 = arith.index_cast %parallel_loop3A_271 : i32 to index
                %parallel_loop3A_305 = arith.constant 32 : index
                %parallel_loop3A_306 = tpu.vector_load %arg6[%parallel_loop3A_303, %parallel_loop3A_304, %parallel_loop3A_305] {strides = array<i32>} : memref<2x32x128xi32, #tpu.memory_space<vmem>>, vector<16xi32>,
                %parallel_loop3A_307 = arith.constant 7 : i32
                %parallel_loop3A_308 = vector.broadcast %parallel_loop3A_307 : i32 to vector<16xi32>
                %parallel_loop3A_309 = arith.shrui %parallel_loop3A_306, %parallel_loop3A_308 : vector<16xi32>
                %parallel_loop3A_310 = arith.constant 127 : i32
                %parallel_loop3A_311 = vector.broadcast %parallel_loop3A_310 : i32 to vector<16xi32>
                %parallel_loop3A_312 = arith.andi %parallel_loop3A_306, %parallel_loop3A_311 : vector<16xi32>
                %parallel_loop3A_313 = tpu.vector_load_idx %arg5[%parallel_loop3A_309, %parallel_loop3A_312] : memref<782x128xf32, #tpu.memory_space<vmem>>[vector<16xi32>, vector<16xi32>], vector<16xf32>,
                %parallel_loop3A_314 = arith.index_cast %parallel_loop3A_271 : i32 to index
                %parallel_loop3A_315 = arith.constant 32 : index
                %parallel_loop3A_316 = tpu.vector_load %arg9[%parallel_loop3A_314, %parallel_loop3A_315] {strides = array<i32>} : memref<32x128xf32, #tpu.memory_space<vmem>>, vector<16xf32>,
                tpu.vector_store %arg9[%parallel_loop3A_314, %parallel_loop3A_315], %parallel_loop3A_313 {strides = array<i32>} : memref<32x128xf32, #tpu.memory_space<vmem>>, vector<16xf32>,
                %parallel_loop3A_317 = arith.constant 1 : i32
                %parallel_loop3A_318 = arith.index_cast %parallel_loop3A_317 : i32 to index
                %parallel_loop3A_319 = arith.index_cast %parallel_loop3A_271 : i32 to index
                %parallel_loop3A_320 = arith.constant 48 : index
                %parallel_loop3A_321 = tpu.vector_load %arg6[%parallel_loop3A_318, %parallel_loop3A_319, %parallel_loop3A_320] {strides = array<i32>} : memref<2x32x128xi32, #tpu.memory_space<vmem>>, vector<16xi32>,
                %parallel_loop3A_322 = arith.constant 7 : i32
                %parallel_loop3A_323 = vector.broadcast %parallel_loop3A_322 : i32 to vector<16xi32>
                %parallel_loop3A_324 = arith.shrui %parallel_loop3A_321, %parallel_loop3A_323 : vector<16xi32>
                %parallel_loop3A_325 = arith.constant 127 : i32
                %parallel_loop3A_326 = vector.broadcast %parallel_loop3A_325 : i32 to vector<16xi32>
                %parallel_loop3A_327 = arith.andi %parallel_loop3A_321, %parallel_loop3A_326 : vector<16xi32>
                %parallel_loop3A_328 = tpu.vector_load_idx %arg5[%parallel_loop3A_324, %parallel_loop3A_327] : memref<782x128xf32, #tpu.memory_space<vmem>>[vector<16xi32>, vector<16xi32>], vector<16xf32>,
                %parallel_loop3A_329 = arith.index_cast %parallel_loop3A_271 : i32 to index
                %parallel_loop3A_330 = arith.constant 48 : index
                %parallel_loop3A_331 = tpu.vector_load %arg9[%parallel_loop3A_329, %parallel_loop3A_330] {strides = array<i32>} : memref<32x128xf32, #tpu.memory_space<vmem>>, vector<16xf32>,
                tpu.vector_store %arg9[%parallel_loop3A_329, %parallel_loop3A_330], %parallel_loop3A_328 {strides = array<i32>} : memref<32x128xf32, #tpu.memory_space<vmem>>, vector<16xf32>,
                %parallel_loop3A_332 = arith.constant 1 : i32
                %parallel_loop3A_333 = arith.index_cast %parallel_loop3A_332 : i32 to index
                %parallel_loop3A_334 = arith.index_cast %parallel_loop3A_271 : i32 to index
                %parallel_loop3A_335 = arith.constant 64 : index
                %parallel_loop3A_336 = tpu.vector_load %arg6[%parallel_loop3A_333, %parallel_loop3A_334, %parallel_loop3A_335] {strides = array<i32>} : memref<2x32x128xi32, #tpu.memory_space<vmem>>, vector<16xi32>,
                %parallel_loop3A_337 = arith.constant 7 : i32
                %parallel_loop3A_338 = vector.broadcast %parallel_loop3A_337 : i32 to vector<16xi32>
                %parallel_loop3A_339 = arith.shrui %parallel_loop3A_336, %parallel_loop3A_338 : vector<16xi32>
                %parallel_loop3A_340 = arith.constant 127 : i32
                %parallel_loop3A_341 = vector.broadcast %parallel_loop3A_340 : i32 to vector<16xi32>
                %parallel_loop3A_342 = arith.andi %parallel_loop3A_336, %parallel_loop3A_341 : vector<16xi32>
                %parallel_loop3A_343 = tpu.vector_load_idx %arg5[%parallel_loop3A_339, %parallel_loop3A_342] : memref<782x128xf32, #tpu.memory_space<vmem>>[vector<16xi32>, vector<16xi32>], vector<16xf32>,
                %parallel_loop3A_344 = arith.index_cast %parallel_loop3A_271 : i32 to index
                %parallel_loop3A_345 = arith.constant 64 : index
                %parallel_loop3A_346 = tpu.vector_load %arg9[%parallel_loop3A_344, %parallel_loop3A_345] {strides = array<i32>} : memref<32x128xf32, #tpu.memory_space<vmem>>, vector<16xf32>,
                tpu.vector_store %arg9[%parallel_loop3A_344, %parallel_loop3A_345], %parallel_loop3A_343 {strides = array<i32>} : memref<32x128xf32, #tpu.memory_space<vmem>>, vector<16xf32>,
                %parallel_loop3A_347 = arith.constant 1 : i32
                %parallel_loop3A_348 = arith.index_cast %parallel_loop3A_347 : i32 to index
                %parallel_loop3A_349 = arith.index_cast %parallel_loop3A_271 : i32 to index
                %parallel_loop3A_350 = arith.constant 80 : index
                %parallel_loop3A_351 = tpu.vector_load %arg6[%parallel_loop3A_348, %parallel_loop3A_349, %parallel_loop3A_350] {strides = array<i32>} : memref<2x32x128xi32, #tpu.memory_space<vmem>>, vector<16xi32>,
                %parallel_loop3A_352 = arith.constant 7 : i32
                %parallel_loop3A_353 = vector.broadcast %parallel_loop3A_352 : i32 to vector<16xi32>
                %parallel_loop3A_354 = arith.shrui %parallel_loop3A_351, %parallel_loop3A_353 : vector<16xi32>
                %parallel_loop3A_355 = arith.constant 127 : i32
                %parallel_loop3A_356 = vector.broadcast %parallel_loop3A_355 : i32 to vector<16xi32>
                %parallel_loop3A_357 = arith.andi %parallel_loop3A_351, %parallel_loop3A_356 : vector<16xi32>
                %parallel_loop3A_358 = tpu.vector_load_idx %arg5[%parallel_loop3A_354, %parallel_loop3A_357] : memref<782x128xf32, #tpu.memory_space<vmem>>[vector<16xi32>, vector<16xi32>], vector<16xf32>,
                %parallel_loop3A_359 = arith.index_cast %parallel_loop3A_271 : i32 to index
                %parallel_loop3A_360 = arith.constant 80 : index
                %parallel_loop3A_361 = tpu.vector_load %arg9[%parallel_loop3A_359, %parallel_loop3A_360] {strides = array<i32>} : memref<32x128xf32, #tpu.memory_space<vmem>>, vector<16xf32>,
                tpu.vector_store %arg9[%parallel_loop3A_359, %parallel_loop3A_360], %parallel_loop3A_358 {strides = array<i32>} : memref<32x128xf32, #tpu.memory_space<vmem>>, vector<16xf32>,
                %parallel_loop3A_362 = arith.constant 1 : i32
                %parallel_loop3A_363 = arith.index_cast %parallel_loop3A_362 : i32 to index
                %parallel_loop3A_364 = arith.index_cast %parallel_loop3A_271 : i32 to index
                %parallel_loop3A_365 = arith.constant 96 : index
                %parallel_loop3A_366 = tpu.vector_load %arg6[%parallel_loop3A_363, %parallel_loop3A_364, %parallel_loop3A_365] {strides = array<i32>} : memref<2x32x128xi32, #tpu.memory_space<vmem>>, vector<16xi32>,
                %parallel_loop3A_367 = arith.constant 7 : i32
                %parallel_loop3A_368 = vector.broadcast %parallel_loop3A_367 : i32 to vector<16xi32>
                %parallel_loop3A_369 = arith.shrui %parallel_loop3A_366, %parallel_loop3A_368 : vector<16xi32>
                %parallel_loop3A_370 = arith.constant 127 : i32
                %parallel_loop3A_371 = vector.broadcast %parallel_loop3A_370 : i32 to vector<16xi32>
                %parallel_loop3A_372 = arith.andi %parallel_loop3A_366, %parallel_loop3A_371 : vector<16xi32>
                %parallel_loop3A_373 = tpu.vector_load_idx %arg5[%parallel_loop3A_369, %parallel_loop3A_372] : memref<782x128xf32, #tpu.memory_space<vmem>>[vector<16xi32>, vector<16xi32>], vector<16xf32>,
                %parallel_loop3A_374 = arith.index_cast %parallel_loop3A_271 : i32 to index
                %parallel_loop3A_375 = arith.constant 96 : index
                %parallel_loop3A_376 = tpu.vector_load %arg9[%parallel_loop3A_374, %parallel_loop3A_375] {strides = array<i32>} : memref<32x128xf32, #tpu.memory_space<vmem>>, vector<16xf32>,
                tpu.vector_store %arg9[%parallel_loop3A_374, %parallel_loop3A_375], %parallel_loop3A_373 {strides = array<i32>} : memref<32x128xf32, #tpu.memory_space<vmem>>, vector<16xf32>,
                %parallel_loop3A_377 = arith.constant 1 : i32
                %parallel_loop3A_378 = arith.index_cast %parallel_loop3A_377 : i32 to index
                %parallel_loop3A_379 = arith.index_cast %parallel_loop3A_271 : i32 to index
                %parallel_loop3A_380 = arith.constant 112 : index
                %parallel_loop3A_381 = tpu.vector_load %arg6[%parallel_loop3A_378, %parallel_loop3A_379, %parallel_loop3A_380] {strides = array<i32>} : memref<2x32x128xi32, #tpu.memory_space<vmem>>, vector<16xi32>,
                %parallel_loop3A_382 = arith.constant 7 : i32
                %parallel_loop3A_383 = vector.broadcast %parallel_loop3A_382 : i32 to vector<16xi32>
                %parallel_loop3A_384 = arith.shrui %parallel_loop3A_381, %parallel_loop3A_383 : vector<16xi32>
                %parallel_loop3A_385 = arith.constant 127 : i32
                %parallel_loop3A_386 = vector.broadcast %parallel_loop3A_385 : i32 to vector<16xi32>
                %parallel_loop3A_387 = arith.andi %parallel_loop3A_381, %parallel_loop3A_386 : vector<16xi32>
                %parallel_loop3A_388 = tpu.vector_load_idx %arg5[%parallel_loop3A_384, %parallel_loop3A_387] : memref<782x128xf32, #tpu.memory_space<vmem>>[vector<16xi32>, vector<16xi32>], vector<16xf32>,
                %parallel_loop3A_389 = arith.index_cast %parallel_loop3A_271 : i32 to index
                %parallel_loop3A_390 = arith.constant 112 : index
                %parallel_loop3A_391 = tpu.vector_load %arg9[%parallel_loop3A_389, %parallel_loop3A_390] {strides = array<i32>} : memref<32x128xf32, #tpu.memory_space<vmem>>, vector<16xf32>,
                tpu.vector_store %arg9[%parallel_loop3A_389, %parallel_loop3A_390], %parallel_loop3A_388 {strides = array<i32>} : memref<32x128xf32, #tpu.memory_space<vmem>>, vector<16xf32>,
              } {sc.loop_unroll_factor = 4 : i64, sc.parallel_access}
              %dma_start3A_256 = arith.constant 0 : i32
              %dma_start3A_257 = arith.constant 0 : i32
              %dma_start3A_258 = tpu.memref_slice %arg4[%add3A_247, %select_n3A, %dma_start3A_256, %select_n3A_39, %dma_start3A_257] : memref<200x8x32x8x128xf32, #tpu.memory_space<hbm>> -> memref<1x1x32x1x128xf32, #tpu.memory_space<hbm>>
              %dma_start3A_259 = tpu.memref_squeeze %dma_start3A_258 : memref<1x1x32x1x128xf32, #tpu.memory_space<hbm>> -> memref<32x128xf32, #tpu.memory_space<hbm>>
              %dma_start3A_260 = arith.constant 0 : i32
              %dma_start3A_261 = arith.constant 0 : i32
              %dma_start3A_262 = tpu.memref_slice %arg4[%add3A_247, %select_n3A, %dma_start3A_260, %select_n3A_39, %dma_start3A_261] : memref<200x8x32x8x128xf32, #tpu.memory_space<hbm>> -> memref<1x1x32x1x128xf32, #tpu.memory_space<hbm>>
              %dma_start3A_263 = tpu.memref_squeeze %dma_start3A_262 : memref<1x1x32x1x128xf32, #tpu.memory_space<hbm>> -> memref<32x128xf32, #tpu.memory_space<hbm>>
              tpu.enqueue_dma source(%arg9 : memref<32x128xf32, #tpu.memory_space<vmem>>) target(%dma_start3A_263 : memref<32x128xf32, #tpu.memory_space<hbm>>) target_semaphore(%arg15 : memref<!tpu.dma_semaphore, #tpu.memory_space<semaphore_mem>>)
              %add3A_264 = arith.constant 2 : i32
              %add3A_265 = arith.addi %scan3A_189, %add3A_264 : i32
              %lt3A_266 = arith.constant 6 : i32
              %lt3A_267 = arith.cmpi slt, %add3A_265, %lt3A_266 : i32
              %convert_element_type3A_268 = arith.extui %lt3A_267 : i1 to i32
              %cond3A_269 = arith.constant 0 : i32
              %cond3A_270 = arith.cmpi ne, %convert_element_type3A_268, %cond3A_269 : i32
              scf.if %cond3A_270 {
                %add3A_271 = arith.constant 2 : i32
                %add3A_272 = arith.addi %scan3A_189, %add3A_271 : i32
                %mul3A_273 = arith.constant 2 : i32
                %mul3A_274 = arith.muli %mul3A_273, %add3A_272 : i32
                %dma_start3A_275 = arith.constant 0 : i32
                %dma_start3A_276 = arith.constant 0 : i32
                %dma_start3A_277 = tpu.memref_slice %arg10[%mul3A_274, %dma_start3A_275, %dma_start3A_276] : memref<12x32x128xi32, #tpu.memory_space<vmem_shared>> -> memref<2x32x128xi32, #tpu.memory_space<vmem_shared>>
                %dma_start3A_278 = arith.constant 0 : i32
                %dma_start3A_279 = arith.constant 0 : i32
                %dma_start3A_280 = tpu.memref_slice %arg10[%mul3A_274, %dma_start3A_278, %dma_start3A_279] : memref<12x32x128xi32, #tpu.memory_space<vmem_shared>> -> memref<2x32x128xi32, #tpu.memory_space<vmem_shared>>
                tpu.enqueue_dma source(%dma_start3A_280 : memref<2x32x128xi32, #tpu.memory_space<vmem_shared>>) target(%arg6 : memref<2x32x128xi32, #tpu.memory_space<vmem>>) target_semaphore(%arg12 : memref<!tpu.dma_semaphore, #tpu.memory_space<semaphore_mem>>)
              } else {
              }
            } else {
            }
            %eq3A_211 = arith.constant 1 : i32
            %eq3A_212 = arith.cmpi eq, %select_n3A_205, %eq3A_211 : i32
            %convert_element_type3A_213 = arith.extui %eq3A_212 : i1 to i32
            %cond3A_214 = arith.constant 0 : i32
            %cond3A_215 = arith.cmpi ne, %convert_element_type3A_213, %cond3A_214 : i32
            scf.if %cond3A_215 {
              %mul3A_216 = arith.constant 2 : i32
              %mul3A_217 = arith.muli %mul3A_216, %scan3A_189 : i32
              %dma_wait3A_218 = arith.constant 0 : i32
              %dma_wait3A_219 = arith.constant 0 : i32
              %dma_wait3A_220 = tpu.memref_slice %arg10[%mul3A_217, %dma_wait3A_218, %dma_wait3A_219] : memref<12x32x128xi32, #tpu.memory_space<vmem_shared>> -> memref<2x32x128xi32, #tpu.memory_space<vmem_shared>>
              %dma_wait3A_221 = arith.constant 0 : i32
              %dma_wait3A_222 = arith.constant 0 : i32
              %dma_wait3A_223 = tpu.memref_slice %arg10[%mul3A_217, %dma_wait3A_221, %dma_wait3A_222] : memref<12x32x128xi32, #tpu.memory_space<vmem_shared>> -> memref<2x32x128xi32, #tpu.memory_space<vmem_shared>>
              tpu.wait_dma2 semaphore(%arg13 : memref<!tpu.dma_semaphore, #tpu.memory_space<semaphore_mem>>) src(%dma_wait3A_223 : memref<2x32x128xi32, #tpu.memory_space<vmem_shared>>) dst(%arg7 : memref<2x32x128xi32, #tpu.memory_space<vmem>>)
              %mul3A_224 = arith.constant 2 : i32
              %mul3A_225 = arith.muli %mul3A_224, %scan3A_189 : i32
              %add3A_226 = arith.constant 0 : i32
              %add3A_227 = arith.addi %mul3A_225, %add3A_226 : i32
              %add3A_228 = arith.addi %mul3A_152, %add3A_227 : i32
              %ge3A = arith.constant 2 : i32
              %ge3A_229 = arith.cmpi sge, %add3A_228, %ge3A : i32
              %convert_element_type3A_230 = arith.extui %ge3A_229 : i1 to i32
              %cond3A_231 = arith.constant 0 : i32
              %cond3A_232 = arith.cmpi ne, %convert_element_type3A_230, %cond3A_231 : i32
              scf.if %cond3A_232 {
                %sub3A_271 = arith.constant 2 : i32
                %sub3A_272 = arith.subi %add3A_228, %sub3A_271 : i32
                %dma_wait3A_273 = arith.constant 0 : i32
                %dma_wait3A_274 = arith.constant 0 : i32
                %dma_wait3A_275 = tpu.memref_slice %arg4[%sub3A_272, %select_n3A, %dma_wait3A_273, %select_n3A_39, %dma_wait3A_274] : memref<200x8x32x8x128xf32, #tpu.memory_space<hbm>> -> memref<1x1x32x1x128xf32, #tpu.memory_space<hbm>>
                %dma_wait3A_276 = tpu.memref_squeeze %dma_wait3A_275 : memref<1x1x32x1x128xf32, #tpu.memory_space<hbm>> -> memref<32x128xf32, #tpu.memory_space<hbm>>
                %dma_wait3A_277 = arith.constant 0 : i32
                %dma_wait3A_278 = arith.constant 0 : i32
                %dma_wait3A_279 = tpu.memref_slice %arg4[%sub3A_272, %select_n3A, %dma_wait3A_277, %select_n3A_39, %dma_wait3A_278] : memref<200x8x32x8x128xf32, #tpu.memory_space<hbm>> -> memref<1x1x32x1x128xf32, #tpu.memory_space<hbm>>
                %dma_wait3A_280 = tpu.memref_squeeze %dma_wait3A_279 : memref<1x1x32x1x128xf32, #tpu.memory_space<hbm>> -> memref<32x128xf32, #tpu.memory_space<hbm>>
                tpu.wait_dma2 semaphore(%arg14 : memref<!tpu.dma_semaphore, #tpu.memory_space<semaphore_mem>>) src(%arg8 : memref<32x128xf32, #tpu.memory_space<vmem>>) dst(%dma_wait3A_280 : memref<32x128xf32, #tpu.memory_space<hbm>>)
              } else {
              }
              %parallel_loop3A = arith.constant 0 : i32
              %parallel_loop3A_233 = arith.constant 32 : i32
              %parallel_loop3A_234 = arith.constant 1 : i32
              scf.for %parallel_loop3A_271 = %parallel_loop3A to %parallel_loop3A_233 step %parallel_loop3A_234  : i32 {
                %parallel_loop3A_272 = arith.constant 0 : i32
                %parallel_loop3A_273 = arith.index_cast %parallel_loop3A_272 : i32 to index
                %parallel_loop3A_274 = arith.index_cast %parallel_loop3A_271 : i32 to index
                %parallel_loop3A_275 = arith.constant 0 : index
                %parallel_loop3A_276 = tpu.vector_load %arg7[%parallel_loop3A_273, %parallel_loop3A_274, %parallel_loop3A_275] {strides = array<i32>} : memref<2x32x128xi32, #tpu.memory_space<vmem>>, vector<16xi32>,
                %parallel_loop3A_277 = arith.constant 7 : i32
                %parallel_loop3A_278 = vector.broadcast %parallel_loop3A_277 : i32 to vector<16xi32>
                %parallel_loop3A_279 = arith.shrui %parallel_loop3A_276, %parallel_loop3A_278 : vector<16xi32>
                %parallel_loop3A_280 = arith.constant 127 : i32
                %parallel_loop3A_281 = vector.broadcast %parallel_loop3A_280 : i32 to vector<16xi32>
                %parallel_loop3A_282 = arith.andi %parallel_loop3A_276, %parallel_loop3A_281 : vector<16xi32>
                %parallel_loop3A_283 = tpu.vector_load_idx %arg5[%parallel_loop3A_279, %parallel_loop3A_282] : memref<782x128xf32, #tpu.memory_space<vmem>>[vector<16xi32>, vector<16xi32>], vector<16xf32>,
                %parallel_loop3A_284 = arith.index_cast %parallel_loop3A_271 : i32 to index
                %parallel_loop3A_285 = arith.constant 0 : index
                %parallel_loop3A_286 = tpu.vector_load %arg8[%parallel_loop3A_284, %parallel_loop3A_285] {strides = array<i32>} : memref<32x128xf32, #tpu.memory_space<vmem>>, vector<16xf32>,
                tpu.vector_store %arg8[%parallel_loop3A_284, %parallel_loop3A_285], %parallel_loop3A_283 {strides = array<i32>} : memref<32x128xf32, #tpu.memory_space<vmem>>, vector<16xf32>,
                %parallel_loop3A_287 = arith.constant 0 : i32
                %parallel_loop3A_288 = arith.index_cast %parallel_loop3A_287 : i32 to index
                %parallel_loop3A_289 = arith.index_cast %parallel_loop3A_271 : i32 to index
                %parallel_loop3A_290 = arith.constant 16 : index
                %parallel_loop3A_291 = tpu.vector_load %arg7[%parallel_loop3A_288, %parallel_loop3A_289, %parallel_loop3A_290] {strides = array<i32>} : memref<2x32x128xi32, #tpu.memory_space<vmem>>, vector<16xi32>,
                %parallel_loop3A_292 = arith.constant 7 : i32
                %parallel_loop3A_293 = vector.broadcast %parallel_loop3A_292 : i32 to vector<16xi32>
                %parallel_loop3A_294 = arith.shrui %parallel_loop3A_291, %parallel_loop3A_293 : vector<16xi32>
                %parallel_loop3A_295 = arith.constant 127 : i32
                %parallel_loop3A_296 = vector.broadcast %parallel_loop3A_295 : i32 to vector<16xi32>
                %parallel_loop3A_297 = arith.andi %parallel_loop3A_291, %parallel_loop3A_296 : vector<16xi32>
                %parallel_loop3A_298 = tpu.vector_load_idx %arg5[%parallel_loop3A_294, %parallel_loop3A_297] : memref<782x128xf32, #tpu.memory_space<vmem>>[vector<16xi32>, vector<16xi32>], vector<16xf32>,
                %parallel_loop3A_299 = arith.index_cast %parallel_loop3A_271 : i32 to index
                %parallel_loop3A_300 = arith.constant 16 : index
                %parallel_loop3A_301 = tpu.vector_load %arg8[%parallel_loop3A_299, %parallel_loop3A_300] {strides = array<i32>} : memref<32x128xf32, #tpu.memory_space<vmem>>, vector<16xf32>,
                tpu.vector_store %arg8[%parallel_loop3A_299, %parallel_loop3A_300], %parallel_loop3A_298 {strides = array<i32>} : memref<32x128xf32, #tpu.memory_space<vmem>>, vector<16xf32>,
                %parallel_loop3A_302 = arith.constant 0 : i32
                %parallel_loop3A_303 = arith.index_cast %parallel_loop3A_302 : i32 to index
                %parallel_loop3A_304 = arith.index_cast %parallel_loop3A_271 : i32 to index
                %parallel_loop3A_305 = arith.constant 32 : index
                %parallel_loop3A_306 = tpu.vector_load %arg7[%parallel_loop3A_303, %parallel_loop3A_304, %parallel_loop3A_305] {strides = array<i32>} : memref<2x32x128xi32, #tpu.memory_space<vmem>>, vector<16xi32>,
                %parallel_loop3A_307 = arith.constant 7 : i32
                %parallel_loop3A_308 = vector.broadcast %parallel_loop3A_307 : i32 to vector<16xi32>
                %parallel_loop3A_309 = arith.shrui %parallel_loop3A_306, %parallel_loop3A_308 : vector<16xi32>
                %parallel_loop3A_310 = arith.constant 127 : i32
                %parallel_loop3A_311 = vector.broadcast %parallel_loop3A_310 : i32 to vector<16xi32>
                %parallel_loop3A_312 = arith.andi %parallel_loop3A_306, %parallel_loop3A_311 : vector<16xi32>
                %parallel_loop3A_313 = tpu.vector_load_idx %arg5[%parallel_loop3A_309, %parallel_loop3A_312] : memref<782x128xf32, #tpu.memory_space<vmem>>[vector<16xi32>, vector<16xi32>], vector<16xf32>,
                %parallel_loop3A_314 = arith.index_cast %parallel_loop3A_271 : i32 to index
                %parallel_loop3A_315 = arith.constant 32 : index
                %parallel_loop3A_316 = tpu.vector_load %arg8[%parallel_loop3A_314, %parallel_loop3A_315] {strides = array<i32>} : memref<32x128xf32, #tpu.memory_space<vmem>>, vector<16xf32>,
                tpu.vector_store %arg8[%parallel_loop3A_314, %parallel_loop3A_315], %parallel_loop3A_313 {strides = array<i32>} : memref<32x128xf32, #tpu.memory_space<vmem>>, vector<16xf32>,
                %parallel_loop3A_317 = arith.constant 0 : i32
                %parallel_loop3A_318 = arith.index_cast %parallel_loop3A_317 : i32 to index
                %parallel_loop3A_319 = arith.index_cast %parallel_loop3A_271 : i32 to index
                %parallel_loop3A_320 = arith.constant 48 : index
                %parallel_loop3A_321 = tpu.vector_load %arg7[%parallel_loop3A_318, %parallel_loop3A_319, %parallel_loop3A_320] {strides = array<i32>} : memref<2x32x128xi32, #tpu.memory_space<vmem>>, vector<16xi32>,
                %parallel_loop3A_322 = arith.constant 7 : i32
                %parallel_loop3A_323 = vector.broadcast %parallel_loop3A_322 : i32 to vector<16xi32>
                %parallel_loop3A_324 = arith.shrui %parallel_loop3A_321, %parallel_loop3A_323 : vector<16xi32>
                %parallel_loop3A_325 = arith.constant 127 : i32
                %parallel_loop3A_326 = vector.broadcast %parallel_loop3A_325 : i32 to vector<16xi32>
                %parallel_loop3A_327 = arith.andi %parallel_loop3A_321, %parallel_loop3A_326 : vector<16xi32>
                %parallel_loop3A_328 = tpu.vector_load_idx %arg5[%parallel_loop3A_324, %parallel_loop3A_327] : memref<782x128xf32, #tpu.memory_space<vmem>>[vector<16xi32>, vector<16xi32>], vector<16xf32>,
                %parallel_loop3A_329 = arith.index_cast %parallel_loop3A_271 : i32 to index
                %parallel_loop3A_330 = arith.constant 48 : index
                %parallel_loop3A_331 = tpu.vector_load %arg8[%parallel_loop3A_329, %parallel_loop3A_330] {strides = array<i32>} : memref<32x128xf32, #tpu.memory_space<vmem>>, vector<16xf32>,
                tpu.vector_store %arg8[%parallel_loop3A_329, %parallel_loop3A_330], %parallel_loop3A_328 {strides = array<i32>} : memref<32x128xf32, #tpu.memory_space<vmem>>, vector<16xf32>,
                %parallel_loop3A_332 = arith.constant 0 : i32
                %parallel_loop3A_333 = arith.index_cast %parallel_loop3A_332 : i32 to index
                %parallel_loop3A_334 = arith.index_cast %parallel_loop3A_271 : i32 to index
                %parallel_loop3A_335 = arith.constant 64 : index
                %parallel_loop3A_336 = tpu.vector_load %arg7[%parallel_loop3A_333, %parallel_loop3A_334, %parallel_loop3A_335] {strides = array<i32>} : memref<2x32x128xi32, #tpu.memory_space<vmem>>, vector<16xi32>,
                %parallel_loop3A_337 = arith.constant 7 : i32
                %parallel_loop3A_338 = vector.broadcast %parallel_loop3A_337 : i32 to vector<16xi32>
                %parallel_loop3A_339 = arith.shrui %parallel_loop3A_336, %parallel_loop3A_338 : vector<16xi32>
                %parallel_loop3A_340 = arith.constant 127 : i32
                %parallel_loop3A_341 = vector.broadcast %parallel_loop3A_340 : i32 to vector<16xi32>
                %parallel_loop3A_342 = arith.andi %parallel_loop3A_336, %parallel_loop3A_341 : vector<16xi32>
                %parallel_loop3A_343 = tpu.vector_load_idx %arg5[%parallel_loop3A_339, %parallel_loop3A_342] : memref<782x128xf32, #tpu.memory_space<vmem>>[vector<16xi32>, vector<16xi32>], vector<16xf32>,
                %parallel_loop3A_344 = arith.index_cast %parallel_loop3A_271 : i32 to index
                %parallel_loop3A_345 = arith.constant 64 : index
                %parallel_loop3A_346 = tpu.vector_load %arg8[%parallel_loop3A_344, %parallel_loop3A_345] {strides = array<i32>} : memref<32x128xf32, #tpu.memory_space<vmem>>, vector<16xf32>,
                tpu.vector_store %arg8[%parallel_loop3A_344, %parallel_loop3A_345], %parallel_loop3A_343 {strides = array<i32>} : memref<32x128xf32, #tpu.memory_space<vmem>>, vector<16xf32>,
                %parallel_loop3A_347 = arith.constant 0 : i32
                %parallel_loop3A_348 = arith.index_cast %parallel_loop3A_347 : i32 to index
                %parallel_loop3A_349 = arith.index_cast %parallel_loop3A_271 : i32 to index
                %parallel_loop3A_350 = arith.constant 80 : index
                %parallel_loop3A_351 = tpu.vector_load %arg7[%parallel_loop3A_348, %parallel_loop3A_349, %parallel_loop3A_350] {strides = array<i32>} : memref<2x32x128xi32, #tpu.memory_space<vmem>>, vector<16xi32>,
                %parallel_loop3A_352 = arith.constant 7 : i32
                %parallel_loop3A_353 = vector.broadcast %parallel_loop3A_352 : i32 to vector<16xi32>
                %parallel_loop3A_354 = arith.shrui %parallel_loop3A_351, %parallel_loop3A_353 : vector<16xi32>
                %parallel_loop3A_355 = arith.constant 127 : i32
                %parallel_loop3A_356 = vector.broadcast %parallel_loop3A_355 : i32 to vector<16xi32>
                %parallel_loop3A_357 = arith.andi %parallel_loop3A_351, %parallel_loop3A_356 : vector<16xi32>
                %parallel_loop3A_358 = tpu.vector_load_idx %arg5[%parallel_loop3A_354, %parallel_loop3A_357] : memref<782x128xf32, #tpu.memory_space<vmem>>[vector<16xi32>, vector<16xi32>], vector<16xf32>,
                %parallel_loop3A_359 = arith.index_cast %parallel_loop3A_271 : i32 to index
                %parallel_loop3A_360 = arith.constant 80 : index
                %parallel_loop3A_361 = tpu.vector_load %arg8[%parallel_loop3A_359, %parallel_loop3A_360] {strides = array<i32>} : memref<32x128xf32, #tpu.memory_space<vmem>>, vector<16xf32>,
                tpu.vector_store %arg8[%parallel_loop3A_359, %parallel_loop3A_360], %parallel_loop3A_358 {strides = array<i32>} : memref<32x128xf32, #tpu.memory_space<vmem>>, vector<16xf32>,
                %parallel_loop3A_362 = arith.constant 0 : i32
                %parallel_loop3A_363 = arith.index_cast %parallel_loop3A_362 : i32 to index
                %parallel_loop3A_364 = arith.index_cast %parallel_loop3A_271 : i32 to index
                %parallel_loop3A_365 = arith.constant 96 : index
                %parallel_loop3A_366 = tpu.vector_load %arg7[%parallel_loop3A_363, %parallel_loop3A_364, %parallel_loop3A_365] {strides = array<i32>} : memref<2x32x128xi32, #tpu.memory_space<vmem>>, vector<16xi32>,
                %parallel_loop3A_367 = arith.constant 7 : i32
                %parallel_loop3A_368 = vector.broadcast %parallel_loop3A_367 : i32 to vector<16xi32>
                %parallel_loop3A_369 = arith.shrui %parallel_loop3A_366, %parallel_loop3A_368 : vector<16xi32>
                %parallel_loop3A_370 = arith.constant 127 : i32
                %parallel_loop3A_371 = vector.broadcast %parallel_loop3A_370 : i32 to vector<16xi32>
                %parallel_loop3A_372 = arith.andi %parallel_loop3A_366, %parallel_loop3A_371 : vector<16xi32>
                %parallel_loop3A_373 = tpu.vector_load_idx %arg5[%parallel_loop3A_369, %parallel_loop3A_372] : memref<782x128xf32, #tpu.memory_space<vmem>>[vector<16xi32>, vector<16xi32>], vector<16xf32>,
                %parallel_loop3A_374 = arith.index_cast %parallel_loop3A_271 : i32 to index
                %parallel_loop3A_375 = arith.constant 96 : index
                %parallel_loop3A_376 = tpu.vector_load %arg8[%parallel_loop3A_374, %parallel_loop3A_375] {strides = array<i32>} : memref<32x128xf32, #tpu.memory_space<vmem>>, vector<16xf32>,
                tpu.vector_store %arg8[%parallel_loop3A_374, %parallel_loop3A_375], %parallel_loop3A_373 {strides = array<i32>} : memref<32x128xf32, #tpu.memory_space<vmem>>, vector<16xf32>,
                %parallel_loop3A_377 = arith.constant 0 : i32
                %parallel_loop3A_378 = arith.index_cast %parallel_loop3A_377 : i32 to index
                %parallel_loop3A_379 = arith.index_cast %parallel_loop3A_271 : i32 to index
                %parallel_loop3A_380 = arith.constant 112 : index
                %parallel_loop3A_381 = tpu.vector_load %arg7[%parallel_loop3A_378, %parallel_loop3A_379, %parallel_loop3A_380] {strides = array<i32>} : memref<2x32x128xi32, #tpu.memory_space<vmem>>, vector<16xi32>,
                %parallel_loop3A_382 = arith.constant 7 : i32
                %parallel_loop3A_383 = vector.broadcast %parallel_loop3A_382 : i32 to vector<16xi32>
                %parallel_loop3A_384 = arith.shrui %parallel_loop3A_381, %parallel_loop3A_383 : vector<16xi32>
                %parallel_loop3A_385 = arith.constant 127 : i32
                %parallel_loop3A_386 = vector.broadcast %parallel_loop3A_385 : i32 to vector<16xi32>
                %parallel_loop3A_387 = arith.andi %parallel_loop3A_381, %parallel_loop3A_386 : vector<16xi32>
                %parallel_loop3A_388 = tpu.vector_load_idx %arg5[%parallel_loop3A_384, %parallel_loop3A_387] : memref<782x128xf32, #tpu.memory_space<vmem>>[vector<16xi32>, vector<16xi32>], vector<16xf32>,
                %parallel_loop3A_389 = arith.index_cast %parallel_loop3A_271 : i32 to index
                %parallel_loop3A_390 = arith.constant 112 : index
                %parallel_loop3A_391 = tpu.vector_load %arg8[%parallel_loop3A_389, %parallel_loop3A_390] {strides = array<i32>} : memref<32x128xf32, #tpu.memory_space<vmem>>, vector<16xf32>,
                tpu.vector_store %arg8[%parallel_loop3A_389, %parallel_loop3A_390], %parallel_loop3A_388 {strides = array<i32>} : memref<32x128xf32, #tpu.memory_space<vmem>>, vector<16xf32>,
              } {sc.loop_unroll_factor = 4 : i64, sc.parallel_access}
              %dma_start3A_235 = arith.constant 0 : i32
              %dma_start3A_236 = arith.constant 0 : i32
              %dma_start3A_237 = tpu.memref_slice %arg4[%add3A_228, %select_n3A, %dma_start3A_235, %select_n3A_39, %dma_start3A_236] : memref<200x8x32x8x128xf32, #tpu.memory_space<hbm>> -> memref<1x1x32x1x128xf32, #tpu.memory_space<hbm>>
              %dma_start3A_238 = tpu.memref_squeeze %dma_start3A_237 : memref<1x1x32x1x128xf32, #tpu.memory_space<hbm>> -> memref<32x128xf32, #tpu.memory_space<hbm>>
              %dma_start3A_239 = arith.constant 0 : i32
              %dma_start3A_240 = arith.constant 0 : i32
              %dma_start3A_241 = tpu.memref_slice %arg4[%add3A_228, %select_n3A, %dma_start3A_239, %select_n3A_39, %dma_start3A_240] : memref<200x8x32x8x128xf32, #tpu.memory_space<hbm>> -> memref<1x1x32x1x128xf32, #tpu.memory_space<hbm>>
              %dma_start3A_242 = tpu.memref_squeeze %dma_start3A_241 : memref<1x1x32x1x128xf32, #tpu.memory_space<hbm>> -> memref<32x128xf32, #tpu.memory_space<hbm>>
              tpu.enqueue_dma source(%arg8 : memref<32x128xf32, #tpu.memory_space<vmem>>) target(%dma_start3A_242 : memref<32x128xf32, #tpu.memory_space<hbm>>) target_semaphore(%arg14 : memref<!tpu.dma_semaphore, #tpu.memory_space<semaphore_mem>>)
              %mul3A_243 = arith.constant 2 : i32
              %mul3A_244 = arith.muli %mul3A_243, %scan3A_189 : i32
              %add3A_245 = arith.constant 1 : i32
              %add3A_246 = arith.addi %mul3A_244, %add3A_245 : i32
              %add3A_247 = arith.addi %mul3A_152, %add3A_246 : i32
              %ge3A_248 = arith.constant 2 : i32
              %ge3A_249 = arith.cmpi sge, %add3A_247, %ge3A_248 : i32
              %convert_element_type3A_250 = arith.extui %ge3A_249 : i1 to i32
              %cond3A_251 = arith.constant 0 : i32
              %cond3A_252 = arith.cmpi ne, %convert_element_type3A_250, %cond3A_251 : i32
              scf.if %cond3A_252 {
                %sub3A_271 = arith.constant 2 : i32
                %sub3A_272 = arith.subi %add3A_247, %sub3A_271 : i32
                %dma_wait3A_273 = arith.constant 0 : i32
                %dma_wait3A_274 = arith.constant 0 : i32
                %dma_wait3A_275 = tpu.memref_slice %arg4[%sub3A_272, %select_n3A, %dma_wait3A_273, %select_n3A_39, %dma_wait3A_274] : memref<200x8x32x8x128xf32, #tpu.memory_space<hbm>> -> memref<1x1x32x1x128xf32, #tpu.memory_space<hbm>>
                %dma_wait3A_276 = tpu.memref_squeeze %dma_wait3A_275 : memref<1x1x32x1x128xf32, #tpu.memory_space<hbm>> -> memref<32x128xf32, #tpu.memory_space<hbm>>
                %dma_wait3A_277 = arith.constant 0 : i32
                %dma_wait3A_278 = arith.constant 0 : i32
                %dma_wait3A_279 = tpu.memref_slice %arg4[%sub3A_272, %select_n3A, %dma_wait3A_277, %select_n3A_39, %dma_wait3A_278] : memref<200x8x32x8x128xf32, #tpu.memory_space<hbm>> -> memref<1x1x32x1x128xf32, #tpu.memory_space<hbm>>
                %dma_wait3A_280 = tpu.memref_squeeze %dma_wait3A_279 : memref<1x1x32x1x128xf32, #tpu.memory_space<hbm>> -> memref<32x128xf32, #tpu.memory_space<hbm>>
                tpu.wait_dma2 semaphore(%arg15 : memref<!tpu.dma_semaphore, #tpu.memory_space<semaphore_mem>>) src(%arg9 : memref<32x128xf32, #tpu.memory_space<vmem>>) dst(%dma_wait3A_280 : memref<32x128xf32, #tpu.memory_space<hbm>>)
              } else {
              }
              %parallel_loop3A_253 = arith.constant 0 : i32
              %parallel_loop3A_254 = arith.constant 32 : i32
              %parallel_loop3A_255 = arith.constant 1 : i32
              scf.for %parallel_loop3A_271 = %parallel_loop3A_253 to %parallel_loop3A_254 step %parallel_loop3A_255  : i32 {
                %parallel_loop3A_272 = arith.constant 1 : i32
                %parallel_loop3A_273 = arith.index_cast %parallel_loop3A_272 : i32 to index
                %parallel_loop3A_274 = arith.index_cast %parallel_loop3A_271 : i32 to index
                %parallel_loop3A_275 = arith.constant 0 : index
                %parallel_loop3A_276 = tpu.vector_load %arg7[%parallel_loop3A_273, %parallel_loop3A_274, %parallel_loop3A_275] {strides = array<i32>} : memref<2x32x128xi32, #tpu.memory_space<vmem>>, vector<16xi32>,
                %parallel_loop3A_277 = arith.constant 7 : i32
                %parallel_loop3A_278 = vector.broadcast %parallel_loop3A_277 : i32 to vector<16xi32>
                %parallel_loop3A_279 = arith.shrui %parallel_loop3A_276, %parallel_loop3A_278 : vector<16xi32>
                %parallel_loop3A_280 = arith.constant 127 : i32
                %parallel_loop3A_281 = vector.broadcast %parallel_loop3A_280 : i32 to vector<16xi32>
                %parallel_loop3A_282 = arith.andi %parallel_loop3A_276, %parallel_loop3A_281 : vector<16xi32>
                %parallel_loop3A_283 = tpu.vector_load_idx %arg5[%parallel_loop3A_279, %parallel_loop3A_282] : memref<782x128xf32, #tpu.memory_space<vmem>>[vector<16xi32>, vector<16xi32>], vector<16xf32>,
                %parallel_loop3A_284 = arith.index_cast %parallel_loop3A_271 : i32 to index
                %parallel_loop3A_285 = arith.constant 0 : index
                %parallel_loop3A_286 = tpu.vector_load %arg9[%parallel_loop3A_284, %parallel_loop3A_285] {strides = array<i32>} : memref<32x128xf32, #tpu.memory_space<vmem>>, vector<16xf32>,
                tpu.vector_store %arg9[%parallel_loop3A_284, %parallel_loop3A_285], %parallel_loop3A_283 {strides = array<i32>} : memref<32x128xf32, #tpu.memory_space<vmem>>, vector<16xf32>,
                %parallel_loop3A_287 = arith.constant 1 : i32
                %parallel_loop3A_288 = arith.index_cast %parallel_loop3A_287 : i32 to index
                %parallel_loop3A_289 = arith.index_cast %parallel_loop3A_271 : i32 to index
                %parallel_loop3A_290 = arith.constant 16 : index
                %parallel_loop3A_291 = tpu.vector_load %arg7[%parallel_loop3A_288, %parallel_loop3A_289, %parallel_loop3A_290] {strides = array<i32>} : memref<2x32x128xi32, #tpu.memory_space<vmem>>, vector<16xi32>,
                %parallel_loop3A_292 = arith.constant 7 : i32
                %parallel_loop3A_293 = vector.broadcast %parallel_loop3A_292 : i32 to vector<16xi32>
                %parallel_loop3A_294 = arith.shrui %parallel_loop3A_291, %parallel_loop3A_293 : vector<16xi32>
                %parallel_loop3A_295 = arith.constant 127 : i32
                %parallel_loop3A_296 = vector.broadcast %parallel_loop3A_295 : i32 to vector<16xi32>
                %parallel_loop3A_297 = arith.andi %parallel_loop3A_291, %parallel_loop3A_296 : vector<16xi32>
                %parallel_loop3A_298 = tpu.vector_load_idx %arg5[%parallel_loop3A_294, %parallel_loop3A_297] : memref<782x128xf32, #tpu.memory_space<vmem>>[vector<16xi32>, vector<16xi32>], vector<16xf32>,
                %parallel_loop3A_299 = arith.index_cast %parallel_loop3A_271 : i32 to index
                %parallel_loop3A_300 = arith.constant 16 : index
                %parallel_loop3A_301 = tpu.vector_load %arg9[%parallel_loop3A_299, %parallel_loop3A_300] {strides = array<i32>} : memref<32x128xf32, #tpu.memory_space<vmem>>, vector<16xf32>,
                tpu.vector_store %arg9[%parallel_loop3A_299, %parallel_loop3A_300], %parallel_loop3A_298 {strides = array<i32>} : memref<32x128xf32, #tpu.memory_space<vmem>>, vector<16xf32>,
                %parallel_loop3A_302 = arith.constant 1 : i32
                %parallel_loop3A_303 = arith.index_cast %parallel_loop3A_302 : i32 to index
                %parallel_loop3A_304 = arith.index_cast %parallel_loop3A_271 : i32 to index
                %parallel_loop3A_305 = arith.constant 32 : index
                %parallel_loop3A_306 = tpu.vector_load %arg7[%parallel_loop3A_303, %parallel_loop3A_304, %parallel_loop3A_305] {strides = array<i32>} : memref<2x32x128xi32, #tpu.memory_space<vmem>>, vector<16xi32>,
                %parallel_loop3A_307 = arith.constant 7 : i32
                %parallel_loop3A_308 = vector.broadcast %parallel_loop3A_307 : i32 to vector<16xi32>
                %parallel_loop3A_309 = arith.shrui %parallel_loop3A_306, %parallel_loop3A_308 : vector<16xi32>
                %parallel_loop3A_310 = arith.constant 127 : i32
                %parallel_loop3A_311 = vector.broadcast %parallel_loop3A_310 : i32 to vector<16xi32>
                %parallel_loop3A_312 = arith.andi %parallel_loop3A_306, %parallel_loop3A_311 : vector<16xi32>
                %parallel_loop3A_313 = tpu.vector_load_idx %arg5[%parallel_loop3A_309, %parallel_loop3A_312] : memref<782x128xf32, #tpu.memory_space<vmem>>[vector<16xi32>, vector<16xi32>], vector<16xf32>,
                %parallel_loop3A_314 = arith.index_cast %parallel_loop3A_271 : i32 to index
                %parallel_loop3A_315 = arith.constant 32 : index
                %parallel_loop3A_316 = tpu.vector_load %arg9[%parallel_loop3A_314, %parallel_loop3A_315] {strides = array<i32>} : memref<32x128xf32, #tpu.memory_space<vmem>>, vector<16xf32>,
                tpu.vector_store %arg9[%parallel_loop3A_314, %parallel_loop3A_315], %parallel_loop3A_313 {strides = array<i32>} : memref<32x128xf32, #tpu.memory_space<vmem>>, vector<16xf32>,
                %parallel_loop3A_317 = arith.constant 1 : i32
                %parallel_loop3A_318 = arith.index_cast %parallel_loop3A_317 : i32 to index
                %parallel_loop3A_319 = arith.index_cast %parallel_loop3A_271 : i32 to index
                %parallel_loop3A_320 = arith.constant 48 : index
                %parallel_loop3A_321 = tpu.vector_load %arg7[%parallel_loop3A_318, %parallel_loop3A_319, %parallel_loop3A_320] {strides = array<i32>} : memref<2x32x128xi32, #tpu.memory_space<vmem>>, vector<16xi32>,
                %parallel_loop3A_322 = arith.constant 7 : i32
                %parallel_loop3A_323 = vector.broadcast %parallel_loop3A_322 : i32 to vector<16xi32>
                %parallel_loop3A_324 = arith.shrui %parallel_loop3A_321, %parallel_loop3A_323 : vector<16xi32>
                %parallel_loop3A_325 = arith.constant 127 : i32
                %parallel_loop3A_326 = vector.broadcast %parallel_loop3A_325 : i32 to vector<16xi32>
                %parallel_loop3A_327 = arith.andi %parallel_loop3A_321, %parallel_loop3A_326 : vector<16xi32>
                %parallel_loop3A_328 = tpu.vector_load_idx %arg5[%parallel_loop3A_324, %parallel_loop3A_327] : memref<782x128xf32, #tpu.memory_space<vmem>>[vector<16xi32>, vector<16xi32>], vector<16xf32>,
                %parallel_loop3A_329 = arith.index_cast %parallel_loop3A_271 : i32 to index
                %parallel_loop3A_330 = arith.constant 48 : index
                %parallel_loop3A_331 = tpu.vector_load %arg9[%parallel_loop3A_329, %parallel_loop3A_330] {strides = array<i32>} : memref<32x128xf32, #tpu.memory_space<vmem>>, vector<16xf32>,
                tpu.vector_store %arg9[%parallel_loop3A_329, %parallel_loop3A_330], %parallel_loop3A_328 {strides = array<i32>} : memref<32x128xf32, #tpu.memory_space<vmem>>, vector<16xf32>,
                %parallel_loop3A_332 = arith.constant 1 : i32
                %parallel_loop3A_333 = arith.index_cast %parallel_loop3A_332 : i32 to index
                %parallel_loop3A_334 = arith.index_cast %parallel_loop3A_271 : i32 to index
                %parallel_loop3A_335 = arith.constant 64 : index
                %parallel_loop3A_336 = tpu.vector_load %arg7[%parallel_loop3A_333, %parallel_loop3A_334, %parallel_loop3A_335] {strides = array<i32>} : memref<2x32x128xi32, #tpu.memory_space<vmem>>, vector<16xi32>,
                %parallel_loop3A_337 = arith.constant 7 : i32
                %parallel_loop3A_338 = vector.broadcast %parallel_loop3A_337 : i32 to vector<16xi32>
                %parallel_loop3A_339 = arith.shrui %parallel_loop3A_336, %parallel_loop3A_338 : vector<16xi32>
                %parallel_loop3A_340 = arith.constant 127 : i32
                %parallel_loop3A_341 = vector.broadcast %parallel_loop3A_340 : i32 to vector<16xi32>
                %parallel_loop3A_342 = arith.andi %parallel_loop3A_336, %parallel_loop3A_341 : vector<16xi32>
                %parallel_loop3A_343 = tpu.vector_load_idx %arg5[%parallel_loop3A_339, %parallel_loop3A_342] : memref<782x128xf32, #tpu.memory_space<vmem>>[vector<16xi32>, vector<16xi32>], vector<16xf32>,
                %parallel_loop3A_344 = arith.index_cast %parallel_loop3A_271 : i32 to index
                %parallel_loop3A_345 = arith.constant 64 : index
                %parallel_loop3A_346 = tpu.vector_load %arg9[%parallel_loop3A_344, %parallel_loop3A_345] {strides = array<i32>} : memref<32x128xf32, #tpu.memory_space<vmem>>, vector<16xf32>,
                tpu.vector_store %arg9[%parallel_loop3A_344, %parallel_loop3A_345], %parallel_loop3A_343 {strides = array<i32>} : memref<32x128xf32, #tpu.memory_space<vmem>>, vector<16xf32>,
                %parallel_loop3A_347 = arith.constant 1 : i32
                %parallel_loop3A_348 = arith.index_cast %parallel_loop3A_347 : i32 to index
                %parallel_loop3A_349 = arith.index_cast %parallel_loop3A_271 : i32 to index
                %parallel_loop3A_350 = arith.constant 80 : index
                %parallel_loop3A_351 = tpu.vector_load %arg7[%parallel_loop3A_348, %parallel_loop3A_349, %parallel_loop3A_350] {strides = array<i32>} : memref<2x32x128xi32, #tpu.memory_space<vmem>>, vector<16xi32>,
                %parallel_loop3A_352 = arith.constant 7 : i32
                %parallel_loop3A_353 = vector.broadcast %parallel_loop3A_352 : i32 to vector<16xi32>
                %parallel_loop3A_354 = arith.shrui %parallel_loop3A_351, %parallel_loop3A_353 : vector<16xi32>
                %parallel_loop3A_355 = arith.constant 127 : i32
                %parallel_loop3A_356 = vector.broadcast %parallel_loop3A_355 : i32 to vector<16xi32>
                %parallel_loop3A_357 = arith.andi %parallel_loop3A_351, %parallel_loop3A_356 : vector<16xi32>
                %parallel_loop3A_358 = tpu.vector_load_idx %arg5[%parallel_loop3A_354, %parallel_loop3A_357] : memref<782x128xf32, #tpu.memory_space<vmem>>[vector<16xi32>, vector<16xi32>], vector<16xf32>,
                %parallel_loop3A_359 = arith.index_cast %parallel_loop3A_271 : i32 to index
                %parallel_loop3A_360 = arith.constant 80 : index
                %parallel_loop3A_361 = tpu.vector_load %arg9[%parallel_loop3A_359, %parallel_loop3A_360] {strides = array<i32>} : memref<32x128xf32, #tpu.memory_space<vmem>>, vector<16xf32>,
                tpu.vector_store %arg9[%parallel_loop3A_359, %parallel_loop3A_360], %parallel_loop3A_358 {strides = array<i32>} : memref<32x128xf32, #tpu.memory_space<vmem>>, vector<16xf32>,
                %parallel_loop3A_362 = arith.constant 1 : i32
                %parallel_loop3A_363 = arith.index_cast %parallel_loop3A_362 : i32 to index
                %parallel_loop3A_364 = arith.index_cast %parallel_loop3A_271 : i32 to index
                %parallel_loop3A_365 = arith.constant 96 : index
                %parallel_loop3A_366 = tpu.vector_load %arg7[%parallel_loop3A_363, %parallel_loop3A_364, %parallel_loop3A_365] {strides = array<i32>} : memref<2x32x128xi32, #tpu.memory_space<vmem>>, vector<16xi32>,
                %parallel_loop3A_367 = arith.constant 7 : i32
                %parallel_loop3A_368 = vector.broadcast %parallel_loop3A_367 : i32 to vector<16xi32>
                %parallel_loop3A_369 = arith.shrui %parallel_loop3A_366, %parallel_loop3A_368 : vector<16xi32>
                %parallel_loop3A_370 = arith.constant 127 : i32
                %parallel_loop3A_371 = vector.broadcast %parallel_loop3A_370 : i32 to vector<16xi32>
                %parallel_loop3A_372 = arith.andi %parallel_loop3A_366, %parallel_loop3A_371 : vector<16xi32>
                %parallel_loop3A_373 = tpu.vector_load_idx %arg5[%parallel_loop3A_369, %parallel_loop3A_372] : memref<782x128xf32, #tpu.memory_space<vmem>>[vector<16xi32>, vector<16xi32>], vector<16xf32>,
                %parallel_loop3A_374 = arith.index_cast %parallel_loop3A_271 : i32 to index
                %parallel_loop3A_375 = arith.constant 96 : index
                %parallel_loop3A_376 = tpu.vector_load %arg9[%parallel_loop3A_374, %parallel_loop3A_375] {strides = array<i32>} : memref<32x128xf32, #tpu.memory_space<vmem>>, vector<16xf32>,
                tpu.vector_store %arg9[%parallel_loop3A_374, %parallel_loop3A_375], %parallel_loop3A_373 {strides = array<i32>} : memref<32x128xf32, #tpu.memory_space<vmem>>, vector<16xf32>,
                %parallel_loop3A_377 = arith.constant 1 : i32
                %parallel_loop3A_378 = arith.index_cast %parallel_loop3A_377 : i32 to index
                %parallel_loop3A_379 = arith.index_cast %parallel_loop3A_271 : i32 to index
                %parallel_loop3A_380 = arith.constant 112 : index
                %parallel_loop3A_381 = tpu.vector_load %arg7[%parallel_loop3A_378, %parallel_loop3A_379, %parallel_loop3A_380] {strides = array<i32>} : memref<2x32x128xi32, #tpu.memory_space<vmem>>, vector<16xi32>,
                %parallel_loop3A_382 = arith.constant 7 : i32
                %parallel_loop3A_383 = vector.broadcast %parallel_loop3A_382 : i32 to vector<16xi32>
                %parallel_loop3A_384 = arith.shrui %parallel_loop3A_381, %parallel_loop3A_383 : vector<16xi32>
                %parallel_loop3A_385 = arith.constant 127 : i32
                %parallel_loop3A_386 = vector.broadcast %parallel_loop3A_385 : i32 to vector<16xi32>
                %parallel_loop3A_387 = arith.andi %parallel_loop3A_381, %parallel_loop3A_386 : vector<16xi32>
                %parallel_loop3A_388 = tpu.vector_load_idx %arg5[%parallel_loop3A_384, %parallel_loop3A_387] : memref<782x128xf32, #tpu.memory_space<vmem>>[vector<16xi32>, vector<16xi32>], vector<16xf32>,
                %parallel_loop3A_389 = arith.index_cast %parallel_loop3A_271 : i32 to index
                %parallel_loop3A_390 = arith.constant 112 : index
                %parallel_loop3A_391 = tpu.vector_load %arg9[%parallel_loop3A_389, %parallel_loop3A_390] {strides = array<i32>} : memref<32x128xf32, #tpu.memory_space<vmem>>, vector<16xf32>,
                tpu.vector_store %arg9[%parallel_loop3A_389, %parallel_loop3A_390], %parallel_loop3A_388 {strides = array<i32>} : memref<32x128xf32, #tpu.memory_space<vmem>>, vector<16xf32>,
              } {sc.loop_unroll_factor = 4 : i64, sc.parallel_access}
              %dma_start3A_256 = arith.constant 0 : i32
              %dma_start3A_257 = arith.constant 0 : i32
              %dma_start3A_258 = tpu.memref_slice %arg4[%add3A_247, %select_n3A, %dma_start3A_256, %select_n3A_39, %dma_start3A_257] : memref<200x8x32x8x128xf32, #tpu.memory_space<hbm>> -> memref<1x1x32x1x128xf32, #tpu.memory_space<hbm>>
              %dma_start3A_259 = tpu.memref_squeeze %dma_start3A_258 : memref<1x1x32x1x128xf32, #tpu.memory_space<hbm>> -> memref<32x128xf32, #tpu.memory_space<hbm>>
              %dma_start3A_260 = arith.constant 0 : i32
              %dma_start3A_261 = arith.constant 0 : i32
              %dma_start3A_262 = tpu.memref_slice %arg4[%add3A_247, %select_n3A, %dma_start3A_260, %select_n3A_39, %dma_start3A_261] : memref<200x8x32x8x128xf32, #tpu.memory_space<hbm>> -> memref<1x1x32x1x128xf32, #tpu.memory_space<hbm>>
              %dma_start3A_263 = tpu.memref_squeeze %dma_start3A_262 : memref<1x1x32x1x128xf32, #tpu.memory_space<hbm>> -> memref<32x128xf32, #tpu.memory_space<hbm>>
              tpu.enqueue_dma source(%arg9 : memref<32x128xf32, #tpu.memory_space<vmem>>) target(%dma_start3A_263 : memref<32x128xf32, #tpu.memory_space<hbm>>) target_semaphore(%arg15 : memref<!tpu.dma_semaphore, #tpu.memory_space<semaphore_mem>>)
              %add3A_264 = arith.constant 2 : i32
              %add3A_265 = arith.addi %scan3A_189, %add3A_264 : i32
              %lt3A_266 = arith.constant 6 : i32
              %lt3A_267 = arith.cmpi slt, %add3A_265, %lt3A_266 : i32
              %convert_element_type3A_268 = arith.extui %lt3A_267 : i1 to i32
              %cond3A_269 = arith.constant 0 : i32
              %cond3A_270 = arith.cmpi ne, %convert_element_type3A_268, %cond3A_269 : i32
              scf.if %cond3A_270 {
                %add3A_271 = arith.constant 2 : i32
                %add3A_272 = arith.addi %scan3A_189, %add3A_271 : i32
                %mul3A_273 = arith.constant 2 : i32
                %mul3A_274 = arith.muli %mul3A_273, %add3A_272 : i32
                %dma_start3A_275 = arith.constant 0 : i32
                %dma_start3A_276 = arith.constant 0 : i32
                %dma_start3A_277 = tpu.memref_slice %arg10[%mul3A_274, %dma_start3A_275, %dma_start3A_276] : memref<12x32x128xi32, #tpu.memory_space<vmem_shared>> -> memref<2x32x128xi32, #tpu.memory_space<vmem_shared>>
                %dma_start3A_278 = arith.constant 0 : i32
                %dma_start3A_279 = arith.constant 0 : i32
                %dma_start3A_280 = tpu.memref_slice %arg10[%mul3A_274, %dma_start3A_278, %dma_start3A_279] : memref<12x32x128xi32, #tpu.memory_space<vmem_shared>> -> memref<2x32x128xi32, #tpu.memory_space<vmem_shared>>
                tpu.enqueue_dma source(%dma_start3A_280 : memref<2x32x128xi32, #tpu.memory_space<vmem_shared>>) target(%arg7 : memref<2x32x128xi32, #tpu.memory_space<vmem>>) target_semaphore(%arg13 : memref<!tpu.dma_semaphore, #tpu.memory_space<semaphore_mem>>)
              } else {
              }
            } else {
            }
          }
          %scan3A_174 = arith.constant 6 : i32
          %add3A_175 = arith.constant 1 : i32
          %add3A_176 = arith.addi %scan3A_93, %add3A_175 : i32
          %lt3A_177 = arith.constant 16 : i32
          %lt3A_178 = arith.cmpi slt, %add3A_176, %lt3A_177 : i32
          %convert_element_type3A_179 = arith.extui %lt3A_178 : i1 to i32
          %cond3A_180 = arith.constant 0 : i32
          %cond3A_181 = arith.cmpi ne, %convert_element_type3A_179, %cond3A_180 : i32
          scf.if %cond3A_181 {
            %add3A_189 = arith.constant 1 : i32
            %add3A_190 = arith.addi %scan3A_93, %add3A_189 : i32
            %eq3A_191 = arith.constant 0 : i32
            %eq3A_192 = arith.cmpi eq, %arg1, %eq3A_191 : i32
            %convert_element_type3A_193 = arith.extui %eq3A_192 : i1 to i32
            %cond3A_194 = arith.constant 0 : i32
            %cond3A_195 = arith.cmpi ne, %convert_element_type3A_193, %cond3A_194 : i32
            scf.if %cond3A_195 {
              %mul3A_196 = arith.constant 12 : i32
              %mul3A_197 = arith.muli %mul3A_196, %add3A_190 : i32
              %dma_wait3A_198 = arith.constant 0 : i32
              %dma_wait3A_199 = arith.constant 0 : i32
              %dma_wait3A_200 = tpu.memref_slice %arg2[%mul3A_197, %dma_wait3A_198, %dma_wait3A_199] : memref<200x32x128xi32, #tpu.memory_space<hbm>> -> memref<12x32x128xi32, #tpu.memory_space<hbm>>
              tpu.wait_dma2 semaphore(%arg16 : memref<!tpu.dma_semaphore, #tpu.memory_space<semaphore_mem>>) src(%dma_wait3A_200 : memref<12x32x128xi32, #tpu.memory_space<hbm>>) dst(%arg11 : memref<12x32x128xi32, #tpu.memory_space<vmem_shared>>)
            } else {
            }
          } else {
          }
          %add3A_182 = arith.constant 1 : i32
          %add3A_183 = arith.addi %scan3A_93, %add3A_182 : i32
          %eq3A_184 = arith.constant 16 : i32
          %eq3A_185 = arith.cmpi eq, %add3A_183, %eq3A_184 : i32
          %convert_element_type3A_186 = arith.extui %eq3A_185 : i1 to i32
          %cond3A_187 = arith.constant 0 : i32
          %cond3A_188 = arith.cmpi ne, %convert_element_type3A_186, %cond3A_187 : i32
          scf.if %cond3A_188 {
            %eq3A_189 = arith.constant 0 : i32
            %eq3A_190 = arith.cmpi eq, %arg1, %eq3A_189 : i32
            %convert_element_type3A_191 = arith.extui %eq3A_190 : i1 to i32
            %cond3A_192 = arith.constant 0 : i32
            %cond3A_193 = arith.cmpi ne, %convert_element_type3A_191, %cond3A_192 : i32
            scf.if %cond3A_193 {
              %dma_wait3A_194 = arith.constant 0 : i32
              %dma_wait3A_195 = arith.constant 0 : i32
              %dma_wait3A_196 = arith.constant 0 : i32
              %dma_wait3A_197 = tpu.memref_slice %arg11[%dma_wait3A_194, %dma_wait3A_195, %dma_wait3A_196] : memref<12x32x128xi32, #tpu.memory_space<vmem_shared>> -> memref<8x32x128xi32, #tpu.memory_space<vmem_shared>>
              %dma_wait3A_198 = arith.constant 192 : i32
              %dma_wait3A_199 = arith.constant 0 : i32
              %dma_wait3A_200 = arith.constant 0 : i32
              %dma_wait3A_201 = tpu.memref_slice %arg2[%dma_wait3A_198, %dma_wait3A_199, %dma_wait3A_200] : memref<200x32x128xi32, #tpu.memory_space<hbm>> -> memref<8x32x128xi32, #tpu.memory_space<hbm>>
              tpu.wait_dma2 semaphore(%arg16 : memref<!tpu.dma_semaphore, #tpu.memory_space<semaphore_mem>>) src(%dma_wait3A_201 : memref<8x32x128xi32, #tpu.memory_space<hbm>>) dst(%dma_wait3A_197 : memref<8x32x128xi32, #tpu.memory_space<vmem_shared>>)
            } else {
            }
          } else {
          }
        } else {
        }
        %jit3A_115 = arith.constant 2 : i32
        %eq3A_116 = arith.constant 0 : i32
        %eq3A_117 = arith.cmpi eq, %jit3A_115, %eq3A_116 : i32
        %jit3A_118 = arith.constant 1 : i32
        %select_n3A_119 = arith.select %eq3A_117, %jit3A_118, %jit3A_115 : i32
        %rem3A_120 = arith.remsi %scan3A_93, %select_n3A_119 : i32
        %ne3A_121 = arith.constant 0 : i32
        %ne3A_122 = arith.cmpi ne, %rem3A_120, %ne3A_121 : i32
        %lt3A_123 = arith.constant 0 : i32
        %lt3A_124 = arith.cmpi slt, %rem3A_120, %lt3A_123 : i32
        %lt3A_125 = arith.constant 0 : i32
        %lt3A_126 = arith.cmpi slt, %select_n3A_119, %lt3A_125 : i32
        %ne3A_127 = arith.xori %lt3A_124, %lt3A_126 : i1
        %and3A_128 = arith.andi %ne3A_127, %ne3A_122 : i1
        %add3A_129 = arith.addi %rem3A_120, %select_n3A_119 : i32
        %select_n3A_130 = arith.select %and3A_128, %add3A_129, %rem3A_120 : i32
        %eq3A_131 = arith.constant 1 : i32
        %eq3A_132 = arith.cmpi eq, %select_n3A_130, %eq3A_131 : i32
        %convert_element_type3A_133 = arith.extui %eq3A_132 : i1 to i32
        %cond3A_134 = arith.constant 0 : i32
        %cond3A_135 = arith.cmpi ne, %convert_element_type3A_133, %cond3A_134 : i32
        scf.if %cond3A_135 {
          %add3A_137 = arith.constant 1 : i32
          %add3A_138 = arith.addi %scan3A_93, %add3A_137 : i32
          %lt3A_139 = arith.constant 16 : i32
          %lt3A_140 = arith.cmpi slt, %add3A_138, %lt3A_139 : i32
          %convert_element_type3A_141 = arith.extui %lt3A_140 : i1 to i32
          %cond3A_142 = arith.constant 0 : i32
          %cond3A_143 = arith.cmpi ne, %convert_element_type3A_141, %cond3A_142 : i32
          scf.if %cond3A_143 {
            %add3A_189 = arith.constant 1 : i32
            %add3A_190 = arith.addi %scan3A_93, %add3A_189 : i32
            %eq3A_191 = arith.constant 0 : i32
            %eq3A_192 = arith.cmpi eq, %arg1, %eq3A_191 : i32
            %convert_element_type3A_193 = arith.extui %eq3A_192 : i1 to i32
            %cond3A_194 = arith.constant 0 : i32
            %cond3A_195 = arith.cmpi ne, %convert_element_type3A_193, %cond3A_194 : i32
            scf.if %cond3A_195 {
              %mul3A_196 = arith.constant 12 : i32
              %mul3A_197 = arith.muli %mul3A_196, %add3A_190 : i32
              %dma_start3A_198 = arith.constant 0 : i32
              %dma_start3A_199 = arith.constant 0 : i32
              %dma_start3A_200 = tpu.memref_slice %arg2[%mul3A_197, %dma_start3A_198, %dma_start3A_199] : memref<200x32x128xi32, #tpu.memory_space<hbm>> -> memref<12x32x128xi32, #tpu.memory_space<hbm>>
              tpu.enqueue_dma source(%dma_start3A_200 : memref<12x32x128xi32, #tpu.memory_space<hbm>>) target(%arg10 : memref<12x32x128xi32, #tpu.memory_space<vmem_shared>>) target_semaphore(%arg16 : memref<!tpu.dma_semaphore, #tpu.memory_space<semaphore_mem>>)
            } else {
            }
          } else {
          }
          %add3A_144 = arith.constant 1 : i32
          %add3A_145 = arith.addi %scan3A_93, %add3A_144 : i32
          %eq3A_146 = arith.constant 16 : i32
          %eq3A_147 = arith.cmpi eq, %add3A_145, %eq3A_146 : i32
          %convert_element_type3A_148 = arith.extui %eq3A_147 : i1 to i32
          %cond3A_149 = arith.constant 0 : i32
          %cond3A_150 = arith.cmpi ne, %convert_element_type3A_148, %cond3A_149 : i32
          scf.if %cond3A_150 {
            %eq3A_189 = arith.constant 0 : i32
            %eq3A_190 = arith.cmpi eq, %arg1, %eq3A_189 : i32
            %convert_element_type3A_191 = arith.extui %eq3A_190 : i1 to i32
            %cond3A_192 = arith.constant 0 : i32
            %cond3A_193 = arith.cmpi ne, %convert_element_type3A_191, %cond3A_192 : i32
            scf.if %cond3A_193 {
              %dma_start3A_194 = arith.constant 0 : i32
              %dma_start3A_195 = arith.constant 0 : i32
              %dma_start3A_196 = arith.constant 0 : i32
              %dma_start3A_197 = tpu.memref_slice %arg10[%dma_start3A_194, %dma_start3A_195, %dma_start3A_196] : memref<12x32x128xi32, #tpu.memory_space<vmem_shared>> -> memref<8x32x128xi32, #tpu.memory_space<vmem_shared>>
              %dma_start3A_198 = arith.constant 192 : i32
              %dma_start3A_199 = arith.constant 0 : i32
              %dma_start3A_200 = arith.constant 0 : i32
              %dma_start3A_201 = tpu.memref_slice %arg2[%dma_start3A_198, %dma_start3A_199, %dma_start3A_200] : memref<200x32x128xi32, #tpu.memory_space<hbm>> -> memref<8x32x128xi32, #tpu.memory_space<hbm>>
              tpu.enqueue_dma source(%dma_start3A_201 : memref<8x32x128xi32, #tpu.memory_space<hbm>>) target(%dma_start3A_197 : memref<8x32x128xi32, #tpu.memory_space<vmem_shared>>) target_semaphore(%arg16 : memref<!tpu.dma_semaphore, #tpu.memory_space<semaphore_mem>>)
            } else {
            }
          } else {
          }
          %mul3A_151 = arith.constant 12 : i32
          %mul3A_152 = arith.muli %mul3A_151, %scan3A_93 : i32
          %dma_start3A_153 = arith.constant 0 : i32
          %dma_start3A_154 = arith.constant 0 : i32
          %dma_start3A_155 = arith.constant 0 : i32
          %dma_start3A_156 = tpu.memref_slice %arg11[%dma_start3A_153, %dma_start3A_154, %dma_start3A_155] : memref<12x32x128xi32, #tpu.memory_space<vmem_shared>> -> memref<2x32x128xi32, #tpu.memory_space<vmem_shared>>
          %dma_start3A_157 = arith.constant 0 : i32
          %dma_start3A_158 = arith.constant 0 : i32
          %dma_start3A_159 = arith.constant 0 : i32
          %dma_start3A_160 = tpu.memref_slice %arg11[%dma_start3A_157, %dma_start3A_158, %dma_start3A_159] : memref<12x32x128xi32, #tpu.memory_space<vmem_shared>> -> memref<2x32x128xi32, #tpu.memory_space<vmem_shared>>
          tpu.enqueue_dma source(%dma_start3A_160 : memref<2x32x128xi32, #tpu.memory_space<vmem_shared>>) target(%arg6 : memref<2x32x128xi32, #tpu.memory_space<vmem>>) target_semaphore(%arg12 : memref<!tpu.dma_semaphore, #tpu.memory_space<semaphore_mem>>)
          %dma_start3A_161 = arith.constant 2 : i32
          %dma_start3A_162 = arith.constant 0 : i32
          %dma_start3A_163 = arith.constant 0 : i32
          %dma_start3A_164 = tpu.memref_slice %arg11[%dma_start3A_161, %dma_start3A_162, %dma_start3A_163] : memref<12x32x128xi32, #tpu.memory_space<vmem_shared>> -> memref<2x32x128xi32, #tpu.memory_space<vmem_shared>>
          %dma_start3A_165 = arith.constant 2 : i32
          %dma_start3A_166 = arith.constant 0 : i32
          %dma_start3A_167 = arith.constant 0 : i32
          %dma_start3A_168 = tpu.memref_slice %arg11[%dma_start3A_165, %dma_start3A_166, %dma_start3A_167] : memref<12x32x128xi32, #tpu.memory_space<vmem_shared>> -> memref<2x32x128xi32, #tpu.memory_space<vmem_shared>>
          tpu.enqueue_dma source(%dma_start3A_168 : memref<2x32x128xi32, #tpu.memory_space<vmem_shared>>) target(%arg7 : memref<2x32x128xi32, #tpu.memory_space<vmem>>) target_semaphore(%arg13 : memref<!tpu.dma_semaphore, #tpu.memory_space<semaphore_mem>>)
          %scan3A_169 = arith.constant 0 : i32
          %scan3A_170 = arith.constant 0 : i32
          %scan3A_171 = arith.constant 6 : i32
          %scan3A_172 = arith.addi %scan3A_170, %scan3A_171 : i32
          %scan3A_173 = arith.constant 1 : i32
          scf.for %scan3A_189 = %scan3A_170 to %scan3A_172 step %scan3A_173  : i32 {
            %jit3A_190 = arith.constant 2 : i32
            %eq3A_191 = arith.constant 0 : i32
            %eq3A_192 = arith.cmpi eq, %jit3A_190, %eq3A_191 : i32
            %jit3A_193 = arith.constant 1 : i32
            %select_n3A_194 = arith.select %eq3A_192, %jit3A_193, %jit3A_190 : i32
            %rem3A_195 = arith.remsi %scan3A_189, %select_n3A_194 : i32
            %ne3A_196 = arith.constant 0 : i32
            %ne3A_197 = arith.cmpi ne, %rem3A_195, %ne3A_196 : i32
            %lt3A_198 = arith.constant 0 : i32
            %lt3A_199 = arith.cmpi slt, %rem3A_195, %lt3A_198 : i32
            %lt3A_200 = arith.constant 0 : i32
            %lt3A_201 = arith.cmpi slt, %select_n3A_194, %lt3A_200 : i32
            %ne3A_202 = arith.xori %lt3A_199, %lt3A_201 : i1
            %and3A_203 = arith.andi %ne3A_202, %ne3A_197 : i1
            %add3A_204 = arith.addi %rem3A_195, %select_n3A_194 : i32
            %select_n3A_205 = arith.select %and3A_203, %add3A_204, %rem3A_195 : i32
            %eq3A_206 = arith.constant 0 : i32
            %eq3A_207 = arith.cmpi eq, %select_n3A_205, %eq3A_206 : i32
            %convert_element_type3A_208 = arith.extui %eq3A_207 : i1 to i32
            %cond3A_209 = arith.constant 0 : i32
            %cond3A_210 = arith.cmpi ne, %convert_element_type3A_208, %cond3A_209 : i32
            scf.if %cond3A_210 {
              %mul3A_216 = arith.constant 2 : i32
              %mul3A_217 = arith.muli %mul3A_216, %scan3A_189 : i32
              %dma_wait3A_218 = arith.constant 0 : i32
              %dma_wait3A_219 = arith.constant 0 : i32
              %dma_wait3A_220 = tpu.memref_slice %arg11[%mul3A_217, %dma_wait3A_218, %dma_wait3A_219] : memref<12x32x128xi32, #tpu.memory_space<vmem_shared>> -> memref<2x32x128xi32, #tpu.memory_space<vmem_shared>>
              %dma_wait3A_221 = arith.constant 0 : i32
              %dma_wait3A_222 = arith.constant 0 : i32
              %dma_wait3A_223 = tpu.memref_slice %arg11[%mul3A_217, %dma_wait3A_221, %dma_wait3A_222] : memref<12x32x128xi32, #tpu.memory_space<vmem_shared>> -> memref<2x32x128xi32, #tpu.memory_space<vmem_shared>>
              tpu.wait_dma2 semaphore(%arg12 : memref<!tpu.dma_semaphore, #tpu.memory_space<semaphore_mem>>) src(%dma_wait3A_223 : memref<2x32x128xi32, #tpu.memory_space<vmem_shared>>) dst(%arg6 : memref<2x32x128xi32, #tpu.memory_space<vmem>>)
              %mul3A_224 = arith.constant 2 : i32
              %mul3A_225 = arith.muli %mul3A_224, %scan3A_189 : i32
              %add3A_226 = arith.constant 0 : i32
              %add3A_227 = arith.addi %mul3A_225, %add3A_226 : i32
              %add3A_228 = arith.addi %mul3A_152, %add3A_227 : i32
              %ge3A = arith.constant 2 : i32
              %ge3A_229 = arith.cmpi sge, %add3A_228, %ge3A : i32
              %convert_element_type3A_230 = arith.extui %ge3A_229 : i1 to i32
              %cond3A_231 = arith.constant 0 : i32
              %cond3A_232 = arith.cmpi ne, %convert_element_type3A_230, %cond3A_231 : i32
              scf.if %cond3A_232 {
                %sub3A_271 = arith.constant 2 : i32
                %sub3A_272 = arith.subi %add3A_228, %sub3A_271 : i32
                %dma_wait3A_273 = arith.constant 0 : i32
                %dma_wait3A_274 = arith.constant 0 : i32
                %dma_wait3A_275 = tpu.memref_slice %arg4[%sub3A_272, %select_n3A, %dma_wait3A_273, %select_n3A_39, %dma_wait3A_274] : memref<200x8x32x8x128xf32, #tpu.memory_space<hbm>> -> memref<1x1x32x1x128xf32, #tpu.memory_space<hbm>>
                %dma_wait3A_276 = tpu.memref_squeeze %dma_wait3A_275 : memref<1x1x32x1x128xf32, #tpu.memory_space<hbm>> -> memref<32x128xf32, #tpu.memory_space<hbm>>
                %dma_wait3A_277 = arith.constant 0 : i32
                %dma_wait3A_278 = arith.constant 0 : i32
                %dma_wait3A_279 = tpu.memref_slice %arg4[%sub3A_272, %select_n3A, %dma_wait3A_277, %select_n3A_39, %dma_wait3A_278] : memref<200x8x32x8x128xf32, #tpu.memory_space<hbm>> -> memref<1x1x32x1x128xf32, #tpu.memory_space<hbm>>
                %dma_wait3A_280 = tpu.memref_squeeze %dma_wait3A_279 : memref<1x1x32x1x128xf32, #tpu.memory_space<hbm>> -> memref<32x128xf32, #tpu.memory_space<hbm>>
                tpu.wait_dma2 semaphore(%arg14 : memref<!tpu.dma_semaphore, #tpu.memory_space<semaphore_mem>>) src(%arg8 : memref<32x128xf32, #tpu.memory_space<vmem>>) dst(%dma_wait3A_280 : memref<32x128xf32, #tpu.memory_space<hbm>>)
              } else {
              }
              %parallel_loop3A = arith.constant 0 : i32
              %parallel_loop3A_233 = arith.constant 32 : i32
              %parallel_loop3A_234 = arith.constant 1 : i32
              scf.for %parallel_loop3A_271 = %parallel_loop3A to %parallel_loop3A_233 step %parallel_loop3A_234  : i32 {
                %parallel_loop3A_272 = arith.constant 0 : i32
                %parallel_loop3A_273 = arith.index_cast %parallel_loop3A_272 : i32 to index
                %parallel_loop3A_274 = arith.index_cast %parallel_loop3A_271 : i32 to index
                %parallel_loop3A_275 = arith.constant 0 : index
                %parallel_loop3A_276 = tpu.vector_load %arg6[%parallel_loop3A_273, %parallel_loop3A_274, %parallel_loop3A_275] {strides = array<i32>} : memref<2x32x128xi32, #tpu.memory_space<vmem>>, vector<16xi32>,
                %parallel_loop3A_277 = arith.constant 7 : i32
                %parallel_loop3A_278 = vector.broadcast %parallel_loop3A_277 : i32 to vector<16xi32>
                %parallel_loop3A_279 = arith.shrui %parallel_loop3A_276, %parallel_loop3A_278 : vector<16xi32>
                %parallel_loop3A_280 = arith.constant 127 : i32
                %parallel_loop3A_281 = vector.broadcast %parallel_loop3A_280 : i32 to vector<16xi32>
                %parallel_loop3A_282 = arith.andi %parallel_loop3A_276, %parallel_loop3A_281 : vector<16xi32>
                %parallel_loop3A_283 = tpu.vector_load_idx %arg5[%parallel_loop3A_279, %parallel_loop3A_282] : memref<782x128xf32, #tpu.memory_space<vmem>>[vector<16xi32>, vector<16xi32>], vector<16xf32>,
                %parallel_loop3A_284 = arith.index_cast %parallel_loop3A_271 : i32 to index
                %parallel_loop3A_285 = arith.constant 0 : index
                %parallel_loop3A_286 = tpu.vector_load %arg8[%parallel_loop3A_284, %parallel_loop3A_285] {strides = array<i32>} : memref<32x128xf32, #tpu.memory_space<vmem>>, vector<16xf32>,
                tpu.vector_store %arg8[%parallel_loop3A_284, %parallel_loop3A_285], %parallel_loop3A_283 {strides = array<i32>} : memref<32x128xf32, #tpu.memory_space<vmem>>, vector<16xf32>,
                %parallel_loop3A_287 = arith.constant 0 : i32
                %parallel_loop3A_288 = arith.index_cast %parallel_loop3A_287 : i32 to index
                %parallel_loop3A_289 = arith.index_cast %parallel_loop3A_271 : i32 to index
                %parallel_loop3A_290 = arith.constant 16 : index
                %parallel_loop3A_291 = tpu.vector_load %arg6[%parallel_loop3A_288, %parallel_loop3A_289, %parallel_loop3A_290] {strides = array<i32>} : memref<2x32x128xi32, #tpu.memory_space<vmem>>, vector<16xi32>,
                %parallel_loop3A_292 = arith.constant 7 : i32
                %parallel_loop3A_293 = vector.broadcast %parallel_loop3A_292 : i32 to vector<16xi32>
                %parallel_loop3A_294 = arith.shrui %parallel_loop3A_291, %parallel_loop3A_293 : vector<16xi32>
                %parallel_loop3A_295 = arith.constant 127 : i32
                %parallel_loop3A_296 = vector.broadcast %parallel_loop3A_295 : i32 to vector<16xi32>
                %parallel_loop3A_297 = arith.andi %parallel_loop3A_291, %parallel_loop3A_296 : vector<16xi32>
                %parallel_loop3A_298 = tpu.vector_load_idx %arg5[%parallel_loop3A_294, %parallel_loop3A_297] : memref<782x128xf32, #tpu.memory_space<vmem>>[vector<16xi32>, vector<16xi32>], vector<16xf32>,
                %parallel_loop3A_299 = arith.index_cast %parallel_loop3A_271 : i32 to index
                %parallel_loop3A_300 = arith.constant 16 : index
                %parallel_loop3A_301 = tpu.vector_load %arg8[%parallel_loop3A_299, %parallel_loop3A_300] {strides = array<i32>} : memref<32x128xf32, #tpu.memory_space<vmem>>, vector<16xf32>,
                tpu.vector_store %arg8[%parallel_loop3A_299, %parallel_loop3A_300], %parallel_loop3A_298 {strides = array<i32>} : memref<32x128xf32, #tpu.memory_space<vmem>>, vector<16xf32>,
                %parallel_loop3A_302 = arith.constant 0 : i32
                %parallel_loop3A_303 = arith.index_cast %parallel_loop3A_302 : i32 to index
                %parallel_loop3A_304 = arith.index_cast %parallel_loop3A_271 : i32 to index
                %parallel_loop3A_305 = arith.constant 32 : index
                %parallel_loop3A_306 = tpu.vector_load %arg6[%parallel_loop3A_303, %parallel_loop3A_304, %parallel_loop3A_305] {strides = array<i32>} : memref<2x32x128xi32, #tpu.memory_space<vmem>>, vector<16xi32>,
                %parallel_loop3A_307 = arith.constant 7 : i32
                %parallel_loop3A_308 = vector.broadcast %parallel_loop3A_307 : i32 to vector<16xi32>
                %parallel_loop3A_309 = arith.shrui %parallel_loop3A_306, %parallel_loop3A_308 : vector<16xi32>
                %parallel_loop3A_310 = arith.constant 127 : i32
                %parallel_loop3A_311 = vector.broadcast %parallel_loop3A_310 : i32 to vector<16xi32>
                %parallel_loop3A_312 = arith.andi %parallel_loop3A_306, %parallel_loop3A_311 : vector<16xi32>
                %parallel_loop3A_313 = tpu.vector_load_idx %arg5[%parallel_loop3A_309, %parallel_loop3A_312] : memref<782x128xf32, #tpu.memory_space<vmem>>[vector<16xi32>, vector<16xi32>], vector<16xf32>,
                %parallel_loop3A_314 = arith.index_cast %parallel_loop3A_271 : i32 to index
                %parallel_loop3A_315 = arith.constant 32 : index
                %parallel_loop3A_316 = tpu.vector_load %arg8[%parallel_loop3A_314, %parallel_loop3A_315] {strides = array<i32>} : memref<32x128xf32, #tpu.memory_space<vmem>>, vector<16xf32>,
                tpu.vector_store %arg8[%parallel_loop3A_314, %parallel_loop3A_315], %parallel_loop3A_313 {strides = array<i32>} : memref<32x128xf32, #tpu.memory_space<vmem>>, vector<16xf32>,
                %parallel_loop3A_317 = arith.constant 0 : i32
                %parallel_loop3A_318 = arith.index_cast %parallel_loop3A_317 : i32 to index
                %parallel_loop3A_319 = arith.index_cast %parallel_loop3A_271 : i32 to index
                %parallel_loop3A_320 = arith.constant 48 : index
                %parallel_loop3A_321 = tpu.vector_load %arg6[%parallel_loop3A_318, %parallel_loop3A_319, %parallel_loop3A_320] {strides = array<i32>} : memref<2x32x128xi32, #tpu.memory_space<vmem>>, vector<16xi32>,
                %parallel_loop3A_322 = arith.constant 7 : i32
                %parallel_loop3A_323 = vector.broadcast %parallel_loop3A_322 : i32 to vector<16xi32>
                %parallel_loop3A_324 = arith.shrui %parallel_loop3A_321, %parallel_loop3A_323 : vector<16xi32>
                %parallel_loop3A_325 = arith.constant 127 : i32
                %parallel_loop3A_326 = vector.broadcast %parallel_loop3A_325 : i32 to vector<16xi32>
                %parallel_loop3A_327 = arith.andi %parallel_loop3A_321, %parallel_loop3A_326 : vector<16xi32>
                %parallel_loop3A_328 = tpu.vector_load_idx %arg5[%parallel_loop3A_324, %parallel_loop3A_327] : memref<782x128xf32, #tpu.memory_space<vmem>>[vector<16xi32>, vector<16xi32>], vector<16xf32>,
                %parallel_loop3A_329 = arith.index_cast %parallel_loop3A_271 : i32 to index
                %parallel_loop3A_330 = arith.constant 48 : index
                %parallel_loop3A_331 = tpu.vector_load %arg8[%parallel_loop3A_329, %parallel_loop3A_330] {strides = array<i32>} : memref<32x128xf32, #tpu.memory_space<vmem>>, vector<16xf32>,
                tpu.vector_store %arg8[%parallel_loop3A_329, %parallel_loop3A_330], %parallel_loop3A_328 {strides = array<i32>} : memref<32x128xf32, #tpu.memory_space<vmem>>, vector<16xf32>,
                %parallel_loop3A_332 = arith.constant 0 : i32
                %parallel_loop3A_333 = arith.index_cast %parallel_loop3A_332 : i32 to index
                %parallel_loop3A_334 = arith.index_cast %parallel_loop3A_271 : i32 to index
                %parallel_loop3A_335 = arith.constant 64 : index
                %parallel_loop3A_336 = tpu.vector_load %arg6[%parallel_loop3A_333, %parallel_loop3A_334, %parallel_loop3A_335] {strides = array<i32>} : memref<2x32x128xi32, #tpu.memory_space<vmem>>, vector<16xi32>,
                %parallel_loop3A_337 = arith.constant 7 : i32
                %parallel_loop3A_338 = vector.broadcast %parallel_loop3A_337 : i32 to vector<16xi32>
                %parallel_loop3A_339 = arith.shrui %parallel_loop3A_336, %parallel_loop3A_338 : vector<16xi32>
                %parallel_loop3A_340 = arith.constant 127 : i32
                %parallel_loop3A_341 = vector.broadcast %parallel_loop3A_340 : i32 to vector<16xi32>
                %parallel_loop3A_342 = arith.andi %parallel_loop3A_336, %parallel_loop3A_341 : vector<16xi32>
                %parallel_loop3A_343 = tpu.vector_load_idx %arg5[%parallel_loop3A_339, %parallel_loop3A_342] : memref<782x128xf32, #tpu.memory_space<vmem>>[vector<16xi32>, vector<16xi32>], vector<16xf32>,
                %parallel_loop3A_344 = arith.index_cast %parallel_loop3A_271 : i32 to index
                %parallel_loop3A_345 = arith.constant 64 : index
                %parallel_loop3A_346 = tpu.vector_load %arg8[%parallel_loop3A_344, %parallel_loop3A_345] {strides = array<i32>} : memref<32x128xf32, #tpu.memory_space<vmem>>, vector<16xf32>,
                tpu.vector_store %arg8[%parallel_loop3A_344, %parallel_loop3A_345], %parallel_loop3A_343 {strides = array<i32>} : memref<32x128xf32, #tpu.memory_space<vmem>>, vector<16xf32>,
                %parallel_loop3A_347 = arith.constant 0 : i32
                %parallel_loop3A_348 = arith.index_cast %parallel_loop3A_347 : i32 to index
                %parallel_loop3A_349 = arith.index_cast %parallel_loop3A_271 : i32 to index
                %parallel_loop3A_350 = arith.constant 80 : index
                %parallel_loop3A_351 = tpu.vector_load %arg6[%parallel_loop3A_348, %parallel_loop3A_349, %parallel_loop3A_350] {strides = array<i32>} : memref<2x32x128xi32, #tpu.memory_space<vmem>>, vector<16xi32>,
                %parallel_loop3A_352 = arith.constant 7 : i32
                %parallel_loop3A_353 = vector.broadcast %parallel_loop3A_352 : i32 to vector<16xi32>
                %parallel_loop3A_354 = arith.shrui %parallel_loop3A_351, %parallel_loop3A_353 : vector<16xi32>
                %parallel_loop3A_355 = arith.constant 127 : i32
                %parallel_loop3A_356 = vector.broadcast %parallel_loop3A_355 : i32 to vector<16xi32>
                %parallel_loop3A_357 = arith.andi %parallel_loop3A_351, %parallel_loop3A_356 : vector<16xi32>
                %parallel_loop3A_358 = tpu.vector_load_idx %arg5[%parallel_loop3A_354, %parallel_loop3A_357] : memref<782x128xf32, #tpu.memory_space<vmem>>[vector<16xi32>, vector<16xi32>], vector<16xf32>,
                %parallel_loop3A_359 = arith.index_cast %parallel_loop3A_271 : i32 to index
                %parallel_loop3A_360 = arith.constant 80 : index
                %parallel_loop3A_361 = tpu.vector_load %arg8[%parallel_loop3A_359, %parallel_loop3A_360] {strides = array<i32>} : memref<32x128xf32, #tpu.memory_space<vmem>>, vector<16xf32>,
                tpu.vector_store %arg8[%parallel_loop3A_359, %parallel_loop3A_360], %parallel_loop3A_358 {strides = array<i32>} : memref<32x128xf32, #tpu.memory_space<vmem>>, vector<16xf32>,
                %parallel_loop3A_362 = arith.constant 0 : i32
                %parallel_loop3A_363 = arith.index_cast %parallel_loop3A_362 : i32 to index
                %parallel_loop3A_364 = arith.index_cast %parallel_loop3A_271 : i32 to index
                %parallel_loop3A_365 = arith.constant 96 : index
                %parallel_loop3A_366 = tpu.vector_load %arg6[%parallel_loop3A_363, %parallel_loop3A_364, %parallel_loop3A_365] {strides = array<i32>} : memref<2x32x128xi32, #tpu.memory_space<vmem>>, vector<16xi32>,
                %parallel_loop3A_367 = arith.constant 7 : i32
                %parallel_loop3A_368 = vector.broadcast %parallel_loop3A_367 : i32 to vector<16xi32>
                %parallel_loop3A_369 = arith.shrui %parallel_loop3A_366, %parallel_loop3A_368 : vector<16xi32>
                %parallel_loop3A_370 = arith.constant 127 : i32
                %parallel_loop3A_371 = vector.broadcast %parallel_loop3A_370 : i32 to vector<16xi32>
                %parallel_loop3A_372 = arith.andi %parallel_loop3A_366, %parallel_loop3A_371 : vector<16xi32>
                %parallel_loop3A_373 = tpu.vector_load_idx %arg5[%parallel_loop3A_369, %parallel_loop3A_372] : memref<782x128xf32, #tpu.memory_space<vmem>>[vector<16xi32>, vector<16xi32>], vector<16xf32>,
                %parallel_loop3A_374 = arith.index_cast %parallel_loop3A_271 : i32 to index
                %parallel_loop3A_375 = arith.constant 96 : index
                %parallel_loop3A_376 = tpu.vector_load %arg8[%parallel_loop3A_374, %parallel_loop3A_375] {strides = array<i32>} : memref<32x128xf32, #tpu.memory_space<vmem>>, vector<16xf32>,
                tpu.vector_store %arg8[%parallel_loop3A_374, %parallel_loop3A_375], %parallel_loop3A_373 {strides = array<i32>} : memref<32x128xf32, #tpu.memory_space<vmem>>, vector<16xf32>,
                %parallel_loop3A_377 = arith.constant 0 : i32
                %parallel_loop3A_378 = arith.index_cast %parallel_loop3A_377 : i32 to index
                %parallel_loop3A_379 = arith.index_cast %parallel_loop3A_271 : i32 to index
                %parallel_loop3A_380 = arith.constant 112 : index
                %parallel_loop3A_381 = tpu.vector_load %arg6[%parallel_loop3A_378, %parallel_loop3A_379, %parallel_loop3A_380] {strides = array<i32>} : memref<2x32x128xi32, #tpu.memory_space<vmem>>, vector<16xi32>,
                %parallel_loop3A_382 = arith.constant 7 : i32
                %parallel_loop3A_383 = vector.broadcast %parallel_loop3A_382 : i32 to vector<16xi32>
                %parallel_loop3A_384 = arith.shrui %parallel_loop3A_381, %parallel_loop3A_383 : vector<16xi32>
                %parallel_loop3A_385 = arith.constant 127 : i32
                %parallel_loop3A_386 = vector.broadcast %parallel_loop3A_385 : i32 to vector<16xi32>
                %parallel_loop3A_387 = arith.andi %parallel_loop3A_381, %parallel_loop3A_386 : vector<16xi32>
                %parallel_loop3A_388 = tpu.vector_load_idx %arg5[%parallel_loop3A_384, %parallel_loop3A_387] : memref<782x128xf32, #tpu.memory_space<vmem>>[vector<16xi32>, vector<16xi32>], vector<16xf32>,
                %parallel_loop3A_389 = arith.index_cast %parallel_loop3A_271 : i32 to index
                %parallel_loop3A_390 = arith.constant 112 : index
                %parallel_loop3A_391 = tpu.vector_load %arg8[%parallel_loop3A_389, %parallel_loop3A_390] {strides = array<i32>} : memref<32x128xf32, #tpu.memory_space<vmem>>, vector<16xf32>,
                tpu.vector_store %arg8[%parallel_loop3A_389, %parallel_loop3A_390], %parallel_loop3A_388 {strides = array<i32>} : memref<32x128xf32, #tpu.memory_space<vmem>>, vector<16xf32>,
              } {sc.loop_unroll_factor = 4 : i64, sc.parallel_access}
              %dma_start3A_235 = arith.constant 0 : i32
              %dma_start3A_236 = arith.constant 0 : i32
              %dma_start3A_237 = tpu.memref_slice %arg4[%add3A_228, %select_n3A, %dma_start3A_235, %select_n3A_39, %dma_start3A_236] : memref<200x8x32x8x128xf32, #tpu.memory_space<hbm>> -> memref<1x1x32x1x128xf32, #tpu.memory_space<hbm>>
              %dma_start3A_238 = tpu.memref_squeeze %dma_start3A_237 : memref<1x1x32x1x128xf32, #tpu.memory_space<hbm>> -> memref<32x128xf32, #tpu.memory_space<hbm>>
              %dma_start3A_239 = arith.constant 0 : i32
              %dma_start3A_240 = arith.constant 0 : i32
              %dma_start3A_241 = tpu.memref_slice %arg4[%add3A_228, %select_n3A, %dma_start3A_239, %select_n3A_39, %dma_start3A_240] : memref<200x8x32x8x128xf32, #tpu.memory_space<hbm>> -> memref<1x1x32x1x128xf32, #tpu.memory_space<hbm>>
              %dma_start3A_242 = tpu.memref_squeeze %dma_start3A_241 : memref<1x1x32x1x128xf32, #tpu.memory_space<hbm>> -> memref<32x128xf32, #tpu.memory_space<hbm>>
              tpu.enqueue_dma source(%arg8 : memref<32x128xf32, #tpu.memory_space<vmem>>) target(%dma_start3A_242 : memref<32x128xf32, #tpu.memory_space<hbm>>) target_semaphore(%arg14 : memref<!tpu.dma_semaphore, #tpu.memory_space<semaphore_mem>>)
              %mul3A_243 = arith.constant 2 : i32
              %mul3A_244 = arith.muli %mul3A_243, %scan3A_189 : i32
              %add3A_245 = arith.constant 1 : i32
              %add3A_246 = arith.addi %mul3A_244, %add3A_245 : i32
              %add3A_247 = arith.addi %mul3A_152, %add3A_246 : i32
              %ge3A_248 = arith.constant 2 : i32
              %ge3A_249 = arith.cmpi sge, %add3A_247, %ge3A_248 : i32
              %convert_element_type3A_250 = arith.extui %ge3A_249 : i1 to i32
              %cond3A_251 = arith.constant 0 : i32
              %cond3A_252 = arith.cmpi ne, %convert_element_type3A_250, %cond3A_251 : i32
              scf.if %cond3A_252 {
                %sub3A_271 = arith.constant 2 : i32
                %sub3A_272 = arith.subi %add3A_247, %sub3A_271 : i32
                %dma_wait3A_273 = arith.constant 0 : i32
                %dma_wait3A_274 = arith.constant 0 : i32
                %dma_wait3A_275 = tpu.memref_slice %arg4[%sub3A_272, %select_n3A, %dma_wait3A_273, %select_n3A_39, %dma_wait3A_274] : memref<200x8x32x8x128xf32, #tpu.memory_space<hbm>> -> memref<1x1x32x1x128xf32, #tpu.memory_space<hbm>>
                %dma_wait3A_276 = tpu.memref_squeeze %dma_wait3A_275 : memref<1x1x32x1x128xf32, #tpu.memory_space<hbm>> -> memref<32x128xf32, #tpu.memory_space<hbm>>
                %dma_wait3A_277 = arith.constant 0 : i32
                %dma_wait3A_278 = arith.constant 0 : i32
                %dma_wait3A_279 = tpu.memref_slice %arg4[%sub3A_272, %select_n3A, %dma_wait3A_277, %select_n3A_39, %dma_wait3A_278] : memref<200x8x32x8x128xf32, #tpu.memory_space<hbm>> -> memref<1x1x32x1x128xf32, #tpu.memory_space<hbm>>
                %dma_wait3A_280 = tpu.memref_squeeze %dma_wait3A_279 : memref<1x1x32x1x128xf32, #tpu.memory_space<hbm>> -> memref<32x128xf32, #tpu.memory_space<hbm>>
                tpu.wait_dma2 semaphore(%arg15 : memref<!tpu.dma_semaphore, #tpu.memory_space<semaphore_mem>>) src(%arg9 : memref<32x128xf32, #tpu.memory_space<vmem>>) dst(%dma_wait3A_280 : memref<32x128xf32, #tpu.memory_space<hbm>>)
              } else {
              }
              %parallel_loop3A_253 = arith.constant 0 : i32
              %parallel_loop3A_254 = arith.constant 32 : i32
              %parallel_loop3A_255 = arith.constant 1 : i32
              scf.for %parallel_loop3A_271 = %parallel_loop3A_253 to %parallel_loop3A_254 step %parallel_loop3A_255  : i32 {
                %parallel_loop3A_272 = arith.constant 1 : i32
                %parallel_loop3A_273 = arith.index_cast %parallel_loop3A_272 : i32 to index
                %parallel_loop3A_274 = arith.index_cast %parallel_loop3A_271 : i32 to index
                %parallel_loop3A_275 = arith.constant 0 : index
                %parallel_loop3A_276 = tpu.vector_load %arg6[%parallel_loop3A_273, %parallel_loop3A_274, %parallel_loop3A_275] {strides = array<i32>} : memref<2x32x128xi32, #tpu.memory_space<vmem>>, vector<16xi32>,
                %parallel_loop3A_277 = arith.constant 7 : i32
                %parallel_loop3A_278 = vector.broadcast %parallel_loop3A_277 : i32 to vector<16xi32>
                %parallel_loop3A_279 = arith.shrui %parallel_loop3A_276, %parallel_loop3A_278 : vector<16xi32>
                %parallel_loop3A_280 = arith.constant 127 : i32
                %parallel_loop3A_281 = vector.broadcast %parallel_loop3A_280 : i32 to vector<16xi32>
                %parallel_loop3A_282 = arith.andi %parallel_loop3A_276, %parallel_loop3A_281 : vector<16xi32>
                %parallel_loop3A_283 = tpu.vector_load_idx %arg5[%parallel_loop3A_279, %parallel_loop3A_282] : memref<782x128xf32, #tpu.memory_space<vmem>>[vector<16xi32>, vector<16xi32>], vector<16xf32>,
                %parallel_loop3A_284 = arith.index_cast %parallel_loop3A_271 : i32 to index
                %parallel_loop3A_285 = arith.constant 0 : index
                %parallel_loop3A_286 = tpu.vector_load %arg9[%parallel_loop3A_284, %parallel_loop3A_285] {strides = array<i32>} : memref<32x128xf32, #tpu.memory_space<vmem>>, vector<16xf32>,
                tpu.vector_store %arg9[%parallel_loop3A_284, %parallel_loop3A_285], %parallel_loop3A_283 {strides = array<i32>} : memref<32x128xf32, #tpu.memory_space<vmem>>, vector<16xf32>,
                %parallel_loop3A_287 = arith.constant 1 : i32
                %parallel_loop3A_288 = arith.index_cast %parallel_loop3A_287 : i32 to index
                %parallel_loop3A_289 = arith.index_cast %parallel_loop3A_271 : i32 to index
                %parallel_loop3A_290 = arith.constant 16 : index
                %parallel_loop3A_291 = tpu.vector_load %arg6[%parallel_loop3A_288, %parallel_loop3A_289, %parallel_loop3A_290] {strides = array<i32>} : memref<2x32x128xi32, #tpu.memory_space<vmem>>, vector<16xi32>,
                %parallel_loop3A_292 = arith.constant 7 : i32
                %parallel_loop3A_293 = vector.broadcast %parallel_loop3A_292 : i32 to vector<16xi32>
                %parallel_loop3A_294 = arith.shrui %parallel_loop3A_291, %parallel_loop3A_293 : vector<16xi32>
                %parallel_loop3A_295 = arith.constant 127 : i32
                %parallel_loop3A_296 = vector.broadcast %parallel_loop3A_295 : i32 to vector<16xi32>
                %parallel_loop3A_297 = arith.andi %parallel_loop3A_291, %parallel_loop3A_296 : vector<16xi32>
                %parallel_loop3A_298 = tpu.vector_load_idx %arg5[%parallel_loop3A_294, %parallel_loop3A_297] : memref<782x128xf32, #tpu.memory_space<vmem>>[vector<16xi32>, vector<16xi32>], vector<16xf32>,
                %parallel_loop3A_299 = arith.index_cast %parallel_loop3A_271 : i32 to index
                %parallel_loop3A_300 = arith.constant 16 : index
                %parallel_loop3A_301 = tpu.vector_load %arg9[%parallel_loop3A_299, %parallel_loop3A_300] {strides = array<i32>} : memref<32x128xf32, #tpu.memory_space<vmem>>, vector<16xf32>,
                tpu.vector_store %arg9[%parallel_loop3A_299, %parallel_loop3A_300], %parallel_loop3A_298 {strides = array<i32>} : memref<32x128xf32, #tpu.memory_space<vmem>>, vector<16xf32>,
                %parallel_loop3A_302 = arith.constant 1 : i32
                %parallel_loop3A_303 = arith.index_cast %parallel_loop3A_302 : i32 to index
                %parallel_loop3A_304 = arith.index_cast %parallel_loop3A_271 : i32 to index
                %parallel_loop3A_305 = arith.constant 32 : index
                %parallel_loop3A_306 = tpu.vector_load %arg6[%parallel_loop3A_303, %parallel_loop3A_304, %parallel_loop3A_305] {strides = array<i32>} : memref<2x32x128xi32, #tpu.memory_space<vmem>>, vector<16xi32>,
                %parallel_loop3A_307 = arith.constant 7 : i32
                %parallel_loop3A_308 = vector.broadcast %parallel_loop3A_307 : i32 to vector<16xi32>
                %parallel_loop3A_309 = arith.shrui %parallel_loop3A_306, %parallel_loop3A_308 : vector<16xi32>
                %parallel_loop3A_310 = arith.constant 127 : i32
                %parallel_loop3A_311 = vector.broadcast %parallel_loop3A_310 : i32 to vector<16xi32>
                %parallel_loop3A_312 = arith.andi %parallel_loop3A_306, %parallel_loop3A_311 : vector<16xi32>
                %parallel_loop3A_313 = tpu.vector_load_idx %arg5[%parallel_loop3A_309, %parallel_loop3A_312] : memref<782x128xf32, #tpu.memory_space<vmem>>[vector<16xi32>, vector<16xi32>], vector<16xf32>,
                %parallel_loop3A_314 = arith.index_cast %parallel_loop3A_271 : i32 to index
                %parallel_loop3A_315 = arith.constant 32 : index
                %parallel_loop3A_316 = tpu.vector_load %arg9[%parallel_loop3A_314, %parallel_loop3A_315] {strides = array<i32>} : memref<32x128xf32, #tpu.memory_space<vmem>>, vector<16xf32>,
                tpu.vector_store %arg9[%parallel_loop3A_314, %parallel_loop3A_315], %parallel_loop3A_313 {strides = array<i32>} : memref<32x128xf32, #tpu.memory_space<vmem>>, vector<16xf32>,
                %parallel_loop3A_317 = arith.constant 1 : i32
                %parallel_loop3A_318 = arith.index_cast %parallel_loop3A_317 : i32 to index
                %parallel_loop3A_319 = arith.index_cast %parallel_loop3A_271 : i32 to index
                %parallel_loop3A_320 = arith.constant 48 : index
                %parallel_loop3A_321 = tpu.vector_load %arg6[%parallel_loop3A_318, %parallel_loop3A_319, %parallel_loop3A_320] {strides = array<i32>} : memref<2x32x128xi32, #tpu.memory_space<vmem>>, vector<16xi32>,
                %parallel_loop3A_322 = arith.constant 7 : i32
                %parallel_loop3A_323 = vector.broadcast %parallel_loop3A_322 : i32 to vector<16xi32>
                %parallel_loop3A_324 = arith.shrui %parallel_loop3A_321, %parallel_loop3A_323 : vector<16xi32>
                %parallel_loop3A_325 = arith.constant 127 : i32
                %parallel_loop3A_326 = vector.broadcast %parallel_loop3A_325 : i32 to vector<16xi32>
                %parallel_loop3A_327 = arith.andi %parallel_loop3A_321, %parallel_loop3A_326 : vector<16xi32>
                %parallel_loop3A_328 = tpu.vector_load_idx %arg5[%parallel_loop3A_324, %parallel_loop3A_327] : memref<782x128xf32, #tpu.memory_space<vmem>>[vector<16xi32>, vector<16xi32>], vector<16xf32>,
                %parallel_loop3A_329 = arith.index_cast %parallel_loop3A_271 : i32 to index
                %parallel_loop3A_330 = arith.constant 48 : index
                %parallel_loop3A_331 = tpu.vector_load %arg9[%parallel_loop3A_329, %parallel_loop3A_330] {strides = array<i32>} : memref<32x128xf32, #tpu.memory_space<vmem>>, vector<16xf32>,
                tpu.vector_store %arg9[%parallel_loop3A_329, %parallel_loop3A_330], %parallel_loop3A_328 {strides = array<i32>} : memref<32x128xf32, #tpu.memory_space<vmem>>, vector<16xf32>,
                %parallel_loop3A_332 = arith.constant 1 : i32
                %parallel_loop3A_333 = arith.index_cast %parallel_loop3A_332 : i32 to index
                %parallel_loop3A_334 = arith.index_cast %parallel_loop3A_271 : i32 to index
                %parallel_loop3A_335 = arith.constant 64 : index
                %parallel_loop3A_336 = tpu.vector_load %arg6[%parallel_loop3A_333, %parallel_loop3A_334, %parallel_loop3A_335] {strides = array<i32>} : memref<2x32x128xi32, #tpu.memory_space<vmem>>, vector<16xi32>,
                %parallel_loop3A_337 = arith.constant 7 : i32
                %parallel_loop3A_338 = vector.broadcast %parallel_loop3A_337 : i32 to vector<16xi32>
                %parallel_loop3A_339 = arith.shrui %parallel_loop3A_336, %parallel_loop3A_338 : vector<16xi32>
                %parallel_loop3A_340 = arith.constant 127 : i32
                %parallel_loop3A_341 = vector.broadcast %parallel_loop3A_340 : i32 to vector<16xi32>
                %parallel_loop3A_342 = arith.andi %parallel_loop3A_336, %parallel_loop3A_341 : vector<16xi32>
                %parallel_loop3A_343 = tpu.vector_load_idx %arg5[%parallel_loop3A_339, %parallel_loop3A_342] : memref<782x128xf32, #tpu.memory_space<vmem>>[vector<16xi32>, vector<16xi32>], vector<16xf32>,
                %parallel_loop3A_344 = arith.index_cast %parallel_loop3A_271 : i32 to index
                %parallel_loop3A_345 = arith.constant 64 : index
                %parallel_loop3A_346 = tpu.vector_load %arg9[%parallel_loop3A_344, %parallel_loop3A_345] {strides = array<i32>} : memref<32x128xf32, #tpu.memory_space<vmem>>, vector<16xf32>,
                tpu.vector_store %arg9[%parallel_loop3A_344, %parallel_loop3A_345], %parallel_loop3A_343 {strides = array<i32>} : memref<32x128xf32, #tpu.memory_space<vmem>>, vector<16xf32>,
                %parallel_loop3A_347 = arith.constant 1 : i32
                %parallel_loop3A_348 = arith.index_cast %parallel_loop3A_347 : i32 to index
                %parallel_loop3A_349 = arith.index_cast %parallel_loop3A_271 : i32 to index
                %parallel_loop3A_350 = arith.constant 80 : index
                %parallel_loop3A_351 = tpu.vector_load %arg6[%parallel_loop3A_348, %parallel_loop3A_349, %parallel_loop3A_350] {strides = array<i32>} : memref<2x32x128xi32, #tpu.memory_space<vmem>>, vector<16xi32>,
                %parallel_loop3A_352 = arith.constant 7 : i32
                %parallel_loop3A_353 = vector.broadcast %parallel_loop3A_352 : i32 to vector<16xi32>
                %parallel_loop3A_354 = arith.shrui %parallel_loop3A_351, %parallel_loop3A_353 : vector<16xi32>
                %parallel_loop3A_355 = arith.constant 127 : i32
                %parallel_loop3A_356 = vector.broadcast %parallel_loop3A_355 : i32 to vector<16xi32>
                %parallel_loop3A_357 = arith.andi %parallel_loop3A_351, %parallel_loop3A_356 : vector<16xi32>
                %parallel_loop3A_358 = tpu.vector_load_idx %arg5[%parallel_loop3A_354, %parallel_loop3A_357] : memref<782x128xf32, #tpu.memory_space<vmem>>[vector<16xi32>, vector<16xi32>], vector<16xf32>,
                %parallel_loop3A_359 = arith.index_cast %parallel_loop3A_271 : i32 to index
                %parallel_loop3A_360 = arith.constant 80 : index
                %parallel_loop3A_361 = tpu.vector_load %arg9[%parallel_loop3A_359, %parallel_loop3A_360] {strides = array<i32>} : memref<32x128xf32, #tpu.memory_space<vmem>>, vector<16xf32>,
                tpu.vector_store %arg9[%parallel_loop3A_359, %parallel_loop3A_360], %parallel_loop3A_358 {strides = array<i32>} : memref<32x128xf32, #tpu.memory_space<vmem>>, vector<16xf32>,
                %parallel_loop3A_362 = arith.constant 1 : i32
                %parallel_loop3A_363 = arith.index_cast %parallel_loop3A_362 : i32 to index
                %parallel_loop3A_364 = arith.index_cast %parallel_loop3A_271 : i32 to index
                %parallel_loop3A_365 = arith.constant 96 : index
                %parallel_loop3A_366 = tpu.vector_load %arg6[%parallel_loop3A_363, %parallel_loop3A_364, %parallel_loop3A_365] {strides = array<i32>} : memref<2x32x128xi32, #tpu.memory_space<vmem>>, vector<16xi32>,
                %parallel_loop3A_367 = arith.constant 7 : i32
                %parallel_loop3A_368 = vector.broadcast %parallel_loop3A_367 : i32 to vector<16xi32>
                %parallel_loop3A_369 = arith.shrui %parallel_loop3A_366, %parallel_loop3A_368 : vector<16xi32>
                %parallel_loop3A_370 = arith.constant 127 : i32
                %parallel_loop3A_371 = vector.broadcast %parallel_loop3A_370 : i32 to vector<16xi32>
                %parallel_loop3A_372 = arith.andi %parallel_loop3A_366, %parallel_loop3A_371 : vector<16xi32>
                %parallel_loop3A_373 = tpu.vector_load_idx %arg5[%parallel_loop3A_369, %parallel_loop3A_372] : memref<782x128xf32, #tpu.memory_space<vmem>>[vector<16xi32>, vector<16xi32>], vector<16xf32>,
                %parallel_loop3A_374 = arith.index_cast %parallel_loop3A_271 : i32 to index
                %parallel_loop3A_375 = arith.constant 96 : index
                %parallel_loop3A_376 = tpu.vector_load %arg9[%parallel_loop3A_374, %parallel_loop3A_375] {strides = array<i32>} : memref<32x128xf32, #tpu.memory_space<vmem>>, vector<16xf32>,
                tpu.vector_store %arg9[%parallel_loop3A_374, %parallel_loop3A_375], %parallel_loop3A_373 {strides = array<i32>} : memref<32x128xf32, #tpu.memory_space<vmem>>, vector<16xf32>,
                %parallel_loop3A_377 = arith.constant 1 : i32
                %parallel_loop3A_378 = arith.index_cast %parallel_loop3A_377 : i32 to index
                %parallel_loop3A_379 = arith.index_cast %parallel_loop3A_271 : i32 to index
                %parallel_loop3A_380 = arith.constant 112 : index
                %parallel_loop3A_381 = tpu.vector_load %arg6[%parallel_loop3A_378, %parallel_loop3A_379, %parallel_loop3A_380] {strides = array<i32>} : memref<2x32x128xi32, #tpu.memory_space<vmem>>, vector<16xi32>,
                %parallel_loop3A_382 = arith.constant 7 : i32
                %parallel_loop3A_383 = vector.broadcast %parallel_loop3A_382 : i32 to vector<16xi32>
                %parallel_loop3A_384 = arith.shrui %parallel_loop3A_381, %parallel_loop3A_383 : vector<16xi32>
                %parallel_loop3A_385 = arith.constant 127 : i32
                %parallel_loop3A_386 = vector.broadcast %parallel_loop3A_385 : i32 to vector<16xi32>
                %parallel_loop3A_387 = arith.andi %parallel_loop3A_381, %parallel_loop3A_386 : vector<16xi32>
                %parallel_loop3A_388 = tpu.vector_load_idx %arg5[%parallel_loop3A_384, %parallel_loop3A_387] : memref<782x128xf32, #tpu.memory_space<vmem>>[vector<16xi32>, vector<16xi32>], vector<16xf32>,
                %parallel_loop3A_389 = arith.index_cast %parallel_loop3A_271 : i32 to index
                %parallel_loop3A_390 = arith.constant 112 : index
                %parallel_loop3A_391 = tpu.vector_load %arg9[%parallel_loop3A_389, %parallel_loop3A_390] {strides = array<i32>} : memref<32x128xf32, #tpu.memory_space<vmem>>, vector<16xf32>,
                tpu.vector_store %arg9[%parallel_loop3A_389, %parallel_loop3A_390], %parallel_loop3A_388 {strides = array<i32>} : memref<32x128xf32, #tpu.memory_space<vmem>>, vector<16xf32>,
              } {sc.loop_unroll_factor = 4 : i64, sc.parallel_access}
              %dma_start3A_256 = arith.constant 0 : i32
              %dma_start3A_257 = arith.constant 0 : i32
              %dma_start3A_258 = tpu.memref_slice %arg4[%add3A_247, %select_n3A, %dma_start3A_256, %select_n3A_39, %dma_start3A_257] : memref<200x8x32x8x128xf32, #tpu.memory_space<hbm>> -> memref<1x1x32x1x128xf32, #tpu.memory_space<hbm>>
              %dma_start3A_259 = tpu.memref_squeeze %dma_start3A_258 : memref<1x1x32x1x128xf32, #tpu.memory_space<hbm>> -> memref<32x128xf32, #tpu.memory_space<hbm>>
              %dma_start3A_260 = arith.constant 0 : i32
              %dma_start3A_261 = arith.constant 0 : i32
              %dma_start3A_262 = tpu.memref_slice %arg4[%add3A_247, %select_n3A, %dma_start3A_260, %select_n3A_39, %dma_start3A_261] : memref<200x8x32x8x128xf32, #tpu.memory_space<hbm>> -> memref<1x1x32x1x128xf32, #tpu.memory_space<hbm>>
              %dma_start3A_263 = tpu.memref_squeeze %dma_start3A_262 : memref<1x1x32x1x128xf32, #tpu.memory_space<hbm>> -> memref<32x128xf32, #tpu.memory_space<hbm>>
              tpu.enqueue_dma source(%arg9 : memref<32x128xf32, #tpu.memory_space<vmem>>) target(%dma_start3A_263 : memref<32x128xf32, #tpu.memory_space<hbm>>) target_semaphore(%arg15 : memref<!tpu.dma_semaphore, #tpu.memory_space<semaphore_mem>>)
              %add3A_264 = arith.constant 2 : i32
              %add3A_265 = arith.addi %scan3A_189, %add3A_264 : i32
              %lt3A_266 = arith.constant 6 : i32
              %lt3A_267 = arith.cmpi slt, %add3A_265, %lt3A_266 : i32
              %convert_element_type3A_268 = arith.extui %lt3A_267 : i1 to i32
              %cond3A_269 = arith.constant 0 : i32
              %cond3A_270 = arith.cmpi ne, %convert_element_type3A_268, %cond3A_269 : i32
              scf.if %cond3A_270 {
                %add3A_271 = arith.constant 2 : i32
                %add3A_272 = arith.addi %scan3A_189, %add3A_271 : i32
                %mul3A_273 = arith.constant 2 : i32
                %mul3A_274 = arith.muli %mul3A_273, %add3A_272 : i32
                %dma_start3A_275 = arith.constant 0 : i32
                %dma_start3A_276 = arith.constant 0 : i32
                %dma_start3A_277 = tpu.memref_slice %arg11[%mul3A_274, %dma_start3A_275, %dma_start3A_276] : memref<12x32x128xi32, #tpu.memory_space<vmem_shared>> -> memref<2x32x128xi32, #tpu.memory_space<vmem_shared>>
                %dma_start3A_278 = arith.constant 0 : i32
                %dma_start3A_279 = arith.constant 0 : i32
                %dma_start3A_280 = tpu.memref_slice %arg11[%mul3A_274, %dma_start3A_278, %dma_start3A_279] : memref<12x32x128xi32, #tpu.memory_space<vmem_shared>> -> memref<2x32x128xi32, #tpu.memory_space<vmem_shared>>
                tpu.enqueue_dma source(%dma_start3A_280 : memref<2x32x128xi32, #tpu.memory_space<vmem_shared>>) target(%arg6 : memref<2x32x128xi32, #tpu.memory_space<vmem>>) target_semaphore(%arg12 : memref<!tpu.dma_semaphore, #tpu.memory_space<semaphore_mem>>)
              } else {
              }
            } else {
            }
            %eq3A_211 = arith.constant 1 : i32
            %eq3A_212 = arith.cmpi eq, %select_n3A_205, %eq3A_211 : i32
            %convert_element_type3A_213 = arith.extui %eq3A_212 : i1 to i32
            %cond3A_214 = arith.constant 0 : i32
            %cond3A_215 = arith.cmpi ne, %convert_element_type3A_213, %cond3A_214 : i32
            scf.if %cond3A_215 {
              %mul3A_216 = arith.constant 2 : i32
              %mul3A_217 = arith.muli %mul3A_216, %scan3A_189 : i32
              %dma_wait3A_218 = arith.constant 0 : i32
              %dma_wait3A_219 = arith.constant 0 : i32
              %dma_wait3A_220 = tpu.memref_slice %arg11[%mul3A_217, %dma_wait3A_218, %dma_wait3A_219] : memref<12x32x128xi32, #tpu.memory_space<vmem_shared>> -> memref<2x32x128xi32, #tpu.memory_space<vmem_shared>>
              %dma_wait3A_221 = arith.constant 0 : i32
              %dma_wait3A_222 = arith.constant 0 : i32
              %dma_wait3A_223 = tpu.memref_slice %arg11[%mul3A_217, %dma_wait3A_221, %dma_wait3A_222] : memref<12x32x128xi32, #tpu.memory_space<vmem_shared>> -> memref<2x32x128xi32, #tpu.memory_space<vmem_shared>>
              tpu.wait_dma2 semaphore(%arg13 : memref<!tpu.dma_semaphore, #tpu.memory_space<semaphore_mem>>) src(%dma_wait3A_223 : memref<2x32x128xi32, #tpu.memory_space<vmem_shared>>) dst(%arg7 : memref<2x32x128xi32, #tpu.memory_space<vmem>>)
              %mul3A_224 = arith.constant 2 : i32
              %mul3A_225 = arith.muli %mul3A_224, %scan3A_189 : i32
              %add3A_226 = arith.constant 0 : i32
              %add3A_227 = arith.addi %mul3A_225, %add3A_226 : i32
              %add3A_228 = arith.addi %mul3A_152, %add3A_227 : i32
              %ge3A = arith.constant 2 : i32
              %ge3A_229 = arith.cmpi sge, %add3A_228, %ge3A : i32
              %convert_element_type3A_230 = arith.extui %ge3A_229 : i1 to i32
              %cond3A_231 = arith.constant 0 : i32
              %cond3A_232 = arith.cmpi ne, %convert_element_type3A_230, %cond3A_231 : i32
              scf.if %cond3A_232 {
                %sub3A_271 = arith.constant 2 : i32
                %sub3A_272 = arith.subi %add3A_228, %sub3A_271 : i32
                %dma_wait3A_273 = arith.constant 0 : i32
                %dma_wait3A_274 = arith.constant 0 : i32
                %dma_wait3A_275 = tpu.memref_slice %arg4[%sub3A_272, %select_n3A, %dma_wait3A_273, %select_n3A_39, %dma_wait3A_274] : memref<200x8x32x8x128xf32, #tpu.memory_space<hbm>> -> memref<1x1x32x1x128xf32, #tpu.memory_space<hbm>>
                %dma_wait3A_276 = tpu.memref_squeeze %dma_wait3A_275 : memref<1x1x32x1x128xf32, #tpu.memory_space<hbm>> -> memref<32x128xf32, #tpu.memory_space<hbm>>
                %dma_wait3A_277 = arith.constant 0 : i32
                %dma_wait3A_278 = arith.constant 0 : i32
                %dma_wait3A_279 = tpu.memref_slice %arg4[%sub3A_272, %select_n3A, %dma_wait3A_277, %select_n3A_39, %dma_wait3A_278] : memref<200x8x32x8x128xf32, #tpu.memory_space<hbm>> -> memref<1x1x32x1x128xf32, #tpu.memory_space<hbm>>
                %dma_wait3A_280 = tpu.memref_squeeze %dma_wait3A_279 : memref<1x1x32x1x128xf32, #tpu.memory_space<hbm>> -> memref<32x128xf32, #tpu.memory_space<hbm>>
                tpu.wait_dma2 semaphore(%arg14 : memref<!tpu.dma_semaphore, #tpu.memory_space<semaphore_mem>>) src(%arg8 : memref<32x128xf32, #tpu.memory_space<vmem>>) dst(%dma_wait3A_280 : memref<32x128xf32, #tpu.memory_space<hbm>>)
              } else {
              }
              %parallel_loop3A = arith.constant 0 : i32
              %parallel_loop3A_233 = arith.constant 32 : i32
              %parallel_loop3A_234 = arith.constant 1 : i32
              scf.for %parallel_loop3A_271 = %parallel_loop3A to %parallel_loop3A_233 step %parallel_loop3A_234  : i32 {
                %parallel_loop3A_272 = arith.constant 0 : i32
                %parallel_loop3A_273 = arith.index_cast %parallel_loop3A_272 : i32 to index
                %parallel_loop3A_274 = arith.index_cast %parallel_loop3A_271 : i32 to index
                %parallel_loop3A_275 = arith.constant 0 : index
                %parallel_loop3A_276 = tpu.vector_load %arg7[%parallel_loop3A_273, %parallel_loop3A_274, %parallel_loop3A_275] {strides = array<i32>} : memref<2x32x128xi32, #tpu.memory_space<vmem>>, vector<16xi32>,
                %parallel_loop3A_277 = arith.constant 7 : i32
                %parallel_loop3A_278 = vector.broadcast %parallel_loop3A_277 : i32 to vector<16xi32>
                %parallel_loop3A_279 = arith.shrui %parallel_loop3A_276, %parallel_loop3A_278 : vector<16xi32>
                %parallel_loop3A_280 = arith.constant 127 : i32
                %parallel_loop3A_281 = vector.broadcast %parallel_loop3A_280 : i32 to vector<16xi32>
                %parallel_loop3A_282 = arith.andi %parallel_loop3A_276, %parallel_loop3A_281 : vector<16xi32>
                %parallel_loop3A_283 = tpu.vector_load_idx %arg5[%parallel_loop3A_279, %parallel_loop3A_282] : memref<782x128xf32, #tpu.memory_space<vmem>>[vector<16xi32>, vector<16xi32>], vector<16xf32>,
                %parallel_loop3A_284 = arith.index_cast %parallel_loop3A_271 : i32 to index
                %parallel_loop3A_285 = arith.constant 0 : index
                %parallel_loop3A_286 = tpu.vector_load %arg8[%parallel_loop3A_284, %parallel_loop3A_285] {strides = array<i32>} : memref<32x128xf32, #tpu.memory_space<vmem>>, vector<16xf32>,
                tpu.vector_store %arg8[%parallel_loop3A_284, %parallel_loop3A_285], %parallel_loop3A_283 {strides = array<i32>} : memref<32x128xf32, #tpu.memory_space<vmem>>, vector<16xf32>,
                %parallel_loop3A_287 = arith.constant 0 : i32
                %parallel_loop3A_288 = arith.index_cast %parallel_loop3A_287 : i32 to index
                %parallel_loop3A_289 = arith.index_cast %parallel_loop3A_271 : i32 to index
                %parallel_loop3A_290 = arith.constant 16 : index
                %parallel_loop3A_291 = tpu.vector_load %arg7[%parallel_loop3A_288, %parallel_loop3A_289, %parallel_loop3A_290] {strides = array<i32>} : memref<2x32x128xi32, #tpu.memory_space<vmem>>, vector<16xi32>,
                %parallel_loop3A_292 = arith.constant 7 : i32
                %parallel_loop3A_293 = vector.broadcast %parallel_loop3A_292 : i32 to vector<16xi32>
                %parallel_loop3A_294 = arith.shrui %parallel_loop3A_291, %parallel_loop3A_293 : vector<16xi32>
                %parallel_loop3A_295 = arith.constant 127 : i32
                %parallel_loop3A_296 = vector.broadcast %parallel_loop3A_295 : i32 to vector<16xi32>
                %parallel_loop3A_297 = arith.andi %parallel_loop3A_291, %parallel_loop3A_296 : vector<16xi32>
                %parallel_loop3A_298 = tpu.vector_load_idx %arg5[%parallel_loop3A_294, %parallel_loop3A_297] : memref<782x128xf32, #tpu.memory_space<vmem>>[vector<16xi32>, vector<16xi32>], vector<16xf32>,
                %parallel_loop3A_299 = arith.index_cast %parallel_loop3A_271 : i32 to index
                %parallel_loop3A_300 = arith.constant 16 : index
                %parallel_loop3A_301 = tpu.vector_load %arg8[%parallel_loop3A_299, %parallel_loop3A_300] {strides = array<i32>} : memref<32x128xf32, #tpu.memory_space<vmem>>, vector<16xf32>,
                tpu.vector_store %arg8[%parallel_loop3A_299, %parallel_loop3A_300], %parallel_loop3A_298 {strides = array<i32>} : memref<32x128xf32, #tpu.memory_space<vmem>>, vector<16xf32>,
                %parallel_loop3A_302 = arith.constant 0 : i32
                %parallel_loop3A_303 = arith.index_cast %parallel_loop3A_302 : i32 to index
                %parallel_loop3A_304 = arith.index_cast %parallel_loop3A_271 : i32 to index
                %parallel_loop3A_305 = arith.constant 32 : index
                %parallel_loop3A_306 = tpu.vector_load %arg7[%parallel_loop3A_303, %parallel_loop3A_304, %parallel_loop3A_305] {strides = array<i32>} : memref<2x32x128xi32, #tpu.memory_space<vmem>>, vector<16xi32>,
                %parallel_loop3A_307 = arith.constant 7 : i32
                %parallel_loop3A_308 = vector.broadcast %parallel_loop3A_307 : i32 to vector<16xi32>
                %parallel_loop3A_309 = arith.shrui %parallel_loop3A_306, %parallel_loop3A_308 : vector<16xi32>
                %parallel_loop3A_310 = arith.constant 127 : i32
                %parallel_loop3A_311 = vector.broadcast %parallel_loop3A_310 : i32 to vector<16xi32>
                %parallel_loop3A_312 = arith.andi %parallel_loop3A_306, %parallel_loop3A_311 : vector<16xi32>
                %parallel_loop3A_313 = tpu.vector_load_idx %arg5[%parallel_loop3A_309, %parallel_loop3A_312] : memref<782x128xf32, #tpu.memory_space<vmem>>[vector<16xi32>, vector<16xi32>], vector<16xf32>,
                %parallel_loop3A_314 = arith.index_cast %parallel_loop3A_271 : i32 to index
                %parallel_loop3A_315 = arith.constant 32 : index
                %parallel_loop3A_316 = tpu.vector_load %arg8[%parallel_loop3A_314, %parallel_loop3A_315] {strides = array<i32>} : memref<32x128xf32, #tpu.memory_space<vmem>>, vector<16xf32>,
                tpu.vector_store %arg8[%parallel_loop3A_314, %parallel_loop3A_315], %parallel_loop3A_313 {strides = array<i32>} : memref<32x128xf32, #tpu.memory_space<vmem>>, vector<16xf32>,
                %parallel_loop3A_317 = arith.constant 0 : i32
                %parallel_loop3A_318 = arith.index_cast %parallel_loop3A_317 : i32 to index
                %parallel_loop3A_319 = arith.index_cast %parallel_loop3A_271 : i32 to index
                %parallel_loop3A_320 = arith.constant 48 : index
                %parallel_loop3A_321 = tpu.vector_load %arg7[%parallel_loop3A_318, %parallel_loop3A_319, %parallel_loop3A_320] {strides = array<i32>} : memref<2x32x128xi32, #tpu.memory_space<vmem>>, vector<16xi32>,
                %parallel_loop3A_322 = arith.constant 7 : i32
                %parallel_loop3A_323 = vector.broadcast %parallel_loop3A_322 : i32 to vector<16xi32>
                %parallel_loop3A_324 = arith.shrui %parallel_loop3A_321, %parallel_loop3A_323 : vector<16xi32>
                %parallel_loop3A_325 = arith.constant 127 : i32
                %parallel_loop3A_326 = vector.broadcast %parallel_loop3A_325 : i32 to vector<16xi32>
                %parallel_loop3A_327 = arith.andi %parallel_loop3A_321, %parallel_loop3A_326 : vector<16xi32>
                %parallel_loop3A_328 = tpu.vector_load_idx %arg5[%parallel_loop3A_324, %parallel_loop3A_327] : memref<782x128xf32, #tpu.memory_space<vmem>>[vector<16xi32>, vector<16xi32>], vector<16xf32>,
                %parallel_loop3A_329 = arith.index_cast %parallel_loop3A_271 : i32 to index
                %parallel_loop3A_330 = arith.constant 48 : index
                %parallel_loop3A_331 = tpu.vector_load %arg8[%parallel_loop3A_329, %parallel_loop3A_330] {strides = array<i32>} : memref<32x128xf32, #tpu.memory_space<vmem>>, vector<16xf32>,
                tpu.vector_store %arg8[%parallel_loop3A_329, %parallel_loop3A_330], %parallel_loop3A_328 {strides = array<i32>} : memref<32x128xf32, #tpu.memory_space<vmem>>, vector<16xf32>,
                %parallel_loop3A_332 = arith.constant 0 : i32
                %parallel_loop3A_333 = arith.index_cast %parallel_loop3A_332 : i32 to index
                %parallel_loop3A_334 = arith.index_cast %parallel_loop3A_271 : i32 to index
                %parallel_loop3A_335 = arith.constant 64 : index
                %parallel_loop3A_336 = tpu.vector_load %arg7[%parallel_loop3A_333, %parallel_loop3A_334, %parallel_loop3A_335] {strides = array<i32>} : memref<2x32x128xi32, #tpu.memory_space<vmem>>, vector<16xi32>,
                %parallel_loop3A_337 = arith.constant 7 : i32
                %parallel_loop3A_338 = vector.broadcast %parallel_loop3A_337 : i32 to vector<16xi32>
                %parallel_loop3A_339 = arith.shrui %parallel_loop3A_336, %parallel_loop3A_338 : vector<16xi32>
                %parallel_loop3A_340 = arith.constant 127 : i32
                %parallel_loop3A_341 = vector.broadcast %parallel_loop3A_340 : i32 to vector<16xi32>
                %parallel_loop3A_342 = arith.andi %parallel_loop3A_336, %parallel_loop3A_341 : vector<16xi32>
                %parallel_loop3A_343 = tpu.vector_load_idx %arg5[%parallel_loop3A_339, %parallel_loop3A_342] : memref<782x128xf32, #tpu.memory_space<vmem>>[vector<16xi32>, vector<16xi32>], vector<16xf32>,
                %parallel_loop3A_344 = arith.index_cast %parallel_loop3A_271 : i32 to index
                %parallel_loop3A_345 = arith.constant 64 : index
                %parallel_loop3A_346 = tpu.vector_load %arg8[%parallel_loop3A_344, %parallel_loop3A_345] {strides = array<i32>} : memref<32x128xf32, #tpu.memory_space<vmem>>, vector<16xf32>,
                tpu.vector_store %arg8[%parallel_loop3A_344, %parallel_loop3A_345], %parallel_loop3A_343 {strides = array<i32>} : memref<32x128xf32, #tpu.memory_space<vmem>>, vector<16xf32>,
                %parallel_loop3A_347 = arith.constant 0 : i32
                %parallel_loop3A_348 = arith.index_cast %parallel_loop3A_347 : i32 to index
                %parallel_loop3A_349 = arith.index_cast %parallel_loop3A_271 : i32 to index
                %parallel_loop3A_350 = arith.constant 80 : index
                %parallel_loop3A_351 = tpu.vector_load %arg7[%parallel_loop3A_348, %parallel_loop3A_349, %parallel_loop3A_350] {strides = array<i32>} : memref<2x32x128xi32, #tpu.memory_space<vmem>>, vector<16xi32>,
                %parallel_loop3A_352 = arith.constant 7 : i32
                %parallel_loop3A_353 = vector.broadcast %parallel_loop3A_352 : i32 to vector<16xi32>
                %parallel_loop3A_354 = arith.shrui %parallel_loop3A_351, %parallel_loop3A_353 : vector<16xi32>
                %parallel_loop3A_355 = arith.constant 127 : i32
                %parallel_loop3A_356 = vector.broadcast %parallel_loop3A_355 : i32 to vector<16xi32>
                %parallel_loop3A_357 = arith.andi %parallel_loop3A_351, %parallel_loop3A_356 : vector<16xi32>
                %parallel_loop3A_358 = tpu.vector_load_idx %arg5[%parallel_loop3A_354, %parallel_loop3A_357] : memref<782x128xf32, #tpu.memory_space<vmem>>[vector<16xi32>, vector<16xi32>], vector<16xf32>,
                %parallel_loop3A_359 = arith.index_cast %parallel_loop3A_271 : i32 to index
                %parallel_loop3A_360 = arith.constant 80 : index
                %parallel_loop3A_361 = tpu.vector_load %arg8[%parallel_loop3A_359, %parallel_loop3A_360] {strides = array<i32>} : memref<32x128xf32, #tpu.memory_space<vmem>>, vector<16xf32>,
                tpu.vector_store %arg8[%parallel_loop3A_359, %parallel_loop3A_360], %parallel_loop3A_358 {strides = array<i32>} : memref<32x128xf32, #tpu.memory_space<vmem>>, vector<16xf32>,
                %parallel_loop3A_362 = arith.constant 0 : i32
                %parallel_loop3A_363 = arith.index_cast %parallel_loop3A_362 : i32 to index
                %parallel_loop3A_364 = arith.index_cast %parallel_loop3A_271 : i32 to index
                %parallel_loop3A_365 = arith.constant 96 : index
                %parallel_loop3A_366 = tpu.vector_load %arg7[%parallel_loop3A_363, %parallel_loop3A_364, %parallel_loop3A_365] {strides = array<i32>} : memref<2x32x128xi32, #tpu.memory_space<vmem>>, vector<16xi32>,
                %parallel_loop3A_367 = arith.constant 7 : i32
                %parallel_loop3A_368 = vector.broadcast %parallel_loop3A_367 : i32 to vector<16xi32>
                %parallel_loop3A_369 = arith.shrui %parallel_loop3A_366, %parallel_loop3A_368 : vector<16xi32>
                %parallel_loop3A_370 = arith.constant 127 : i32
                %parallel_loop3A_371 = vector.broadcast %parallel_loop3A_370 : i32 to vector<16xi32>
                %parallel_loop3A_372 = arith.andi %parallel_loop3A_366, %parallel_loop3A_371 : vector<16xi32>
                %parallel_loop3A_373 = tpu.vector_load_idx %arg5[%parallel_loop3A_369, %parallel_loop3A_372] : memref<782x128xf32, #tpu.memory_space<vmem>>[vector<16xi32>, vector<16xi32>], vector<16xf32>,
                %parallel_loop3A_374 = arith.index_cast %parallel_loop3A_271 : i32 to index
                %parallel_loop3A_375 = arith.constant 96 : index
                %parallel_loop3A_376 = tpu.vector_load %arg8[%parallel_loop3A_374, %parallel_loop3A_375] {strides = array<i32>} : memref<32x128xf32, #tpu.memory_space<vmem>>, vector<16xf32>,
                tpu.vector_store %arg8[%parallel_loop3A_374, %parallel_loop3A_375], %parallel_loop3A_373 {strides = array<i32>} : memref<32x128xf32, #tpu.memory_space<vmem>>, vector<16xf32>,
                %parallel_loop3A_377 = arith.constant 0 : i32
                %parallel_loop3A_378 = arith.index_cast %parallel_loop3A_377 : i32 to index
                %parallel_loop3A_379 = arith.index_cast %parallel_loop3A_271 : i32 to index
                %parallel_loop3A_380 = arith.constant 112 : index
                %parallel_loop3A_381 = tpu.vector_load %arg7[%parallel_loop3A_378, %parallel_loop3A_379, %parallel_loop3A_380] {strides = array<i32>} : memref<2x32x128xi32, #tpu.memory_space<vmem>>, vector<16xi32>,
                %parallel_loop3A_382 = arith.constant 7 : i32
                %parallel_loop3A_383 = vector.broadcast %parallel_loop3A_382 : i32 to vector<16xi32>
                %parallel_loop3A_384 = arith.shrui %parallel_loop3A_381, %parallel_loop3A_383 : vector<16xi32>
                %parallel_loop3A_385 = arith.constant 127 : i32
                %parallel_loop3A_386 = vector.broadcast %parallel_loop3A_385 : i32 to vector<16xi32>
                %parallel_loop3A_387 = arith.andi %parallel_loop3A_381, %parallel_loop3A_386 : vector<16xi32>
                %parallel_loop3A_388 = tpu.vector_load_idx %arg5[%parallel_loop3A_384, %parallel_loop3A_387] : memref<782x128xf32, #tpu.memory_space<vmem>>[vector<16xi32>, vector<16xi32>], vector<16xf32>,
                %parallel_loop3A_389 = arith.index_cast %parallel_loop3A_271 : i32 to index
                %parallel_loop3A_390 = arith.constant 112 : index
                %parallel_loop3A_391 = tpu.vector_load %arg8[%parallel_loop3A_389, %parallel_loop3A_390] {strides = array<i32>} : memref<32x128xf32, #tpu.memory_space<vmem>>, vector<16xf32>,
                tpu.vector_store %arg8[%parallel_loop3A_389, %parallel_loop3A_390], %parallel_loop3A_388 {strides = array<i32>} : memref<32x128xf32, #tpu.memory_space<vmem>>, vector<16xf32>,
              } {sc.loop_unroll_factor = 4 : i64, sc.parallel_access}
              %dma_start3A_235 = arith.constant 0 : i32
              %dma_start3A_236 = arith.constant 0 : i32
              %dma_start3A_237 = tpu.memref_slice %arg4[%add3A_228, %select_n3A, %dma_start3A_235, %select_n3A_39, %dma_start3A_236] : memref<200x8x32x8x128xf32, #tpu.memory_space<hbm>> -> memref<1x1x32x1x128xf32, #tpu.memory_space<hbm>>
              %dma_start3A_238 = tpu.memref_squeeze %dma_start3A_237 : memref<1x1x32x1x128xf32, #tpu.memory_space<hbm>> -> memref<32x128xf32, #tpu.memory_space<hbm>>
              %dma_start3A_239 = arith.constant 0 : i32
              %dma_start3A_240 = arith.constant 0 : i32
              %dma_start3A_241 = tpu.memref_slice %arg4[%add3A_228, %select_n3A, %dma_start3A_239, %select_n3A_39, %dma_start3A_240] : memref<200x8x32x8x128xf32, #tpu.memory_space<hbm>> -> memref<1x1x32x1x128xf32, #tpu.memory_space<hbm>>
              %dma_start3A_242 = tpu.memref_squeeze %dma_start3A_241 : memref<1x1x32x1x128xf32, #tpu.memory_space<hbm>> -> memref<32x128xf32, #tpu.memory_space<hbm>>
              tpu.enqueue_dma source(%arg8 : memref<32x128xf32, #tpu.memory_space<vmem>>) target(%dma_start3A_242 : memref<32x128xf32, #tpu.memory_space<hbm>>) target_semaphore(%arg14 : memref<!tpu.dma_semaphore, #tpu.memory_space<semaphore_mem>>)
              %mul3A_243 = arith.constant 2 : i32
              %mul3A_244 = arith.muli %mul3A_243, %scan3A_189 : i32
              %add3A_245 = arith.constant 1 : i32
              %add3A_246 = arith.addi %mul3A_244, %add3A_245 : i32
              %add3A_247 = arith.addi %mul3A_152, %add3A_246 : i32
              %ge3A_248 = arith.constant 2 : i32
              %ge3A_249 = arith.cmpi sge, %add3A_247, %ge3A_248 : i32
              %convert_element_type3A_250 = arith.extui %ge3A_249 : i1 to i32
              %cond3A_251 = arith.constant 0 : i32
              %cond3A_252 = arith.cmpi ne, %convert_element_type3A_250, %cond3A_251 : i32
              scf.if %cond3A_252 {
                %sub3A_271 = arith.constant 2 : i32
                %sub3A_272 = arith.subi %add3A_247, %sub3A_271 : i32
                %dma_wait3A_273 = arith.constant 0 : i32
                %dma_wait3A_274 = arith.constant 0 : i32
                %dma_wait3A_275 = tpu.memref_slice %arg4[%sub3A_272, %select_n3A, %dma_wait3A_273, %select_n3A_39, %dma_wait3A_274] : memref<200x8x32x8x128xf32, #tpu.memory_space<hbm>> -> memref<1x1x32x1x128xf32, #tpu.memory_space<hbm>>
                %dma_wait3A_276 = tpu.memref_squeeze %dma_wait3A_275 : memref<1x1x32x1x128xf32, #tpu.memory_space<hbm>> -> memref<32x128xf32, #tpu.memory_space<hbm>>
                %dma_wait3A_277 = arith.constant 0 : i32
                %dma_wait3A_278 = arith.constant 0 : i32
                %dma_wait3A_279 = tpu.memref_slice %arg4[%sub3A_272, %select_n3A, %dma_wait3A_277, %select_n3A_39, %dma_wait3A_278] : memref<200x8x32x8x128xf32, #tpu.memory_space<hbm>> -> memref<1x1x32x1x128xf32, #tpu.memory_space<hbm>>
                %dma_wait3A_280 = tpu.memref_squeeze %dma_wait3A_279 : memref<1x1x32x1x128xf32, #tpu.memory_space<hbm>> -> memref<32x128xf32, #tpu.memory_space<hbm>>
                tpu.wait_dma2 semaphore(%arg15 : memref<!tpu.dma_semaphore, #tpu.memory_space<semaphore_mem>>) src(%arg9 : memref<32x128xf32, #tpu.memory_space<vmem>>) dst(%dma_wait3A_280 : memref<32x128xf32, #tpu.memory_space<hbm>>)
              } else {
              }
              %parallel_loop3A_253 = arith.constant 0 : i32
              %parallel_loop3A_254 = arith.constant 32 : i32
              %parallel_loop3A_255 = arith.constant 1 : i32
              scf.for %parallel_loop3A_271 = %parallel_loop3A_253 to %parallel_loop3A_254 step %parallel_loop3A_255  : i32 {
                %parallel_loop3A_272 = arith.constant 1 : i32
                %parallel_loop3A_273 = arith.index_cast %parallel_loop3A_272 : i32 to index
                %parallel_loop3A_274 = arith.index_cast %parallel_loop3A_271 : i32 to index
                %parallel_loop3A_275 = arith.constant 0 : index
                %parallel_loop3A_276 = tpu.vector_load %arg7[%parallel_loop3A_273, %parallel_loop3A_274, %parallel_loop3A_275] {strides = array<i32>} : memref<2x32x128xi32, #tpu.memory_space<vmem>>, vector<16xi32>,
                %parallel_loop3A_277 = arith.constant 7 : i32
                %parallel_loop3A_278 = vector.broadcast %parallel_loop3A_277 : i32 to vector<16xi32>
                %parallel_loop3A_279 = arith.shrui %parallel_loop3A_276, %parallel_loop3A_278 : vector<16xi32>
                %parallel_loop3A_280 = arith.constant 127 : i32
                %parallel_loop3A_281 = vector.broadcast %parallel_loop3A_280 : i32 to vector<16xi32>
                %parallel_loop3A_282 = arith.andi %parallel_loop3A_276, %parallel_loop3A_281 : vector<16xi32>
                %parallel_loop3A_283 = tpu.vector_load_idx %arg5[%parallel_loop3A_279, %parallel_loop3A_282] : memref<782x128xf32, #tpu.memory_space<vmem>>[vector<16xi32>, vector<16xi32>], vector<16xf32>,
                %parallel_loop3A_284 = arith.index_cast %parallel_loop3A_271 : i32 to index
                %parallel_loop3A_285 = arith.constant 0 : index
                %parallel_loop3A_286 = tpu.vector_load %arg9[%parallel_loop3A_284, %parallel_loop3A_285] {strides = array<i32>} : memref<32x128xf32, #tpu.memory_space<vmem>>, vector<16xf32>,
                tpu.vector_store %arg9[%parallel_loop3A_284, %parallel_loop3A_285], %parallel_loop3A_283 {strides = array<i32>} : memref<32x128xf32, #tpu.memory_space<vmem>>, vector<16xf32>,
                %parallel_loop3A_287 = arith.constant 1 : i32
                %parallel_loop3A_288 = arith.index_cast %parallel_loop3A_287 : i32 to index
                %parallel_loop3A_289 = arith.index_cast %parallel_loop3A_271 : i32 to index
                %parallel_loop3A_290 = arith.constant 16 : index
                %parallel_loop3A_291 = tpu.vector_load %arg7[%parallel_loop3A_288, %parallel_loop3A_289, %parallel_loop3A_290] {strides = array<i32>} : memref<2x32x128xi32, #tpu.memory_space<vmem>>, vector<16xi32>,
                %parallel_loop3A_292 = arith.constant 7 : i32
                %parallel_loop3A_293 = vector.broadcast %parallel_loop3A_292 : i32 to vector<16xi32>
                %parallel_loop3A_294 = arith.shrui %parallel_loop3A_291, %parallel_loop3A_293 : vector<16xi32>
                %parallel_loop3A_295 = arith.constant 127 : i32
                %parallel_loop3A_296 = vector.broadcast %parallel_loop3A_295 : i32 to vector<16xi32>
                %parallel_loop3A_297 = arith.andi %parallel_loop3A_291, %parallel_loop3A_296 : vector<16xi32>
                %parallel_loop3A_298 = tpu.vector_load_idx %arg5[%parallel_loop3A_294, %parallel_loop3A_297] : memref<782x128xf32, #tpu.memory_space<vmem>>[vector<16xi32>, vector<16xi32>], vector<16xf32>,
                %parallel_loop3A_299 = arith.index_cast %parallel_loop3A_271 : i32 to index
                %parallel_loop3A_300 = arith.constant 16 : index
                %parallel_loop3A_301 = tpu.vector_load %arg9[%parallel_loop3A_299, %parallel_loop3A_300] {strides = array<i32>} : memref<32x128xf32, #tpu.memory_space<vmem>>, vector<16xf32>,
                tpu.vector_store %arg9[%parallel_loop3A_299, %parallel_loop3A_300], %parallel_loop3A_298 {strides = array<i32>} : memref<32x128xf32, #tpu.memory_space<vmem>>, vector<16xf32>,
                %parallel_loop3A_302 = arith.constant 1 : i32
                %parallel_loop3A_303 = arith.index_cast %parallel_loop3A_302 : i32 to index
                %parallel_loop3A_304 = arith.index_cast %parallel_loop3A_271 : i32 to index
                %parallel_loop3A_305 = arith.constant 32 : index
                %parallel_loop3A_306 = tpu.vector_load %arg7[%parallel_loop3A_303, %parallel_loop3A_304, %parallel_loop3A_305] {strides = array<i32>} : memref<2x32x128xi32, #tpu.memory_space<vmem>>, vector<16xi32>,
                %parallel_loop3A_307 = arith.constant 7 : i32
                %parallel_loop3A_308 = vector.broadcast %parallel_loop3A_307 : i32 to vector<16xi32>
                %parallel_loop3A_309 = arith.shrui %parallel_loop3A_306, %parallel_loop3A_308 : vector<16xi32>
                %parallel_loop3A_310 = arith.constant 127 : i32
                %parallel_loop3A_311 = vector.broadcast %parallel_loop3A_310 : i32 to vector<16xi32>
                %parallel_loop3A_312 = arith.andi %parallel_loop3A_306, %parallel_loop3A_311 : vector<16xi32>
                %parallel_loop3A_313 = tpu.vector_load_idx %arg5[%parallel_loop3A_309, %parallel_loop3A_312] : memref<782x128xf32, #tpu.memory_space<vmem>>[vector<16xi32>, vector<16xi32>], vector<16xf32>,
                %parallel_loop3A_314 = arith.index_cast %parallel_loop3A_271 : i32 to index
                %parallel_loop3A_315 = arith.constant 32 : index
                %parallel_loop3A_316 = tpu.vector_load %arg9[%parallel_loop3A_314, %parallel_loop3A_315] {strides = array<i32>} : memref<32x128xf32, #tpu.memory_space<vmem>>, vector<16xf32>,
                tpu.vector_store %arg9[%parallel_loop3A_314, %parallel_loop3A_315], %parallel_loop3A_313 {strides = array<i32>} : memref<32x128xf32, #tpu.memory_space<vmem>>, vector<16xf32>,
                %parallel_loop3A_317 = arith.constant 1 : i32
                %parallel_loop3A_318 = arith.index_cast %parallel_loop3A_317 : i32 to index
                %parallel_loop3A_319 = arith.index_cast %parallel_loop3A_271 : i32 to index
                %parallel_loop3A_320 = arith.constant 48 : index
                %parallel_loop3A_321 = tpu.vector_load %arg7[%parallel_loop3A_318, %parallel_loop3A_319, %parallel_loop3A_320] {strides = array<i32>} : memref<2x32x128xi32, #tpu.memory_space<vmem>>, vector<16xi32>,
                %parallel_loop3A_322 = arith.constant 7 : i32
                %parallel_loop3A_323 = vector.broadcast %parallel_loop3A_322 : i32 to vector<16xi32>
                %parallel_loop3A_324 = arith.shrui %parallel_loop3A_321, %parallel_loop3A_323 : vector<16xi32>
                %parallel_loop3A_325 = arith.constant 127 : i32
                %parallel_loop3A_326 = vector.broadcast %parallel_loop3A_325 : i32 to vector<16xi32>
                %parallel_loop3A_327 = arith.andi %parallel_loop3A_321, %parallel_loop3A_326 : vector<16xi32>
                %parallel_loop3A_328 = tpu.vector_load_idx %arg5[%parallel_loop3A_324, %parallel_loop3A_327] : memref<782x128xf32, #tpu.memory_space<vmem>>[vector<16xi32>, vector<16xi32>], vector<16xf32>,
                %parallel_loop3A_329 = arith.index_cast %parallel_loop3A_271 : i32 to index
                %parallel_loop3A_330 = arith.constant 48 : index
                %parallel_loop3A_331 = tpu.vector_load %arg9[%parallel_loop3A_329, %parallel_loop3A_330] {strides = array<i32>} : memref<32x128xf32, #tpu.memory_space<vmem>>, vector<16xf32>,
                tpu.vector_store %arg9[%parallel_loop3A_329, %parallel_loop3A_330], %parallel_loop3A_328 {strides = array<i32>} : memref<32x128xf32, #tpu.memory_space<vmem>>, vector<16xf32>,
                %parallel_loop3A_332 = arith.constant 1 : i32
                %parallel_loop3A_333 = arith.index_cast %parallel_loop3A_332 : i32 to index
                %parallel_loop3A_334 = arith.index_cast %parallel_loop3A_271 : i32 to index
                %parallel_loop3A_335 = arith.constant 64 : index
                %parallel_loop3A_336 = tpu.vector_load %arg7[%parallel_loop3A_333, %parallel_loop3A_334, %parallel_loop3A_335] {strides = array<i32>} : memref<2x32x128xi32, #tpu.memory_space<vmem>>, vector<16xi32>,
                %parallel_loop3A_337 = arith.constant 7 : i32
                %parallel_loop3A_338 = vector.broadcast %parallel_loop3A_337 : i32 to vector<16xi32>
                %parallel_loop3A_339 = arith.shrui %parallel_loop3A_336, %parallel_loop3A_338 : vector<16xi32>
                %parallel_loop3A_340 = arith.constant 127 : i32
                %parallel_loop3A_341 = vector.broadcast %parallel_loop3A_340 : i32 to vector<16xi32>
                %parallel_loop3A_342 = arith.andi %parallel_loop3A_336, %parallel_loop3A_341 : vector<16xi32>
                %parallel_loop3A_343 = tpu.vector_load_idx %arg5[%parallel_loop3A_339, %parallel_loop3A_342] : memref<782x128xf32, #tpu.memory_space<vmem>>[vector<16xi32>, vector<16xi32>], vector<16xf32>,
                %parallel_loop3A_344 = arith.index_cast %parallel_loop3A_271 : i32 to index
                %parallel_loop3A_345 = arith.constant 64 : index
                %parallel_loop3A_346 = tpu.vector_load %arg9[%parallel_loop3A_344, %parallel_loop3A_345] {strides = array<i32>} : memref<32x128xf32, #tpu.memory_space<vmem>>, vector<16xf32>,
                tpu.vector_store %arg9[%parallel_loop3A_344, %parallel_loop3A_345], %parallel_loop3A_343 {strides = array<i32>} : memref<32x128xf32, #tpu.memory_space<vmem>>, vector<16xf32>,
                %parallel_loop3A_347 = arith.constant 1 : i32
                %parallel_loop3A_348 = arith.index_cast %parallel_loop3A_347 : i32 to index
                %parallel_loop3A_349 = arith.index_cast %parallel_loop3A_271 : i32 to index
                %parallel_loop3A_350 = arith.constant 80 : index
                %parallel_loop3A_351 = tpu.vector_load %arg7[%parallel_loop3A_348, %parallel_loop3A_349, %parallel_loop3A_350] {strides = array<i32>} : memref<2x32x128xi32, #tpu.memory_space<vmem>>, vector<16xi32>,
                %parallel_loop3A_352 = arith.constant 7 : i32
                %parallel_loop3A_353 = vector.broadcast %parallel_loop3A_352 : i32 to vector<16xi32>
                %parallel_loop3A_354 = arith.shrui %parallel_loop3A_351, %parallel_loop3A_353 : vector<16xi32>
                %parallel_loop3A_355 = arith.constant 127 : i32
                %parallel_loop3A_356 = vector.broadcast %parallel_loop3A_355 : i32 to vector<16xi32>
                %parallel_loop3A_357 = arith.andi %parallel_loop3A_351, %parallel_loop3A_356 : vector<16xi32>
                %parallel_loop3A_358 = tpu.vector_load_idx %arg5[%parallel_loop3A_354, %parallel_loop3A_357] : memref<782x128xf32, #tpu.memory_space<vmem>>[vector<16xi32>, vector<16xi32>], vector<16xf32>,
                %parallel_loop3A_359 = arith.index_cast %parallel_loop3A_271 : i32 to index
                %parallel_loop3A_360 = arith.constant 80 : index
                %parallel_loop3A_361 = tpu.vector_load %arg9[%parallel_loop3A_359, %parallel_loop3A_360] {strides = array<i32>} : memref<32x128xf32, #tpu.memory_space<vmem>>, vector<16xf32>,
                tpu.vector_store %arg9[%parallel_loop3A_359, %parallel_loop3A_360], %parallel_loop3A_358 {strides = array<i32>} : memref<32x128xf32, #tpu.memory_space<vmem>>, vector<16xf32>,
                %parallel_loop3A_362 = arith.constant 1 : i32
                %parallel_loop3A_363 = arith.index_cast %parallel_loop3A_362 : i32 to index
                %parallel_loop3A_364 = arith.index_cast %parallel_loop3A_271 : i32 to index
                %parallel_loop3A_365 = arith.constant 96 : index
                %parallel_loop3A_366 = tpu.vector_load %arg7[%parallel_loop3A_363, %parallel_loop3A_364, %parallel_loop3A_365] {strides = array<i32>} : memref<2x32x128xi32, #tpu.memory_space<vmem>>, vector<16xi32>,
                %parallel_loop3A_367 = arith.constant 7 : i32
                %parallel_loop3A_368 = vector.broadcast %parallel_loop3A_367 : i32 to vector<16xi32>
                %parallel_loop3A_369 = arith.shrui %parallel_loop3A_366, %parallel_loop3A_368 : vector<16xi32>
                %parallel_loop3A_370 = arith.constant 127 : i32
                %parallel_loop3A_371 = vector.broadcast %parallel_loop3A_370 : i32 to vector<16xi32>
                %parallel_loop3A_372 = arith.andi %parallel_loop3A_366, %parallel_loop3A_371 : vector<16xi32>
                %parallel_loop3A_373 = tpu.vector_load_idx %arg5[%parallel_loop3A_369, %parallel_loop3A_372] : memref<782x128xf32, #tpu.memory_space<vmem>>[vector<16xi32>, vector<16xi32>], vector<16xf32>,
                %parallel_loop3A_374 = arith.index_cast %parallel_loop3A_271 : i32 to index
                %parallel_loop3A_375 = arith.constant 96 : index
                %parallel_loop3A_376 = tpu.vector_load %arg9[%parallel_loop3A_374, %parallel_loop3A_375] {strides = array<i32>} : memref<32x128xf32, #tpu.memory_space<vmem>>, vector<16xf32>,
                tpu.vector_store %arg9[%parallel_loop3A_374, %parallel_loop3A_375], %parallel_loop3A_373 {strides = array<i32>} : memref<32x128xf32, #tpu.memory_space<vmem>>, vector<16xf32>,
                %parallel_loop3A_377 = arith.constant 1 : i32
                %parallel_loop3A_378 = arith.index_cast %parallel_loop3A_377 : i32 to index
                %parallel_loop3A_379 = arith.index_cast %parallel_loop3A_271 : i32 to index
                %parallel_loop3A_380 = arith.constant 112 : index
                %parallel_loop3A_381 = tpu.vector_load %arg7[%parallel_loop3A_378, %parallel_loop3A_379, %parallel_loop3A_380] {strides = array<i32>} : memref<2x32x128xi32, #tpu.memory_space<vmem>>, vector<16xi32>,
                %parallel_loop3A_382 = arith.constant 7 : i32
                %parallel_loop3A_383 = vector.broadcast %parallel_loop3A_382 : i32 to vector<16xi32>
                %parallel_loop3A_384 = arith.shrui %parallel_loop3A_381, %parallel_loop3A_383 : vector<16xi32>
                %parallel_loop3A_385 = arith.constant 127 : i32
                %parallel_loop3A_386 = vector.broadcast %parallel_loop3A_385 : i32 to vector<16xi32>
                %parallel_loop3A_387 = arith.andi %parallel_loop3A_381, %parallel_loop3A_386 : vector<16xi32>
                %parallel_loop3A_388 = tpu.vector_load_idx %arg5[%parallel_loop3A_384, %parallel_loop3A_387] : memref<782x128xf32, #tpu.memory_space<vmem>>[vector<16xi32>, vector<16xi32>], vector<16xf32>,
                %parallel_loop3A_389 = arith.index_cast %parallel_loop3A_271 : i32 to index
                %parallel_loop3A_390 = arith.constant 112 : index
                %parallel_loop3A_391 = tpu.vector_load %arg9[%parallel_loop3A_389, %parallel_loop3A_390] {strides = array<i32>} : memref<32x128xf32, #tpu.memory_space<vmem>>, vector<16xf32>,
                tpu.vector_store %arg9[%parallel_loop3A_389, %parallel_loop3A_390], %parallel_loop3A_388 {strides = array<i32>} : memref<32x128xf32, #tpu.memory_space<vmem>>, vector<16xf32>,
              } {sc.loop_unroll_factor = 4 : i64, sc.parallel_access}
              %dma_start3A_256 = arith.constant 0 : i32
              %dma_start3A_257 = arith.constant 0 : i32
              %dma_start3A_258 = tpu.memref_slice %arg4[%add3A_247, %select_n3A, %dma_start3A_256, %select_n3A_39, %dma_start3A_257] : memref<200x8x32x8x128xf32, #tpu.memory_space<hbm>> -> memref<1x1x32x1x128xf32, #tpu.memory_space<hbm>>
              %dma_start3A_259 = tpu.memref_squeeze %dma_start3A_258 : memref<1x1x32x1x128xf32, #tpu.memory_space<hbm>> -> memref<32x128xf32, #tpu.memory_space<hbm>>
              %dma_start3A_260 = arith.constant 0 : i32
              %dma_start3A_261 = arith.constant 0 : i32
              %dma_start3A_262 = tpu.memref_slice %arg4[%add3A_247, %select_n3A, %dma_start3A_260, %select_n3A_39, %dma_start3A_261] : memref<200x8x32x8x128xf32, #tpu.memory_space<hbm>> -> memref<1x1x32x1x128xf32, #tpu.memory_space<hbm>>
              %dma_start3A_263 = tpu.memref_squeeze %dma_start3A_262 : memref<1x1x32x1x128xf32, #tpu.memory_space<hbm>> -> memref<32x128xf32, #tpu.memory_space<hbm>>
              tpu.enqueue_dma source(%arg9 : memref<32x128xf32, #tpu.memory_space<vmem>>) target(%dma_start3A_263 : memref<32x128xf32, #tpu.memory_space<hbm>>) target_semaphore(%arg15 : memref<!tpu.dma_semaphore, #tpu.memory_space<semaphore_mem>>)
              %add3A_264 = arith.constant 2 : i32
              %add3A_265 = arith.addi %scan3A_189, %add3A_264 : i32
              %lt3A_266 = arith.constant 6 : i32
              %lt3A_267 = arith.cmpi slt, %add3A_265, %lt3A_266 : i32
              %convert_element_type3A_268 = arith.extui %lt3A_267 : i1 to i32
              %cond3A_269 = arith.constant 0 : i32
              %cond3A_270 = arith.cmpi ne, %convert_element_type3A_268, %cond3A_269 : i32
              scf.if %cond3A_270 {
                %add3A_271 = arith.constant 2 : i32
                %add3A_272 = arith.addi %scan3A_189, %add3A_271 : i32
                %mul3A_273 = arith.constant 2 : i32
                %mul3A_274 = arith.muli %mul3A_273, %add3A_272 : i32
                %dma_start3A_275 = arith.constant 0 : i32
                %dma_start3A_276 = arith.constant 0 : i32
                %dma_start3A_277 = tpu.memref_slice %arg11[%mul3A_274, %dma_start3A_275, %dma_start3A_276] : memref<12x32x128xi32, #tpu.memory_space<vmem_shared>> -> memref<2x32x128xi32, #tpu.memory_space<vmem_shared>>
                %dma_start3A_278 = arith.constant 0 : i32
                %dma_start3A_279 = arith.constant 0 : i32
                %dma_start3A_280 = tpu.memref_slice %arg11[%mul3A_274, %dma_start3A_278, %dma_start3A_279] : memref<12x32x128xi32, #tpu.memory_space<vmem_shared>> -> memref<2x32x128xi32, #tpu.memory_space<vmem_shared>>
                tpu.enqueue_dma source(%dma_start3A_280 : memref<2x32x128xi32, #tpu.memory_space<vmem_shared>>) target(%arg7 : memref<2x32x128xi32, #tpu.memory_space<vmem>>) target_semaphore(%arg13 : memref<!tpu.dma_semaphore, #tpu.memory_space<semaphore_mem>>)
              } else {
              }
            } else {
            }
          }
          %scan3A_174 = arith.constant 6 : i32
          %add3A_175 = arith.constant 1 : i32
          %add3A_176 = arith.addi %scan3A_93, %add3A_175 : i32
          %lt3A_177 = arith.constant 16 : i32
          %lt3A_178 = arith.cmpi slt, %add3A_176, %lt3A_177 : i32
          %convert_element_type3A_179 = arith.extui %lt3A_178 : i1 to i32
          %cond3A_180 = arith.constant 0 : i32
          %cond3A_181 = arith.cmpi ne, %convert_element_type3A_179, %cond3A_180 : i32
          scf.if %cond3A_181 {
            %add3A_189 = arith.constant 1 : i32
            %add3A_190 = arith.addi %scan3A_93, %add3A_189 : i32
            %eq3A_191 = arith.constant 0 : i32
            %eq3A_192 = arith.cmpi eq, %arg1, %eq3A_191 : i32
            %convert_element_type3A_193 = arith.extui %eq3A_192 : i1 to i32
            %cond3A_194 = arith.constant 0 : i32
            %cond3A_195 = arith.cmpi ne, %convert_element_type3A_193, %cond3A_194 : i32
            scf.if %cond3A_195 {
              %mul3A_196 = arith.constant 12 : i32
              %mul3A_197 = arith.muli %mul3A_196, %add3A_190 : i32
              %dma_wait3A_198 = arith.constant 0 : i32
              %dma_wait3A_199 = arith.constant 0 : i32
              %dma_wait3A_200 = tpu.memref_slice %arg2[%mul3A_197, %dma_wait3A_198, %dma_wait3A_199] : memref<200x32x128xi32, #tpu.memory_space<hbm>> -> memref<12x32x128xi32, #tpu.memory_space<hbm>>
              tpu.wait_dma2 semaphore(%arg16 : memref<!tpu.dma_semaphore, #tpu.memory_space<semaphore_mem>>) src(%dma_wait3A_200 : memref<12x32x128xi32, #tpu.memory_space<hbm>>) dst(%arg10 : memref<12x32x128xi32, #tpu.memory_space<vmem_shared>>)
            } else {
            }
          } else {
          }
          %add3A_182 = arith.constant 1 : i32
          %add3A_183 = arith.addi %scan3A_93, %add3A_182 : i32
          %eq3A_184 = arith.constant 16 : i32
          %eq3A_185 = arith.cmpi eq, %add3A_183, %eq3A_184 : i32
          %convert_element_type3A_186 = arith.extui %eq3A_185 : i1 to i32
          %cond3A_187 = arith.constant 0 : i32
          %cond3A_188 = arith.cmpi ne, %convert_element_type3A_186, %cond3A_187 : i32
          scf.if %cond3A_188 {
            %eq3A_189 = arith.constant 0 : i32
            %eq3A_190 = arith.cmpi eq, %arg1, %eq3A_189 : i32
            %convert_element_type3A_191 = arith.extui %eq3A_190 : i1 to i32
            %cond3A_192 = arith.constant 0 : i32
            %cond3A_193 = arith.cmpi ne, %convert_element_type3A_191, %cond3A_192 : i32
            scf.if %cond3A_193 {
              %dma_wait3A_194 = arith.constant 0 : i32
              %dma_wait3A_195 = arith.constant 0 : i32
              %dma_wait3A_196 = arith.constant 0 : i32
              %dma_wait3A_197 = tpu.memref_slice %arg10[%dma_wait3A_194, %dma_wait3A_195, %dma_wait3A_196] : memref<12x32x128xi32, #tpu.memory_space<vmem_shared>> -> memref<8x32x128xi32, #tpu.memory_space<vmem_shared>>
              %dma_wait3A_198 = arith.constant 192 : i32
              %dma_wait3A_199 = arith.constant 0 : i32
              %dma_wait3A_200 = arith.constant 0 : i32
              %dma_wait3A_201 = tpu.memref_slice %arg2[%dma_wait3A_198, %dma_wait3A_199, %dma_wait3A_200] : memref<200x32x128xi32, #tpu.memory_space<hbm>> -> memref<8x32x128xi32, #tpu.memory_space<hbm>>
              tpu.wait_dma2 semaphore(%arg16 : memref<!tpu.dma_semaphore, #tpu.memory_space<semaphore_mem>>) src(%dma_wait3A_201 : memref<8x32x128xi32, #tpu.memory_space<hbm>>) dst(%dma_wait3A_197 : memref<8x32x128xi32, #tpu.memory_space<vmem_shared>>)
            } else {
            }
          } else {
          }
        } else {
        }
        %barrier3A_136 = arith.constant 0 : index
        tpu.barrier barrier_id(%barrier3A_136)
      }
      %scan3A_53 = arith.constant 16 : i32
      %dma_start3A = arith.constant 0 : i32
      %dma_start3A_54 = arith.constant 0 : i32
      %dma_start3A_55 = arith.constant 0 : i32
      %dma_start3A_56 = tpu.memref_slice %arg10[%dma_start3A, %dma_start3A_54, %dma_start3A_55] : memref<12x32x128xi32, #tpu.memory_space<vmem_shared>> -> memref<2x32x128xi32, #tpu.memory_space<vmem_shared>>
      %dma_start3A_57 = arith.constant 0 : i32
      %dma_start3A_58 = arith.constant 0 : i32
      %dma_start3A_59 = arith.constant 0 : i32
      %dma_start3A_60 = tpu.memref_slice %arg10[%dma_start3A_57, %dma_start3A_58, %dma_start3A_59] : memref<12x32x128xi32, #tpu.memory_space<vmem_shared>> -> memref<2x32x128xi32, #tpu.memory_space<vmem_shared>>
      tpu.enqueue_dma source(%dma_start3A_60 : memref<2x32x128xi32, #tpu.memory_space<vmem_shared>>) target(%arg6 : memref<2x32x128xi32, #tpu.memory_space<vmem>>) target_semaphore(%arg12 : memref<!tpu.dma_semaphore, #tpu.memory_space<semaphore_mem>>)
      %dma_start3A_61 = arith.constant 2 : i32
      %dma_start3A_62 = arith.constant 0 : i32
      %dma_start3A_63 = arith.constant 0 : i32
      %dma_start3A_64 = tpu.memref_slice %arg10[%dma_start3A_61, %dma_start3A_62, %dma_start3A_63] : memref<12x32x128xi32, #tpu.memory_space<vmem_shared>> -> memref<2x32x128xi32, #tpu.memory_space<vmem_shared>>
      %dma_start3A_65 = arith.constant 2 : i32
      %dma_start3A_66 = arith.constant 0 : i32
      %dma_start3A_67 = arith.constant 0 : i32
      %dma_start3A_68 = tpu.memref_slice %arg10[%dma_start3A_65, %dma_start3A_66, %dma_start3A_67] : memref<12x32x128xi32, #tpu.memory_space<vmem_shared>> -> memref<2x32x128xi32, #tpu.memory_space<vmem_shared>>
      tpu.enqueue_dma source(%dma_start3A_68 : memref<2x32x128xi32, #tpu.memory_space<vmem_shared>>) target(%arg7 : memref<2x32x128xi32, #tpu.memory_space<vmem>>) target_semaphore(%arg13 : memref<!tpu.dma_semaphore, #tpu.memory_space<semaphore_mem>>)
      %scan3A_69 = arith.constant 0 : i32
      %scan3A_70 = arith.constant 0 : i32
      %scan3A_71 = arith.constant 4 : i32
      %scan3A_72 = arith.addi %scan3A_70, %scan3A_71 : i32
      %scan3A_73 = arith.constant 1 : i32
      scf.for %scan3A_93 = %scan3A_70 to %scan3A_72 step %scan3A_73  : i32 {
        %jit3A_94 = arith.constant 2 : i32
        %eq3A_95 = arith.constant 0 : i32
        %eq3A_96 = arith.cmpi eq, %jit3A_94, %eq3A_95 : i32
        %jit3A_97 = arith.constant 1 : i32
        %select_n3A_98 = arith.select %eq3A_96, %jit3A_97, %jit3A_94 : i32
        %rem3A_99 = arith.remsi %scan3A_93, %select_n3A_98 : i32
        %ne3A_100 = arith.constant 0 : i32
        %ne3A_101 = arith.cmpi ne, %rem3A_99, %ne3A_100 : i32
        %lt3A_102 = arith.constant 0 : i32
        %lt3A_103 = arith.cmpi slt, %rem3A_99, %lt3A_102 : i32
        %lt3A_104 = arith.constant 0 : i32
        %lt3A_105 = arith.cmpi slt, %select_n3A_98, %lt3A_104 : i32
        %ne3A_106 = arith.xori %lt3A_103, %lt3A_105 : i1
        %and3A_107 = arith.andi %ne3A_106, %ne3A_101 : i1
        %add3A_108 = arith.addi %rem3A_99, %select_n3A_98 : i32
        %select_n3A_109 = arith.select %and3A_107, %add3A_108, %rem3A_99 : i32
        %eq3A_110 = arith.constant 0 : i32
        %eq3A_111 = arith.cmpi eq, %select_n3A_109, %eq3A_110 : i32
        %convert_element_type3A_112 = arith.extui %eq3A_111 : i1 to i32
        %cond3A_113 = arith.constant 0 : i32
        %cond3A_114 = arith.cmpi ne, %convert_element_type3A_112, %cond3A_113 : i32
        scf.if %cond3A_114 {
          %mul3A_120 = arith.constant 2 : i32
          %mul3A_121 = arith.muli %mul3A_120, %scan3A_93 : i32
          %dma_wait3A_122 = arith.constant 0 : i32
          %dma_wait3A_123 = arith.constant 0 : i32
          %dma_wait3A_124 = tpu.memref_slice %arg10[%mul3A_121, %dma_wait3A_122, %dma_wait3A_123] : memref<12x32x128xi32, #tpu.memory_space<vmem_shared>> -> memref<2x32x128xi32, #tpu.memory_space<vmem_shared>>
          %dma_wait3A_125 = arith.constant 0 : i32
          %dma_wait3A_126 = arith.constant 0 : i32
          %dma_wait3A_127 = tpu.memref_slice %arg10[%mul3A_121, %dma_wait3A_125, %dma_wait3A_126] : memref<12x32x128xi32, #tpu.memory_space<vmem_shared>> -> memref<2x32x128xi32, #tpu.memory_space<vmem_shared>>
          tpu.wait_dma2 semaphore(%arg12 : memref<!tpu.dma_semaphore, #tpu.memory_space<semaphore_mem>>) src(%dma_wait3A_127 : memref<2x32x128xi32, #tpu.memory_space<vmem_shared>>) dst(%arg6 : memref<2x32x128xi32, #tpu.memory_space<vmem>>)
          %mul3A_128 = arith.constant 2 : i32
          %mul3A_129 = arith.muli %mul3A_128, %scan3A_93 : i32
          %add3A_130 = arith.constant 0 : i32
          %add3A_131 = arith.addi %mul3A_129, %add3A_130 : i32
          %add3A_132 = arith.constant 192 : i32
          %add3A_133 = arith.addi %add3A_132, %add3A_131 : i32
          %ge3A = arith.constant 2 : i32
          %ge3A_134 = arith.cmpi sge, %add3A_133, %ge3A : i32
          %convert_element_type3A_135 = arith.extui %ge3A_134 : i1 to i32
          %cond3A_136 = arith.constant 0 : i32
          %cond3A_137 = arith.cmpi ne, %convert_element_type3A_135, %cond3A_136 : i32
          scf.if %cond3A_137 {
            %sub3A_177 = arith.constant 2 : i32
            %sub3A_178 = arith.subi %add3A_133, %sub3A_177 : i32
            %dma_wait3A_179 = arith.constant 0 : i32
            %dma_wait3A_180 = arith.constant 0 : i32
            %dma_wait3A_181 = tpu.memref_slice %arg4[%sub3A_178, %select_n3A, %dma_wait3A_179, %select_n3A_39, %dma_wait3A_180] : memref<200x8x32x8x128xf32, #tpu.memory_space<hbm>> -> memref<1x1x32x1x128xf32, #tpu.memory_space<hbm>>
            %dma_wait3A_182 = tpu.memref_squeeze %dma_wait3A_181 : memref<1x1x32x1x128xf32, #tpu.memory_space<hbm>> -> memref<32x128xf32, #tpu.memory_space<hbm>>
            %dma_wait3A_183 = arith.constant 0 : i32
            %dma_wait3A_184 = arith.constant 0 : i32
            %dma_wait3A_185 = tpu.memref_slice %arg4[%sub3A_178, %select_n3A, %dma_wait3A_183, %select_n3A_39, %dma_wait3A_184] : memref<200x8x32x8x128xf32, #tpu.memory_space<hbm>> -> memref<1x1x32x1x128xf32, #tpu.memory_space<hbm>>
            %dma_wait3A_186 = tpu.memref_squeeze %dma_wait3A_185 : memref<1x1x32x1x128xf32, #tpu.memory_space<hbm>> -> memref<32x128xf32, #tpu.memory_space<hbm>>
            tpu.wait_dma2 semaphore(%arg14 : memref<!tpu.dma_semaphore, #tpu.memory_space<semaphore_mem>>) src(%arg8 : memref<32x128xf32, #tpu.memory_space<vmem>>) dst(%dma_wait3A_186 : memref<32x128xf32, #tpu.memory_space<hbm>>)
          } else {
          }
          %parallel_loop3A = arith.constant 0 : i32
          %parallel_loop3A_138 = arith.constant 32 : i32
          %parallel_loop3A_139 = arith.constant 1 : i32
          scf.for %parallel_loop3A_177 = %parallel_loop3A to %parallel_loop3A_138 step %parallel_loop3A_139  : i32 {
            %parallel_loop3A_178 = arith.constant 0 : i32
            %parallel_loop3A_179 = arith.index_cast %parallel_loop3A_178 : i32 to index
            %parallel_loop3A_180 = arith.index_cast %parallel_loop3A_177 : i32 to index
            %parallel_loop3A_181 = arith.constant 0 : index
            %parallel_loop3A_182 = tpu.vector_load %arg6[%parallel_loop3A_179, %parallel_loop3A_180, %parallel_loop3A_181] {strides = array<i32>} : memref<2x32x128xi32, #tpu.memory_space<vmem>>, vector<16xi32>,
            %parallel_loop3A_183 = arith.constant 7 : i32
            %parallel_loop3A_184 = vector.broadcast %parallel_loop3A_183 : i32 to vector<16xi32>
            %parallel_loop3A_185 = arith.shrui %parallel_loop3A_182, %parallel_loop3A_184 : vector<16xi32>
            %parallel_loop3A_186 = arith.constant 127 : i32
            %parallel_loop3A_187 = vector.broadcast %parallel_loop3A_186 : i32 to vector<16xi32>
            %parallel_loop3A_188 = arith.andi %parallel_loop3A_182, %parallel_loop3A_187 : vector<16xi32>
            %parallel_loop3A_189 = tpu.vector_load_idx %arg5[%parallel_loop3A_185, %parallel_loop3A_188] : memref<782x128xf32, #tpu.memory_space<vmem>>[vector<16xi32>, vector<16xi32>], vector<16xf32>,
            %parallel_loop3A_190 = arith.index_cast %parallel_loop3A_177 : i32 to index
            %parallel_loop3A_191 = arith.constant 0 : index
            %parallel_loop3A_192 = tpu.vector_load %arg8[%parallel_loop3A_190, %parallel_loop3A_191] {strides = array<i32>} : memref<32x128xf32, #tpu.memory_space<vmem>>, vector<16xf32>,
            tpu.vector_store %arg8[%parallel_loop3A_190, %parallel_loop3A_191], %parallel_loop3A_189 {strides = array<i32>} : memref<32x128xf32, #tpu.memory_space<vmem>>, vector<16xf32>,
            %parallel_loop3A_193 = arith.constant 0 : i32
            %parallel_loop3A_194 = arith.index_cast %parallel_loop3A_193 : i32 to index
            %parallel_loop3A_195 = arith.index_cast %parallel_loop3A_177 : i32 to index
            %parallel_loop3A_196 = arith.constant 16 : index
            %parallel_loop3A_197 = tpu.vector_load %arg6[%parallel_loop3A_194, %parallel_loop3A_195, %parallel_loop3A_196] {strides = array<i32>} : memref<2x32x128xi32, #tpu.memory_space<vmem>>, vector<16xi32>,
            %parallel_loop3A_198 = arith.constant 7 : i32
            %parallel_loop3A_199 = vector.broadcast %parallel_loop3A_198 : i32 to vector<16xi32>
            %parallel_loop3A_200 = arith.shrui %parallel_loop3A_197, %parallel_loop3A_199 : vector<16xi32>
            %parallel_loop3A_201 = arith.constant 127 : i32
            %parallel_loop3A_202 = vector.broadcast %parallel_loop3A_201 : i32 to vector<16xi32>
            %parallel_loop3A_203 = arith.andi %parallel_loop3A_197, %parallel_loop3A_202 : vector<16xi32>
            %parallel_loop3A_204 = tpu.vector_load_idx %arg5[%parallel_loop3A_200, %parallel_loop3A_203] : memref<782x128xf32, #tpu.memory_space<vmem>>[vector<16xi32>, vector<16xi32>], vector<16xf32>,
            %parallel_loop3A_205 = arith.index_cast %parallel_loop3A_177 : i32 to index
            %parallel_loop3A_206 = arith.constant 16 : index
            %parallel_loop3A_207 = tpu.vector_load %arg8[%parallel_loop3A_205, %parallel_loop3A_206] {strides = array<i32>} : memref<32x128xf32, #tpu.memory_space<vmem>>, vector<16xf32>,
            tpu.vector_store %arg8[%parallel_loop3A_205, %parallel_loop3A_206], %parallel_loop3A_204 {strides = array<i32>} : memref<32x128xf32, #tpu.memory_space<vmem>>, vector<16xf32>,
            %parallel_loop3A_208 = arith.constant 0 : i32
            %parallel_loop3A_209 = arith.index_cast %parallel_loop3A_208 : i32 to index
            %parallel_loop3A_210 = arith.index_cast %parallel_loop3A_177 : i32 to index
            %parallel_loop3A_211 = arith.constant 32 : index
            %parallel_loop3A_212 = tpu.vector_load %arg6[%parallel_loop3A_209, %parallel_loop3A_210, %parallel_loop3A_211] {strides = array<i32>} : memref<2x32x128xi32, #tpu.memory_space<vmem>>, vector<16xi32>,
            %parallel_loop3A_213 = arith.constant 7 : i32
            %parallel_loop3A_214 = vector.broadcast %parallel_loop3A_213 : i32 to vector<16xi32>
            %parallel_loop3A_215 = arith.shrui %parallel_loop3A_212, %parallel_loop3A_214 : vector<16xi32>
            %parallel_loop3A_216 = arith.constant 127 : i32
            %parallel_loop3A_217 = vector.broadcast %parallel_loop3A_216 : i32 to vector<16xi32>
            %parallel_loop3A_218 = arith.andi %parallel_loop3A_212, %parallel_loop3A_217 : vector<16xi32>
            %parallel_loop3A_219 = tpu.vector_load_idx %arg5[%parallel_loop3A_215, %parallel_loop3A_218] : memref<782x128xf32, #tpu.memory_space<vmem>>[vector<16xi32>, vector<16xi32>], vector<16xf32>,
            %parallel_loop3A_220 = arith.index_cast %parallel_loop3A_177 : i32 to index
            %parallel_loop3A_221 = arith.constant 32 : index
            %parallel_loop3A_222 = tpu.vector_load %arg8[%parallel_loop3A_220, %parallel_loop3A_221] {strides = array<i32>} : memref<32x128xf32, #tpu.memory_space<vmem>>, vector<16xf32>,
            tpu.vector_store %arg8[%parallel_loop3A_220, %parallel_loop3A_221], %parallel_loop3A_219 {strides = array<i32>} : memref<32x128xf32, #tpu.memory_space<vmem>>, vector<16xf32>,
            %parallel_loop3A_223 = arith.constant 0 : i32
            %parallel_loop3A_224 = arith.index_cast %parallel_loop3A_223 : i32 to index
            %parallel_loop3A_225 = arith.index_cast %parallel_loop3A_177 : i32 to index
            %parallel_loop3A_226 = arith.constant 48 : index
            %parallel_loop3A_227 = tpu.vector_load %arg6[%parallel_loop3A_224, %parallel_loop3A_225, %parallel_loop3A_226] {strides = array<i32>} : memref<2x32x128xi32, #tpu.memory_space<vmem>>, vector<16xi32>,
            %parallel_loop3A_228 = arith.constant 7 : i32
            %parallel_loop3A_229 = vector.broadcast %parallel_loop3A_228 : i32 to vector<16xi32>
            %parallel_loop3A_230 = arith.shrui %parallel_loop3A_227, %parallel_loop3A_229 : vector<16xi32>
            %parallel_loop3A_231 = arith.constant 127 : i32
            %parallel_loop3A_232 = vector.broadcast %parallel_loop3A_231 : i32 to vector<16xi32>
            %parallel_loop3A_233 = arith.andi %parallel_loop3A_227, %parallel_loop3A_232 : vector<16xi32>
            %parallel_loop3A_234 = tpu.vector_load_idx %arg5[%parallel_loop3A_230, %parallel_loop3A_233] : memref<782x128xf32, #tpu.memory_space<vmem>>[vector<16xi32>, vector<16xi32>], vector<16xf32>,
            %parallel_loop3A_235 = arith.index_cast %parallel_loop3A_177 : i32 to index
            %parallel_loop3A_236 = arith.constant 48 : index
            %parallel_loop3A_237 = tpu.vector_load %arg8[%parallel_loop3A_235, %parallel_loop3A_236] {strides = array<i32>} : memref<32x128xf32, #tpu.memory_space<vmem>>, vector<16xf32>,
            tpu.vector_store %arg8[%parallel_loop3A_235, %parallel_loop3A_236], %parallel_loop3A_234 {strides = array<i32>} : memref<32x128xf32, #tpu.memory_space<vmem>>, vector<16xf32>,
            %parallel_loop3A_238 = arith.constant 0 : i32
            %parallel_loop3A_239 = arith.index_cast %parallel_loop3A_238 : i32 to index
            %parallel_loop3A_240 = arith.index_cast %parallel_loop3A_177 : i32 to index
            %parallel_loop3A_241 = arith.constant 64 : index
            %parallel_loop3A_242 = tpu.vector_load %arg6[%parallel_loop3A_239, %parallel_loop3A_240, %parallel_loop3A_241] {strides = array<i32>} : memref<2x32x128xi32, #tpu.memory_space<vmem>>, vector<16xi32>,
            %parallel_loop3A_243 = arith.constant 7 : i32
            %parallel_loop3A_244 = vector.broadcast %parallel_loop3A_243 : i32 to vector<16xi32>
            %parallel_loop3A_245 = arith.shrui %parallel_loop3A_242, %parallel_loop3A_244 : vector<16xi32>
            %parallel_loop3A_246 = arith.constant 127 : i32
            %parallel_loop3A_247 = vector.broadcast %parallel_loop3A_246 : i32 to vector<16xi32>
            %parallel_loop3A_248 = arith.andi %parallel_loop3A_242, %parallel_loop3A_247 : vector<16xi32>
            %parallel_loop3A_249 = tpu.vector_load_idx %arg5[%parallel_loop3A_245, %parallel_loop3A_248] : memref<782x128xf32, #tpu.memory_space<vmem>>[vector<16xi32>, vector<16xi32>], vector<16xf32>,
            %parallel_loop3A_250 = arith.index_cast %parallel_loop3A_177 : i32 to index
            %parallel_loop3A_251 = arith.constant 64 : index
            %parallel_loop3A_252 = tpu.vector_load %arg8[%parallel_loop3A_250, %parallel_loop3A_251] {strides = array<i32>} : memref<32x128xf32, #tpu.memory_space<vmem>>, vector<16xf32>,
            tpu.vector_store %arg8[%parallel_loop3A_250, %parallel_loop3A_251], %parallel_loop3A_249 {strides = array<i32>} : memref<32x128xf32, #tpu.memory_space<vmem>>, vector<16xf32>,
            %parallel_loop3A_253 = arith.constant 0 : i32
            %parallel_loop3A_254 = arith.index_cast %parallel_loop3A_253 : i32 to index
            %parallel_loop3A_255 = arith.index_cast %parallel_loop3A_177 : i32 to index
            %parallel_loop3A_256 = arith.constant 80 : index
            %parallel_loop3A_257 = tpu.vector_load %arg6[%parallel_loop3A_254, %parallel_loop3A_255, %parallel_loop3A_256] {strides = array<i32>} : memref<2x32x128xi32, #tpu.memory_space<vmem>>, vector<16xi32>,
            %parallel_loop3A_258 = arith.constant 7 : i32
            %parallel_loop3A_259 = vector.broadcast %parallel_loop3A_258 : i32 to vector<16xi32>
            %parallel_loop3A_260 = arith.shrui %parallel_loop3A_257, %parallel_loop3A_259 : vector<16xi32>
            %parallel_loop3A_261 = arith.constant 127 : i32
            %parallel_loop3A_262 = vector.broadcast %parallel_loop3A_261 : i32 to vector<16xi32>
            %parallel_loop3A_263 = arith.andi %parallel_loop3A_257, %parallel_loop3A_262 : vector<16xi32>
            %parallel_loop3A_264 = tpu.vector_load_idx %arg5[%parallel_loop3A_260, %parallel_loop3A_263] : memref<782x128xf32, #tpu.memory_space<vmem>>[vector<16xi32>, vector<16xi32>], vector<16xf32>,
            %parallel_loop3A_265 = arith.index_cast %parallel_loop3A_177 : i32 to index
            %parallel_loop3A_266 = arith.constant 80 : index
            %parallel_loop3A_267 = tpu.vector_load %arg8[%parallel_loop3A_265, %parallel_loop3A_266] {strides = array<i32>} : memref<32x128xf32, #tpu.memory_space<vmem>>, vector<16xf32>,
            tpu.vector_store %arg8[%parallel_loop3A_265, %parallel_loop3A_266], %parallel_loop3A_264 {strides = array<i32>} : memref<32x128xf32, #tpu.memory_space<vmem>>, vector<16xf32>,
            %parallel_loop3A_268 = arith.constant 0 : i32
            %parallel_loop3A_269 = arith.index_cast %parallel_loop3A_268 : i32 to index
            %parallel_loop3A_270 = arith.index_cast %parallel_loop3A_177 : i32 to index
            %parallel_loop3A_271 = arith.constant 96 : index
            %parallel_loop3A_272 = tpu.vector_load %arg6[%parallel_loop3A_269, %parallel_loop3A_270, %parallel_loop3A_271] {strides = array<i32>} : memref<2x32x128xi32, #tpu.memory_space<vmem>>, vector<16xi32>,
            %parallel_loop3A_273 = arith.constant 7 : i32
            %parallel_loop3A_274 = vector.broadcast %parallel_loop3A_273 : i32 to vector<16xi32>
            %parallel_loop3A_275 = arith.shrui %parallel_loop3A_272, %parallel_loop3A_274 : vector<16xi32>
            %parallel_loop3A_276 = arith.constant 127 : i32
            %parallel_loop3A_277 = vector.broadcast %parallel_loop3A_276 : i32 to vector<16xi32>
            %parallel_loop3A_278 = arith.andi %parallel_loop3A_272, %parallel_loop3A_277 : vector<16xi32>
            %parallel_loop3A_279 = tpu.vector_load_idx %arg5[%parallel_loop3A_275, %parallel_loop3A_278] : memref<782x128xf32, #tpu.memory_space<vmem>>[vector<16xi32>, vector<16xi32>], vector<16xf32>,
            %parallel_loop3A_280 = arith.index_cast %parallel_loop3A_177 : i32 to index
            %parallel_loop3A_281 = arith.constant 96 : index
            %parallel_loop3A_282 = tpu.vector_load %arg8[%parallel_loop3A_280, %parallel_loop3A_281] {strides = array<i32>} : memref<32x128xf32, #tpu.memory_space<vmem>>, vector<16xf32>,
            tpu.vector_store %arg8[%parallel_loop3A_280, %parallel_loop3A_281], %parallel_loop3A_279 {strides = array<i32>} : memref<32x128xf32, #tpu.memory_space<vmem>>, vector<16xf32>,
            %parallel_loop3A_283 = arith.constant 0 : i32
            %parallel_loop3A_284 = arith.index_cast %parallel_loop3A_283 : i32 to index
            %parallel_loop3A_285 = arith.index_cast %parallel_loop3A_177 : i32 to index
            %parallel_loop3A_286 = arith.constant 112 : index
            %parallel_loop3A_287 = tpu.vector_load %arg6[%parallel_loop3A_284, %parallel_loop3A_285, %parallel_loop3A_286] {strides = array<i32>} : memref<2x32x128xi32, #tpu.memory_space<vmem>>, vector<16xi32>,
            %parallel_loop3A_288 = arith.constant 7 : i32
            %parallel_loop3A_289 = vector.broadcast %parallel_loop3A_288 : i32 to vector<16xi32>
            %parallel_loop3A_290 = arith.shrui %parallel_loop3A_287, %parallel_loop3A_289 : vector<16xi32>
            %parallel_loop3A_291 = arith.constant 127 : i32
            %parallel_loop3A_292 = vector.broadcast %parallel_loop3A_291 : i32 to vector<16xi32>
            %parallel_loop3A_293 = arith.andi %parallel_loop3A_287, %parallel_loop3A_292 : vector<16xi32>
            %parallel_loop3A_294 = tpu.vector_load_idx %arg5[%parallel_loop3A_290, %parallel_loop3A_293] : memref<782x128xf32, #tpu.memory_space<vmem>>[vector<16xi32>, vector<16xi32>], vector<16xf32>,
            %parallel_loop3A_295 = arith.index_cast %parallel_loop3A_177 : i32 to index
            %parallel_loop3A_296 = arith.constant 112 : index
            %parallel_loop3A_297 = tpu.vector_load %arg8[%parallel_loop3A_295, %parallel_loop3A_296] {strides = array<i32>} : memref<32x128xf32, #tpu.memory_space<vmem>>, vector<16xf32>,
            tpu.vector_store %arg8[%parallel_loop3A_295, %parallel_loop3A_296], %parallel_loop3A_294 {strides = array<i32>} : memref<32x128xf32, #tpu.memory_space<vmem>>, vector<16xf32>,
          } {sc.loop_unroll_factor = 4 : i64, sc.parallel_access}
          %dma_start3A_140 = arith.constant 0 : i32
          %dma_start3A_141 = arith.constant 0 : i32
          %dma_start3A_142 = tpu.memref_slice %arg4[%add3A_133, %select_n3A, %dma_start3A_140, %select_n3A_39, %dma_start3A_141] : memref<200x8x32x8x128xf32, #tpu.memory_space<hbm>> -> memref<1x1x32x1x128xf32, #tpu.memory_space<hbm>>
          %dma_start3A_143 = tpu.memref_squeeze %dma_start3A_142 : memref<1x1x32x1x128xf32, #tpu.memory_space<hbm>> -> memref<32x128xf32, #tpu.memory_space<hbm>>
          %dma_start3A_144 = arith.constant 0 : i32
          %dma_start3A_145 = arith.constant 0 : i32
          %dma_start3A_146 = tpu.memref_slice %arg4[%add3A_133, %select_n3A, %dma_start3A_144, %select_n3A_39, %dma_start3A_145] : memref<200x8x32x8x128xf32, #tpu.memory_space<hbm>> -> memref<1x1x32x1x128xf32, #tpu.memory_space<hbm>>
          %dma_start3A_147 = tpu.memref_squeeze %dma_start3A_146 : memref<1x1x32x1x128xf32, #tpu.memory_space<hbm>> -> memref<32x128xf32, #tpu.memory_space<hbm>>
          tpu.enqueue_dma source(%arg8 : memref<32x128xf32, #tpu.memory_space<vmem>>) target(%dma_start3A_147 : memref<32x128xf32, #tpu.memory_space<hbm>>) target_semaphore(%arg14 : memref<!tpu.dma_semaphore, #tpu.memory_space<semaphore_mem>>)
          %mul3A_148 = arith.constant 2 : i32
          %mul3A_149 = arith.muli %mul3A_148, %scan3A_93 : i32
          %add3A_150 = arith.constant 1 : i32
          %add3A_151 = arith.addi %mul3A_149, %add3A_150 : i32
          %add3A_152 = arith.constant 192 : i32
          %add3A_153 = arith.addi %add3A_152, %add3A_151 : i32
          %ge3A_154 = arith.constant 2 : i32
          %ge3A_155 = arith.cmpi sge, %add3A_153, %ge3A_154 : i32
          %convert_element_type3A_156 = arith.extui %ge3A_155 : i1 to i32
          %cond3A_157 = arith.constant 0 : i32
          %cond3A_158 = arith.cmpi ne, %convert_element_type3A_156, %cond3A_157 : i32
          scf.if %cond3A_158 {
            %sub3A_177 = arith.constant 2 : i32
            %sub3A_178 = arith.subi %add3A_153, %sub3A_177 : i32
            %dma_wait3A_179 = arith.constant 0 : i32
            %dma_wait3A_180 = arith.constant 0 : i32
            %dma_wait3A_181 = tpu.memref_slice %arg4[%sub3A_178, %select_n3A, %dma_wait3A_179, %select_n3A_39, %dma_wait3A_180] : memref<200x8x32x8x128xf32, #tpu.memory_space<hbm>> -> memref<1x1x32x1x128xf32, #tpu.memory_space<hbm>>
            %dma_wait3A_182 = tpu.memref_squeeze %dma_wait3A_181 : memref<1x1x32x1x128xf32, #tpu.memory_space<hbm>> -> memref<32x128xf32, #tpu.memory_space<hbm>>
            %dma_wait3A_183 = arith.constant 0 : i32
            %dma_wait3A_184 = arith.constant 0 : i32
            %dma_wait3A_185 = tpu.memref_slice %arg4[%sub3A_178, %select_n3A, %dma_wait3A_183, %select_n3A_39, %dma_wait3A_184] : memref<200x8x32x8x128xf32, #tpu.memory_space<hbm>> -> memref<1x1x32x1x128xf32, #tpu.memory_space<hbm>>
            %dma_wait3A_186 = tpu.memref_squeeze %dma_wait3A_185 : memref<1x1x32x1x128xf32, #tpu.memory_space<hbm>> -> memref<32x128xf32, #tpu.memory_space<hbm>>
            tpu.wait_dma2 semaphore(%arg15 : memref<!tpu.dma_semaphore, #tpu.memory_space<semaphore_mem>>) src(%arg9 : memref<32x128xf32, #tpu.memory_space<vmem>>) dst(%dma_wait3A_186 : memref<32x128xf32, #tpu.memory_space<hbm>>)
          } else {
          }
          %parallel_loop3A_159 = arith.constant 0 : i32
          %parallel_loop3A_160 = arith.constant 32 : i32
          %parallel_loop3A_161 = arith.constant 1 : i32
          scf.for %parallel_loop3A_177 = %parallel_loop3A_159 to %parallel_loop3A_160 step %parallel_loop3A_161  : i32 {
            %parallel_loop3A_178 = arith.constant 1 : i32
            %parallel_loop3A_179 = arith.index_cast %parallel_loop3A_178 : i32 to index
            %parallel_loop3A_180 = arith.index_cast %parallel_loop3A_177 : i32 to index
            %parallel_loop3A_181 = arith.constant 0 : index
            %parallel_loop3A_182 = tpu.vector_load %arg6[%parallel_loop3A_179, %parallel_loop3A_180, %parallel_loop3A_181] {strides = array<i32>} : memref<2x32x128xi32, #tpu.memory_space<vmem>>, vector<16xi32>,
            %parallel_loop3A_183 = arith.constant 7 : i32
            %parallel_loop3A_184 = vector.broadcast %parallel_loop3A_183 : i32 to vector<16xi32>
            %parallel_loop3A_185 = arith.shrui %parallel_loop3A_182, %parallel_loop3A_184 : vector<16xi32>
            %parallel_loop3A_186 = arith.constant 127 : i32
            %parallel_loop3A_187 = vector.broadcast %parallel_loop3A_186 : i32 to vector<16xi32>
            %parallel_loop3A_188 = arith.andi %parallel_loop3A_182, %parallel_loop3A_187 : vector<16xi32>
            %parallel_loop3A_189 = tpu.vector_load_idx %arg5[%parallel_loop3A_185, %parallel_loop3A_188] : memref<782x128xf32, #tpu.memory_space<vmem>>[vector<16xi32>, vector<16xi32>], vector<16xf32>,
            %parallel_loop3A_190 = arith.index_cast %parallel_loop3A_177 : i32 to index
            %parallel_loop3A_191 = arith.constant 0 : index
            %parallel_loop3A_192 = tpu.vector_load %arg9[%parallel_loop3A_190, %parallel_loop3A_191] {strides = array<i32>} : memref<32x128xf32, #tpu.memory_space<vmem>>, vector<16xf32>,
            tpu.vector_store %arg9[%parallel_loop3A_190, %parallel_loop3A_191], %parallel_loop3A_189 {strides = array<i32>} : memref<32x128xf32, #tpu.memory_space<vmem>>, vector<16xf32>,
            %parallel_loop3A_193 = arith.constant 1 : i32
            %parallel_loop3A_194 = arith.index_cast %parallel_loop3A_193 : i32 to index
            %parallel_loop3A_195 = arith.index_cast %parallel_loop3A_177 : i32 to index
            %parallel_loop3A_196 = arith.constant 16 : index
            %parallel_loop3A_197 = tpu.vector_load %arg6[%parallel_loop3A_194, %parallel_loop3A_195, %parallel_loop3A_196] {strides = array<i32>} : memref<2x32x128xi32, #tpu.memory_space<vmem>>, vector<16xi32>,
            %parallel_loop3A_198 = arith.constant 7 : i32
            %parallel_loop3A_199 = vector.broadcast %parallel_loop3A_198 : i32 to vector<16xi32>
            %parallel_loop3A_200 = arith.shrui %parallel_loop3A_197, %parallel_loop3A_199 : vector<16xi32>
            %parallel_loop3A_201 = arith.constant 127 : i32
            %parallel_loop3A_202 = vector.broadcast %parallel_loop3A_201 : i32 to vector<16xi32>
            %parallel_loop3A_203 = arith.andi %parallel_loop3A_197, %parallel_loop3A_202 : vector<16xi32>
            %parallel_loop3A_204 = tpu.vector_load_idx %arg5[%parallel_loop3A_200, %parallel_loop3A_203] : memref<782x128xf32, #tpu.memory_space<vmem>>[vector<16xi32>, vector<16xi32>], vector<16xf32>,
            %parallel_loop3A_205 = arith.index_cast %parallel_loop3A_177 : i32 to index
            %parallel_loop3A_206 = arith.constant 16 : index
            %parallel_loop3A_207 = tpu.vector_load %arg9[%parallel_loop3A_205, %parallel_loop3A_206] {strides = array<i32>} : memref<32x128xf32, #tpu.memory_space<vmem>>, vector<16xf32>,
            tpu.vector_store %arg9[%parallel_loop3A_205, %parallel_loop3A_206], %parallel_loop3A_204 {strides = array<i32>} : memref<32x128xf32, #tpu.memory_space<vmem>>, vector<16xf32>,
            %parallel_loop3A_208 = arith.constant 1 : i32
            %parallel_loop3A_209 = arith.index_cast %parallel_loop3A_208 : i32 to index
            %parallel_loop3A_210 = arith.index_cast %parallel_loop3A_177 : i32 to index
            %parallel_loop3A_211 = arith.constant 32 : index
            %parallel_loop3A_212 = tpu.vector_load %arg6[%parallel_loop3A_209, %parallel_loop3A_210, %parallel_loop3A_211] {strides = array<i32>} : memref<2x32x128xi32, #tpu.memory_space<vmem>>, vector<16xi32>,
            %parallel_loop3A_213 = arith.constant 7 : i32
            %parallel_loop3A_214 = vector.broadcast %parallel_loop3A_213 : i32 to vector<16xi32>
            %parallel_loop3A_215 = arith.shrui %parallel_loop3A_212, %parallel_loop3A_214 : vector<16xi32>
            %parallel_loop3A_216 = arith.constant 127 : i32
            %parallel_loop3A_217 = vector.broadcast %parallel_loop3A_216 : i32 to vector<16xi32>
            %parallel_loop3A_218 = arith.andi %parallel_loop3A_212, %parallel_loop3A_217 : vector<16xi32>
            %parallel_loop3A_219 = tpu.vector_load_idx %arg5[%parallel_loop3A_215, %parallel_loop3A_218] : memref<782x128xf32, #tpu.memory_space<vmem>>[vector<16xi32>, vector<16xi32>], vector<16xf32>,
            %parallel_loop3A_220 = arith.index_cast %parallel_loop3A_177 : i32 to index
            %parallel_loop3A_221 = arith.constant 32 : index
            %parallel_loop3A_222 = tpu.vector_load %arg9[%parallel_loop3A_220, %parallel_loop3A_221] {strides = array<i32>} : memref<32x128xf32, #tpu.memory_space<vmem>>, vector<16xf32>,
            tpu.vector_store %arg9[%parallel_loop3A_220, %parallel_loop3A_221], %parallel_loop3A_219 {strides = array<i32>} : memref<32x128xf32, #tpu.memory_space<vmem>>, vector<16xf32>,
            %parallel_loop3A_223 = arith.constant 1 : i32
            %parallel_loop3A_224 = arith.index_cast %parallel_loop3A_223 : i32 to index
            %parallel_loop3A_225 = arith.index_cast %parallel_loop3A_177 : i32 to index
            %parallel_loop3A_226 = arith.constant 48 : index
            %parallel_loop3A_227 = tpu.vector_load %arg6[%parallel_loop3A_224, %parallel_loop3A_225, %parallel_loop3A_226] {strides = array<i32>} : memref<2x32x128xi32, #tpu.memory_space<vmem>>, vector<16xi32>,
            %parallel_loop3A_228 = arith.constant 7 : i32
            %parallel_loop3A_229 = vector.broadcast %parallel_loop3A_228 : i32 to vector<16xi32>
            %parallel_loop3A_230 = arith.shrui %parallel_loop3A_227, %parallel_loop3A_229 : vector<16xi32>
            %parallel_loop3A_231 = arith.constant 127 : i32
            %parallel_loop3A_232 = vector.broadcast %parallel_loop3A_231 : i32 to vector<16xi32>
            %parallel_loop3A_233 = arith.andi %parallel_loop3A_227, %parallel_loop3A_232 : vector<16xi32>
            %parallel_loop3A_234 = tpu.vector_load_idx %arg5[%parallel_loop3A_230, %parallel_loop3A_233] : memref<782x128xf32, #tpu.memory_space<vmem>>[vector<16xi32>, vector<16xi32>], vector<16xf32>,
            %parallel_loop3A_235 = arith.index_cast %parallel_loop3A_177 : i32 to index
            %parallel_loop3A_236 = arith.constant 48 : index
            %parallel_loop3A_237 = tpu.vector_load %arg9[%parallel_loop3A_235, %parallel_loop3A_236] {strides = array<i32>} : memref<32x128xf32, #tpu.memory_space<vmem>>, vector<16xf32>,
            tpu.vector_store %arg9[%parallel_loop3A_235, %parallel_loop3A_236], %parallel_loop3A_234 {strides = array<i32>} : memref<32x128xf32, #tpu.memory_space<vmem>>, vector<16xf32>,
            %parallel_loop3A_238 = arith.constant 1 : i32
            %parallel_loop3A_239 = arith.index_cast %parallel_loop3A_238 : i32 to index
            %parallel_loop3A_240 = arith.index_cast %parallel_loop3A_177 : i32 to index
            %parallel_loop3A_241 = arith.constant 64 : index
            %parallel_loop3A_242 = tpu.vector_load %arg6[%parallel_loop3A_239, %parallel_loop3A_240, %parallel_loop3A_241] {strides = array<i32>} : memref<2x32x128xi32, #tpu.memory_space<vmem>>, vector<16xi32>,
            %parallel_loop3A_243 = arith.constant 7 : i32
            %parallel_loop3A_244 = vector.broadcast %parallel_loop3A_243 : i32 to vector<16xi32>
            %parallel_loop3A_245 = arith.shrui %parallel_loop3A_242, %parallel_loop3A_244 : vector<16xi32>
            %parallel_loop3A_246 = arith.constant 127 : i32
            %parallel_loop3A_247 = vector.broadcast %parallel_loop3A_246 : i32 to vector<16xi32>
            %parallel_loop3A_248 = arith.andi %parallel_loop3A_242, %parallel_loop3A_247 : vector<16xi32>
            %parallel_loop3A_249 = tpu.vector_load_idx %arg5[%parallel_loop3A_245, %parallel_loop3A_248] : memref<782x128xf32, #tpu.memory_space<vmem>>[vector<16xi32>, vector<16xi32>], vector<16xf32>,
            %parallel_loop3A_250 = arith.index_cast %parallel_loop3A_177 : i32 to index
            %parallel_loop3A_251 = arith.constant 64 : index
            %parallel_loop3A_252 = tpu.vector_load %arg9[%parallel_loop3A_250, %parallel_loop3A_251] {strides = array<i32>} : memref<32x128xf32, #tpu.memory_space<vmem>>, vector<16xf32>,
            tpu.vector_store %arg9[%parallel_loop3A_250, %parallel_loop3A_251], %parallel_loop3A_249 {strides = array<i32>} : memref<32x128xf32, #tpu.memory_space<vmem>>, vector<16xf32>,
            %parallel_loop3A_253 = arith.constant 1 : i32
            %parallel_loop3A_254 = arith.index_cast %parallel_loop3A_253 : i32 to index
            %parallel_loop3A_255 = arith.index_cast %parallel_loop3A_177 : i32 to index
            %parallel_loop3A_256 = arith.constant 80 : index
            %parallel_loop3A_257 = tpu.vector_load %arg6[%parallel_loop3A_254, %parallel_loop3A_255, %parallel_loop3A_256] {strides = array<i32>} : memref<2x32x128xi32, #tpu.memory_space<vmem>>, vector<16xi32>,
            %parallel_loop3A_258 = arith.constant 7 : i32
            %parallel_loop3A_259 = vector.broadcast %parallel_loop3A_258 : i32 to vector<16xi32>
            %parallel_loop3A_260 = arith.shrui %parallel_loop3A_257, %parallel_loop3A_259 : vector<16xi32>
            %parallel_loop3A_261 = arith.constant 127 : i32
            %parallel_loop3A_262 = vector.broadcast %parallel_loop3A_261 : i32 to vector<16xi32>
            %parallel_loop3A_263 = arith.andi %parallel_loop3A_257, %parallel_loop3A_262 : vector<16xi32>
            %parallel_loop3A_264 = tpu.vector_load_idx %arg5[%parallel_loop3A_260, %parallel_loop3A_263] : memref<782x128xf32, #tpu.memory_space<vmem>>[vector<16xi32>, vector<16xi32>], vector<16xf32>,
            %parallel_loop3A_265 = arith.index_cast %parallel_loop3A_177 : i32 to index
            %parallel_loop3A_266 = arith.constant 80 : index
            %parallel_loop3A_267 = tpu.vector_load %arg9[%parallel_loop3A_265, %parallel_loop3A_266] {strides = array<i32>} : memref<32x128xf32, #tpu.memory_space<vmem>>, vector<16xf32>,
            tpu.vector_store %arg9[%parallel_loop3A_265, %parallel_loop3A_266], %parallel_loop3A_264 {strides = array<i32>} : memref<32x128xf32, #tpu.memory_space<vmem>>, vector<16xf32>,
            %parallel_loop3A_268 = arith.constant 1 : i32
            %parallel_loop3A_269 = arith.index_cast %parallel_loop3A_268 : i32 to index
            %parallel_loop3A_270 = arith.index_cast %parallel_loop3A_177 : i32 to index
            %parallel_loop3A_271 = arith.constant 96 : index
            %parallel_loop3A_272 = tpu.vector_load %arg6[%parallel_loop3A_269, %parallel_loop3A_270, %parallel_loop3A_271] {strides = array<i32>} : memref<2x32x128xi32, #tpu.memory_space<vmem>>, vector<16xi32>,
            %parallel_loop3A_273 = arith.constant 7 : i32
            %parallel_loop3A_274 = vector.broadcast %parallel_loop3A_273 : i32 to vector<16xi32>
            %parallel_loop3A_275 = arith.shrui %parallel_loop3A_272, %parallel_loop3A_274 : vector<16xi32>
            %parallel_loop3A_276 = arith.constant 127 : i32
            %parallel_loop3A_277 = vector.broadcast %parallel_loop3A_276 : i32 to vector<16xi32>
            %parallel_loop3A_278 = arith.andi %parallel_loop3A_272, %parallel_loop3A_277 : vector<16xi32>
            %parallel_loop3A_279 = tpu.vector_load_idx %arg5[%parallel_loop3A_275, %parallel_loop3A_278] : memref<782x128xf32, #tpu.memory_space<vmem>>[vector<16xi32>, vector<16xi32>], vector<16xf32>,
            %parallel_loop3A_280 = arith.index_cast %parallel_loop3A_177 : i32 to index
            %parallel_loop3A_281 = arith.constant 96 : index
            %parallel_loop3A_282 = tpu.vector_load %arg9[%parallel_loop3A_280, %parallel_loop3A_281] {strides = array<i32>} : memref<32x128xf32, #tpu.memory_space<vmem>>, vector<16xf32>,
            tpu.vector_store %arg9[%parallel_loop3A_280, %parallel_loop3A_281], %parallel_loop3A_279 {strides = array<i32>} : memref<32x128xf32, #tpu.memory_space<vmem>>, vector<16xf32>,
            %parallel_loop3A_283 = arith.constant 1 : i32
            %parallel_loop3A_284 = arith.index_cast %parallel_loop3A_283 : i32 to index
            %parallel_loop3A_285 = arith.index_cast %parallel_loop3A_177 : i32 to index
            %parallel_loop3A_286 = arith.constant 112 : index
            %parallel_loop3A_287 = tpu.vector_load %arg6[%parallel_loop3A_284, %parallel_loop3A_285, %parallel_loop3A_286] {strides = array<i32>} : memref<2x32x128xi32, #tpu.memory_space<vmem>>, vector<16xi32>,
            %parallel_loop3A_288 = arith.constant 7 : i32
            %parallel_loop3A_289 = vector.broadcast %parallel_loop3A_288 : i32 to vector<16xi32>
            %parallel_loop3A_290 = arith.shrui %parallel_loop3A_287, %parallel_loop3A_289 : vector<16xi32>
            %parallel_loop3A_291 = arith.constant 127 : i32
            %parallel_loop3A_292 = vector.broadcast %parallel_loop3A_291 : i32 to vector<16xi32>
            %parallel_loop3A_293 = arith.andi %parallel_loop3A_287, %parallel_loop3A_292 : vector<16xi32>
            %parallel_loop3A_294 = tpu.vector_load_idx %arg5[%parallel_loop3A_290, %parallel_loop3A_293] : memref<782x128xf32, #tpu.memory_space<vmem>>[vector<16xi32>, vector<16xi32>], vector<16xf32>,
            %parallel_loop3A_295 = arith.index_cast %parallel_loop3A_177 : i32 to index
            %parallel_loop3A_296 = arith.constant 112 : index
            %parallel_loop3A_297 = tpu.vector_load %arg9[%parallel_loop3A_295, %parallel_loop3A_296] {strides = array<i32>} : memref<32x128xf32, #tpu.memory_space<vmem>>, vector<16xf32>,
            tpu.vector_store %arg9[%parallel_loop3A_295, %parallel_loop3A_296], %parallel_loop3A_294 {strides = array<i32>} : memref<32x128xf32, #tpu.memory_space<vmem>>, vector<16xf32>,
          } {sc.loop_unroll_factor = 4 : i64, sc.parallel_access}
          %dma_start3A_162 = arith.constant 0 : i32
          %dma_start3A_163 = arith.constant 0 : i32
          %dma_start3A_164 = tpu.memref_slice %arg4[%add3A_153, %select_n3A, %dma_start3A_162, %select_n3A_39, %dma_start3A_163] : memref<200x8x32x8x128xf32, #tpu.memory_space<hbm>> -> memref<1x1x32x1x128xf32, #tpu.memory_space<hbm>>
          %dma_start3A_165 = tpu.memref_squeeze %dma_start3A_164 : memref<1x1x32x1x128xf32, #tpu.memory_space<hbm>> -> memref<32x128xf32, #tpu.memory_space<hbm>>
          %dma_start3A_166 = arith.constant 0 : i32
          %dma_start3A_167 = arith.constant 0 : i32
          %dma_start3A_168 = tpu.memref_slice %arg4[%add3A_153, %select_n3A, %dma_start3A_166, %select_n3A_39, %dma_start3A_167] : memref<200x8x32x8x128xf32, #tpu.memory_space<hbm>> -> memref<1x1x32x1x128xf32, #tpu.memory_space<hbm>>
          %dma_start3A_169 = tpu.memref_squeeze %dma_start3A_168 : memref<1x1x32x1x128xf32, #tpu.memory_space<hbm>> -> memref<32x128xf32, #tpu.memory_space<hbm>>
          tpu.enqueue_dma source(%arg9 : memref<32x128xf32, #tpu.memory_space<vmem>>) target(%dma_start3A_169 : memref<32x128xf32, #tpu.memory_space<hbm>>) target_semaphore(%arg15 : memref<!tpu.dma_semaphore, #tpu.memory_space<semaphore_mem>>)
          %add3A_170 = arith.constant 2 : i32
          %add3A_171 = arith.addi %scan3A_93, %add3A_170 : i32
          %lt3A_172 = arith.constant 4 : i32
          %lt3A_173 = arith.cmpi slt, %add3A_171, %lt3A_172 : i32
          %convert_element_type3A_174 = arith.extui %lt3A_173 : i1 to i32
          %cond3A_175 = arith.constant 0 : i32
          %cond3A_176 = arith.cmpi ne, %convert_element_type3A_174, %cond3A_175 : i32
          scf.if %cond3A_176 {
            %add3A_177 = arith.constant 2 : i32
            %add3A_178 = arith.addi %scan3A_93, %add3A_177 : i32
            %mul3A_179 = arith.constant 2 : i32
            %mul3A_180 = arith.muli %mul3A_179, %add3A_178 : i32
            %dma_start3A_181 = arith.constant 0 : i32
            %dma_start3A_182 = arith.constant 0 : i32
            %dma_start3A_183 = tpu.memref_slice %arg10[%mul3A_180, %dma_start3A_181, %dma_start3A_182] : memref<12x32x128xi32, #tpu.memory_space<vmem_shared>> -> memref<2x32x128xi32, #tpu.memory_space<vmem_shared>>
            %dma_start3A_184 = arith.constant 0 : i32
            %dma_start3A_185 = arith.constant 0 : i32
            %dma_start3A_186 = tpu.memref_slice %arg10[%mul3A_180, %dma_start3A_184, %dma_start3A_185] : memref<12x32x128xi32, #tpu.memory_space<vmem_shared>> -> memref<2x32x128xi32, #tpu.memory_space<vmem_shared>>
            tpu.enqueue_dma source(%dma_start3A_186 : memref<2x32x128xi32, #tpu.memory_space<vmem_shared>>) target(%arg6 : memref<2x32x128xi32, #tpu.memory_space<vmem>>) target_semaphore(%arg12 : memref<!tpu.dma_semaphore, #tpu.memory_space<semaphore_mem>>)
          } else {
          }
        } else {
        }
        %eq3A_115 = arith.constant 1 : i32
        %eq3A_116 = arith.cmpi eq, %select_n3A_109, %eq3A_115 : i32
        %convert_element_type3A_117 = arith.extui %eq3A_116 : i1 to i32
        %cond3A_118 = arith.constant 0 : i32
        %cond3A_119 = arith.cmpi ne, %convert_element_type3A_117, %cond3A_118 : i32
        scf.if %cond3A_119 {
          %mul3A_120 = arith.constant 2 : i32
          %mul3A_121 = arith.muli %mul3A_120, %scan3A_93 : i32
          %dma_wait3A_122 = arith.constant 0 : i32
          %dma_wait3A_123 = arith.constant 0 : i32
          %dma_wait3A_124 = tpu.memref_slice %arg10[%mul3A_121, %dma_wait3A_122, %dma_wait3A_123] : memref<12x32x128xi32, #tpu.memory_space<vmem_shared>> -> memref<2x32x128xi32, #tpu.memory_space<vmem_shared>>
          %dma_wait3A_125 = arith.constant 0 : i32
          %dma_wait3A_126 = arith.constant 0 : i32
          %dma_wait3A_127 = tpu.memref_slice %arg10[%mul3A_121, %dma_wait3A_125, %dma_wait3A_126] : memref<12x32x128xi32, #tpu.memory_space<vmem_shared>> -> memref<2x32x128xi32, #tpu.memory_space<vmem_shared>>
          tpu.wait_dma2 semaphore(%arg13 : memref<!tpu.dma_semaphore, #tpu.memory_space<semaphore_mem>>) src(%dma_wait3A_127 : memref<2x32x128xi32, #tpu.memory_space<vmem_shared>>) dst(%arg7 : memref<2x32x128xi32, #tpu.memory_space<vmem>>)
          %mul3A_128 = arith.constant 2 : i32
          %mul3A_129 = arith.muli %mul3A_128, %scan3A_93 : i32
          %add3A_130 = arith.constant 0 : i32
          %add3A_131 = arith.addi %mul3A_129, %add3A_130 : i32
          %add3A_132 = arith.constant 192 : i32
          %add3A_133 = arith.addi %add3A_132, %add3A_131 : i32
          %ge3A = arith.constant 2 : i32
          %ge3A_134 = arith.cmpi sge, %add3A_133, %ge3A : i32
          %convert_element_type3A_135 = arith.extui %ge3A_134 : i1 to i32
          %cond3A_136 = arith.constant 0 : i32
          %cond3A_137 = arith.cmpi ne, %convert_element_type3A_135, %cond3A_136 : i32
          scf.if %cond3A_137 {
            %sub3A_177 = arith.constant 2 : i32
            %sub3A_178 = arith.subi %add3A_133, %sub3A_177 : i32
            %dma_wait3A_179 = arith.constant 0 : i32
            %dma_wait3A_180 = arith.constant 0 : i32
            %dma_wait3A_181 = tpu.memref_slice %arg4[%sub3A_178, %select_n3A, %dma_wait3A_179, %select_n3A_39, %dma_wait3A_180] : memref<200x8x32x8x128xf32, #tpu.memory_space<hbm>> -> memref<1x1x32x1x128xf32, #tpu.memory_space<hbm>>
            %dma_wait3A_182 = tpu.memref_squeeze %dma_wait3A_181 : memref<1x1x32x1x128xf32, #tpu.memory_space<hbm>> -> memref<32x128xf32, #tpu.memory_space<hbm>>
            %dma_wait3A_183 = arith.constant 0 : i32
            %dma_wait3A_184 = arith.constant 0 : i32
            %dma_wait3A_185 = tpu.memref_slice %arg4[%sub3A_178, %select_n3A, %dma_wait3A_183, %select_n3A_39, %dma_wait3A_184] : memref<200x8x32x8x128xf32, #tpu.memory_space<hbm>> -> memref<1x1x32x1x128xf32, #tpu.memory_space<hbm>>
            %dma_wait3A_186 = tpu.memref_squeeze %dma_wait3A_185 : memref<1x1x32x1x128xf32, #tpu.memory_space<hbm>> -> memref<32x128xf32, #tpu.memory_space<hbm>>
            tpu.wait_dma2 semaphore(%arg14 : memref<!tpu.dma_semaphore, #tpu.memory_space<semaphore_mem>>) src(%arg8 : memref<32x128xf32, #tpu.memory_space<vmem>>) dst(%dma_wait3A_186 : memref<32x128xf32, #tpu.memory_space<hbm>>)
          } else {
          }
          %parallel_loop3A = arith.constant 0 : i32
          %parallel_loop3A_138 = arith.constant 32 : i32
          %parallel_loop3A_139 = arith.constant 1 : i32
          scf.for %parallel_loop3A_177 = %parallel_loop3A to %parallel_loop3A_138 step %parallel_loop3A_139  : i32 {
            %parallel_loop3A_178 = arith.constant 0 : i32
            %parallel_loop3A_179 = arith.index_cast %parallel_loop3A_178 : i32 to index
            %parallel_loop3A_180 = arith.index_cast %parallel_loop3A_177 : i32 to index
            %parallel_loop3A_181 = arith.constant 0 : index
            %parallel_loop3A_182 = tpu.vector_load %arg7[%parallel_loop3A_179, %parallel_loop3A_180, %parallel_loop3A_181] {strides = array<i32>} : memref<2x32x128xi32, #tpu.memory_space<vmem>>, vector<16xi32>,
            %parallel_loop3A_183 = arith.constant 7 : i32
            %parallel_loop3A_184 = vector.broadcast %parallel_loop3A_183 : i32 to vector<16xi32>
            %parallel_loop3A_185 = arith.shrui %parallel_loop3A_182, %parallel_loop3A_184 : vector<16xi32>
            %parallel_loop3A_186 = arith.constant 127 : i32
            %parallel_loop3A_187 = vector.broadcast %parallel_loop3A_186 : i32 to vector<16xi32>
            %parallel_loop3A_188 = arith.andi %parallel_loop3A_182, %parallel_loop3A_187 : vector<16xi32>
            %parallel_loop3A_189 = tpu.vector_load_idx %arg5[%parallel_loop3A_185, %parallel_loop3A_188] : memref<782x128xf32, #tpu.memory_space<vmem>>[vector<16xi32>, vector<16xi32>], vector<16xf32>,
            %parallel_loop3A_190 = arith.index_cast %parallel_loop3A_177 : i32 to index
            %parallel_loop3A_191 = arith.constant 0 : index
            %parallel_loop3A_192 = tpu.vector_load %arg8[%parallel_loop3A_190, %parallel_loop3A_191] {strides = array<i32>} : memref<32x128xf32, #tpu.memory_space<vmem>>, vector<16xf32>,
            tpu.vector_store %arg8[%parallel_loop3A_190, %parallel_loop3A_191], %parallel_loop3A_189 {strides = array<i32>} : memref<32x128xf32, #tpu.memory_space<vmem>>, vector<16xf32>,
            %parallel_loop3A_193 = arith.constant 0 : i32
            %parallel_loop3A_194 = arith.index_cast %parallel_loop3A_193 : i32 to index
            %parallel_loop3A_195 = arith.index_cast %parallel_loop3A_177 : i32 to index
            %parallel_loop3A_196 = arith.constant 16 : index
            %parallel_loop3A_197 = tpu.vector_load %arg7[%parallel_loop3A_194, %parallel_loop3A_195, %parallel_loop3A_196] {strides = array<i32>} : memref<2x32x128xi32, #tpu.memory_space<vmem>>, vector<16xi32>,
            %parallel_loop3A_198 = arith.constant 7 : i32
            %parallel_loop3A_199 = vector.broadcast %parallel_loop3A_198 : i32 to vector<16xi32>
            %parallel_loop3A_200 = arith.shrui %parallel_loop3A_197, %parallel_loop3A_199 : vector<16xi32>
            %parallel_loop3A_201 = arith.constant 127 : i32
            %parallel_loop3A_202 = vector.broadcast %parallel_loop3A_201 : i32 to vector<16xi32>
            %parallel_loop3A_203 = arith.andi %parallel_loop3A_197, %parallel_loop3A_202 : vector<16xi32>
            %parallel_loop3A_204 = tpu.vector_load_idx %arg5[%parallel_loop3A_200, %parallel_loop3A_203] : memref<782x128xf32, #tpu.memory_space<vmem>>[vector<16xi32>, vector<16xi32>], vector<16xf32>,
            %parallel_loop3A_205 = arith.index_cast %parallel_loop3A_177 : i32 to index
            %parallel_loop3A_206 = arith.constant 16 : index
            %parallel_loop3A_207 = tpu.vector_load %arg8[%parallel_loop3A_205, %parallel_loop3A_206] {strides = array<i32>} : memref<32x128xf32, #tpu.memory_space<vmem>>, vector<16xf32>,
            tpu.vector_store %arg8[%parallel_loop3A_205, %parallel_loop3A_206], %parallel_loop3A_204 {strides = array<i32>} : memref<32x128xf32, #tpu.memory_space<vmem>>, vector<16xf32>,
            %parallel_loop3A_208 = arith.constant 0 : i32
            %parallel_loop3A_209 = arith.index_cast %parallel_loop3A_208 : i32 to index
            %parallel_loop3A_210 = arith.index_cast %parallel_loop3A_177 : i32 to index
            %parallel_loop3A_211 = arith.constant 32 : index
            %parallel_loop3A_212 = tpu.vector_load %arg7[%parallel_loop3A_209, %parallel_loop3A_210, %parallel_loop3A_211] {strides = array<i32>} : memref<2x32x128xi32, #tpu.memory_space<vmem>>, vector<16xi32>,
            %parallel_loop3A_213 = arith.constant 7 : i32
            %parallel_loop3A_214 = vector.broadcast %parallel_loop3A_213 : i32 to vector<16xi32>
            %parallel_loop3A_215 = arith.shrui %parallel_loop3A_212, %parallel_loop3A_214 : vector<16xi32>
            %parallel_loop3A_216 = arith.constant 127 : i32
            %parallel_loop3A_217 = vector.broadcast %parallel_loop3A_216 : i32 to vector<16xi32>
            %parallel_loop3A_218 = arith.andi %parallel_loop3A_212, %parallel_loop3A_217 : vector<16xi32>
            %parallel_loop3A_219 = tpu.vector_load_idx %arg5[%parallel_loop3A_215, %parallel_loop3A_218] : memref<782x128xf32, #tpu.memory_space<vmem>>[vector<16xi32>, vector<16xi32>], vector<16xf32>,
            %parallel_loop3A_220 = arith.index_cast %parallel_loop3A_177 : i32 to index
            %parallel_loop3A_221 = arith.constant 32 : index
            %parallel_loop3A_222 = tpu.vector_load %arg8[%parallel_loop3A_220, %parallel_loop3A_221] {strides = array<i32>} : memref<32x128xf32, #tpu.memory_space<vmem>>, vector<16xf32>,
            tpu.vector_store %arg8[%parallel_loop3A_220, %parallel_loop3A_221], %parallel_loop3A_219 {strides = array<i32>} : memref<32x128xf32, #tpu.memory_space<vmem>>, vector<16xf32>,
            %parallel_loop3A_223 = arith.constant 0 : i32
            %parallel_loop3A_224 = arith.index_cast %parallel_loop3A_223 : i32 to index
            %parallel_loop3A_225 = arith.index_cast %parallel_loop3A_177 : i32 to index
            %parallel_loop3A_226 = arith.constant 48 : index
            %parallel_loop3A_227 = tpu.vector_load %arg7[%parallel_loop3A_224, %parallel_loop3A_225, %parallel_loop3A_226] {strides = array<i32>} : memref<2x32x128xi32, #tpu.memory_space<vmem>>, vector<16xi32>,
            %parallel_loop3A_228 = arith.constant 7 : i32
            %parallel_loop3A_229 = vector.broadcast %parallel_loop3A_228 : i32 to vector<16xi32>
            %parallel_loop3A_230 = arith.shrui %parallel_loop3A_227, %parallel_loop3A_229 : vector<16xi32>
            %parallel_loop3A_231 = arith.constant 127 : i32
            %parallel_loop3A_232 = vector.broadcast %parallel_loop3A_231 : i32 to vector<16xi32>
            %parallel_loop3A_233 = arith.andi %parallel_loop3A_227, %parallel_loop3A_232 : vector<16xi32>
            %parallel_loop3A_234 = tpu.vector_load_idx %arg5[%parallel_loop3A_230, %parallel_loop3A_233] : memref<782x128xf32, #tpu.memory_space<vmem>>[vector<16xi32>, vector<16xi32>], vector<16xf32>,
            %parallel_loop3A_235 = arith.index_cast %parallel_loop3A_177 : i32 to index
            %parallel_loop3A_236 = arith.constant 48 : index
            %parallel_loop3A_237 = tpu.vector_load %arg8[%parallel_loop3A_235, %parallel_loop3A_236] {strides = array<i32>} : memref<32x128xf32, #tpu.memory_space<vmem>>, vector<16xf32>,
            tpu.vector_store %arg8[%parallel_loop3A_235, %parallel_loop3A_236], %parallel_loop3A_234 {strides = array<i32>} : memref<32x128xf32, #tpu.memory_space<vmem>>, vector<16xf32>,
            %parallel_loop3A_238 = arith.constant 0 : i32
            %parallel_loop3A_239 = arith.index_cast %parallel_loop3A_238 : i32 to index
            %parallel_loop3A_240 = arith.index_cast %parallel_loop3A_177 : i32 to index
            %parallel_loop3A_241 = arith.constant 64 : index
            %parallel_loop3A_242 = tpu.vector_load %arg7[%parallel_loop3A_239, %parallel_loop3A_240, %parallel_loop3A_241] {strides = array<i32>} : memref<2x32x128xi32, #tpu.memory_space<vmem>>, vector<16xi32>,
            %parallel_loop3A_243 = arith.constant 7 : i32
            %parallel_loop3A_244 = vector.broadcast %parallel_loop3A_243 : i32 to vector<16xi32>
            %parallel_loop3A_245 = arith.shrui %parallel_loop3A_242, %parallel_loop3A_244 : vector<16xi32>
            %parallel_loop3A_246 = arith.constant 127 : i32
            %parallel_loop3A_247 = vector.broadcast %parallel_loop3A_246 : i32 to vector<16xi32>
            %parallel_loop3A_248 = arith.andi %parallel_loop3A_242, %parallel_loop3A_247 : vector<16xi32>
            %parallel_loop3A_249 = tpu.vector_load_idx %arg5[%parallel_loop3A_245, %parallel_loop3A_248] : memref<782x128xf32, #tpu.memory_space<vmem>>[vector<16xi32>, vector<16xi32>], vector<16xf32>,
            %parallel_loop3A_250 = arith.index_cast %parallel_loop3A_177 : i32 to index
            %parallel_loop3A_251 = arith.constant 64 : index
            %parallel_loop3A_252 = tpu.vector_load %arg8[%parallel_loop3A_250, %parallel_loop3A_251] {strides = array<i32>} : memref<32x128xf32, #tpu.memory_space<vmem>>, vector<16xf32>,
            tpu.vector_store %arg8[%parallel_loop3A_250, %parallel_loop3A_251], %parallel_loop3A_249 {strides = array<i32>} : memref<32x128xf32, #tpu.memory_space<vmem>>, vector<16xf32>,
            %parallel_loop3A_253 = arith.constant 0 : i32
            %parallel_loop3A_254 = arith.index_cast %parallel_loop3A_253 : i32 to index
            %parallel_loop3A_255 = arith.index_cast %parallel_loop3A_177 : i32 to index
            %parallel_loop3A_256 = arith.constant 80 : index
            %parallel_loop3A_257 = tpu.vector_load %arg7[%parallel_loop3A_254, %parallel_loop3A_255, %parallel_loop3A_256] {strides = array<i32>} : memref<2x32x128xi32, #tpu.memory_space<vmem>>, vector<16xi32>,
            %parallel_loop3A_258 = arith.constant 7 : i32
            %parallel_loop3A_259 = vector.broadcast %parallel_loop3A_258 : i32 to vector<16xi32>
            %parallel_loop3A_260 = arith.shrui %parallel_loop3A_257, %parallel_loop3A_259 : vector<16xi32>
            %parallel_loop3A_261 = arith.constant 127 : i32
            %parallel_loop3A_262 = vector.broadcast %parallel_loop3A_261 : i32 to vector<16xi32>
            %parallel_loop3A_263 = arith.andi %parallel_loop3A_257, %parallel_loop3A_262 : vector<16xi32>
            %parallel_loop3A_264 = tpu.vector_load_idx %arg5[%parallel_loop3A_260, %parallel_loop3A_263] : memref<782x128xf32, #tpu.memory_space<vmem>>[vector<16xi32>, vector<16xi32>], vector<16xf32>,
            %parallel_loop3A_265 = arith.index_cast %parallel_loop3A_177 : i32 to index
            %parallel_loop3A_266 = arith.constant 80 : index
            %parallel_loop3A_267 = tpu.vector_load %arg8[%parallel_loop3A_265, %parallel_loop3A_266] {strides = array<i32>} : memref<32x128xf32, #tpu.memory_space<vmem>>, vector<16xf32>,
            tpu.vector_store %arg8[%parallel_loop3A_265, %parallel_loop3A_266], %parallel_loop3A_264 {strides = array<i32>} : memref<32x128xf32, #tpu.memory_space<vmem>>, vector<16xf32>,
            %parallel_loop3A_268 = arith.constant 0 : i32
            %parallel_loop3A_269 = arith.index_cast %parallel_loop3A_268 : i32 to index
            %parallel_loop3A_270 = arith.index_cast %parallel_loop3A_177 : i32 to index
            %parallel_loop3A_271 = arith.constant 96 : index
            %parallel_loop3A_272 = tpu.vector_load %arg7[%parallel_loop3A_269, %parallel_loop3A_270, %parallel_loop3A_271] {strides = array<i32>} : memref<2x32x128xi32, #tpu.memory_space<vmem>>, vector<16xi32>,
            %parallel_loop3A_273 = arith.constant 7 : i32
            %parallel_loop3A_274 = vector.broadcast %parallel_loop3A_273 : i32 to vector<16xi32>
            %parallel_loop3A_275 = arith.shrui %parallel_loop3A_272, %parallel_loop3A_274 : vector<16xi32>
            %parallel_loop3A_276 = arith.constant 127 : i32
            %parallel_loop3A_277 = vector.broadcast %parallel_loop3A_276 : i32 to vector<16xi32>
            %parallel_loop3A_278 = arith.andi %parallel_loop3A_272, %parallel_loop3A_277 : vector<16xi32>
            %parallel_loop3A_279 = tpu.vector_load_idx %arg5[%parallel_loop3A_275, %parallel_loop3A_278] : memref<782x128xf32, #tpu.memory_space<vmem>>[vector<16xi32>, vector<16xi32>], vector<16xf32>,
            %parallel_loop3A_280 = arith.index_cast %parallel_loop3A_177 : i32 to index
            %parallel_loop3A_281 = arith.constant 96 : index
            %parallel_loop3A_282 = tpu.vector_load %arg8[%parallel_loop3A_280, %parallel_loop3A_281] {strides = array<i32>} : memref<32x128xf32, #tpu.memory_space<vmem>>, vector<16xf32>,
            tpu.vector_store %arg8[%parallel_loop3A_280, %parallel_loop3A_281], %parallel_loop3A_279 {strides = array<i32>} : memref<32x128xf32, #tpu.memory_space<vmem>>, vector<16xf32>,
            %parallel_loop3A_283 = arith.constant 0 : i32
            %parallel_loop3A_284 = arith.index_cast %parallel_loop3A_283 : i32 to index
            %parallel_loop3A_285 = arith.index_cast %parallel_loop3A_177 : i32 to index
            %parallel_loop3A_286 = arith.constant 112 : index
            %parallel_loop3A_287 = tpu.vector_load %arg7[%parallel_loop3A_284, %parallel_loop3A_285, %parallel_loop3A_286] {strides = array<i32>} : memref<2x32x128xi32, #tpu.memory_space<vmem>>, vector<16xi32>,
            %parallel_loop3A_288 = arith.constant 7 : i32
            %parallel_loop3A_289 = vector.broadcast %parallel_loop3A_288 : i32 to vector<16xi32>
            %parallel_loop3A_290 = arith.shrui %parallel_loop3A_287, %parallel_loop3A_289 : vector<16xi32>
            %parallel_loop3A_291 = arith.constant 127 : i32
            %parallel_loop3A_292 = vector.broadcast %parallel_loop3A_291 : i32 to vector<16xi32>
            %parallel_loop3A_293 = arith.andi %parallel_loop3A_287, %parallel_loop3A_292 : vector<16xi32>
            %parallel_loop3A_294 = tpu.vector_load_idx %arg5[%parallel_loop3A_290, %parallel_loop3A_293] : memref<782x128xf32, #tpu.memory_space<vmem>>[vector<16xi32>, vector<16xi32>], vector<16xf32>,
            %parallel_loop3A_295 = arith.index_cast %parallel_loop3A_177 : i32 to index
            %parallel_loop3A_296 = arith.constant 112 : index
            %parallel_loop3A_297 = tpu.vector_load %arg8[%parallel_loop3A_295, %parallel_loop3A_296] {strides = array<i32>} : memref<32x128xf32, #tpu.memory_space<vmem>>, vector<16xf32>,
            tpu.vector_store %arg8[%parallel_loop3A_295, %parallel_loop3A_296], %parallel_loop3A_294 {strides = array<i32>} : memref<32x128xf32, #tpu.memory_space<vmem>>, vector<16xf32>,
          } {sc.loop_unroll_factor = 4 : i64, sc.parallel_access}
          %dma_start3A_140 = arith.constant 0 : i32
          %dma_start3A_141 = arith.constant 0 : i32
          %dma_start3A_142 = tpu.memref_slice %arg4[%add3A_133, %select_n3A, %dma_start3A_140, %select_n3A_39, %dma_start3A_141] : memref<200x8x32x8x128xf32, #tpu.memory_space<hbm>> -> memref<1x1x32x1x128xf32, #tpu.memory_space<hbm>>
          %dma_start3A_143 = tpu.memref_squeeze %dma_start3A_142 : memref<1x1x32x1x128xf32, #tpu.memory_space<hbm>> -> memref<32x128xf32, #tpu.memory_space<hbm>>
          %dma_start3A_144 = arith.constant 0 : i32
          %dma_start3A_145 = arith.constant 0 : i32
          %dma_start3A_146 = tpu.memref_slice %arg4[%add3A_133, %select_n3A, %dma_start3A_144, %select_n3A_39, %dma_start3A_145] : memref<200x8x32x8x128xf32, #tpu.memory_space<hbm>> -> memref<1x1x32x1x128xf32, #tpu.memory_space<hbm>>
          %dma_start3A_147 = tpu.memref_squeeze %dma_start3A_146 : memref<1x1x32x1x128xf32, #tpu.memory_space<hbm>> -> memref<32x128xf32, #tpu.memory_space<hbm>>
          tpu.enqueue_dma source(%arg8 : memref<32x128xf32, #tpu.memory_space<vmem>>) target(%dma_start3A_147 : memref<32x128xf32, #tpu.memory_space<hbm>>) target_semaphore(%arg14 : memref<!tpu.dma_semaphore, #tpu.memory_space<semaphore_mem>>)
          %mul3A_148 = arith.constant 2 : i32
          %mul3A_149 = arith.muli %mul3A_148, %scan3A_93 : i32
          %add3A_150 = arith.constant 1 : i32
          %add3A_151 = arith.addi %mul3A_149, %add3A_150 : i32
          %add3A_152 = arith.constant 192 : i32
          %add3A_153 = arith.addi %add3A_152, %add3A_151 : i32
          %ge3A_154 = arith.constant 2 : i32
          %ge3A_155 = arith.cmpi sge, %add3A_153, %ge3A_154 : i32
          %convert_element_type3A_156 = arith.extui %ge3A_155 : i1 to i32
          %cond3A_157 = arith.constant 0 : i32
          %cond3A_158 = arith.cmpi ne, %convert_element_type3A_156, %cond3A_157 : i32
          scf.if %cond3A_158 {
            %sub3A_177 = arith.constant 2 : i32
            %sub3A_178 = arith.subi %add3A_153, %sub3A_177 : i32
            %dma_wait3A_179 = arith.constant 0 : i32
            %dma_wait3A_180 = arith.constant 0 : i32
            %dma_wait3A_181 = tpu.memref_slice %arg4[%sub3A_178, %select_n3A, %dma_wait3A_179, %select_n3A_39, %dma_wait3A_180] : memref<200x8x32x8x128xf32, #tpu.memory_space<hbm>> -> memref<1x1x32x1x128xf32, #tpu.memory_space<hbm>>
            %dma_wait3A_182 = tpu.memref_squeeze %dma_wait3A_181 : memref<1x1x32x1x128xf32, #tpu.memory_space<hbm>> -> memref<32x128xf32, #tpu.memory_space<hbm>>
            %dma_wait3A_183 = arith.constant 0 : i32
            %dma_wait3A_184 = arith.constant 0 : i32
            %dma_wait3A_185 = tpu.memref_slice %arg4[%sub3A_178, %select_n3A, %dma_wait3A_183, %select_n3A_39, %dma_wait3A_184] : memref<200x8x32x8x128xf32, #tpu.memory_space<hbm>> -> memref<1x1x32x1x128xf32, #tpu.memory_space<hbm>>
            %dma_wait3A_186 = tpu.memref_squeeze %dma_wait3A_185 : memref<1x1x32x1x128xf32, #tpu.memory_space<hbm>> -> memref<32x128xf32, #tpu.memory_space<hbm>>
            tpu.wait_dma2 semaphore(%arg15 : memref<!tpu.dma_semaphore, #tpu.memory_space<semaphore_mem>>) src(%arg9 : memref<32x128xf32, #tpu.memory_space<vmem>>) dst(%dma_wait3A_186 : memref<32x128xf32, #tpu.memory_space<hbm>>)
          } else {
          }
          %parallel_loop3A_159 = arith.constant 0 : i32
          %parallel_loop3A_160 = arith.constant 32 : i32
          %parallel_loop3A_161 = arith.constant 1 : i32
          scf.for %parallel_loop3A_177 = %parallel_loop3A_159 to %parallel_loop3A_160 step %parallel_loop3A_161  : i32 {
            %parallel_loop3A_178 = arith.constant 1 : i32
            %parallel_loop3A_179 = arith.index_cast %parallel_loop3A_178 : i32 to index
            %parallel_loop3A_180 = arith.index_cast %parallel_loop3A_177 : i32 to index
            %parallel_loop3A_181 = arith.constant 0 : index
            %parallel_loop3A_182 = tpu.vector_load %arg7[%parallel_loop3A_179, %parallel_loop3A_180, %parallel_loop3A_181] {strides = array<i32>} : memref<2x32x128xi32, #tpu.memory_space<vmem>>, vector<16xi32>,
            %parallel_loop3A_183 = arith.constant 7 : i32
            %parallel_loop3A_184 = vector.broadcast %parallel_loop3A_183 : i32 to vector<16xi32>
            %parallel_loop3A_185 = arith.shrui %parallel_loop3A_182, %parallel_loop3A_184 : vector<16xi32>
            %parallel_loop3A_186 = arith.constant 127 : i32
            %parallel_loop3A_187 = vector.broadcast %parallel_loop3A_186 : i32 to vector<16xi32>
            %parallel_loop3A_188 = arith.andi %parallel_loop3A_182, %parallel_loop3A_187 : vector<16xi32>
            %parallel_loop3A_189 = tpu.vector_load_idx %arg5[%parallel_loop3A_185, %parallel_loop3A_188] : memref<782x128xf32, #tpu.memory_space<vmem>>[vector<16xi32>, vector<16xi32>], vector<16xf32>,
            %parallel_loop3A_190 = arith.index_cast %parallel_loop3A_177 : i32 to index
            %parallel_loop3A_191 = arith.constant 0 : index
            %parallel_loop3A_192 = tpu.vector_load %arg9[%parallel_loop3A_190, %parallel_loop3A_191] {strides = array<i32>} : memref<32x128xf32, #tpu.memory_space<vmem>>, vector<16xf32>,
            tpu.vector_store %arg9[%parallel_loop3A_190, %parallel_loop3A_191], %parallel_loop3A_189 {strides = array<i32>} : memref<32x128xf32, #tpu.memory_space<vmem>>, vector<16xf32>,
            %parallel_loop3A_193 = arith.constant 1 : i32
            %parallel_loop3A_194 = arith.index_cast %parallel_loop3A_193 : i32 to index
            %parallel_loop3A_195 = arith.index_cast %parallel_loop3A_177 : i32 to index
            %parallel_loop3A_196 = arith.constant 16 : index
            %parallel_loop3A_197 = tpu.vector_load %arg7[%parallel_loop3A_194, %parallel_loop3A_195, %parallel_loop3A_196] {strides = array<i32>} : memref<2x32x128xi32, #tpu.memory_space<vmem>>, vector<16xi32>,
            %parallel_loop3A_198 = arith.constant 7 : i32
            %parallel_loop3A_199 = vector.broadcast %parallel_loop3A_198 : i32 to vector<16xi32>
            %parallel_loop3A_200 = arith.shrui %parallel_loop3A_197, %parallel_loop3A_199 : vector<16xi32>
            %parallel_loop3A_201 = arith.constant 127 : i32
            %parallel_loop3A_202 = vector.broadcast %parallel_loop3A_201 : i32 to vector<16xi32>
            %parallel_loop3A_203 = arith.andi %parallel_loop3A_197, %parallel_loop3A_202 : vector<16xi32>
            %parallel_loop3A_204 = tpu.vector_load_idx %arg5[%parallel_loop3A_200, %parallel_loop3A_203] : memref<782x128xf32, #tpu.memory_space<vmem>>[vector<16xi32>, vector<16xi32>], vector<16xf32>,
            %parallel_loop3A_205 = arith.index_cast %parallel_loop3A_177 : i32 to index
            %parallel_loop3A_206 = arith.constant 16 : index
            %parallel_loop3A_207 = tpu.vector_load %arg9[%parallel_loop3A_205, %parallel_loop3A_206] {strides = array<i32>} : memref<32x128xf32, #tpu.memory_space<vmem>>, vector<16xf32>,
            tpu.vector_store %arg9[%parallel_loop3A_205, %parallel_loop3A_206], %parallel_loop3A_204 {strides = array<i32>} : memref<32x128xf32, #tpu.memory_space<vmem>>, vector<16xf32>,
            %parallel_loop3A_208 = arith.constant 1 : i32
            %parallel_loop3A_209 = arith.index_cast %parallel_loop3A_208 : i32 to index
            %parallel_loop3A_210 = arith.index_cast %parallel_loop3A_177 : i32 to index
            %parallel_loop3A_211 = arith.constant 32 : index
            %parallel_loop3A_212 = tpu.vector_load %arg7[%parallel_loop3A_209, %parallel_loop3A_210, %parallel_loop3A_211] {strides = array<i32>} : memref<2x32x128xi32, #tpu.memory_space<vmem>>, vector<16xi32>,
            %parallel_loop3A_213 = arith.constant 7 : i32
            %parallel_loop3A_214 = vector.broadcast %parallel_loop3A_213 : i32 to vector<16xi32>
            %parallel_loop3A_215 = arith.shrui %parallel_loop3A_212, %parallel_loop3A_214 : vector<16xi32>
            %parallel_loop3A_216 = arith.constant 127 : i32
            %parallel_loop3A_217 = vector.broadcast %parallel_loop3A_216 : i32 to vector<16xi32>
            %parallel_loop3A_218 = arith.andi %parallel_loop3A_212, %parallel_loop3A_217 : vector<16xi32>
            %parallel_loop3A_219 = tpu.vector_load_idx %arg5[%parallel_loop3A_215, %parallel_loop3A_218] : memref<782x128xf32, #tpu.memory_space<vmem>>[vector<16xi32>, vector<16xi32>], vector<16xf32>,
            %parallel_loop3A_220 = arith.index_cast %parallel_loop3A_177 : i32 to index
            %parallel_loop3A_221 = arith.constant 32 : index
            %parallel_loop3A_222 = tpu.vector_load %arg9[%parallel_loop3A_220, %parallel_loop3A_221] {strides = array<i32>} : memref<32x128xf32, #tpu.memory_space<vmem>>, vector<16xf32>,
            tpu.vector_store %arg9[%parallel_loop3A_220, %parallel_loop3A_221], %parallel_loop3A_219 {strides = array<i32>} : memref<32x128xf32, #tpu.memory_space<vmem>>, vector<16xf32>,
            %parallel_loop3A_223 = arith.constant 1 : i32
            %parallel_loop3A_224 = arith.index_cast %parallel_loop3A_223 : i32 to index
            %parallel_loop3A_225 = arith.index_cast %parallel_loop3A_177 : i32 to index
            %parallel_loop3A_226 = arith.constant 48 : index
            %parallel_loop3A_227 = tpu.vector_load %arg7[%parallel_loop3A_224, %parallel_loop3A_225, %parallel_loop3A_226] {strides = array<i32>} : memref<2x32x128xi32, #tpu.memory_space<vmem>>, vector<16xi32>,
            %parallel_loop3A_228 = arith.constant 7 : i32
            %parallel_loop3A_229 = vector.broadcast %parallel_loop3A_228 : i32 to vector<16xi32>
            %parallel_loop3A_230 = arith.shrui %parallel_loop3A_227, %parallel_loop3A_229 : vector<16xi32>
            %parallel_loop3A_231 = arith.constant 127 : i32
            %parallel_loop3A_232 = vector.broadcast %parallel_loop3A_231 : i32 to vector<16xi32>
            %parallel_loop3A_233 = arith.andi %parallel_loop3A_227, %parallel_loop3A_232 : vector<16xi32>
            %parallel_loop3A_234 = tpu.vector_load_idx %arg5[%parallel_loop3A_230, %parallel_loop3A_233] : memref<782x128xf32, #tpu.memory_space<vmem>>[vector<16xi32>, vector<16xi32>], vector<16xf32>,
            %parallel_loop3A_235 = arith.index_cast %parallel_loop3A_177 : i32 to index
            %parallel_loop3A_236 = arith.constant 48 : index
            %parallel_loop3A_237 = tpu.vector_load %arg9[%parallel_loop3A_235, %parallel_loop3A_236] {strides = array<i32>} : memref<32x128xf32, #tpu.memory_space<vmem>>, vector<16xf32>,
            tpu.vector_store %arg9[%parallel_loop3A_235, %parallel_loop3A_236], %parallel_loop3A_234 {strides = array<i32>} : memref<32x128xf32, #tpu.memory_space<vmem>>, vector<16xf32>,
            %parallel_loop3A_238 = arith.constant 1 : i32
            %parallel_loop3A_239 = arith.index_cast %parallel_loop3A_238 : i32 to index
            %parallel_loop3A_240 = arith.index_cast %parallel_loop3A_177 : i32 to index
            %parallel_loop3A_241 = arith.constant 64 : index
            %parallel_loop3A_242 = tpu.vector_load %arg7[%parallel_loop3A_239, %parallel_loop3A_240, %parallel_loop3A_241] {strides = array<i32>} : memref<2x32x128xi32, #tpu.memory_space<vmem>>, vector<16xi32>,
            %parallel_loop3A_243 = arith.constant 7 : i32
            %parallel_loop3A_244 = vector.broadcast %parallel_loop3A_243 : i32 to vector<16xi32>
            %parallel_loop3A_245 = arith.shrui %parallel_loop3A_242, %parallel_loop3A_244 : vector<16xi32>
            %parallel_loop3A_246 = arith.constant 127 : i32
            %parallel_loop3A_247 = vector.broadcast %parallel_loop3A_246 : i32 to vector<16xi32>
            %parallel_loop3A_248 = arith.andi %parallel_loop3A_242, %parallel_loop3A_247 : vector<16xi32>
            %parallel_loop3A_249 = tpu.vector_load_idx %arg5[%parallel_loop3A_245, %parallel_loop3A_248] : memref<782x128xf32, #tpu.memory_space<vmem>>[vector<16xi32>, vector<16xi32>], vector<16xf32>,
            %parallel_loop3A_250 = arith.index_cast %parallel_loop3A_177 : i32 to index
            %parallel_loop3A_251 = arith.constant 64 : index
            %parallel_loop3A_252 = tpu.vector_load %arg9[%parallel_loop3A_250, %parallel_loop3A_251] {strides = array<i32>} : memref<32x128xf32, #tpu.memory_space<vmem>>, vector<16xf32>,
            tpu.vector_store %arg9[%parallel_loop3A_250, %parallel_loop3A_251], %parallel_loop3A_249 {strides = array<i32>} : memref<32x128xf32, #tpu.memory_space<vmem>>, vector<16xf32>,
            %parallel_loop3A_253 = arith.constant 1 : i32
            %parallel_loop3A_254 = arith.index_cast %parallel_loop3A_253 : i32 to index
            %parallel_loop3A_255 = arith.index_cast %parallel_loop3A_177 : i32 to index
            %parallel_loop3A_256 = arith.constant 80 : index
            %parallel_loop3A_257 = tpu.vector_load %arg7[%parallel_loop3A_254, %parallel_loop3A_255, %parallel_loop3A_256] {strides = array<i32>} : memref<2x32x128xi32, #tpu.memory_space<vmem>>, vector<16xi32>,
            %parallel_loop3A_258 = arith.constant 7 : i32
            %parallel_loop3A_259 = vector.broadcast %parallel_loop3A_258 : i32 to vector<16xi32>
            %parallel_loop3A_260 = arith.shrui %parallel_loop3A_257, %parallel_loop3A_259 : vector<16xi32>
            %parallel_loop3A_261 = arith.constant 127 : i32
            %parallel_loop3A_262 = vector.broadcast %parallel_loop3A_261 : i32 to vector<16xi32>
            %parallel_loop3A_263 = arith.andi %parallel_loop3A_257, %parallel_loop3A_262 : vector<16xi32>
            %parallel_loop3A_264 = tpu.vector_load_idx %arg5[%parallel_loop3A_260, %parallel_loop3A_263] : memref<782x128xf32, #tpu.memory_space<vmem>>[vector<16xi32>, vector<16xi32>], vector<16xf32>,
            %parallel_loop3A_265 = arith.index_cast %parallel_loop3A_177 : i32 to index
            %parallel_loop3A_266 = arith.constant 80 : index
            %parallel_loop3A_267 = tpu.vector_load %arg9[%parallel_loop3A_265, %parallel_loop3A_266] {strides = array<i32>} : memref<32x128xf32, #tpu.memory_space<vmem>>, vector<16xf32>,
            tpu.vector_store %arg9[%parallel_loop3A_265, %parallel_loop3A_266], %parallel_loop3A_264 {strides = array<i32>} : memref<32x128xf32, #tpu.memory_space<vmem>>, vector<16xf32>,
            %parallel_loop3A_268 = arith.constant 1 : i32
            %parallel_loop3A_269 = arith.index_cast %parallel_loop3A_268 : i32 to index
            %parallel_loop3A_270 = arith.index_cast %parallel_loop3A_177 : i32 to index
            %parallel_loop3A_271 = arith.constant 96 : index
            %parallel_loop3A_272 = tpu.vector_load %arg7[%parallel_loop3A_269, %parallel_loop3A_270, %parallel_loop3A_271] {strides = array<i32>} : memref<2x32x128xi32, #tpu.memory_space<vmem>>, vector<16xi32>,
            %parallel_loop3A_273 = arith.constant 7 : i32
            %parallel_loop3A_274 = vector.broadcast %parallel_loop3A_273 : i32 to vector<16xi32>
            %parallel_loop3A_275 = arith.shrui %parallel_loop3A_272, %parallel_loop3A_274 : vector<16xi32>
            %parallel_loop3A_276 = arith.constant 127 : i32
            %parallel_loop3A_277 = vector.broadcast %parallel_loop3A_276 : i32 to vector<16xi32>
            %parallel_loop3A_278 = arith.andi %parallel_loop3A_272, %parallel_loop3A_277 : vector<16xi32>
            %parallel_loop3A_279 = tpu.vector_load_idx %arg5[%parallel_loop3A_275, %parallel_loop3A_278] : memref<782x128xf32, #tpu.memory_space<vmem>>[vector<16xi32>, vector<16xi32>], vector<16xf32>,
            %parallel_loop3A_280 = arith.index_cast %parallel_loop3A_177 : i32 to index
            %parallel_loop3A_281 = arith.constant 96 : index
            %parallel_loop3A_282 = tpu.vector_load %arg9[%parallel_loop3A_280, %parallel_loop3A_281] {strides = array<i32>} : memref<32x128xf32, #tpu.memory_space<vmem>>, vector<16xf32>,
            tpu.vector_store %arg9[%parallel_loop3A_280, %parallel_loop3A_281], %parallel_loop3A_279 {strides = array<i32>} : memref<32x128xf32, #tpu.memory_space<vmem>>, vector<16xf32>,
            %parallel_loop3A_283 = arith.constant 1 : i32
            %parallel_loop3A_284 = arith.index_cast %parallel_loop3A_283 : i32 to index
            %parallel_loop3A_285 = arith.index_cast %parallel_loop3A_177 : i32 to index
            %parallel_loop3A_286 = arith.constant 112 : index
            %parallel_loop3A_287 = tpu.vector_load %arg7[%parallel_loop3A_284, %parallel_loop3A_285, %parallel_loop3A_286] {strides = array<i32>} : memref<2x32x128xi32, #tpu.memory_space<vmem>>, vector<16xi32>,
            %parallel_loop3A_288 = arith.constant 7 : i32
            %parallel_loop3A_289 = vector.broadcast %parallel_loop3A_288 : i32 to vector<16xi32>
            %parallel_loop3A_290 = arith.shrui %parallel_loop3A_287, %parallel_loop3A_289 : vector<16xi32>
            %parallel_loop3A_291 = arith.constant 127 : i32
            %parallel_loop3A_292 = vector.broadcast %parallel_loop3A_291 : i32 to vector<16xi32>
            %parallel_loop3A_293 = arith.andi %parallel_loop3A_287, %parallel_loop3A_292 : vector<16xi32>
            %parallel_loop3A_294 = tpu.vector_load_idx %arg5[%parallel_loop3A_290, %parallel_loop3A_293] : memref<782x128xf32, #tpu.memory_space<vmem>>[vector<16xi32>, vector<16xi32>], vector<16xf32>,
            %parallel_loop3A_295 = arith.index_cast %parallel_loop3A_177 : i32 to index
            %parallel_loop3A_296 = arith.constant 112 : index
            %parallel_loop3A_297 = tpu.vector_load %arg9[%parallel_loop3A_295, %parallel_loop3A_296] {strides = array<i32>} : memref<32x128xf32, #tpu.memory_space<vmem>>, vector<16xf32>,
            tpu.vector_store %arg9[%parallel_loop3A_295, %parallel_loop3A_296], %parallel_loop3A_294 {strides = array<i32>} : memref<32x128xf32, #tpu.memory_space<vmem>>, vector<16xf32>,
          } {sc.loop_unroll_factor = 4 : i64, sc.parallel_access}
          %dma_start3A_162 = arith.constant 0 : i32
          %dma_start3A_163 = arith.constant 0 : i32
          %dma_start3A_164 = tpu.memref_slice %arg4[%add3A_153, %select_n3A, %dma_start3A_162, %select_n3A_39, %dma_start3A_163] : memref<200x8x32x8x128xf32, #tpu.memory_space<hbm>> -> memref<1x1x32x1x128xf32, #tpu.memory_space<hbm>>
          %dma_start3A_165 = tpu.memref_squeeze %dma_start3A_164 : memref<1x1x32x1x128xf32, #tpu.memory_space<hbm>> -> memref<32x128xf32, #tpu.memory_space<hbm>>
          %dma_start3A_166 = arith.constant 0 : i32
          %dma_start3A_167 = arith.constant 0 : i32
          %dma_start3A_168 = tpu.memref_slice %arg4[%add3A_153, %select_n3A, %dma_start3A_166, %select_n3A_39, %dma_start3A_167] : memref<200x8x32x8x128xf32, #tpu.memory_space<hbm>> -> memref<1x1x32x1x128xf32, #tpu.memory_space<hbm>>
          %dma_start3A_169 = tpu.memref_squeeze %dma_start3A_168 : memref<1x1x32x1x128xf32, #tpu.memory_space<hbm>> -> memref<32x128xf32, #tpu.memory_space<hbm>>
          tpu.enqueue_dma source(%arg9 : memref<32x128xf32, #tpu.memory_space<vmem>>) target(%dma_start3A_169 : memref<32x128xf32, #tpu.memory_space<hbm>>) target_semaphore(%arg15 : memref<!tpu.dma_semaphore, #tpu.memory_space<semaphore_mem>>)
          %add3A_170 = arith.constant 2 : i32
          %add3A_171 = arith.addi %scan3A_93, %add3A_170 : i32
          %lt3A_172 = arith.constant 4 : i32
          %lt3A_173 = arith.cmpi slt, %add3A_171, %lt3A_172 : i32
          %convert_element_type3A_174 = arith.extui %lt3A_173 : i1 to i32
          %cond3A_175 = arith.constant 0 : i32
          %cond3A_176 = arith.cmpi ne, %convert_element_type3A_174, %cond3A_175 : i32
          scf.if %cond3A_176 {
            %add3A_177 = arith.constant 2 : i32
            %add3A_178 = arith.addi %scan3A_93, %add3A_177 : i32
            %mul3A_179 = arith.constant 2 : i32
            %mul3A_180 = arith.muli %mul3A_179, %add3A_178 : i32
            %dma_start3A_181 = arith.constant 0 : i32
            %dma_start3A_182 = arith.constant 0 : i32
            %dma_start3A_183 = tpu.memref_slice %arg10[%mul3A_180, %dma_start3A_181, %dma_start3A_182] : memref<12x32x128xi32, #tpu.memory_space<vmem_shared>> -> memref<2x32x128xi32, #tpu.memory_space<vmem_shared>>
            %dma_start3A_184 = arith.constant 0 : i32
            %dma_start3A_185 = arith.constant 0 : i32
            %dma_start3A_186 = tpu.memref_slice %arg10[%mul3A_180, %dma_start3A_184, %dma_start3A_185] : memref<12x32x128xi32, #tpu.memory_space<vmem_shared>> -> memref<2x32x128xi32, #tpu.memory_space<vmem_shared>>
            tpu.enqueue_dma source(%dma_start3A_186 : memref<2x32x128xi32, #tpu.memory_space<vmem_shared>>) target(%arg7 : memref<2x32x128xi32, #tpu.memory_space<vmem>>) target_semaphore(%arg13 : memref<!tpu.dma_semaphore, #tpu.memory_space<semaphore_mem>>)
          } else {
          }
        } else {
        }
      }
      %scan3A_74 = arith.constant 4 : i32
      %barrier3A_75 = arith.constant 0 : index
      tpu.barrier barrier_id(%barrier3A_75)
      %dma_wait3A = arith.constant 198 : i32
      %dma_wait3A_76 = arith.constant 0 : i32
      %dma_wait3A_77 = arith.constant 0 : i32
      %dma_wait3A_78 = tpu.memref_slice %arg4[%dma_wait3A, %select_n3A, %dma_wait3A_76, %select_n3A_39, %dma_wait3A_77] : memref<200x8x32x8x128xf32, #tpu.memory_space<hbm>> -> memref<1x1x32x1x128xf32, #tpu.memory_space<hbm>>
      %dma_wait3A_79 = tpu.memref_squeeze %dma_wait3A_78 : memref<1x1x32x1x128xf32, #tpu.memory_space<hbm>> -> memref<32x128xf32, #tpu.memory_space<hbm>>
      %dma_wait3A_80 = arith.constant 0 : i32
      %dma_wait3A_81 = arith.constant 0 : i32
      %dma_wait3A_82 = tpu.memref_slice %arg4[%dma_wait3A, %select_n3A, %dma_wait3A_80, %select_n3A_39, %dma_wait3A_81] : memref<200x8x32x8x128xf32, #tpu.memory_space<hbm>> -> memref<1x1x32x1x128xf32, #tpu.memory_space<hbm>>
      %dma_wait3A_83 = tpu.memref_squeeze %dma_wait3A_82 : memref<1x1x32x1x128xf32, #tpu.memory_space<hbm>> -> memref<32x128xf32, #tpu.memory_space<hbm>>
      tpu.wait_dma2 semaphore(%arg14 : memref<!tpu.dma_semaphore, #tpu.memory_space<semaphore_mem>>) src(%arg8 : memref<32x128xf32, #tpu.memory_space<vmem>>) dst(%dma_wait3A_83 : memref<32x128xf32, #tpu.memory_space<hbm>>)
      %dma_wait3A_84 = arith.constant 199 : i32
      %dma_wait3A_85 = arith.constant 0 : i32
      %dma_wait3A_86 = arith.constant 0 : i32
      %dma_wait3A_87 = tpu.memref_slice %arg4[%dma_wait3A_84, %select_n3A, %dma_wait3A_85, %select_n3A_39, %dma_wait3A_86] : memref<200x8x32x8x128xf32, #tpu.memory_space<hbm>> -> memref<1x1x32x1x128xf32, #tpu.memory_space<hbm>>
      %dma_wait3A_88 = tpu.memref_squeeze %dma_wait3A_87 : memref<1x1x32x1x128xf32, #tpu.memory_space<hbm>> -> memref<32x128xf32, #tpu.memory_space<hbm>>
      %dma_wait3A_89 = arith.constant 0 : i32
      %dma_wait3A_90 = arith.constant 0 : i32
      %dma_wait3A_91 = tpu.memref_slice %arg4[%dma_wait3A_84, %select_n3A, %dma_wait3A_89, %select_n3A_39, %dma_wait3A_90] : memref<200x8x32x8x128xf32, #tpu.memory_space<hbm>> -> memref<1x1x32x1x128xf32, #tpu.memory_space<hbm>>
      %dma_wait3A_92 = tpu.memref_squeeze %dma_wait3A_91 : memref<1x1x32x1x128xf32, #tpu.memory_space<hbm>> -> memref<32x128xf32, #tpu.memory_space<hbm>>
      tpu.wait_dma2 semaphore(%arg15 : memref<!tpu.dma_semaphore, #tpu.memory_space<semaphore_mem>>) src(%arg9 : memref<32x128xf32, #tpu.memory_space<vmem>>) dst(%dma_wait3A_92 : memref<32x128xf32, #tpu.memory_space<hbm>>)
    }
    %scan3A_5 = arith.constant 2 : i32
    return
  }
}

</mosaic_0001>

<sc_bundles>
// kernel: kernel.3.cloned.1.call-start
scs
__scs_entry_jumppad:
0x0: {  	(pc) =	sbr.rel $0x88, $3  }
0x1: {  	(tag) =	ssettag $0x0;
	lr =	simm.s32 $0x1  }
0x2: {  	[smem:$0x3F9F] =	sst lr;
	_ =	strace $0xD0000000  }
0x3: {  	_ = 	snop  }
0x4: {  	_ = 	snop  }
0x5: {  	_ = 	snop  }
0x6: {  	_ = 	snop  }
0x7: {  	_ = 	snop  }
__scs_overlays_trampoline_lowered:
0x8: {  	[smem:$0x3FAE] =	sst s0  }
0x9: {  	[smem:$0x3FAF] =	sst s1  }
0xa: {  	[smem:$0x3FB0] =	sst s2  }
0xb: {  	[smem:$0x3FB1] =	sst s3  }
0xc: {  	[smem:$0x3FB2] =	sst s4  }
0xd: {  	[smem:$0x3FB3] =	sst s5  }
0xe: {  	[smem:$0x3FB4] =	sst s6  }
0xf: {  	[smem:$0x3FB5] =	sst s7  }
0x10: {  	[smem:$0x3FB6] =	sst s8  }
0x11: {  	[smem:$0x3FB7] =	sst s9;
	s0 =	simm.s32 @!p0 $0x0  }
0x12: {  	s1 =	sld [smem:$0x3F9D];
	s0 =	simm.s32 @p0 $0x1  }
0x13: {  	[smem:$0x3FB8] =	sst s0;
	s0 =	simm.s32 @!p1 $0x0  }
0x14: {  	s2 =	sld [smem:$0x3F9C];
	s0 =	simm.s32 @p1 $0x1  }
0x15: {  	[smem:$0x3FB9] =	sst s0;
	s0 =	simm.s32 @!p2 $0x0  }
0x16: {  	s3 =	sld [smem:$0x3FDB];
	s0 =	simm.s32 @p2 $0x1  }
0x17: {  	s4 =	simm.s32 $0x1BF5;
	[smem:$0x3FBB] =	sst s0  }
0x18: {  	s0 =	sld [smem:$0x3F9E];
	_ =	swait.ge [sflag:s4], $0x0  }
0x19: {  	s7 =	sld [smem:$0x3F9F]  }
0x1a: {  	s8 =	sadd.s32 $0xFFFFE003, lr  }
0x1b: {  	s9 =	sadd.s32 $0xFFFFFEF7, lr;
	s5 =	simm.s32 $0xFFFFFFFF;
	p2 =	slt.u32 s8, $0xFFFFF086  }
0x1c: {  	p1 =	slt.u32 s9, $0xF7A;
	s5 =	simm.s32 @!p2 $0x0  }
0x1d: {  	s5 =	simm.s32 @p1 $0x1;
	p0 =	seq.s32 s7, s2  }
0x1e: {  	s7 =	smul.u32 @!p0 $0xF7A, s2;
	p2 =	seq.s32 @!p0 s5, $0x0  }
0x1f: {  	s9 =	smul.u32 $0xF7A, s1;
	s8 =	simm.s32 @!p0 $0x1BF5;
	p2 =	por !p2, p0  }
0x20: {  	[sflag:s8] =	ssyncset.s32 @!p0 $0xFFFFF086;
	s6 =	sadd.s32 @!p0 s3, s7;
	s7 =	simm.s32 @!p0 $0x108  }
0x21: {  	s3 =	sadd.s32 s3, s9;
	s6 =	sadd.s32 @!p0 $0x88, s6;
	s7 =	simm.s32 @p2 $0x1082  }
0x22: {  	[simem:s7], [sflag:s8] =	dma.local @!p0 [hbm:s6], $0xF7A  }
0x23: {  	s9 =	sor.u32 $0xD0000000, s2;
	s6 =	simm.s32 $0x108;
	_ =	swait.ge @!p0 [sflag:s8], $0x0  }
0x24: {  	s3 =	sadd.s32 $0x88, s3;
	s6 =	simm.s32 @!p1 $0x1082;
	[sflag:s4] =	ssyncset.s32 $0xFFFFF086  }
0x25: {  	[simem:s6], [sflag:s4] =	dma.local [hbm:s3], $0xF7A  }
0x26: {  	[smem:$0x3F9F] =	sst s1;
	(tag) =	ssettag s2;
	_ =	strace s9  }
0x27: {  	s1 =	sld [smem:$0x3FAF]  }
0x28: {  	s2 =	sld [smem:$0x3FB0]  }
0x29: {  	s4 =	sld [smem:$0x3FB2]  }
0x2a: {  	p0 =	seq.s32 s5, $0x0;
	s5 =	sld [smem:$0x3FB3]  }
0x2b: {  	s6 =	sld [smem:$0x3FB4]  }
0x2c: {  	s7 =	sld [smem:$0x3FB5]  }
0x2d: {  	s3 =	simm.s32 $0x108;
	s8 =	sld [smem:$0x3FB6]  }
0x2e: {  	s3 =	simm.s32 @!p0 $0x1082;
	s9 =	sld [smem:$0x3FB7]  }
0x2f: {  	lr =	sadd.s32 s0, s3;
	s0 =	sld [smem:$0x3FAE]  }
0x30: {  	s3 =	sld [smem:$0x3FB1]  }
0x31: {  	[smem:$0x3FBA] =	sst s10  }
0x32: {  	s10 =	sld [smem:$0x3FB8];
	_ =	sdelay $0x3  }
0x33: {  	p0 =	seq.s32 s10, $0x1;
	s10 =	sld [smem:$0x3FBA];
	_ =	sdelay $0x3  }
0x34: {  	[smem:$0x3FBA] =	sst s10  }
0x35: {  	s10 =	sld [smem:$0x3FB9];
	_ =	sdelay $0x3  }
0x36: {  	p1 =	seq.s32 s10, $0x1;
	s10 =	sld [smem:$0x3FBA];
	_ =	sdelay $0x3  }
0x37: {  	[smem:$0x3FBA] =	sst s10  }
0x38: {  	s10 =	sld [smem:$0x3FBB]  }
0x39: {  	_ = 	snop;
	(pc) =	sbr.ind lr, $3  }
0x3a: {  	_ = 	snop  }
0x3b: {  	_ = 	snop  }
0x3c: {  	p2 =	seq.s32 s10, $0x1;
	s10 =	sld [smem:$0x3FBA]  }
0x3d: {  	_ =	shalt  }
0x3e: {  	_ =	shalt  }
0x3f: {  	_ =	shalt  }
0x40: {  	_ =	shalt  }
0x41: {  	_ =	shalt  }
0x42: {  	_ =	shalt  }
0x43: {  	_ =	shalt  }
0x44: {  	_ =	shalt  }
0x45: {  	_ =	shalt  }
0x46: {  	_ =	shalt  }
0x47: {  	_ =	shalt  }
0x48: {  	_ =	shalt  }
0x49: {  	_ =	shalt  }
0x4a: {  	_ =	shalt  }
0x4b: {  	_ =	shalt  }
0x4c: {  	_ =	shalt  }
0x4d: {  	_ =	shalt  }
0x4e: {  	_ =	shalt  }
0x4f: {  	_ =	shalt  }
0x50: {  	_ =	shalt  }
0x51: {  	_ =	shalt  }
0x52: {  	_ =	shalt  }
0x53: {  	_ =	shalt  }
0x54: {  	_ =	shalt  }
0x55: {  	_ =	shalt  }
0x56: {  	_ =	shalt  }
0x57: {  	_ =	shalt  }
0x58: {  	_ =	shalt  }
0x59: {  	_ =	shalt  }
0x5a: {  	_ =	shalt  }
0x5b: {  	_ =	shalt  }
0x5c: {  	_ =	shalt  }
0x5d: {  	_ =	shalt  }
0x5e: {  	_ =	shalt  }
0x5f: {  	_ =	shalt  }
0x60: {  	_ =	shalt  }
0x61: {  	_ =	shalt  }
0x62: {  	_ =	shalt  }
0x63: {  	_ =	shalt  }
0x64: {  	_ =	shalt  }
0x65: {  	_ =	shalt  }
0x66: {  	_ =	shalt  }
0x67: {  	_ =	shalt  }
0x68: {  	_ =	shalt  }
0x69: {  	_ =	shalt  }
0x6a: {  	_ =	shalt  }
0x6b: {  	_ =	shalt  }
0x6c: {  	_ =	shalt  }
0x6d: {  	_ =	shalt  }
0x6e: {  	_ =	shalt  }
0x6f: {  	_ =	shalt  }
0x70: {  	_ =	shalt  }
0x71: {  	_ =	shalt  }
0x72: {  	_ =	shalt  }
0x73: {  	_ =	shalt  }
0x74: {  	_ =	shalt  }
0x75: {  	_ =	shalt  }
0x76: {  	_ =	shalt  }
0x77: {  	_ =	shalt  }
0x78: {  	_ =	shalt  }
0x79: {  	_ =	shalt  }
0x7a: {  	_ =	shalt  }
0x7b: {  	_ =	shalt  }
0x7c: {  	_ =	shalt  }
0x7d: {  	_ =	shalt  }
0x7e: {  	_ =	shalt  }
0x7f: {  	_ =	shalt  }
0x80: {  	_ =	shalt  }
0x81: {  	_ =	shalt  }
0x82: {  	_ =	shalt  }
0x83: {  	_ =	shalt  }
0x84: {  	_ =	shalt  }
0x85: {  	_ =	shalt  }
0x86: {  	_ =	shalt  }
0x87: {  	_ =	shalt  }
.Lfunc_end0:
.L_simem_size_0:
called_computation_lowered:
.L_overlay_start_0:
0x88: {  	s2 =	sld [smem:$0x3FD9]  }
0x89: {  	s3 =	sld [smem:$0x3FFE];
	_ =	sdelay $0x1  }
0x8a: {  	s1 =	srdreg.scid  }
0x8b: {  	s0 =	sand.u32 $0x1, s1  }
0x8c: {  	s17 =	sshll.u32 s0, $0xA;
	s2 =	sadd.s32 s3, s2  }
0x8d: {  	s2 =	sadd.s32 s2, s17  }
0x8e: {  	[smem:$0x3FC6] =	sst s2  }
0x8f: {  	_ = 	snop  }
0x90: {  	s2 =	sld [smem:$0x3FD0];
	(tm) =	ssettm $0x1  }
0x91: {  	s18 =	sld [smem:$0x3FFB];
	_ =	sdelay $0x3  }
0x92: {  	_ =	strace s18  }
0x93: {  	s3 =	sld [smem:$0x3FFC];
	_ =	sdelay $0x3  }
0x94: {  	_ =	strace s3  }
0x95: {  	s3 =	sld [smem:$0x3FFD];
	_ =	sdelay $0x3  }
0x96: {  	_ =	strace s3  }
0x97: {  	_ =	strace $0x8FFFFFFF  }
0x98: {  	s19 =	sld [smem:$0x3FDB];
	_ =	sdelay $0x1  }
0x99: {  	s4 =	simm.s32 $_scs_section_size  }
0x9a: {  	s5 =	simm.s32 $_size__tile_overlayer_lowered;
	s6 =	simm.s32 $_tile_overlayer_lowered  }
0x9b: {  	s22 =	simm.s32 $0x1BFF;
	s21 =	sshll.u32 s6, $0x1;
	s3 =	sadd.s32 s4, s19  }
0x9c: {  	s7 =	simm.s32 $0x0;
	s20 =	sshll.u32 s5, $0x1;
	s5 =	sadd.s32 s21, s3  }
0x9d: {  	[timem:s7], [sflag:s22] =	dma.local [hbm:s5], s20  }
0x9e: {  	_ =	swait.ge [sflag:s22], s20  }
0x9f: {  	s4 =	ssub.s32 $0x0, s20;
	[sflag:s22] =	ssyncset.done $0x0  }
0xa0: {  	[sflag:s22] =	ssyncadd.s32 s4;
	_ =	sdelay $0x1  }
0xa1: {  	s23 =	simm.s32 $0x1B8B  }
0xa2: {  	_ =	swait.ge [sflag:s23], $0x1  }
0xa3: {  	[sflag:s23] =	ssyncset.done $0x0  }
0xa4: {  	s25 =	simm.s32 $0x1B8E;
	s24 =	sld [smem:$0x3FFE];
	[sflag:s23] =	ssyncadd.s32 $0xFFFFFFFF  }
0xa5: {  	s26 =	simm.s32 $execute0_lowered;
	[smem:$0x3FD2] =	sst s25  }
0xa6: {  	s5 =	sshll.u32 s26, $0x1;
	_ =	strace $0x80000046;
	[dreg:$0x1] =	wrdreg $0xFFFFFFFF  }
0xa7: {  	s28 =	simm.s32 $_size_execute0_lowered;
	s3 =	sadd.s32 s3, s5;
	[dreg:$0x0] =	wrdreg $0x0  }
0xa8: {  	s5 =	sshll.u32 s28, $0x1;
	[dreg:$0x2] =	wrdreg s3  }
0xa9: {  	[dreg:$0x3] =	wrdreg s5  }
0xaa: {  	[dreg:$0x4] =	wrdreg $0xC0  }
0xab: {  	_ =	task [dreg:s7], $0x5FFFF  }
0xac: {  	[dreg:$0x1] =	wrdreg $0xFFFFFFFF  }
0xad: {  	[dreg:$0x0] =	wrdreg $0x60  }
0xae: {  	[dreg:$0x2] =	wrdreg s24  }
0xaf: {  	[dreg:$0x3] =	wrdreg s2  }
0xb0: {  	[dreg:$0x4] =	wrdreg $0x1E7000  }
0xb1: {  	[dreg:$0x5] =	wrdreg $0x1F3000  }
0xb2: {  	[dreg:$0x6] =	wrdreg $0x9  }
0xb3: {  	_ =	task.clear_ibuf [dreg:s7], $0x7FFFF;
	_ =	strace $0x90000046  }
0xb4: {  	s29 =	simm.s32 $0x9;
	_ =	strace $0x80000048  }
0xb5: {  	_ =	swait.ge [sflag:s29], $0x1  }
0xb6: {  	[sflag:s29] =	ssyncadd.s32 $0xFFFFFFFF  }
0xb7: {  	_ =	strace $0x90000048  }
0xb8: {  	_ =	sfence  }
0xb9: {  	s30 =	sld [smem:$0x0];
	_ =	sdelay $0x2  }
0xba: {  	s31 =	sshll.u32 s1, $0xD;
	s1 =	sshrl.u32 s1, $0x2  }
0xbb: {  	s3 =	sand.u32 $0x4000, s31;
	s1 =	sadd.s32 s1, s30  }
0xbc: {  	s0 =	sor.u32 s3, s0;
	s1 =	sshll.u32 s1, $0x11  }
0xbd: {  	s0 =	sor.u32 s1, s0  }
0xbe: {  	s0 =	sadd.s32 $0x8F2B, s0  }
0xbf: {  	[sflag:s0] =	ssyncadd.remote.s32 $0x1  }
0xc0: {  	_ =	sfence.sel $0xFFFF  }
0xc1: {  	[dreg:$0x0] =	wrdreg $0xFFFFFFFF;
	(pc) =	sbr.abs _section_cstart, $3  }
0xc2: {  	[dreg:$0x1] =	wrdreg $0xFFFFFFFF  }
0xc3: {  	_ =	task.clear_ibuf [dreg:s7], $0x2FFFF;
	_ =	strace $0x9FFFFFFF  }
0xc4: {  	(tm) =	ssettm $0x7FFFFFFF  }
0xc5: {  	_ =	shalt  }
tec
execute0_lowered:
.L_overlay_start_1:
0x0: {  	(tag) =	ssettag $0x1  }
0x1: {  	s0 =	rddreg [dreg:$0x0]  }
0x2: {  	s1 =	rddreg [dreg:$0x1]  }
0x3: {  	s2 =	rddreg [dreg:$0x2]  }
0x4: {  	s3 =	rddreg [dreg:$0x3];
	s4 =	simm.s32 $0x0;
	s6 =	srdreg.scid  }
0x5: {  	s7 =	stileid.u32;
	s16 =	simm.s32 $0x80;
	s17 =	simm.s32 $0x400  }
0x6: {  	s30 =	simm.s32 $0x18700;
	s21 =	simm.s32 $0x1A700;
	s29 =	simm.s32 $0x1  }
0x7: {  	[smem:$0x7FF] =	sst s4;
	s5 =	sadd.s32 $0x400, s0;
	s6 =	sand.u32 $0x1, s6  }
0x8: {  	s8 =	sadd.s32 $0x19400, s0;
	s9 =	sshll.u32 s7, $0x9;
	s23 =	sshrl.u32 s7, $0x1  }
0x9: {  	s25 =	sadd.s32 $0x1C00, s0;
	s26 =	sadd.s32 $0x2000, s2;
	s12 =	sadd.s32 $0x18400, s0  }
0xa: {  	s13 =	sadd.s32 $0x2000, s3;
	s14 =	sadd.s32 $0x4000, s2;
	p0 =	sne.s32 s7, $0x0  }
0xb: {  	p1 =	seq.s32 s7, $0x0;
	_ =	strace $0x80000047;
	[dreg:$0x5] =	wrdreg s8  }
0xc: {  	s22 =	ssub.s32 $0x2, s6;
	s6 =	sshll.u32 s6, $0x8;
	[dreg:$0x8] =	wrdreg s25  }
0xd: {  	s9 =	sand.u32 $0x200, s9;
	s24 =	smul.u32 $0xC3800, s23;
	[dreg:$0x9] =	wrdreg s26  }
0xe: {  	s28 =	sshll.u32 s23, $0xF;
	s0 =	sshrl.u32 @!p0 s2, $0x3;
	s23 =	simm.s32 $0x3  }
.Ltmp0:
0xf: {  	s25 =	simm.s32 $0x4;
	[dreg:$0xa] =	wrdreg s28;
	(pc) =	sbr.rel .LBB2_1-.Ltmp0, $4  }
0x10: {  	s10 =	sshrl.u32 s22, $0x1;
	s6 =	sor.u32 s6, s9;
	[dreg:$0xc] =	wrdreg s0  }
0x11: {  	s26 =	simm.s32 $0x1D700;
	s8 =	ssub.s32 s22, s10;
	[dreg:$0x6] =	wrdreg s6  }
0x12: {  	[dreg:$0x7] =	wrdreg s24;
	s22 =	simm.s32 $0x2;
	s31 =	smax.u32 s8, $0x1  }
0x13: {  	s24 =	simm.s32 $0x1C700;
	s6 =	simm.s32 $0x0;
	[dreg:$0xb] =	wrdreg s31  }
.LBB2_49:
0x14: {  	s6 =	rddreg [dreg:$0xd]  }
0x15: {  	s0 =	rddreg [dreg:$0xb];
	s6 =	sadd.s32 $0x1, s6  }
0x16: {  	p2 =	sne.s32 s6, s0  }
.Ltmp1:
0x17: {  	_ = 	snop;
	(pc) =	sbr.rel @!p2 .LBB2_50-.Ltmp1, $1  }
0x18: {  	_ =	sdelay $0x3  }
.LBB2_1:
.Ltmp2:
0x19: {  	(pc) =	sbr.rel .LBB2_2-.Ltmp2, $2  }
0x1a: {  	_ =	sdelay $0x2  }
0x1b: {  	[dreg:$0xd] =	wrdreg s6;
	p3 =	por $0x1, $0x1;
	s0 =	simm.s32 $0x0  }
.LBB2_48:
0x1c: {  	[bflag:$0x0] =	sbarrier.arrive $0xFFFF  }
0x1d: {  	_ =	swait.ge [sflag:s23], $0x1000  }
.Ltmp3:
0x1e: {  	[sflag:s23] =	ssyncset.done $0x0;
	(pc) =	sbr.rel @!p2 .LBB2_49-.Ltmp3, $4  }
0x1f: {  	[sflag:s23] =	ssyncadd.s32 $0xFFFFF000  }
0x20: {  	_ =	swait.ge [sflag:s25], $0x1000  }
0x21: {  	[sflag:s25] =	ssyncset.done $0x0  }
0x22: {  	s0 =	simm.s32 $0x80;
	p3 =	por $0x0, $0x0;
	[sflag:s25] =	ssyncadd.s32 $0xFFFFF000  }
.LBB2_2:
0x23: {  	s6 =	rddreg [dreg:$0x6]  }
0x24: {  	s19 =	rddreg [dreg:$0x7];
	s0 =	sor.u32 s6, s0  }
0x25: {  	s6 =	sor.u32 s19, s0  }
0x26: {  	s7 =	rddreg [dreg:$0x5];
	s6 =	sshrl.u32 s6, $0x3  }
0x27: {  	s20 =	simm.s32 $0x6;
	s6 =	sadd.s32 s7, s6  }
0x28: {  	[tilespmem:s4], [sflag:$0x6] =	stream.strided.gather [hbm4b:s6+s16], $0x18700, s17, s16, $0x38;
	[tilespmem:$0x1FF00] =	vst v63  }
0x29: {  	_ =	swait.ge [sflag:s20], $0x18700  }
0x2a: {  	[sflag:s20] =	ssyncset.done $0x0  }
0x2b: {  	s6 =	simm.s32 @!p0 $0x1C05;
	s7 =	rddreg [dreg:$0xc];
	[sflag:s20] =	ssyncadd.s32 $0xFFFE7900  }
0x2c: {  	[spmem:s7], [sflag:s6] =	dma.local @!p0 [hbm:s5], $0x1800  }
0x2d: {  	s6 =	simm.s32 @!p0 $0x5  }
0x2e: {  	_ =	swait.ge @!p0 [sflag:s6], $0x1800  }
.Ltmp4:
0x2f: {  	[sflag:s6] =	ssyncset.done @!p0 $0x0;
	(pc) =	sbr.rel .LBB2_3-.Ltmp4, $4  }
0x30: {  	[sflag:s6] =	ssyncadd.s32 @!p0 $0xFFFFE800  }
0x31: {  	[bflag:$0x0] =	sbarrier.arrive $0xFFFF  }
0x32: {  	s28 =	rddreg [dreg:$0xa]  }
0x33: {  	p2 =	por p3, p3;
	s31 =	sor.u32 s0, s28;
	s0 =	simm.s32 $0x0  }
.LBB2_33:
.Ltmp5:
0x34: {  	(pc) =	sbr.rel @p4 .LBB2_34-.Ltmp5, $4  }
0x35: {  	s0 =	simm.s32 @p3 $0x5  }
0x36: {  	_ =	swait.ge @p3 [sflag:s0], $0x1800  }
0x37: {  	[sflag:s0] =	ssyncset.done @p3 $0x0  }
0x38: {  	[sflag:s0] =	ssyncadd.s32 @p3 $0xFFFFE800  }
.LBB2_19:
0x39: {  	p3 =	sne.s32 s15, $0x10  }
.Ltmp6:
0x3a: {  	_ = 	snop;
	(pc) =	sbr.rel @!p3 .LBB2_35-.Ltmp6, $3  }
0x3b: {  	_ =	sdelay $0x1  }
0x3c: {  	[bflag:$0x0] =	sbarrier.arrive $0xFFFF  }
0x3d: {  	s0 =	smov.u32 s15  }
.LBB2_3:
0x3e: {  	s15 =	sand.u32 $0x1, s0  }
0x3f: {  	p3 =	seq.s32 s15, $0x1  }
.Ltmp7:
0x40: {  	_ = 	snop;
	(pc) =	sbr.rel @p3 .LBB2_20-.Ltmp7, $1  }
0x41: {  	_ =	sdelay $0x3  }
0x42: {  	s6 =	smul.u32 @!p0 $0x1800, s0  }
0x43: {  	s7 =	rddreg [dreg:$0x8];
	s8 =	simm.s32 @!p0 $0x1C05  }
.Ltmp8:
0x44: {  	s6 =	sadd.s32 @!p0 s6, s7;
	s7 =	sshrl.u32 @!p0 s3, $0x3;
	(pc) =	sbr.rel .LBB2_5-.Ltmp8, $4  }
0x45: {  	[spmem:s7], [sflag:s8] =	dma.local @!p0 [hbm:s6], $0x1800  }
0x46: {  	[tilespmem:s30], [sflag:$0x1] =	stream.linear.gather [spmem:s2], $0x2000, $0x38;
	[tilespmem:$0x1FF00] =	vst v63  }
0x47: {  	s28 =	simm.s32 $0x0;
	s6 =	rddreg [dreg:$0x9];
	s30 =	smul.u32 $0xC, s0  }
0x48: {  	[tilespmem:s21], [sflag:$0x2] =	stream.linear.gather [spmem:s6], $0x2000, $0x38;
	[tilespmem:$0x1FF00] =	vst v63  }
.LBB2_15:
0x49: {  	[tilespmem:s8+$0xFFFFFF30] =	vst v6  }
0x4a: {  	v6 =	vld [tilespmem:s7+$0xFFFFFE50];
	_ =	sdelay $0x4  }
0x4b: {  	v4 =	vld.idx.msk [tilespmem:v4+s4+$0x0], $0xffff  }
0x4c: {  	v3 =	vld.idx.msk [tilespmem:v3+s4+$0x0], $0xffff  }
0x4d: {  	v5 =	vld.idx.msk [tilespmem:v5+s4+$0x0], $0xffff  }
0x4e: {  	v6 =	vld.idx.msk [tilespmem:v6+s4+$0x0], $0xffff;
	_ =	sdelay $0x1  }
0x4f: {  	[tilespmem:s8+$0xC0] =	vst v4  }
0x50: {  	[tilespmem:s8+$0xFFFFFFC0] =	vst v3;
	v4 =	vld [tilespmem:s7+$0xFFFFFFE0]  }
0x51: {  	[tilespmem:s9+$0x40] =	vst v5;
	v60 =	vld [tilespmem:s7+$0xFFFFFEE0]  }
0x52: {  	v61 =	vld [tilespmem:s7+$0xFFFFFF60];
	[tilespmem:s9+$0xFFFFFF40] =	vst v6  }
0x53: {  	v59 =	vld [tilespmem:s7+$0xFFFFFE60];
	_ =	sdelay $0x4  }
0x54: {  	v4 =	vld.idx.msk [tilespmem:v4+s4+$0x0], $0xffff  }
0x55: {  	v5 =	vld.idx.msk [tilespmem:v60+s4+$0x0], $0xffff  }
0x56: {  	v6 =	vld.idx.msk [tilespmem:v61+s4+$0x0], $0xffff  }
0x57: {  	v3 =	vld.idx.msk [tilespmem:v59+s4+$0x0], $0xffff;
	_ =	sdelay $0x1  }
0x58: {  	[tilespmem:s9+$0xD0] =	vst v4  }
0x59: {  	[tilespmem:s9+$0xFFFFFFD0] =	vst v5;
	v4 =	vld [tilespmem:s7+$0xFFFFFFF0]  }
0x5a: {  	[tilespmem:s9+$0x50] =	vst v6;
	v5 =	vld [tilespmem:s7+$0xFFFFFEF0]  }
0x5b: {  	v6 =	vld [tilespmem:s7+$0xFFFFFF70];
	[tilespmem:s9+$0xFFFFFF50] =	vst v3  }
0x5c: {  	v3 =	vld [tilespmem:s7+$0xFFFFFE70];
	_ =	sdelay $0x4  }
0x5d: {  	v4 =	vld.idx.msk [tilespmem:v4+s4+$0x0], $0xffff  }
0x5e: {  	v5 =	vld.idx.msk [tilespmem:v5+s4+$0x0], $0xffff  }
0x5f: {  	v6 =	vld.idx.msk [tilespmem:v6+s4+$0x0], $0xffff  }
0x60: {  	v3 =	vld.idx.msk [tilespmem:v3+s4+$0x0], $0xffff;
	_ =	sdelay $0x1  }
0x61: {  	[tilespmem:s9+$0xE0] =	vst v4  }
0x62: {  	[tilespmem:s9+$0xFFFFFFE0] =	vst v5;
	v4 =	vld [tilespmem:s7+$0x0]  }
0x63: {  	[tilespmem:s9+$0x60] =	vst v6;
	v5 =	vld [tilespmem:s7+$0xFFFFFF00]  }
0x64: {  	v6 =	vld [tilespmem:s7+$0xFFFFFF80];
	[tilespmem:s9+$0xFFFFFF60] =	vst v3  }
0x65: {  	v3 =	vld [tilespmem:s7+$0xFFFFFE80];
	_ =	sdelay $0x3  }
0x66: {  	v0 =	vld.idx.msk [tilespmem:v0+s4+$0x0], $0xffff  }
0x67: {  	v4 =	vld.idx.msk [tilespmem:v4+s4+$0x0], $0xffff  }
0x68: {  	v62 =	vld.idx.msk [tilespmem:v5+s4+$0x0], $0xffff  }
0x69: {  	[tilespmem:s6+$0xFFFFFF70] =	vst v1;
	v63 =	vld.idx.msk [tilespmem:v6+s4+$0x0], $0xffff  }
0x6a: {  	[tilespmem:s6+$0xFFFFFFF0] =	vst v2;
	v3 =	vld.idx.msk [tilespmem:v3+s4+$0x0], $0xffff  }
0x6b: {  	[tilespmem:s6+$0x70] =	vst v0  }
0x6c: {  	s20 =	sshll.u32 s11, $0x12;
	[tilespmem:s9+$0xF0] =	vst v4  }
0x6d: {  	s6 =	sor.u32 s31, s20;
	[tilespmem:s9+$0xFFFFFFF0] =	vst v62  }
0x6e: {  	s6 =	sshrl.u32 s6, $0x3;
	[tilespmem:s9+$0x70] =	vst v63  }
0x6f: {  	p3 =	sgt.u32 s28, $0x3;
	s6 =	sadd.s32 s1, s6;
	[tilespmem:s9+$0xFFFFFF70] =	vst v3  }
0x70: {  	[hbm4b:s6+s16] =	stream.strided.scatter [tilespmem:s26], [sflag:$0x4], $0x1000, s17, s16, $0x38;
	[tilespmem:$0x1FF00] =	vst v63  }
0x71: {  	s6 =	sshll.u32 @!p3 s28, $0xD  }
0x72: {  	s6 =	sand.u32 @!p3 $0x3FFFE000, s6  }
0x73: {  	s6 =	sadd.s32 @!p3 s6, s2  }
0x74: {  	s7 =	simm.s32 @!p3 $0x1A700;
	s6 =	sadd.s32 @!p3 $0x4000, s6  }
0x75: {  	[tilespmem:s7], [sflag:$0x2] =	stream.linear.gather @!p3 [spmem:s6], $0x2000, $0x38;
	[tilespmem:$0x1FF00] =	vst v63  }
.LBB2_16:
0x76: {  	s28 =	sadd.s32 $0x1, s28  }
0x77: {  	p3 =	sne.s32 s28, $0x6  }
.Ltmp9:
0x78: {  	_ = 	snop;
	(pc) =	sbr.rel @!p3 .LBB2_17-.Ltmp9, $1  }
0x79: {  	_ =	sdelay $0x3  }
.LBB2_5:
0x7a: {  	s6 =	sand.u32 $0x1, s28  }
0x7b: {  	p3 =	seq.s32 s6, $0x1  }
.Ltmp10:
0x7c: {  	_ = 	snop;
	(pc) =	sbr.rel @p3 .LBB2_11-.Ltmp10, $1  }
0x7d: {  	_ =	sdelay $0x3  }
0x7e: {  	s7 =	sshll.u32 s28, $0x1  }
0x7f: {  	_ =	swait.ge [sflag:s29], $0x2000;
	s8 =	sadd.s32 s30, s7  }
0x80: {  	[sflag:s29] =	ssyncset.done $0x0;
	p3 =	seq.s32 s8, $0x0  }
0x81: {  	[sflag:s29] =	ssyncadd.s32 $0xFFFFE000;
	s9 =	simm.s32 @!p3 $0x3  }
0x82: {  	_ =	swait.ge @!p3 [sflag:s9], $0x1000  }
0x83: {  	[sflag:s9] =	ssyncset.done @!p3 $0x0  }
0x84: {  	s20 =	simm.s32 $0x18800;
	[sflag:s9] =	ssyncadd.s32 @!p3 $0xFFFFF000  }
0x85: {  	v0 =	vld [tilespmem:s20+$0x80]  }
0x86: {  	v1 =	vld [tilespmem:s20+$0xFFFFFF80]  }
0x87: {  	v2 =	vld [tilespmem:s20+$0x0];
	_ =	sdelay $0x2  }
0x88: {  	v3 =	vld [tilespmem:s20+$0xFFFFFF00];
	_ =	sdelay $0x2  }
0x89: {  	v0 =	vld.idx.msk [tilespmem:v0+s4+$0x0], $0xffff  }
0x8a: {  	v1 =	vld.idx.msk [tilespmem:v1+s4+$0x0], $0xffff  }
0x8b: {  	v2 =	vld.idx.msk [tilespmem:v2+s4+$0x0], $0xffff;
	_ =	sdelay $0x1  }
0x8c: {  	s11 =	simm.s32 $0x1C800  }
0x8d: {  	v3 =	vld.idx.msk [tilespmem:v3+s4+$0x0], $0xffff;
	[tilespmem:s11+$0x80] =	vst v0  }
0x8e: {  	[tilespmem:s11+$0xFFFFFF80] =	vst v1;
	v0 =	vld [tilespmem:s20+$0x90]  }
0x8f: {  	[tilespmem:s11+$0x0] =	vst v2;
	v1 =	vld [tilespmem:s20+$0xFFFFFF90]  }
0x90: {  	v2 =	vld [tilespmem:s20+$0x10];
	_ =	sdelay $0x1  }
0x91: {  	[tilespmem:s11+$0xFFFFFF00] =	vst v3  }
0x92: {  	v3 =	vld [tilespmem:s20+$0xFFFFFF10];
	_ =	sdelay $0x2  }
0x93: {  	v0 =	vld.idx.msk [tilespmem:v0+s4+$0x0], $0xffff  }
0x94: {  	v1 =	vld.idx.msk [tilespmem:v1+s4+$0x0], $0xffff  }
0x95: {  	v2 =	vld.idx.msk [tilespmem:v2+s4+$0x0], $0xffff;
	_ =	sdelay $0x2  }
0x96: {  	v3 =	vld.idx.msk [tilespmem:v3+s4+$0x0], $0xffff;
	[tilespmem:s11+$0x90] =	vst v0  }
0x97: {  	[tilespmem:s11+$0xFFFFFF90] =	vst v1;
	v0 =	vld [tilespmem:s20+$0xA0]  }
0x98: {  	[tilespmem:s11+$0x10] =	vst v2;
	v1 =	vld [tilespmem:s20+$0xFFFFFFA0]  }
0x99: {  	v2 =	vld [tilespmem:s20+$0x20];
	_ =	sdelay $0x1  }
0x9a: {  	[tilespmem:s11+$0xFFFFFF10] =	vst v3  }
0x9b: {  	v3 =	vld [tilespmem:s20+$0xFFFFFF20]  }
0x9c: {  	s19 =	simm.s32 $0x18A00  }
0x9d: {  	v4 =	vld [tilespmem:s19+$0x80]  }
0x9e: {  	v0 =	vld.idx.msk [tilespmem:v0+s4+$0x0], $0xffff  }
0x9f: {  	v1 =	vld.idx.msk [tilespmem:v1+s4+$0x0], $0xffff  }
0xa0: {  	v2 =	vld.idx.msk [tilespmem:v2+s4+$0x0], $0xffff;
	_ =	sdelay $0x1  }
0xa1: {  	v5 =	vld [tilespmem:s19+$0xFFFFFF80]  }
0xa2: {  	v3 =	vld.idx.msk [tilespmem:v3+s4+$0x0], $0xffff;
	[tilespmem:s11+$0xA0] =	vst v0  }
0xa3: {  	[tilespmem:s11+$0xFFFFFFA0] =	vst v1;
	v0 =	vld [tilespmem:s20+$0xB0]  }
0xa4: {  	[tilespmem:s11+$0x20] =	vst v2;
	v1 =	vld [tilespmem:s20+$0xFFFFFFB0]  }
0xa5: {  	v2 =	vld [tilespmem:s20+$0x30];
	_ =	sdelay $0x1  }
0xa6: {  	v4 =	vld.idx.msk [tilespmem:v4+s4+$0x0], $0xffff;
	[tilespmem:s11+$0xFFFFFF20] =	vst v3  }
0xa7: {  	v3 =	vld [tilespmem:s20+$0xFFFFFF30]  }
0xa8: {  	v5 =	vld.idx.msk [tilespmem:v5+s4+$0x0], $0xffff  }
0xa9: {  	v6 =	vld [tilespmem:s19+$0x0]  }
0xaa: {  	v0 =	vld.idx.msk [tilespmem:v0+s4+$0x0], $0xffff  }
0xab: {  	s18 =	simm.s32 $0x1CA00;
	v1 =	vld.idx.msk [tilespmem:v1+s4+$0x0], $0xffff  }
0xac: {  	[tilespmem:s18+$0x80] =	vst v4;
	v2 =	vld.idx.msk [tilespmem:v2+s4+$0x0], $0xffff  }
0xad: {  	[tilespmem:s18+$0xFFFFFF80] =	vst v5;
	v4 =	vld [tilespmem:s19+$0x90]  }
0xae: {  	v5 =	vld [tilespmem:s19+$0xFFFFFF90]  }
0xaf: {  	v3 =	vld.idx.msk [tilespmem:v3+s4+$0x0], $0xffff;
	[tilespmem:s11+$0xB0] =	vst v0  }
0xb0: {  	[tilespmem:s11+$0xFFFFFFB0] =	vst v1;
	v0 =	vld [tilespmem:s20+$0xC0]  }
0xb1: {  	[tilespmem:s11+$0x30] =	vst v2;
	v1 =	vld [tilespmem:s20+$0xFFFFFFC0]  }
0xb2: {  	v2 =	vld [tilespmem:s20+$0x40]  }
0xb3: {  	v7 =	vld [tilespmem:s19+$0xFFFFFF00]  }
0xb4: {  	v6 =	vld.idx.msk [tilespmem:v6+s4+$0x0], $0xffff  }
0xb5: {  	v4 =	vld.idx.msk [tilespmem:v4+s4+$0x0], $0xffff;
	[tilespmem:s11+$0xFFFFFF30] =	vst v3  }
0xb6: {  	v3 =	vld [tilespmem:s20+$0xFFFFFF40]  }
0xb7: {  	v5 =	vld.idx.msk [tilespmem:v5+s4+$0x0], $0xffff  }
0xb8: {  	v0 =	vld.idx.msk [tilespmem:v0+s4+$0x0], $0xffff  }
0xb9: {  	v1 =	vld.idx.msk [tilespmem:v1+s4+$0x0], $0xffff  }
0xba: {  	[tilespmem:s18+$0x0] =	vst v6;
	v2 =	vld.idx.msk [tilespmem:v2+s4+$0x0], $0xffff  }
0xbb: {  	[tilespmem:s18+$0x90] =	vst v4  }
0xbc: {  	v7 =	vld.idx.msk [tilespmem:v7+s4+$0x0], $0xffff;
	[tilespmem:s18+$0xFFFFFF90] =	vst v5  }
0xbd: {  	v5 =	vld [tilespmem:s19+$0xA0];
	[tilespmem:s11+$0xC0] =	vst v0  }
0xbe: {  	[tilespmem:s11+$0xFFFFFFC0] =	vst v1;
	v1 =	vld.idx.msk [tilespmem:v3+s4+$0x0], $0xffff  }
0xbf: {  	[tilespmem:s11+$0x40] =	vst v2;
	v2 =	vld [tilespmem:s19+$0x10]  }
0xc0: {  	v0 =	vld [tilespmem:s20+$0xD0]  }
0xc1: {  	v3 =	vld [tilespmem:s20+$0xFFFFFFD0]  }
0xc2: {  	[tilespmem:s18+$0xFFFFFF00] =	vst v7;
	v6 =	vld [tilespmem:s20+$0x50]  }
0xc3: {  	[tilespmem:s11+$0xFFFFFF40] =	vst v1;
	v1 =	vld [tilespmem:s19+$0xFFFFFF10]  }
0xc4: {  	v7 =	vld [tilespmem:s20+$0xFFFFFF50];
	_ =	sdelay $0x1  }
0xc5: {  	v5 =	vld.idx.msk [tilespmem:v5+s4+$0x0], $0xffff  }
0xc6: {  	v2 =	vld.idx.msk [tilespmem:v2+s4+$0x0], $0xffff  }
0xc7: {  	v0 =	vld.idx.msk [tilespmem:v0+s4+$0x0], $0xffff  }
0xc8: {  	v3 =	vld.idx.msk [tilespmem:v3+s4+$0x0], $0xffff  }
0xc9: {  	v6 =	vld.idx.msk [tilespmem:v6+s4+$0x0], $0xffff  }
0xca: {  	v1 =	vld.idx.msk [tilespmem:v1+s4+$0x0], $0xffff  }
0xcb: {  	v4 =	vld.idx.msk [tilespmem:v7+s4+$0x0], $0xffff  }
0xcc: {  	[tilespmem:s18+$0x10] =	vst v2;
	v7 =	vld [tilespmem:s19+$0xFFFFFFA0]  }
0xcd: {  	[tilespmem:s11+$0xD0] =	vst v0;
	v2 =	vld [tilespmem:s19+$0x20]  }
0xce: {  	[tilespmem:s11+$0xFFFFFFD0] =	vst v3;
	v0 =	vld [tilespmem:s20+$0xE0]  }
0xcf: {  	v3 =	vld [tilespmem:s20+$0xFFFFFFE0];
	[tilespmem:s18+$0xFFFFFF10] =	vst v1  }
0xd0: {  	v1 =	vld [tilespmem:s19+$0xFFFFFF20];
	[tilespmem:s11+$0xFFFFFF50] =	vst v4  }
0xd1: {  	[tilespmem:s18+$0xA0] =	vst v5;
	v4 =	vld [tilespmem:s20+$0xFFFFFF60]  }
0xd2: {  	v5 =	vld [tilespmem:s19+$0xB0];
	[tilespmem:s11+$0x50] =	vst v6  }
0xd3: {  	v6 =	vld [tilespmem:s20+$0x60]  }
0xd4: {  	v7 =	vld.idx.msk [tilespmem:v7+s4+$0x0], $0xffff  }
0xd5: {  	v2 =	vld.idx.msk [tilespmem:v2+s4+$0x0], $0xffff  }
0xd6: {  	v0 =	vld.idx.msk [tilespmem:v0+s4+$0x0], $0xffff  }
0xd7: {  	v3 =	vld.idx.msk [tilespmem:v3+s4+$0x0], $0xffff  }
0xd8: {  	v1 =	vld.idx.msk [tilespmem:v1+s4+$0x0], $0xffff  }
0xd9: {  	[tilespmem:s18+$0xFFFFFFA0] =	vst v7;
	v4 =	vld.idx.msk [tilespmem:v4+s4+$0x0], $0xffff  }
0xda: {  	[tilespmem:s18+$0x20] =	vst v2;
	v7 =	vld [tilespmem:s19+$0xFFFFFFB0]  }
0xdb: {  	[tilespmem:s11+$0xE0] =	vst v0;
	v2 =	vld [tilespmem:s19+$0x30]  }
0xdc: {  	v0 =	vld [tilespmem:s20+$0xF0]  }
0xdd: {  	v6 =	vld.idx.msk [tilespmem:v6+s4+$0x0], $0xffff;
	[tilespmem:s18+$0xFFFFFF20] =	vst v1  }
0xde: {  	[tilespmem:s11+$0xFFFFFFE0] =	vst v3;
	v1 =	vld [tilespmem:s19+$0xFFFFFF30]  }
0xdf: {  	v3 =	vld.idx.msk [tilespmem:v5+s4+$0x0], $0xffff;
	[tilespmem:s11+$0xFFFFFF60] =	vst v4  }
0xe0: {  	v4 =	vld [tilespmem:s20+$0xFFFFFF70]  }
0xe1: {  	v9 =	vld [tilespmem:s20+$0xFFFFFFF0]  }
0xe2: {  	v5 =	vld.idx.msk [tilespmem:v7+s4+$0x0], $0xffff  }
0xe3: {  	v2 =	vld.idx.msk [tilespmem:v2+s4+$0x0], $0xffff  }
0xe4: {  	[tilespmem:s11+$0x60] =	vst v6;
	v8 =	vld.idx.msk [tilespmem:v0+s4+$0x0], $0xffff  }
0xe5: {  	v0 =	vld [tilespmem:s20+$0x70]  }
0xe6: {  	[tilespmem:s18+$0xB0] =	vst v3;
	v6 =	vld.idx.msk [tilespmem:v1+s4+$0x0], $0xffff  }
0xe7: {  	[tilespmem:s18+$0xFFFFFFB0] =	vst v5;
	v5 =	vld [tilespmem:s19+$0xC0]  }
0xe8: {  	v1 =	vld.idx.msk [tilespmem:v4+s4+$0x0], $0xffff  }
0xe9: {  	[tilespmem:s18+$0x30] =	vst v2;
	v2 =	vld.idx.msk [tilespmem:v9+s4+$0x0], $0xffff  }
0xea: {  	v3 =	vld [tilespmem:s19+$0xFFFFFFC0]  }
0xeb: {  	s10 =	simm.s32 $0x4;
	s9 =	simm.s32 $0x1CA00;
	s20 =	simm.s32 $0x18C00;
	v4 =	vld [tilespmem:s19+$0x40];
	[tilespmem:s11+$0xF0] =	vst v8  }
.LBB2_7:
0xec: {  	v7 =	vld [tilespmem:s20+$0x80];
	s10 =	sadd.s32 $0x4, s10;
	[tilespmem:s18+$0xFFFFFF30] =	vst v6  }
0xed: {  	v6 =	vld [tilespmem:s20+$0xFFFFFF80];
	p3 =	slt.u32 s10, $0x1C;
	[tilespmem:s11+$0xFFFFFF70] =	vst v1  }
0xee: {  	v1 =	vld [tilespmem:s20+$0x0]  }
0xef: {  	v8 =	vld [tilespmem:s20+$0xFFFFFF00]  }
0xf0: {  	v5 =	vld.idx.msk [tilespmem:v5+s4+$0x0], $0xffff  }
0xf1: {  	v9 =	vld [tilespmem:s19+$0xFFFFFF40];
	[tilespmem:s11+$0xFFFFFFF0] =	vst v2  }
0xf2: {  	v2 =	vld.idx.msk [tilespmem:v3+s4+$0x0], $0xffff  }
0xf3: {  	v3 =	vld.idx.msk [tilespmem:v4+s4+$0x0], $0xffff  }
0xf4: {  	v4 =	vld.idx.msk [tilespmem:v7+s4+$0x0], $0xffff  }
0xf5: {  	v6 =	vld.idx.msk [tilespmem:v6+s4+$0x0], $0xffff  }
0xf6: {  	v1 =	vld.idx.msk [tilespmem:v1+s4+$0x0], $0xffff;
	[tilespmem:s18+$0xC0] =	vst v5  }
0xf7: {  	v5 =	vld [tilespmem:s19+$0xD0]  }
0xf8: {  	v7 =	vld.idx.msk [tilespmem:v8+s4+$0x0], $0xffff;
	[tilespmem:s18+$0xFFFFFFC0] =	vst v2  }
0xf9: {  	s18 =	sadd.s32 $0x200, s18;
	v2 =	vld.idx.msk [tilespmem:v9+s4+$0x0], $0xffff;
	[tilespmem:s9+$0x40] =	vst v3  }
0xfa: {  	[tilespmem:s18+$0x80] =	vst v4;
	v3 =	vld [tilespmem:s19+$0xFFFFFFD0]  }
0xfb: {  	[tilespmem:s18+$0xFFFFFF80] =	vst v6;
	v4 =	vld [tilespmem:s20+$0x90]  }
0xfc: {  	v6 =	vld [tilespmem:s20+$0xFFFFFF90];
	[tilespmem:s18+$0x0] =	vst v1  }
0xfd: {  	v1 =	vld [tilespmem:s20+$0x10]  }
0xfe: {  	[tilespmem:s18+$0xFFFFFF00] =	vst v7;
	v7 =	vld [tilespmem:s19+$0x50]  }
0xff: {  	[tilespmem:s9+$0xFFFFFF40] =	vst v2;
	v2 =	vld.idx.msk [tilespmem:v5+s4+$0x0], $0xffff  }
0x100: {  	v5 =	vld [tilespmem:s20+$0xFFFFFF10]  }
0x101: {  	v8 =	vld [tilespmem:s19+$0xFFFFFF50]  }
0x102: {  	v3 =	vld.idx.msk [tilespmem:v3+s4+$0x0], $0xffff  }
0x103: {  	v4 =	vld.idx.msk [tilespmem:v4+s4+$0x0], $0xffff  }
0x104: {  	v6 =	vld.idx.msk [tilespmem:v6+s4+$0x0], $0xffff  }
0x105: {  	v1 =	vld.idx.msk [tilespmem:v1+s4+$0x0], $0xffff;
	[tilespmem:s9+$0xD0] =	vst v2  }
0x106: {  	v2 =	vld [tilespmem:s19+$0xE0]  }
0x107: {  	v7 =	vld.idx.msk [tilespmem:v7+s4+$0x0], $0xffff  }
0x108: {  	v5 =	vld.idx.msk [tilespmem:v5+s4+$0x0], $0xffff;
	[tilespmem:s9+$0xFFFFFFD0] =	vst v3  }
0x109: {  	[tilespmem:s18+$0x90] =	vst v4;
	v3 =	vld.idx.msk [tilespmem:v8+s4+$0x0], $0xffff  }
0x10a: {  	[tilespmem:s18+$0xFFFFFF90] =	vst v6;
	v4 =	vld [tilespmem:s20+$0xA0]  }
0x10b: {  	v6 =	vld [tilespmem:s20+$0xFFFFFFA0];
	[tilespmem:s18+$0x10] =	vst v1  }
0x10c: {  	v1 =	vld [tilespmem:s20+$0x20]  }
0x10d: {  	v8 =	vld [tilespmem:s19+$0xFFFFFFE0];
	[tilespmem:s9+$0x50] =	vst v7  }
0x10e: {  	[tilespmem:s18+$0xFFFFFF10] =	vst v5;
	v2 =	vld.idx.msk [tilespmem:v2+s4+$0x0], $0xffff  }
0x10f: {  	v5 =	vld [tilespmem:s20+$0xFFFFFF20];
	[tilespmem:s9+$0xFFFFFF50] =	vst v3  }
0x110: {  	v3 =	vld [tilespmem:s19+$0xFFFFFF60]  }
0x111: {  	v7 =	vld [tilespmem:s19+$0x60]  }
0x112: {  	v4 =	vld.idx.msk [tilespmem:v4+s4+$0x0], $0xffff  }
0x113: {  	v6 =	vld.idx.msk [tilespmem:v6+s4+$0x0], $0xffff  }
0x114: {  	v1 =	vld.idx.msk [tilespmem:v1+s4+$0x0], $0xffff;
	[tilespmem:s9+$0xE0] =	vst v2  }
0x115: {  	v2 =	vld [tilespmem:s19+$0xF0]  }
0x116: {  	v8 =	vld.idx.msk [tilespmem:v8+s4+$0x0], $0xffff  }
0x117: {  	v5 =	vld.idx.msk [tilespmem:v5+s4+$0x0], $0xffff  }
0x118: {  	[tilespmem:s18+$0xA0] =	vst v4;
	v3 =	vld.idx.msk [tilespmem:v3+s4+$0x0], $0xffff  }
0x119: {  	[tilespmem:s18+$0xFFFFFFA0] =	vst v6;
	v4 =	vld [tilespmem:s20+$0xB0]  }
0x11a: {  	v6 =	vld [tilespmem:s20+$0xFFFFFFB0];
	[tilespmem:s18+$0x20] =	vst v1  }
0x11b: {  	v1 =	vld [tilespmem:s20+$0x30]  }
0x11c: {  	[tilespmem:s9+$0xFFFFFFE0] =	vst v8;
	v7 =	vld.idx.msk [tilespmem:v7+s4+$0x0], $0xffff  }
0x11d: {  	[tilespmem:s18+$0xFFFFFF20] =	vst v5;
	v2 =	vld.idx.msk [tilespmem:v2+s4+$0x0], $0xffff  }
0x11e: {  	v5 =	vld [tilespmem:s20+$0xFFFFFF30];
	[tilespmem:s9+$0xFFFFFF60] =	vst v3  }
0x11f: {  	v3 =	vld [tilespmem:s19+$0xFFFFFF70]  }
0x120: {  	v8 =	vld [tilespmem:s19+$0xFFFFFFF0]  }
0x121: {  	v4 =	vld.idx.msk [tilespmem:v4+s4+$0x0], $0xffff  }
0x122: {  	v9 =	vld.idx.msk [tilespmem:v6+s4+$0x0], $0xffff;
	[tilespmem:s9+$0x60] =	vst v7  }
0x123: {  	v7 =	vld.idx.msk [tilespmem:v1+s4+$0x0], $0xffff;
	[tilespmem:s9+$0xF0] =	vst v2  }
0x124: {  	v2 =	vld [tilespmem:s19+$0x70];
	s19 =	smov.u32 s20  }
0x125: {  	v10 =	vld.idx.msk [tilespmem:v0+s4+$0x0], $0xffff  }
0x126: {  	v6 =	vld.idx.msk [tilespmem:v5+s4+$0x0], $0xffff  }
.Ltmp11:
0x127: {  	[tilespmem:s18+$0xB0] =	vst v4;
	v1 =	vld.idx.msk [tilespmem:v3+s4+$0x0], $0xffff;
	(pc) =	sbr.rel @p3 .LBB2_7-.Ltmp11, $4  }
0x128: {  	[tilespmem:s18+$0xFFFFFFB0] =	vst v9;
	v5 =	vld [tilespmem:s20+$0xC0]  }
0x129: {  	v3 =	vld [tilespmem:s20+$0xFFFFFFC0];
	[tilespmem:s18+$0x30] =	vst v7;
	v0 =	vmov v2  }
0x12a: {  	v4 =	vld [tilespmem:s20+$0x40]  }
0x12b: {  	s20 =	sadd.s32 $0x200, s20;
	v2 =	vld.idx.msk [tilespmem:v8+s4+$0x0], $0xffff;
	[tilespmem:s11+$0x70] =	vst v10;
	s11 =	smov.u32 s9;
	s9 =	smov.u32 s18  }
0x12c: {  	[tilespmem:s18+$0xFFFFFF30] =	vst v6  }
0x12d: {  	v6 =	vld [tilespmem:s19+$0xFFFFFF40];
	_ =	sdelay $0x4  }
0x12e: {  	v5 =	vld.idx.msk [tilespmem:v5+s4+$0x0], $0xffff  }
0x12f: {  	v3 =	vld.idx.msk [tilespmem:v3+s4+$0x0], $0xffff  }
0x130: {  	v4 =	vld.idx.msk [tilespmem:v4+s4+$0x0], $0xffff  }
0x131: {  	v6 =	vld.idx.msk [tilespmem:v6+s4+$0x0], $0xffff;
	_ =	sdelay $0x1  }
0x132: {  	[tilespmem:s18+$0xC0] =	vst v5  }
0x133: {  	v5 =	vld [tilespmem:s19+$0xD0];
	[tilespmem:s18+$0xFFFFFFC0] =	vst v3  }
0x134: {  	[tilespmem:s9+$0x40] =	vst v4;
	v4 =	vld [tilespmem:s19+$0xFFFFFFD0]  }
0x135: {  	[tilespmem:s9+$0xFFFFFF40] =	vst v6;
	v6 =	vld [tilespmem:s19+$0x50]  }
0x136: {  	v3 =	vld [tilespmem:s19+$0xFFFFFF50];
	_ =	sdelay $0x4  }
0x137: {  	v5 =	vld.idx.msk [tilespmem:v5+s4+$0x0], $0xffff  }
0x138: {  	v4 =	vld.idx.msk [tilespmem:v4+s4+$0x0], $0xffff  }
0x139: {  	v6 =	vld.idx.msk [tilespmem:v6+s4+$0x0], $0xffff  }
0x13a: {  	v3 =	vld.idx.msk [tilespmem:v3+s4+$0x0], $0xffff;
	_ =	sdelay $0x1  }
0x13b: {  	[tilespmem:s9+$0xD0] =	vst v5  }
0x13c: {  	v5 =	vld [tilespmem:s19+$0xE0];
	[tilespmem:s9+$0xFFFFFFD0] =	vst v4  }
0x13d: {  	v4 =	vld [tilespmem:s19+$0xFFFFFFE0];
	[tilespmem:s9+$0x50] =	vst v6  }
0x13e: {  	[tilespmem:s9+$0xFFFFFF50] =	vst v3;
	v6 =	vld [tilespmem:s19+$0x60]  }
0x13f: {  	v3 =	vld [tilespmem:s19+$0xFFFFFF60];
	_ =	sdelay $0x4  }
0x140: {  	v5 =	vld.idx.msk [tilespmem:v5+s4+$0x0], $0xffff  }
0x141: {  	v4 =	vld.idx.msk [tilespmem:v4+s4+$0x0], $0xffff  }
0x142: {  	v6 =	vld.idx.msk [tilespmem:v6+s4+$0x0], $0xffff  }
0x143: {  	v3 =	vld.idx.msk [tilespmem:v3+s4+$0x0], $0xffff;
	_ =	sdelay $0x1  }
0x144: {  	[tilespmem:s9+$0xE0] =	vst v5  }
0x145: {  	v5 =	vld [tilespmem:s19+$0xF0];
	[tilespmem:s9+$0xFFFFFFE0] =	vst v4  }
0x146: {  	v4 =	vld [tilespmem:s19+$0xFFFFFFF0];
	[tilespmem:s9+$0x60] =	vst v6  }
0x147: {  	[tilespmem:s9+$0xFFFFFF60] =	vst v3;
	v6 =	vld [tilespmem:s19+$0x70]  }
0x148: {  	v3 =	vld [tilespmem:s19+$0xFFFFFF70];
	_ =	sdelay $0x3  }
0x149: {  	v0 =	vld.idx.msk [tilespmem:v0+s4+$0x0], $0xffff  }
0x14a: {  	v5 =	vld.idx.msk [tilespmem:v5+s4+$0x0], $0xffff  }
0x14b: {  	[tilespmem:s11+$0xFFFFFF70] =	vst v1;
	v1 =	vld.idx.msk [tilespmem:v4+s4+$0x0], $0xffff  }
0x14c: {  	[tilespmem:s11+$0xFFFFFFF0] =	vst v2;
	v2 =	vld.idx.msk [tilespmem:v6+s4+$0x0], $0xffff  }
0x14d: {  	v3 =	vld.idx.msk [tilespmem:v3+s4+$0x0], $0xffff  }
0x14e: {  	[tilespmem:s11+$0x70] =	vst v0  }
0x14f: {  	s8 =	sshll.u32 s8, $0x12;
	[tilespmem:s9+$0xF0] =	vst v5  }
0x150: {  	s7 =	sadd.s32 s7, s30;
	s8 =	sor.u32 s31, s8;
	[tilespmem:s9+$0xFFFFFFF0] =	vst v1  }
0x151: {  	s7 =	sadd.s32 $0x1, s7;
	s8 =	sshrl.u32 s8, $0x3;
	[tilespmem:s9+$0x70] =	vst v2  }
0x152: {  	p3 =	seq.s32 s7, $0x1;
	s8 =	sadd.s32 s1, s8;
	[tilespmem:s9+$0xFFFFFF70] =	vst v3  }
0x153: {  	[hbm4b:s8+s16] =	stream.strided.scatter [tilespmem:s24], [sflag:$0x3], $0x1000, s17, s16, $0x38;
	[tilespmem:$0x1FF00] =	vst v63  }
0x154: {  	s8 =	simm.s32 @!p3 $0x4  }
0x155: {  	_ =	swait.ge @!p3 [sflag:s8], $0x1000  }
0x156: {  	[sflag:s8] =	ssyncset.done @!p3 $0x0  }
0x157: {  	s20 =	simm.s32 $0x198F0;
	[sflag:s8] =	ssyncadd.s32 @!p3 $0xFFFFF000  }
0x158: {  	v0 =	vld [tilespmem:s20+$0xFFFFFF90]  }
0x159: {  	v1 =	vld [tilespmem:s20+$0xFFFFFE90]  }
0x15a: {  	v2 =	vld [tilespmem:s20+$0xFFFFFF10];
	_ =	sdelay $0x2  }
0x15b: {  	v3 =	vld [tilespmem:s20+$0xFFFFFE10];
	_ =	sdelay $0x2  }
0x15c: {  	v0 =	vld.idx.msk [tilespmem:v0+s4+$0x0], $0xffff  }
0x15d: {  	v1 =	vld.idx.msk [tilespmem:v1+s4+$0x0], $0xffff  }
0x15e: {  	v2 =	vld.idx.msk [tilespmem:v2+s4+$0x0], $0xffff;
	_ =	sdelay $0x1  }
0x15f: {  	s8 =	simm.s32 $0x1D800  }
0x160: {  	v3 =	vld.idx.msk [tilespmem:v3+s4+$0x0], $0xffff;
	[tilespmem:s8+$0x80] =	vst v0  }
0x161: {  	[tilespmem:s8+$0xFFFFFF80] =	vst v1;
	v0 =	vld [tilespmem:s20+$0xFFFFFFA0]  }
0x162: {  	[tilespmem:s8+$0x0] =	vst v2;
	v1 =	vld [tilespmem:s20+$0xFFFFFEA0]  }
0x163: {  	v2 =	vld [tilespmem:s20+$0xFFFFFF20];
	_ =	sdelay $0x1  }
0x164: {  	[tilespmem:s8+$0xFFFFFF00] =	vst v3  }
0x165: {  	v3 =	vld [tilespmem:s20+$0xFFFFFE20];
	_ =	sdelay $0x2  }
0x166: {  	v0 =	vld.idx.msk [tilespmem:v0+s4+$0x0], $0xffff  }
0x167: {  	v1 =	vld.idx.msk [tilespmem:v1+s4+$0x0], $0xffff  }
0x168: {  	v2 =	vld.idx.msk [tilespmem:v2+s4+$0x0], $0xffff;
	_ =	sdelay $0x2  }
0x169: {  	v3 =	vld.idx.msk [tilespmem:v3+s4+$0x0], $0xffff;
	[tilespmem:s8+$0x90] =	vst v0  }
0x16a: {  	[tilespmem:s8+$0xFFFFFF90] =	vst v1;
	v0 =	vld [tilespmem:s20+$0xFFFFFFB0]  }
0x16b: {  	[tilespmem:s8+$0x10] =	vst v2;
	v1 =	vld [tilespmem:s20+$0xFFFFFEB0]  }
0x16c: {  	v2 =	vld [tilespmem:s20+$0xFFFFFF30];
	_ =	sdelay $0x1  }
0x16d: {  	[tilespmem:s8+$0xFFFFFF10] =	vst v3  }
0x16e: {  	v3 =	vld [tilespmem:s20+$0xFFFFFE30]  }
0x16f: {  	s11 =	simm.s32 $0x19AF0  }
0x170: {  	v4 =	vld [tilespmem:s11+$0xFFFFFF90]  }
0x171: {  	v0 =	vld.idx.msk [tilespmem:v0+s4+$0x0], $0xffff  }
0x172: {  	v1 =	vld.idx.msk [tilespmem:v1+s4+$0x0], $0xffff  }
0x173: {  	v2 =	vld.idx.msk [tilespmem:v2+s4+$0x0], $0xffff;
	_ =	sdelay $0x1  }
0x174: {  	v5 =	vld [tilespmem:s11+$0xFFFFFE90]  }
0x175: {  	v3 =	vld.idx.msk [tilespmem:v3+s4+$0x0], $0xffff;
	[tilespmem:s8+$0xA0] =	vst v0  }
0x176: {  	[tilespmem:s8+$0xFFFFFFA0] =	vst v1;
	v0 =	vld [tilespmem:s20+$0xFFFFFFC0]  }
0x177: {  	[tilespmem:s8+$0x20] =	vst v2;
	v1 =	vld [tilespmem:s20+$0xFFFFFEC0]  }
0x178: {  	v2 =	vld [tilespmem:s20+$0xFFFFFF40];
	_ =	sdelay $0x1  }
0x179: {  	v4 =	vld.idx.msk [tilespmem:v4+s4+$0x0], $0xffff;
	[tilespmem:s8+$0xFFFFFF20] =	vst v3  }
0x17a: {  	v3 =	vld [tilespmem:s20+$0xFFFFFE40]  }
0x17b: {  	v5 =	vld.idx.msk [tilespmem:v5+s4+$0x0], $0xffff  }
0x17c: {  	v6 =	vld [tilespmem:s11+$0xFFFFFF10]  }
0x17d: {  	v0 =	vld.idx.msk [tilespmem:v0+s4+$0x0], $0xffff  }
0x17e: {  	s18 =	simm.s32 $0x1DA00;
	v1 =	vld.idx.msk [tilespmem:v1+s4+$0x0], $0xffff  }
0x17f: {  	[tilespmem:s18+$0x80] =	vst v4;
	v2 =	vld.idx.msk [tilespmem:v2+s4+$0x0], $0xffff  }
0x180: {  	[tilespmem:s18+$0xFFFFFF80] =	vst v5;
	v4 =	vld [tilespmem:s11+$0xFFFFFFA0]  }
0x181: {  	v5 =	vld [tilespmem:s11+$0xFFFFFEA0]  }
0x182: {  	v3 =	vld.idx.msk [tilespmem:v3+s4+$0x0], $0xffff;
	[tilespmem:s8+$0xB0] =	vst v0  }
0x183: {  	[tilespmem:s8+$0xFFFFFFB0] =	vst v1;
	v0 =	vld [tilespmem:s20+$0xFFFFFFD0]  }
0x184: {  	[tilespmem:s8+$0x30] =	vst v2;
	v1 =	vld [tilespmem:s20+$0xFFFFFED0]  }
0x185: {  	v2 =	vld [tilespmem:s20+$0xFFFFFF50]  }
0x186: {  	v7 =	vld [tilespmem:s11+$0xFFFFFE10]  }
0x187: {  	v6 =	vld.idx.msk [tilespmem:v6+s4+$0x0], $0xffff  }
0x188: {  	v4 =	vld.idx.msk [tilespmem:v4+s4+$0x0], $0xffff;
	[tilespmem:s8+$0xFFFFFF30] =	vst v3  }
0x189: {  	v3 =	vld [tilespmem:s20+$0xFFFFFE50]  }
0x18a: {  	v5 =	vld.idx.msk [tilespmem:v5+s4+$0x0], $0xffff  }
0x18b: {  	v0 =	vld.idx.msk [tilespmem:v0+s4+$0x0], $0xffff  }
0x18c: {  	v1 =	vld.idx.msk [tilespmem:v1+s4+$0x0], $0xffff  }
0x18d: {  	[tilespmem:s18+$0x0] =	vst v6;
	v2 =	vld.idx.msk [tilespmem:v2+s4+$0x0], $0xffff  }
0x18e: {  	[tilespmem:s18+$0x90] =	vst v4  }
0x18f: {  	v7 =	vld.idx.msk [tilespmem:v7+s4+$0x0], $0xffff;
	[tilespmem:s18+$0xFFFFFF90] =	vst v5  }
0x190: {  	v5 =	vld [tilespmem:s11+$0xFFFFFFB0];
	[tilespmem:s8+$0xC0] =	vst v0  }
0x191: {  	[tilespmem:s8+$0xFFFFFFC0] =	vst v1;
	v1 =	vld.idx.msk [tilespmem:v3+s4+$0x0], $0xffff  }
0x192: {  	[tilespmem:s8+$0x40] =	vst v2;
	v2 =	vld [tilespmem:s11+$0xFFFFFF20]  }
0x193: {  	v0 =	vld [tilespmem:s20+$0xFFFFFFE0]  }
0x194: {  	v3 =	vld [tilespmem:s20+$0xFFFFFEE0]  }
0x195: {  	[tilespmem:s18+$0xFFFFFF00] =	vst v7;
	v6 =	vld [tilespmem:s20+$0xFFFFFF60]  }
0x196: {  	[tilespmem:s8+$0xFFFFFF40] =	vst v1;
	v1 =	vld [tilespmem:s11+$0xFFFFFE20]  }
0x197: {  	v7 =	vld [tilespmem:s20+$0xFFFFFE60];
	_ =	sdelay $0x1  }
0x198: {  	v5 =	vld.idx.msk [tilespmem:v5+s4+$0x0], $0xffff  }
0x199: {  	v2 =	vld.idx.msk [tilespmem:v2+s4+$0x0], $0xffff  }
0x19a: {  	v0 =	vld.idx.msk [tilespmem:v0+s4+$0x0], $0xffff  }
0x19b: {  	v3 =	vld.idx.msk [tilespmem:v3+s4+$0x0], $0xffff  }
0x19c: {  	v6 =	vld.idx.msk [tilespmem:v6+s4+$0x0], $0xffff  }
0x19d: {  	v1 =	vld.idx.msk [tilespmem:v1+s4+$0x0], $0xffff  }
0x19e: {  	v4 =	vld.idx.msk [tilespmem:v7+s4+$0x0], $0xffff  }
0x19f: {  	[tilespmem:s18+$0x10] =	vst v2;
	v7 =	vld [tilespmem:s11+$0xFFFFFEB0]  }
0x1a0: {  	[tilespmem:s8+$0xD0] =	vst v0;
	v2 =	vld [tilespmem:s11+$0xFFFFFF30]  }
0x1a1: {  	[tilespmem:s8+$0xFFFFFFD0] =	vst v3;
	v0 =	vld [tilespmem:s20+$0xFFFFFFF0]  }
0x1a2: {  	v3 =	vld [tilespmem:s20+$0xFFFFFEF0];
	[tilespmem:s18+$0xFFFFFF10] =	vst v1  }
0x1a3: {  	v1 =	vld [tilespmem:s11+$0xFFFFFE30];
	[tilespmem:s8+$0xFFFFFF50] =	vst v4  }
0x1a4: {  	[tilespmem:s18+$0xA0] =	vst v5;
	v4 =	vld [tilespmem:s20+$0xFFFFFE70]  }
0x1a5: {  	v5 =	vld [tilespmem:s11+$0xFFFFFFC0];
	[tilespmem:s8+$0x50] =	vst v6  }
0x1a6: {  	v6 =	vld [tilespmem:s20+$0xFFFFFF70]  }
0x1a7: {  	v7 =	vld.idx.msk [tilespmem:v7+s4+$0x0], $0xffff  }
0x1a8: {  	v2 =	vld.idx.msk [tilespmem:v2+s4+$0x0], $0xffff  }
0x1a9: {  	v0 =	vld.idx.msk [tilespmem:v0+s4+$0x0], $0xffff  }
0x1aa: {  	v3 =	vld.idx.msk [tilespmem:v3+s4+$0x0], $0xffff  }
0x1ab: {  	v1 =	vld.idx.msk [tilespmem:v1+s4+$0x0], $0xffff  }
0x1ac: {  	[tilespmem:s18+$0xFFFFFFA0] =	vst v7;
	v4 =	vld.idx.msk [tilespmem:v4+s4+$0x0], $0xffff  }
0x1ad: {  	[tilespmem:s18+$0x20] =	vst v2;
	v7 =	vld [tilespmem:s11+$0xFFFFFEC0]  }
0x1ae: {  	[tilespmem:s8+$0xE0] =	vst v0;
	v2 =	vld [tilespmem:s11+$0xFFFFFF40]  }
0x1af: {  	v0 =	vld [tilespmem:s20+$0x0]  }
0x1b0: {  	v6 =	vld.idx.msk [tilespmem:v6+s4+$0x0], $0xffff;
	[tilespmem:s18+$0xFFFFFF20] =	vst v1  }
0x1b1: {  	[tilespmem:s8+$0xFFFFFFE0] =	vst v3;
	v1 =	vld [tilespmem:s11+$0xFFFFFE40]  }
0x1b2: {  	v3 =	vld.idx.msk [tilespmem:v5+s4+$0x0], $0xffff;
	[tilespmem:s8+$0xFFFFFF60] =	vst v4  }
0x1b3: {  	v4 =	vld [tilespmem:s20+$0xFFFFFE80]  }
0x1b4: {  	v9 =	vld [tilespmem:s20+$0xFFFFFF00]  }
0x1b5: {  	v5 =	vld.idx.msk [tilespmem:v7+s4+$0x0], $0xffff  }
0x1b6: {  	v2 =	vld.idx.msk [tilespmem:v2+s4+$0x0], $0xffff  }
0x1b7: {  	[tilespmem:s8+$0x60] =	vst v6;
	v8 =	vld.idx.msk [tilespmem:v0+s4+$0x0], $0xffff  }
0x1b8: {  	v0 =	vld [tilespmem:s20+$0xFFFFFF80]  }
0x1b9: {  	[tilespmem:s18+$0xB0] =	vst v3;
	v6 =	vld.idx.msk [tilespmem:v1+s4+$0x0], $0xffff  }
0x1ba: {  	[tilespmem:s18+$0xFFFFFFB0] =	vst v5;
	v5 =	vld [tilespmem:s11+$0xFFFFFFD0]  }
0x1bb: {  	v1 =	vld.idx.msk [tilespmem:v4+s4+$0x0], $0xffff  }
0x1bc: {  	[tilespmem:s18+$0x30] =	vst v2;
	v2 =	vld.idx.msk [tilespmem:v9+s4+$0x0], $0xffff  }
0x1bd: {  	v3 =	vld [tilespmem:s11+$0xFFFFFED0]  }
0x1be: {  	s10 =	simm.s32 $0x4;
	s19 =	simm.s32 $0x19CF0;
	s9 =	simm.s32 $0x1DA00;
	v4 =	vld [tilespmem:s11+$0xFFFFFF50];
	[tilespmem:s8+$0xF0] =	vst v8  }
.LBB2_9:
0x1bf: {  	v7 =	vld [tilespmem:s19+$0xFFFFFF90];
	s10 =	sadd.s32 $0x4, s10;
	[tilespmem:s18+$0xFFFFFF30] =	vst v6  }
0x1c0: {  	v6 =	vld [tilespmem:s19+$0xFFFFFE90];
	p3 =	slt.u32 s10, $0x1C;
	[tilespmem:s8+$0xFFFFFF70] =	vst v1  }
0x1c1: {  	v1 =	vld [tilespmem:s19+$0xFFFFFF10]  }
0x1c2: {  	v8 =	vld [tilespmem:s19+$0xFFFFFE10]  }
0x1c3: {  	v5 =	vld.idx.msk [tilespmem:v5+s4+$0x0], $0xffff  }
0x1c4: {  	v9 =	vld [tilespmem:s11+$0xFFFFFE50];
	[tilespmem:s8+$0xFFFFFFF0] =	vst v2  }
0x1c5: {  	v2 =	vld.idx.msk [tilespmem:v3+s4+$0x0], $0xffff  }
0x1c6: {  	v3 =	vld.idx.msk [tilespmem:v4+s4+$0x0], $0xffff  }
0x1c7: {  	v4 =	vld.idx.msk [tilespmem:v7+s4+$0x0], $0xffff  }
0x1c8: {  	v6 =	vld.idx.msk [tilespmem:v6+s4+$0x0], $0xffff  }
0x1c9: {  	v1 =	vld.idx.msk [tilespmem:v1+s4+$0x0], $0xffff;
	[tilespmem:s18+$0xC0] =	vst v5  }
0x1ca: {  	v5 =	vld [tilespmem:s11+$0xFFFFFFE0]  }
0x1cb: {  	v7 =	vld.idx.msk [tilespmem:v8+s4+$0x0], $0xffff;
	[tilespmem:s18+$0xFFFFFFC0] =	vst v2  }
0x1cc: {  	s18 =	sadd.s32 $0x200, s18;
	v2 =	vld.idx.msk [tilespmem:v9+s4+$0x0], $0xffff;
	[tilespmem:s9+$0x40] =	vst v3  }
0x1cd: {  	[tilespmem:s18+$0x80] =	vst v4;
	v3 =	vld [tilespmem:s11+$0xFFFFFEE0]  }
0x1ce: {  	[tilespmem:s18+$0xFFFFFF80] =	vst v6;
	v4 =	vld [tilespmem:s19+$0xFFFFFFA0]  }
0x1cf: {  	v6 =	vld [tilespmem:s19+$0xFFFFFEA0];
	[tilespmem:s18+$0x0] =	vst v1  }
0x1d0: {  	v1 =	vld [tilespmem:s19+$0xFFFFFF20]  }
0x1d1: {  	[tilespmem:s18+$0xFFFFFF00] =	vst v7;
	v7 =	vld [tilespmem:s11+$0xFFFFFF60]  }
0x1d2: {  	[tilespmem:s9+$0xFFFFFF40] =	vst v2;
	v2 =	vld.idx.msk [tilespmem:v5+s4+$0x0], $0xffff  }
0x1d3: {  	v5 =	vld [tilespmem:s19+$0xFFFFFE20]  }
0x1d4: {  	v8 =	vld [tilespmem:s11+$0xFFFFFE60]  }
0x1d5: {  	v3 =	vld.idx.msk [tilespmem:v3+s4+$0x0], $0xffff  }
0x1d6: {  	v4 =	vld.idx.msk [tilespmem:v4+s4+$0x0], $0xffff  }
0x1d7: {  	v6 =	vld.idx.msk [tilespmem:v6+s4+$0x0], $0xffff  }
0x1d8: {  	v1 =	vld.idx.msk [tilespmem:v1+s4+$0x0], $0xffff;
	[tilespmem:s9+$0xD0] =	vst v2  }
0x1d9: {  	v2 =	vld [tilespmem:s11+$0xFFFFFFF0]  }
0x1da: {  	v7 =	vld.idx.msk [tilespmem:v7+s4+$0x0], $0xffff  }
0x1db: {  	v5 =	vld.idx.msk [tilespmem:v5+s4+$0x0], $0xffff;
	[tilespmem:s9+$0xFFFFFFD0] =	vst v3  }
0x1dc: {  	[tilespmem:s18+$0x90] =	vst v4;
	v3 =	vld.idx.msk [tilespmem:v8+s4+$0x0], $0xffff  }
0x1dd: {  	[tilespmem:s18+$0xFFFFFF90] =	vst v6;
	v4 =	vld [tilespmem:s19+$0xFFFFFFB0]  }
0x1de: {  	v6 =	vld [tilespmem:s19+$0xFFFFFEB0];
	[tilespmem:s18+$0x10] =	vst v1  }
0x1df: {  	v1 =	vld [tilespmem:s19+$0xFFFFFF30]  }
0x1e0: {  	v8 =	vld [tilespmem:s11+$0xFFFFFEF0];
	[tilespmem:s9+$0x50] =	vst v7  }
0x1e1: {  	[tilespmem:s18+$0xFFFFFF10] =	vst v5;
	v2 =	vld.idx.msk [tilespmem:v2+s4+$0x0], $0xffff  }
0x1e2: {  	v5 =	vld [tilespmem:s19+$0xFFFFFE30];
	[tilespmem:s9+$0xFFFFFF50] =	vst v3  }
0x1e3: {  	v3 =	vld [tilespmem:s11+$0xFFFFFE70]  }
0x1e4: {  	v7 =	vld [tilespmem:s11+$0xFFFFFF70]  }
0x1e5: {  	v4 =	vld.idx.msk [tilespmem:v4+s4+$0x0], $0xffff  }
0x1e6: {  	v6 =	vld.idx.msk [tilespmem:v6+s4+$0x0], $0xffff  }
0x1e7: {  	v1 =	vld.idx.msk [tilespmem:v1+s4+$0x0], $0xffff;
	[tilespmem:s9+$0xE0] =	vst v2  }
0x1e8: {  	v2 =	vld [tilespmem:s11+$0x0]  }
0x1e9: {  	v8 =	vld.idx.msk [tilespmem:v8+s4+$0x0], $0xffff  }
0x1ea: {  	v5 =	vld.idx.msk [tilespmem:v5+s4+$0x0], $0xffff  }
0x1eb: {  	[tilespmem:s18+$0xA0] =	vst v4;
	v3 =	vld.idx.msk [tilespmem:v3+s4+$0x0], $0xffff  }
0x1ec: {  	[tilespmem:s18+$0xFFFFFFA0] =	vst v6;
	v4 =	vld [tilespmem:s19+$0xFFFFFFC0]  }
0x1ed: {  	v6 =	vld [tilespmem:s19+$0xFFFFFEC0];
	[tilespmem:s18+$0x20] =	vst v1  }
0x1ee: {  	v1 =	vld [tilespmem:s19+$0xFFFFFF40]  }
0x1ef: {  	[tilespmem:s9+$0xFFFFFFE0] =	vst v8;
	v7 =	vld.idx.msk [tilespmem:v7+s4+$0x0], $0xffff  }
0x1f0: {  	[tilespmem:s18+$0xFFFFFF20] =	vst v5;
	v2 =	vld.idx.msk [tilespmem:v2+s4+$0x0], $0xffff  }
0x1f1: {  	v5 =	vld [tilespmem:s19+$0xFFFFFE40];
	[tilespmem:s9+$0xFFFFFF60] =	vst v3  }
0x1f2: {  	v3 =	vld [tilespmem:s11+$0xFFFFFE80]  }
0x1f3: {  	v8 =	vld [tilespmem:s11+$0xFFFFFF00]  }
0x1f4: {  	v4 =	vld.idx.msk [tilespmem:v4+s4+$0x0], $0xffff  }
0x1f5: {  	v9 =	vld.idx.msk [tilespmem:v6+s4+$0x0], $0xffff;
	[tilespmem:s9+$0x60] =	vst v7  }
0x1f6: {  	v7 =	vld.idx.msk [tilespmem:v1+s4+$0x0], $0xffff;
	[tilespmem:s9+$0xF0] =	vst v2  }
0x1f7: {  	v2 =	vld [tilespmem:s11+$0xFFFFFF80];
	s11 =	smov.u32 s19  }
0x1f8: {  	v10 =	vld.idx.msk [tilespmem:v0+s4+$0x0], $0xffff  }
0x1f9: {  	v6 =	vld.idx.msk [tilespmem:v5+s4+$0x0], $0xffff  }
.Ltmp12:
0x1fa: {  	[tilespmem:s18+$0xB0] =	vst v4;
	v1 =	vld.idx.msk [tilespmem:v3+s4+$0x0], $0xffff;
	(pc) =	sbr.rel @p3 .LBB2_9-.Ltmp12, $4  }
0x1fb: {  	[tilespmem:s18+$0xFFFFFFB0] =	vst v9;
	v5 =	vld [tilespmem:s19+$0xFFFFFFD0]  }
0x1fc: {  	v3 =	vld [tilespmem:s19+$0xFFFFFED0];
	[tilespmem:s18+$0x30] =	vst v7;
	v0 =	vmov v2  }
0x1fd: {  	v4 =	vld [tilespmem:s19+$0xFFFFFF50]  }
0x1fe: {  	s19 =	sadd.s32 $0x200, s19;
	v2 =	vld.idx.msk [tilespmem:v8+s4+$0x0], $0xffff;
	[tilespmem:s8+$0x70] =	vst v10;
	s8 =	smov.u32 s9;
	s9 =	smov.u32 s18  }
0x1ff: {  	[tilespmem:s18+$0xFFFFFF30] =	vst v6  }
0x200: {  	v6 =	vld [tilespmem:s11+$0xFFFFFE50];
	_ =	sdelay $0x4  }
0x201: {  	v5 =	vld.idx.msk [tilespmem:v5+s4+$0x0], $0xffff  }
0x202: {  	v3 =	vld.idx.msk [tilespmem:v3+s4+$0x0], $0xffff  }
0x203: {  	v4 =	vld.idx.msk [tilespmem:v4+s4+$0x0], $0xffff  }
0x204: {  	v6 =	vld.idx.msk [tilespmem:v6+s4+$0x0], $0xffff;
	_ =	sdelay $0x1  }
0x205: {  	[tilespmem:s18+$0xC0] =	vst v5  }
0x206: {  	v5 =	vld [tilespmem:s11+$0xFFFFFFE0];
	[tilespmem:s18+$0xFFFFFFC0] =	vst v3  }
0x207: {  	[tilespmem:s9+$0x40] =	vst v4;
	v60 =	vld [tilespmem:s11+$0xFFFFFEE0]  }
0x208: {  	v61 =	vld [tilespmem:s11+$0xFFFFFF60];
	[tilespmem:s9+$0xFFFFFF40] =	vst v6  }
0x209: {  	v59 =	vld [tilespmem:s11+$0xFFFFFE60];
	_ =	sdelay $0x4  }
0x20a: {  	v5 =	vld.idx.msk [tilespmem:v5+s4+$0x0], $0xffff  }
0x20b: {  	v4 =	vld.idx.msk [tilespmem:v60+s4+$0x0], $0xffff  }
0x20c: {  	v6 =	vld.idx.msk [tilespmem:v61+s4+$0x0], $0xffff  }
0x20d: {  	v3 =	vld.idx.msk [tilespmem:v59+s4+$0x0], $0xffff;
	_ =	sdelay $0x1  }
0x20e: {  	[tilespmem:s9+$0xD0] =	vst v5  }
0x20f: {  	v5 =	vld [tilespmem:s11+$0xFFFFFFF0];
	[tilespmem:s9+$0xFFFFFFD0] =	vst v4  }
0x210: {  	v4 =	vld [tilespmem:s11+$0xFFFFFEF0];
	[tilespmem:s9+$0x50] =	vst v6  }
0x211: {  	v6 =	vld [tilespmem:s11+$0xFFFFFF70];
	[tilespmem:s9+$0xFFFFFF50] =	vst v3  }
0x212: {  	v3 =	vld [tilespmem:s11+$0xFFFFFE70];
	_ =	sdelay $0x4  }
0x213: {  	v5 =	vld.idx.msk [tilespmem:v5+s4+$0x0], $0xffff  }
0x214: {  	v4 =	vld.idx.msk [tilespmem:v4+s4+$0x0], $0xffff  }
0x215: {  	v6 =	vld.idx.msk [tilespmem:v6+s4+$0x0], $0xffff  }
0x216: {  	v3 =	vld.idx.msk [tilespmem:v3+s4+$0x0], $0xffff;
	_ =	sdelay $0x1  }
0x217: {  	[tilespmem:s9+$0xE0] =	vst v5  }
0x218: {  	v5 =	vld [tilespmem:s11+$0x0];
	[tilespmem:s9+$0xFFFFFFE0] =	vst v4  }
0x219: {  	v4 =	vld [tilespmem:s11+$0xFFFFFF00];
	[tilespmem:s9+$0x60] =	vst v6  }
0x21a: {  	v6 =	vld [tilespmem:s11+$0xFFFFFF80];
	[tilespmem:s9+$0xFFFFFF60] =	vst v3  }
0x21b: {  	v3 =	vld [tilespmem:s11+$0xFFFFFE80];
	_ =	sdelay $0x3  }
0x21c: {  	v0 =	vld.idx.msk [tilespmem:v0+s4+$0x0], $0xffff  }
0x21d: {  	v5 =	vld.idx.msk [tilespmem:v5+s4+$0x0], $0xffff  }
0x21e: {  	v62 =	vld.idx.msk [tilespmem:v4+s4+$0x0], $0xffff  }
0x21f: {  	[tilespmem:s8+$0xFFFFFF70] =	vst v1;
	v63 =	vld.idx.msk [tilespmem:v6+s4+$0x0], $0xffff  }
0x220: {  	[tilespmem:s8+$0xFFFFFFF0] =	vst v2;
	v3 =	vld.idx.msk [tilespmem:v3+s4+$0x0], $0xffff  }
0x221: {  	[tilespmem:s8+$0x70] =	vst v0  }
0x222: {  	s7 =	sshll.u32 s7, $0x12;
	[tilespmem:s9+$0xF0] =	vst v5  }
0x223: {  	s7 =	sor.u32 s31, s7;
	[tilespmem:s9+$0xFFFFFFF0] =	vst v62  }
0x224: {  	s7 =	sshrl.u32 s7, $0x3;
	[tilespmem:s9+$0x70] =	vst v63  }
0x225: {  	p3 =	sgt.u32 s28, $0x3;
	s7 =	sadd.s32 s1, s7;
	[tilespmem:s9+$0xFFFFFF70] =	vst v3  }
0x226: {  	[hbm4b:s7+s16] =	stream.strided.scatter [tilespmem:s26], [sflag:$0x4], $0x1000, s17, s16, $0x38;
	[tilespmem:$0x1FF00] =	vst v63  }
0x227: {  	s7 =	sshll.u32 @!p3 s28, $0xD  }
0x228: {  	s7 =	sand.u32 @!p3 $0x3FFFE000, s7  }
0x229: {  	s7 =	sadd.s32 @!p3 s7, s2  }
0x22a: {  	s8 =	simm.s32 @!p3 $0x18700;
	s7 =	sadd.s32 @!p3 $0x4000, s7  }
0x22b: {  	[tilespmem:s8], [sflag:$0x1] =	stream.linear.gather @!p3 [spmem:s7], $0x2000, $0x38;
	[tilespmem:$0x1FF00] =	vst v63  }
0x22c: {  	p3 =	seq.s32 s6, $0x0  }
.Ltmp13:
0x22d: {  	_ = 	snop;
	(pc) =	sbr.rel @p3 .LBB2_16-.Ltmp13, $1  }
0x22e: {  	_ =	sdelay $0x3  }
.LBB2_11:
0x22f: {  	_ =	swait.ge [sflag:s22], $0x2000  }
0x230: {  	[sflag:s22] =	ssyncset.done $0x0  }
0x231: {  	[sflag:s22] =	ssyncadd.s32 $0xFFFFE000  }
0x232: {  	_ =	swait.ge [sflag:s23], $0x1000  }
0x233: {  	[sflag:s23] =	ssyncset.done $0x0  }
0x234: {  	s9 =	simm.s32 $0x1A800;
	[sflag:s23] =	ssyncadd.s32 $0xFFFFF000  }
0x235: {  	v0 =	vld [tilespmem:s9+$0x80]  }
0x236: {  	v1 =	vld [tilespmem:s9+$0xFFFFFF80]  }
0x237: {  	v2 =	vld [tilespmem:s9+$0x0];
	_ =	sdelay $0x2  }
0x238: {  	v3 =	vld [tilespmem:s9+$0xFFFFFF00];
	_ =	sdelay $0x2  }
0x239: {  	v0 =	vld.idx.msk [tilespmem:v0+s4+$0x0], $0xffff  }
0x23a: {  	v1 =	vld.idx.msk [tilespmem:v1+s4+$0x0], $0xffff  }
0x23b: {  	v2 =	vld.idx.msk [tilespmem:v2+s4+$0x0], $0xffff;
	_ =	sdelay $0x1  }
0x23c: {  	s6 =	simm.s32 $0x1C800  }
0x23d: {  	v3 =	vld.idx.msk [tilespmem:v3+s4+$0x0], $0xffff;
	[tilespmem:s6+$0x80] =	vst v0  }
0x23e: {  	[tilespmem:s6+$0xFFFFFF80] =	vst v1;
	v0 =	vld [tilespmem:s9+$0x90]  }
0x23f: {  	[tilespmem:s6+$0x0] =	vst v2;
	v1 =	vld [tilespmem:s9+$0xFFFFFF90]  }
0x240: {  	v2 =	vld [tilespmem:s9+$0x10];
	_ =	sdelay $0x1  }
0x241: {  	[tilespmem:s6+$0xFFFFFF00] =	vst v3  }
0x242: {  	v3 =	vld [tilespmem:s9+$0xFFFFFF10];
	_ =	sdelay $0x2  }
0x243: {  	v0 =	vld.idx.msk [tilespmem:v0+s4+$0x0], $0xffff  }
0x244: {  	v1 =	vld.idx.msk [tilespmem:v1+s4+$0x0], $0xffff  }
0x245: {  	v2 =	vld.idx.msk [tilespmem:v2+s4+$0x0], $0xffff;
	_ =	sdelay $0x2  }
0x246: {  	v3 =	vld.idx.msk [tilespmem:v3+s4+$0x0], $0xffff;
	[tilespmem:s6+$0x90] =	vst v0  }
0x247: {  	[tilespmem:s6+$0xFFFFFF90] =	vst v1;
	v0 =	vld [tilespmem:s9+$0xA0]  }
0x248: {  	[tilespmem:s6+$0x10] =	vst v2;
	v1 =	vld [tilespmem:s9+$0xFFFFFFA0]  }
0x249: {  	v2 =	vld [tilespmem:s9+$0x20];
	_ =	sdelay $0x1  }
0x24a: {  	[tilespmem:s6+$0xFFFFFF10] =	vst v3  }
0x24b: {  	v3 =	vld [tilespmem:s9+$0xFFFFFF20]  }
0x24c: {  	s7 =	simm.s32 $0x1AA00  }
0x24d: {  	v4 =	vld [tilespmem:s7+$0x80]  }
0x24e: {  	v0 =	vld.idx.msk [tilespmem:v0+s4+$0x0], $0xffff  }
0x24f: {  	v1 =	vld.idx.msk [tilespmem:v1+s4+$0x0], $0xffff  }
0x250: {  	v2 =	vld.idx.msk [tilespmem:v2+s4+$0x0], $0xffff;
	_ =	sdelay $0x1  }
0x251: {  	v5 =	vld [tilespmem:s7+$0xFFFFFF80]  }
0x252: {  	v3 =	vld.idx.msk [tilespmem:v3+s4+$0x0], $0xffff;
	[tilespmem:s6+$0xA0] =	vst v0  }
0x253: {  	[tilespmem:s6+$0xFFFFFFA0] =	vst v1;
	v0 =	vld [tilespmem:s9+$0xB0]  }
0x254: {  	[tilespmem:s6+$0x20] =	vst v2;
	v1 =	vld [tilespmem:s9+$0xFFFFFFB0]  }
0x255: {  	v2 =	vld [tilespmem:s9+$0x30];
	_ =	sdelay $0x1  }
0x256: {  	v4 =	vld.idx.msk [tilespmem:v4+s4+$0x0], $0xffff;
	[tilespmem:s6+$0xFFFFFF20] =	vst v3  }
0x257: {  	v3 =	vld [tilespmem:s9+$0xFFFFFF30]  }
0x258: {  	v5 =	vld.idx.msk [tilespmem:v5+s4+$0x0], $0xffff  }
0x259: {  	v6 =	vld [tilespmem:s7+$0x0]  }
0x25a: {  	v0 =	vld.idx.msk [tilespmem:v0+s4+$0x0], $0xffff  }
0x25b: {  	s8 =	simm.s32 $0x1CA00;
	v1 =	vld.idx.msk [tilespmem:v1+s4+$0x0], $0xffff  }
0x25c: {  	[tilespmem:s8+$0x80] =	vst v4;
	v2 =	vld.idx.msk [tilespmem:v2+s4+$0x0], $0xffff  }
0x25d: {  	[tilespmem:s8+$0xFFFFFF80] =	vst v5;
	v4 =	vld [tilespmem:s7+$0x90]  }
0x25e: {  	v5 =	vld [tilespmem:s7+$0xFFFFFF90]  }
0x25f: {  	v3 =	vld.idx.msk [tilespmem:v3+s4+$0x0], $0xffff;
	[tilespmem:s6+$0xB0] =	vst v0  }
0x260: {  	[tilespmem:s6+$0xFFFFFFB0] =	vst v1;
	v0 =	vld [tilespmem:s9+$0xC0]  }
0x261: {  	[tilespmem:s6+$0x30] =	vst v2;
	v1 =	vld [tilespmem:s9+$0xFFFFFFC0]  }
0x262: {  	v2 =	vld [tilespmem:s9+$0x40]  }
0x263: {  	v7 =	vld [tilespmem:s7+$0xFFFFFF00]  }
0x264: {  	v6 =	vld.idx.msk [tilespmem:v6+s4+$0x0], $0xffff  }
0x265: {  	v4 =	vld.idx.msk [tilespmem:v4+s4+$0x0], $0xffff;
	[tilespmem:s6+$0xFFFFFF30] =	vst v3  }
0x266: {  	v3 =	vld [tilespmem:s9+$0xFFFFFF40]  }
0x267: {  	v5 =	vld.idx.msk [tilespmem:v5+s4+$0x0], $0xffff  }
0x268: {  	v0 =	vld.idx.msk [tilespmem:v0+s4+$0x0], $0xffff  }
0x269: {  	v1 =	vld.idx.msk [tilespmem:v1+s4+$0x0], $0xffff  }
0x26a: {  	[tilespmem:s8+$0x0] =	vst v6;
	v2 =	vld.idx.msk [tilespmem:v2+s4+$0x0], $0xffff  }
0x26b: {  	[tilespmem:s8+$0x90] =	vst v4  }
0x26c: {  	v7 =	vld.idx.msk [tilespmem:v7+s4+$0x0], $0xffff;
	[tilespmem:s8+$0xFFFFFF90] =	vst v5  }
0x26d: {  	v5 =	vld [tilespmem:s7+$0xA0];
	[tilespmem:s6+$0xC0] =	vst v0  }
0x26e: {  	[tilespmem:s6+$0xFFFFFFC0] =	vst v1;
	v1 =	vld.idx.msk [tilespmem:v3+s4+$0x0], $0xffff  }
0x26f: {  	[tilespmem:s6+$0x40] =	vst v2;
	v2 =	vld [tilespmem:s7+$0x10]  }
0x270: {  	v0 =	vld [tilespmem:s9+$0xD0]  }
0x271: {  	v3 =	vld [tilespmem:s9+$0xFFFFFFD0]  }
0x272: {  	[tilespmem:s8+$0xFFFFFF00] =	vst v7;
	v6 =	vld [tilespmem:s9+$0x50]  }
0x273: {  	[tilespmem:s6+$0xFFFFFF40] =	vst v1;
	v1 =	vld [tilespmem:s7+$0xFFFFFF10]  }
0x274: {  	v7 =	vld [tilespmem:s9+$0xFFFFFF50];
	_ =	sdelay $0x1  }
0x275: {  	v5 =	vld.idx.msk [tilespmem:v5+s4+$0x0], $0xffff  }
0x276: {  	v2 =	vld.idx.msk [tilespmem:v2+s4+$0x0], $0xffff  }
0x277: {  	v0 =	vld.idx.msk [tilespmem:v0+s4+$0x0], $0xffff  }
0x278: {  	v3 =	vld.idx.msk [tilespmem:v3+s4+$0x0], $0xffff  }
0x279: {  	v6 =	vld.idx.msk [tilespmem:v6+s4+$0x0], $0xffff  }
0x27a: {  	v1 =	vld.idx.msk [tilespmem:v1+s4+$0x0], $0xffff  }
0x27b: {  	v4 =	vld.idx.msk [tilespmem:v7+s4+$0x0], $0xffff  }
0x27c: {  	[tilespmem:s8+$0x10] =	vst v2;
	v7 =	vld [tilespmem:s7+$0xFFFFFFA0]  }
0x27d: {  	[tilespmem:s6+$0xD0] =	vst v0;
	v2 =	vld [tilespmem:s7+$0x20]  }
0x27e: {  	[tilespmem:s6+$0xFFFFFFD0] =	vst v3;
	v0 =	vld [tilespmem:s9+$0xE0]  }
0x27f: {  	v3 =	vld [tilespmem:s9+$0xFFFFFFE0];
	[tilespmem:s8+$0xFFFFFF10] =	vst v1  }
0x280: {  	v1 =	vld [tilespmem:s7+$0xFFFFFF20];
	[tilespmem:s6+$0xFFFFFF50] =	vst v4  }
0x281: {  	[tilespmem:s8+$0xA0] =	vst v5;
	v4 =	vld [tilespmem:s9+$0xFFFFFF60]  }
0x282: {  	v5 =	vld [tilespmem:s7+$0xB0];
	[tilespmem:s6+$0x50] =	vst v6  }
0x283: {  	v6 =	vld [tilespmem:s9+$0x60]  }
0x284: {  	v7 =	vld.idx.msk [tilespmem:v7+s4+$0x0], $0xffff  }
0x285: {  	v2 =	vld.idx.msk [tilespmem:v2+s4+$0x0], $0xffff  }
0x286: {  	v0 =	vld.idx.msk [tilespmem:v0+s4+$0x0], $0xffff  }
0x287: {  	v3 =	vld.idx.msk [tilespmem:v3+s4+$0x0], $0xffff  }
0x288: {  	v1 =	vld.idx.msk [tilespmem:v1+s4+$0x0], $0xffff  }
0x289: {  	[tilespmem:s8+$0xFFFFFFA0] =	vst v7;
	v4 =	vld.idx.msk [tilespmem:v4+s4+$0x0], $0xffff  }
0x28a: {  	[tilespmem:s8+$0x20] =	vst v2;
	v7 =	vld [tilespmem:s7+$0xFFFFFFB0]  }
0x28b: {  	[tilespmem:s6+$0xE0] =	vst v0;
	v2 =	vld [tilespmem:s7+$0x30]  }
0x28c: {  	v0 =	vld [tilespmem:s9+$0xF0]  }
0x28d: {  	v6 =	vld.idx.msk [tilespmem:v6+s4+$0x0], $0xffff;
	[tilespmem:s8+$0xFFFFFF20] =	vst v1  }
0x28e: {  	[tilespmem:s6+$0xFFFFFFE0] =	vst v3;
	v1 =	vld [tilespmem:s7+$0xFFFFFF30]  }
0x28f: {  	v3 =	vld.idx.msk [tilespmem:v5+s4+$0x0], $0xffff;
	[tilespmem:s6+$0xFFFFFF60] =	vst v4  }
0x290: {  	v4 =	vld [tilespmem:s9+$0xFFFFFF70]  }
0x291: {  	v9 =	vld [tilespmem:s9+$0xFFFFFFF0]  }
0x292: {  	v5 =	vld.idx.msk [tilespmem:v7+s4+$0x0], $0xffff  }
0x293: {  	v2 =	vld.idx.msk [tilespmem:v2+s4+$0x0], $0xffff  }
0x294: {  	[tilespmem:s6+$0x60] =	vst v6;
	v8 =	vld.idx.msk [tilespmem:v0+s4+$0x0], $0xffff  }
0x295: {  	v0 =	vld [tilespmem:s9+$0x70]  }
0x296: {  	[tilespmem:s8+$0xB0] =	vst v3;
	v6 =	vld.idx.msk [tilespmem:v1+s4+$0x0], $0xffff  }
0x297: {  	[tilespmem:s8+$0xFFFFFFB0] =	vst v5;
	v5 =	vld [tilespmem:s7+$0xC0]  }
0x298: {  	v1 =	vld.idx.msk [tilespmem:v4+s4+$0x0], $0xffff  }
0x299: {  	[tilespmem:s8+$0x30] =	vst v2;
	v2 =	vld.idx.msk [tilespmem:v9+s4+$0x0], $0xffff  }
0x29a: {  	v3 =	vld [tilespmem:s7+$0xFFFFFFC0]  }
0x29b: {  	s10 =	simm.s32 $0x1AC00;
	s11 =	simm.s32 $0x1CA00;
	s9 =	simm.s32 $0x4;
	v4 =	vld [tilespmem:s7+$0x40];
	[tilespmem:s6+$0xF0] =	vst v8  }
.LBB2_12:
0x29c: {  	v7 =	vld [tilespmem:s10+$0x80];
	s9 =	sadd.s32 $0x4, s9;
	[tilespmem:s8+$0xFFFFFF30] =	vst v6  }
0x29d: {  	v6 =	vld [tilespmem:s10+$0xFFFFFF80];
	p3 =	slt.u32 s9, $0x1C;
	[tilespmem:s6+$0xFFFFFF70] =	vst v1  }
0x29e: {  	v1 =	vld [tilespmem:s10+$0x0]  }
0x29f: {  	v8 =	vld [tilespmem:s10+$0xFFFFFF00]  }
0x2a0: {  	v5 =	vld.idx.msk [tilespmem:v5+s4+$0x0], $0xffff  }
0x2a1: {  	v9 =	vld [tilespmem:s7+$0xFFFFFF40];
	[tilespmem:s6+$0xFFFFFFF0] =	vst v2  }
0x2a2: {  	v2 =	vld.idx.msk [tilespmem:v3+s4+$0x0], $0xffff  }
0x2a3: {  	v3 =	vld.idx.msk [tilespmem:v4+s4+$0x0], $0xffff  }
0x2a4: {  	v4 =	vld.idx.msk [tilespmem:v7+s4+$0x0], $0xffff  }
0x2a5: {  	v6 =	vld.idx.msk [tilespmem:v6+s4+$0x0], $0xffff  }
0x2a6: {  	v1 =	vld.idx.msk [tilespmem:v1+s4+$0x0], $0xffff;
	[tilespmem:s8+$0xC0] =	vst v5  }
0x2a7: {  	v5 =	vld [tilespmem:s7+$0xD0]  }
0x2a8: {  	v7 =	vld.idx.msk [tilespmem:v8+s4+$0x0], $0xffff;
	[tilespmem:s8+$0xFFFFFFC0] =	vst v2  }
0x2a9: {  	s8 =	sadd.s32 $0x200, s8;
	v2 =	vld.idx.msk [tilespmem:v9+s4+$0x0], $0xffff;
	[tilespmem:s11+$0x40] =	vst v3  }
0x2aa: {  	[tilespmem:s8+$0x80] =	vst v4;
	v3 =	vld [tilespmem:s7+$0xFFFFFFD0]  }
0x2ab: {  	[tilespmem:s8+$0xFFFFFF80] =	vst v6;
	v4 =	vld [tilespmem:s10+$0x90]  }
0x2ac: {  	v6 =	vld [tilespmem:s10+$0xFFFFFF90];
	[tilespmem:s8+$0x0] =	vst v1  }
0x2ad: {  	v1 =	vld [tilespmem:s10+$0x10]  }
0x2ae: {  	[tilespmem:s8+$0xFFFFFF00] =	vst v7;
	v7 =	vld [tilespmem:s7+$0x50]  }
0x2af: {  	[tilespmem:s11+$0xFFFFFF40] =	vst v2;
	v2 =	vld.idx.msk [tilespmem:v5+s4+$0x0], $0xffff  }
0x2b0: {  	v5 =	vld [tilespmem:s10+$0xFFFFFF10]  }
0x2b1: {  	v8 =	vld [tilespmem:s7+$0xFFFFFF50]  }
0x2b2: {  	v3 =	vld.idx.msk [tilespmem:v3+s4+$0x0], $0xffff  }
0x2b3: {  	v4 =	vld.idx.msk [tilespmem:v4+s4+$0x0], $0xffff  }
0x2b4: {  	v6 =	vld.idx.msk [tilespmem:v6+s4+$0x0], $0xffff  }
0x2b5: {  	v1 =	vld.idx.msk [tilespmem:v1+s4+$0x0], $0xffff;
	[tilespmem:s11+$0xD0] =	vst v2  }
0x2b6: {  	v2 =	vld [tilespmem:s7+$0xE0]  }
0x2b7: {  	v7 =	vld.idx.msk [tilespmem:v7+s4+$0x0], $0xffff  }
0x2b8: {  	v5 =	vld.idx.msk [tilespmem:v5+s4+$0x0], $0xffff;
	[tilespmem:s11+$0xFFFFFFD0] =	vst v3  }
0x2b9: {  	[tilespmem:s8+$0x90] =	vst v4;
	v3 =	vld.idx.msk [tilespmem:v8+s4+$0x0], $0xffff  }
0x2ba: {  	[tilespmem:s8+$0xFFFFFF90] =	vst v6;
	v4 =	vld [tilespmem:s10+$0xA0]  }
0x2bb: {  	v6 =	vld [tilespmem:s10+$0xFFFFFFA0];
	[tilespmem:s8+$0x10] =	vst v1  }
0x2bc: {  	v1 =	vld [tilespmem:s10+$0x20]  }
0x2bd: {  	v8 =	vld [tilespmem:s7+$0xFFFFFFE0];
	[tilespmem:s11+$0x50] =	vst v7  }
0x2be: {  	[tilespmem:s8+$0xFFFFFF10] =	vst v5;
	v2 =	vld.idx.msk [tilespmem:v2+s4+$0x0], $0xffff  }
0x2bf: {  	v5 =	vld [tilespmem:s10+$0xFFFFFF20];
	[tilespmem:s11+$0xFFFFFF50] =	vst v3  }
0x2c0: {  	v3 =	vld [tilespmem:s7+$0xFFFFFF60]  }
0x2c1: {  	v7 =	vld [tilespmem:s7+$0x60]  }
0x2c2: {  	v4 =	vld.idx.msk [tilespmem:v4+s4+$0x0], $0xffff  }
0x2c3: {  	v6 =	vld.idx.msk [tilespmem:v6+s4+$0x0], $0xffff  }
0x2c4: {  	v1 =	vld.idx.msk [tilespmem:v1+s4+$0x0], $0xffff;
	[tilespmem:s11+$0xE0] =	vst v2  }
0x2c5: {  	v2 =	vld [tilespmem:s7+$0xF0]  }
0x2c6: {  	v8 =	vld.idx.msk [tilespmem:v8+s4+$0x0], $0xffff  }
0x2c7: {  	v5 =	vld.idx.msk [tilespmem:v5+s4+$0x0], $0xffff  }
0x2c8: {  	[tilespmem:s8+$0xA0] =	vst v4;
	v3 =	vld.idx.msk [tilespmem:v3+s4+$0x0], $0xffff  }
0x2c9: {  	[tilespmem:s8+$0xFFFFFFA0] =	vst v6;
	v4 =	vld [tilespmem:s10+$0xB0]  }
0x2ca: {  	v6 =	vld [tilespmem:s10+$0xFFFFFFB0];
	[tilespmem:s8+$0x20] =	vst v1  }
0x2cb: {  	v1 =	vld [tilespmem:s10+$0x30]  }
0x2cc: {  	[tilespmem:s11+$0xFFFFFFE0] =	vst v8;
	v7 =	vld.idx.msk [tilespmem:v7+s4+$0x0], $0xffff  }
0x2cd: {  	[tilespmem:s8+$0xFFFFFF20] =	vst v5;
	v2 =	vld.idx.msk [tilespmem:v2+s4+$0x0], $0xffff  }
0x2ce: {  	v5 =	vld [tilespmem:s10+$0xFFFFFF30];
	[tilespmem:s11+$0xFFFFFF60] =	vst v3  }
0x2cf: {  	v3 =	vld [tilespmem:s7+$0xFFFFFF70]  }
0x2d0: {  	v8 =	vld [tilespmem:s7+$0xFFFFFFF0]  }
0x2d1: {  	v4 =	vld.idx.msk [tilespmem:v4+s4+$0x0], $0xffff  }
0x2d2: {  	v9 =	vld.idx.msk [tilespmem:v6+s4+$0x0], $0xffff;
	[tilespmem:s11+$0x60] =	vst v7  }
0x2d3: {  	v7 =	vld.idx.msk [tilespmem:v1+s4+$0x0], $0xffff;
	[tilespmem:s11+$0xF0] =	vst v2  }
0x2d4: {  	v2 =	vld [tilespmem:s7+$0x70];
	s7 =	smov.u32 s10  }
0x2d5: {  	v10 =	vld.idx.msk [tilespmem:v0+s4+$0x0], $0xffff  }
0x2d6: {  	v6 =	vld.idx.msk [tilespmem:v5+s4+$0x0], $0xffff  }
.Ltmp14:
0x2d7: {  	[tilespmem:s8+$0xB0] =	vst v4;
	v1 =	vld.idx.msk [tilespmem:v3+s4+$0x0], $0xffff;
	(pc) =	sbr.rel @p3 .LBB2_12-.Ltmp14, $4  }
0x2d8: {  	[tilespmem:s8+$0xFFFFFFB0] =	vst v9;
	v5 =	vld [tilespmem:s10+$0xC0]  }
0x2d9: {  	v3 =	vld [tilespmem:s10+$0xFFFFFFC0];
	[tilespmem:s8+$0x30] =	vst v7;
	v0 =	vmov v2  }
0x2da: {  	v4 =	vld [tilespmem:s10+$0x40]  }
0x2db: {  	s10 =	sadd.s32 $0x200, s10;
	v2 =	vld.idx.msk [tilespmem:v8+s4+$0x0], $0xffff;
	[tilespmem:s6+$0x70] =	vst v10;
	s6 =	smov.u32 s11;
	s11 =	smov.u32 s8  }
0x2dc: {  	[tilespmem:s8+$0xFFFFFF30] =	vst v6  }
0x2dd: {  	v6 =	vld [tilespmem:s7+$0xFFFFFF40];
	_ =	sdelay $0x4  }
0x2de: {  	v5 =	vld.idx.msk [tilespmem:v5+s4+$0x0], $0xffff  }
0x2df: {  	v3 =	vld.idx.msk [tilespmem:v3+s4+$0x0], $0xffff  }
0x2e0: {  	v4 =	vld.idx.msk [tilespmem:v4+s4+$0x0], $0xffff  }
0x2e1: {  	v6 =	vld.idx.msk [tilespmem:v6+s4+$0x0], $0xffff;
	_ =	sdelay $0x1  }
0x2e2: {  	[tilespmem:s8+$0xC0] =	vst v5  }
0x2e3: {  	v5 =	vld [tilespmem:s7+$0xD0];
	[tilespmem:s8+$0xFFFFFFC0] =	vst v3  }
0x2e4: {  	[tilespmem:s11+$0x40] =	vst v4;
	v4 =	vld [tilespmem:s7+$0xFFFFFFD0]  }
0x2e5: {  	[tilespmem:s11+$0xFFFFFF40] =	vst v6;
	v6 =	vld [tilespmem:s7+$0x50]  }
0x2e6: {  	v3 =	vld [tilespmem:s7+$0xFFFFFF50];
	_ =	sdelay $0x4  }
0x2e7: {  	v5 =	vld.idx.msk [tilespmem:v5+s4+$0x0], $0xffff  }
0x2e8: {  	v4 =	vld.idx.msk [tilespmem:v4+s4+$0x0], $0xffff  }
0x2e9: {  	v6 =	vld.idx.msk [tilespmem:v6+s4+$0x0], $0xffff  }
0x2ea: {  	v3 =	vld.idx.msk [tilespmem:v3+s4+$0x0], $0xffff;
	_ =	sdelay $0x1  }
0x2eb: {  	[tilespmem:s11+$0xD0] =	vst v5  }
0x2ec: {  	v5 =	vld [tilespmem:s7+$0xE0];
	[tilespmem:s11+$0xFFFFFFD0] =	vst v4  }
0x2ed: {  	v4 =	vld [tilespmem:s7+$0xFFFFFFE0];
	[tilespmem:s11+$0x50] =	vst v6  }
0x2ee: {  	[tilespmem:s11+$0xFFFFFF50] =	vst v3;
	v6 =	vld [tilespmem:s7+$0x60]  }
0x2ef: {  	v3 =	vld [tilespmem:s7+$0xFFFFFF60];
	_ =	sdelay $0x4  }
0x2f0: {  	v5 =	vld.idx.msk [tilespmem:v5+s4+$0x0], $0xffff  }
0x2f1: {  	v4 =	vld.idx.msk [tilespmem:v4+s4+$0x0], $0xffff  }
0x2f2: {  	v6 =	vld.idx.msk [tilespmem:v6+s4+$0x0], $0xffff  }
0x2f3: {  	v3 =	vld.idx.msk [tilespmem:v3+s4+$0x0], $0xffff;
	_ =	sdelay $0x1  }
0x2f4: {  	[tilespmem:s11+$0xE0] =	vst v5  }
0x2f5: {  	v5 =	vld [tilespmem:s7+$0xF0];
	[tilespmem:s11+$0xFFFFFFE0] =	vst v4  }
0x2f6: {  	v4 =	vld [tilespmem:s7+$0xFFFFFFF0];
	[tilespmem:s11+$0x60] =	vst v6  }
0x2f7: {  	[tilespmem:s11+$0xFFFFFF60] =	vst v3;
	v6 =	vld [tilespmem:s7+$0x70]  }
0x2f8: {  	v3 =	vld [tilespmem:s7+$0xFFFFFF70];
	_ =	sdelay $0x3  }
0x2f9: {  	v0 =	vld.idx.msk [tilespmem:v0+s4+$0x0], $0xffff  }
0x2fa: {  	v5 =	vld.idx.msk [tilespmem:v5+s4+$0x0], $0xffff  }
0x2fb: {  	[tilespmem:s6+$0xFFFFFF70] =	vst v1;
	v1 =	vld.idx.msk [tilespmem:v4+s4+$0x0], $0xffff  }
0x2fc: {  	[tilespmem:s6+$0xFFFFFFF0] =	vst v2;
	v2 =	vld.idx.msk [tilespmem:v6+s4+$0x0], $0xffff  }
0x2fd: {  	s19 =	sshll.u32 s28, $0x1;
	v3 =	vld.idx.msk [tilespmem:v3+s4+$0x0], $0xffff  }
0x2fe: {  	s9 =	sadd.s32 s30, s19;
	[tilespmem:s6+$0x70] =	vst v0  }
0x2ff: {  	s20 =	sshll.u32 s9, $0x12;
	[tilespmem:s11+$0xF0] =	vst v5  }
0x300: {  	s6 =	sor.u32 s31, s20;
	[tilespmem:s11+$0xFFFFFFF0] =	vst v1  }
0x301: {  	s6 =	sshrl.u32 s6, $0x3;
	[tilespmem:s11+$0x70] =	vst v2  }
0x302: {  	s6 =	sadd.s32 s1, s6;
	[tilespmem:s11+$0xFFFFFF70] =	vst v3  }
0x303: {  	[hbm4b:s6+s16] =	stream.strided.scatter [tilespmem:s24], [sflag:$0x3], $0x1000, s17, s16, $0x38;
	[tilespmem:$0x1FF00] =	vst v63  }
0x304: {  	_ =	swait.ge [sflag:s25], $0x1000  }
0x305: {  	[sflag:s25] =	ssyncset.done $0x0  }
0x306: {  	s10 =	simm.s32 $0x1B8F0;
	[sflag:s25] =	ssyncadd.s32 $0xFFFFF000  }
0x307: {  	v0 =	vld [tilespmem:s10+$0xFFFFFF90]  }
0x308: {  	v1 =	vld [tilespmem:s10+$0xFFFFFE90]  }
0x309: {  	v2 =	vld [tilespmem:s10+$0xFFFFFF10];
	_ =	sdelay $0x2  }
0x30a: {  	v3 =	vld [tilespmem:s10+$0xFFFFFE10];
	_ =	sdelay $0x2  }
0x30b: {  	v0 =	vld.idx.msk [tilespmem:v0+s4+$0x0], $0xffff  }
0x30c: {  	v1 =	vld.idx.msk [tilespmem:v1+s4+$0x0], $0xffff  }
0x30d: {  	v2 =	vld.idx.msk [tilespmem:v2+s4+$0x0], $0xffff;
	_ =	sdelay $0x1  }
0x30e: {  	s6 =	simm.s32 $0x1D800  }
0x30f: {  	v3 =	vld.idx.msk [tilespmem:v3+s4+$0x0], $0xffff;
	[tilespmem:s6+$0x80] =	vst v0  }
0x310: {  	[tilespmem:s6+$0xFFFFFF80] =	vst v1;
	v0 =	vld [tilespmem:s10+$0xFFFFFFA0]  }
0x311: {  	[tilespmem:s6+$0x0] =	vst v2;
	v1 =	vld [tilespmem:s10+$0xFFFFFEA0]  }
0x312: {  	v2 =	vld [tilespmem:s10+$0xFFFFFF20];
	_ =	sdelay $0x1  }
0x313: {  	[tilespmem:s6+$0xFFFFFF00] =	vst v3  }
0x314: {  	v3 =	vld [tilespmem:s10+$0xFFFFFE20];
	_ =	sdelay $0x2  }
0x315: {  	v0 =	vld.idx.msk [tilespmem:v0+s4+$0x0], $0xffff  }
0x316: {  	v1 =	vld.idx.msk [tilespmem:v1+s4+$0x0], $0xffff  }
0x317: {  	v2 =	vld.idx.msk [tilespmem:v2+s4+$0x0], $0xffff;
	_ =	sdelay $0x2  }
0x318: {  	v3 =	vld.idx.msk [tilespmem:v3+s4+$0x0], $0xffff;
	[tilespmem:s6+$0x90] =	vst v0  }
0x319: {  	[tilespmem:s6+$0xFFFFFF90] =	vst v1;
	v0 =	vld [tilespmem:s10+$0xFFFFFFB0]  }
0x31a: {  	[tilespmem:s6+$0x10] =	vst v2;
	v1 =	vld [tilespmem:s10+$0xFFFFFEB0]  }
0x31b: {  	v2 =	vld [tilespmem:s10+$0xFFFFFF30];
	_ =	sdelay $0x1  }
0x31c: {  	[tilespmem:s6+$0xFFFFFF10] =	vst v3  }
0x31d: {  	v3 =	vld [tilespmem:s10+$0xFFFFFE30]  }
0x31e: {  	s7 =	simm.s32 $0x1BAF0  }
0x31f: {  	v4 =	vld [tilespmem:s7+$0xFFFFFF90]  }
0x320: {  	v0 =	vld.idx.msk [tilespmem:v0+s4+$0x0], $0xffff  }
0x321: {  	v1 =	vld.idx.msk [tilespmem:v1+s4+$0x0], $0xffff  }
0x322: {  	v2 =	vld.idx.msk [tilespmem:v2+s4+$0x0], $0xffff;
	_ =	sdelay $0x1  }
0x323: {  	v5 =	vld [tilespmem:s7+$0xFFFFFE90]  }
0x324: {  	v3 =	vld.idx.msk [tilespmem:v3+s4+$0x0], $0xffff;
	[tilespmem:s6+$0xA0] =	vst v0  }
0x325: {  	[tilespmem:s6+$0xFFFFFFA0] =	vst v1;
	v0 =	vld [tilespmem:s10+$0xFFFFFFC0]  }
0x326: {  	[tilespmem:s6+$0x20] =	vst v2;
	v1 =	vld [tilespmem:s10+$0xFFFFFEC0]  }
0x327: {  	v2 =	vld [tilespmem:s10+$0xFFFFFF40];
	_ =	sdelay $0x1  }
0x328: {  	v4 =	vld.idx.msk [tilespmem:v4+s4+$0x0], $0xffff;
	[tilespmem:s6+$0xFFFFFF20] =	vst v3  }
0x329: {  	v3 =	vld [tilespmem:s10+$0xFFFFFE40]  }
0x32a: {  	v5 =	vld.idx.msk [tilespmem:v5+s4+$0x0], $0xffff  }
0x32b: {  	v6 =	vld [tilespmem:s7+$0xFFFFFF10]  }
0x32c: {  	v0 =	vld.idx.msk [tilespmem:v0+s4+$0x0], $0xffff  }
0x32d: {  	s8 =	simm.s32 $0x1DA00;
	v1 =	vld.idx.msk [tilespmem:v1+s4+$0x0], $0xffff  }
0x32e: {  	[tilespmem:s8+$0x80] =	vst v4;
	v2 =	vld.idx.msk [tilespmem:v2+s4+$0x0], $0xffff  }
0x32f: {  	[tilespmem:s8+$0xFFFFFF80] =	vst v5;
	v4 =	vld [tilespmem:s7+$0xFFFFFFA0]  }
0x330: {  	v5 =	vld [tilespmem:s7+$0xFFFFFEA0]  }
0x331: {  	v3 =	vld.idx.msk [tilespmem:v3+s4+$0x0], $0xffff;
	[tilespmem:s6+$0xB0] =	vst v0  }
0x332: {  	[tilespmem:s6+$0xFFFFFFB0] =	vst v1;
	v0 =	vld [tilespmem:s10+$0xFFFFFFD0]  }
0x333: {  	[tilespmem:s6+$0x30] =	vst v2;
	v1 =	vld [tilespmem:s10+$0xFFFFFED0]  }
0x334: {  	v2 =	vld [tilespmem:s10+$0xFFFFFF50]  }
0x335: {  	v7 =	vld [tilespmem:s7+$0xFFFFFE10]  }
0x336: {  	v6 =	vld.idx.msk [tilespmem:v6+s4+$0x0], $0xffff  }
0x337: {  	v4 =	vld.idx.msk [tilespmem:v4+s4+$0x0], $0xffff;
	[tilespmem:s6+$0xFFFFFF30] =	vst v3  }
0x338: {  	v3 =	vld [tilespmem:s10+$0xFFFFFE50]  }
0x339: {  	v5 =	vld.idx.msk [tilespmem:v5+s4+$0x0], $0xffff  }
0x33a: {  	v0 =	vld.idx.msk [tilespmem:v0+s4+$0x0], $0xffff  }
0x33b: {  	v1 =	vld.idx.msk [tilespmem:v1+s4+$0x0], $0xffff  }
0x33c: {  	[tilespmem:s8+$0x0] =	vst v6;
	v2 =	vld.idx.msk [tilespmem:v2+s4+$0x0], $0xffff  }
0x33d: {  	[tilespmem:s8+$0x90] =	vst v4  }
0x33e: {  	v7 =	vld.idx.msk [tilespmem:v7+s4+$0x0], $0xffff;
	[tilespmem:s8+$0xFFFFFF90] =	vst v5  }
0x33f: {  	v5 =	vld [tilespmem:s7+$0xFFFFFFB0];
	[tilespmem:s6+$0xC0] =	vst v0  }
0x340: {  	[tilespmem:s6+$0xFFFFFFC0] =	vst v1;
	v1 =	vld.idx.msk [tilespmem:v3+s4+$0x0], $0xffff  }
0x341: {  	[tilespmem:s6+$0x40] =	vst v2;
	v2 =	vld [tilespmem:s7+$0xFFFFFF20]  }
0x342: {  	v0 =	vld [tilespmem:s10+$0xFFFFFFE0]  }
0x343: {  	v3 =	vld [tilespmem:s10+$0xFFFFFEE0]  }
0x344: {  	[tilespmem:s8+$0xFFFFFF00] =	vst v7;
	v6 =	vld [tilespmem:s10+$0xFFFFFF60]  }
0x345: {  	[tilespmem:s6+$0xFFFFFF40] =	vst v1;
	v1 =	vld [tilespmem:s7+$0xFFFFFE20]  }
0x346: {  	v7 =	vld [tilespmem:s10+$0xFFFFFE60];
	_ =	sdelay $0x1  }
0x347: {  	v5 =	vld.idx.msk [tilespmem:v5+s4+$0x0], $0xffff  }
0x348: {  	v2 =	vld.idx.msk [tilespmem:v2+s4+$0x0], $0xffff  }
0x349: {  	v0 =	vld.idx.msk [tilespmem:v0+s4+$0x0], $0xffff  }
0x34a: {  	v3 =	vld.idx.msk [tilespmem:v3+s4+$0x0], $0xffff  }
0x34b: {  	v6 =	vld.idx.msk [tilespmem:v6+s4+$0x0], $0xffff  }
0x34c: {  	v1 =	vld.idx.msk [tilespmem:v1+s4+$0x0], $0xffff  }
0x34d: {  	v4 =	vld.idx.msk [tilespmem:v7+s4+$0x0], $0xffff  }
0x34e: {  	[tilespmem:s8+$0x10] =	vst v2;
	v7 =	vld [tilespmem:s7+$0xFFFFFEB0]  }
0x34f: {  	[tilespmem:s6+$0xD0] =	vst v0;
	v2 =	vld [tilespmem:s7+$0xFFFFFF30]  }
0x350: {  	[tilespmem:s6+$0xFFFFFFD0] =	vst v3;
	v0 =	vld [tilespmem:s10+$0xFFFFFFF0]  }
0x351: {  	v3 =	vld [tilespmem:s10+$0xFFFFFEF0];
	[tilespmem:s8+$0xFFFFFF10] =	vst v1  }
0x352: {  	v1 =	vld [tilespmem:s7+$0xFFFFFE30];
	[tilespmem:s6+$0xFFFFFF50] =	vst v4  }
0x353: {  	[tilespmem:s8+$0xA0] =	vst v5;
	v4 =	vld [tilespmem:s10+$0xFFFFFE70]  }
0x354: {  	v5 =	vld [tilespmem:s7+$0xFFFFFFC0];
	[tilespmem:s6+$0x50] =	vst v6  }
0x355: {  	v6 =	vld [tilespmem:s10+$0xFFFFFF70]  }
0x356: {  	v7 =	vld.idx.msk [tilespmem:v7+s4+$0x0], $0xffff  }
0x357: {  	v2 =	vld.idx.msk [tilespmem:v2+s4+$0x0], $0xffff  }
0x358: {  	v0 =	vld.idx.msk [tilespmem:v0+s4+$0x0], $0xffff  }
0x359: {  	v3 =	vld.idx.msk [tilespmem:v3+s4+$0x0], $0xffff  }
0x35a: {  	v1 =	vld.idx.msk [tilespmem:v1+s4+$0x0], $0xffff  }
0x35b: {  	[tilespmem:s8+$0xFFFFFFA0] =	vst v7;
	v4 =	vld.idx.msk [tilespmem:v4+s4+$0x0], $0xffff  }
0x35c: {  	[tilespmem:s8+$0x20] =	vst v2;
	v7 =	vld [tilespmem:s7+$0xFFFFFEC0]  }
0x35d: {  	[tilespmem:s6+$0xE0] =	vst v0;
	v2 =	vld [tilespmem:s7+$0xFFFFFF40]  }
0x35e: {  	v0 =	vld [tilespmem:s10+$0x0]  }
0x35f: {  	v6 =	vld.idx.msk [tilespmem:v6+s4+$0x0], $0xffff;
	[tilespmem:s8+$0xFFFFFF20] =	vst v1  }
0x360: {  	v1 =	vld [tilespmem:s7+$0xFFFFFE40];
	[tilespmem:s6+$0xFFFFFF60] =	vst v4  }
0x361: {  	v4 =	vld [tilespmem:s10+$0xFFFFFE80]  }
0x362: {  	[tilespmem:s6+$0xFFFFFFE0] =	vst v3;
	v3 =	vld.idx.msk [tilespmem:v5+s4+$0x0], $0xffff  }
0x363: {  	v9 =	vld [tilespmem:s10+$0xFFFFFF00]  }
0x364: {  	v5 =	vld.idx.msk [tilespmem:v7+s4+$0x0], $0xffff  }
0x365: {  	v2 =	vld.idx.msk [tilespmem:v2+s4+$0x0], $0xffff  }
0x366: {  	[tilespmem:s6+$0x60] =	vst v6;
	v8 =	vld.idx.msk [tilespmem:v0+s4+$0x0], $0xffff  }
0x367: {  	v0 =	vld [tilespmem:s10+$0xFFFFFF80]  }
0x368: {  	v6 =	vld.idx.msk [tilespmem:v1+s4+$0x0], $0xffff  }
0x369: {  	[tilespmem:s8+$0xB0] =	vst v3;
	v1 =	vld.idx.msk [tilespmem:v4+s4+$0x0], $0xffff  }
0x36a: {  	[tilespmem:s8+$0xFFFFFFB0] =	vst v5;
	v4 =	vld [tilespmem:s7+$0xFFFFFFD0]  }
0x36b: {  	[tilespmem:s8+$0x30] =	vst v2;
	v2 =	vld.idx.msk [tilespmem:v9+s4+$0x0], $0xffff  }
0x36c: {  	s18 =	simm.s32 $0x1BCF0;
	v3 =	vld [tilespmem:s7+$0xFFFFFED0]  }
0x36d: {  	s11 =	sadd.s32 $0x1, s9;
	s9 =	simm.s32 $0x1DA00;
	s10 =	simm.s32 $0x4;
	v5 =	vld [tilespmem:s7+$0xFFFFFF50];
	[tilespmem:s6+$0xF0] =	vst v8  }
.LBB2_14:
0x36e: {  	v7 =	vld [tilespmem:s18+$0xFFFFFF90];
	s10 =	sadd.s32 $0x4, s10;
	[tilespmem:s8+$0xFFFFFF30] =	vst v6  }
0x36f: {  	v6 =	vld [tilespmem:s18+$0xFFFFFE90];
	p3 =	slt.u32 s10, $0x1C;
	[tilespmem:s6+$0xFFFFFF70] =	vst v1  }
0x370: {  	v1 =	vld [tilespmem:s18+$0xFFFFFF10]  }
0x371: {  	v8 =	vld [tilespmem:s18+$0xFFFFFE10]  }
0x372: {  	v4 =	vld.idx.msk [tilespmem:v4+s4+$0x0], $0xffff  }
0x373: {  	v9 =	vld [tilespmem:s7+$0xFFFFFE50];
	[tilespmem:s6+$0xFFFFFFF0] =	vst v2  }
0x374: {  	v2 =	vld.idx.msk [tilespmem:v3+s4+$0x0], $0xffff  }
0x375: {  	v3 =	vld.idx.msk [tilespmem:v5+s4+$0x0], $0xffff  }
0x376: {  	v5 =	vld.idx.msk [tilespmem:v7+s4+$0x0], $0xffff  }
0x377: {  	v6 =	vld.idx.msk [tilespmem:v6+s4+$0x0], $0xffff  }
0x378: {  	v1 =	vld.idx.msk [tilespmem:v1+s4+$0x0], $0xffff;
	[tilespmem:s8+$0xC0] =	vst v4  }
0x379: {  	v4 =	vld [tilespmem:s7+$0xFFFFFFE0]  }
0x37a: {  	v7 =	vld.idx.msk [tilespmem:v8+s4+$0x0], $0xffff;
	[tilespmem:s8+$0xFFFFFFC0] =	vst v2  }
0x37b: {  	s8 =	sadd.s32 $0x200, s8;
	v2 =	vld.idx.msk [tilespmem:v9+s4+$0x0], $0xffff;
	[tilespmem:s9+$0x40] =	vst v3  }
0x37c: {  	[tilespmem:s8+$0x80] =	vst v5;
	v3 =	vld [tilespmem:s7+$0xFFFFFEE0]  }
0x37d: {  	[tilespmem:s8+$0xFFFFFF80] =	vst v6;
	v5 =	vld [tilespmem:s18+$0xFFFFFFA0]  }
0x37e: {  	v6 =	vld [tilespmem:s18+$0xFFFFFEA0];
	[tilespmem:s8+$0x0] =	vst v1  }
0x37f: {  	v1 =	vld [tilespmem:s18+$0xFFFFFF20]  }
0x380: {  	[tilespmem:s8+$0xFFFFFF00] =	vst v7;
	v7 =	vld [tilespmem:s7+$0xFFFFFF60]  }
0x381: {  	[tilespmem:s9+$0xFFFFFF40] =	vst v2;
	v2 =	vld.idx.msk [tilespmem:v4+s4+$0x0], $0xffff  }
0x382: {  	v4 =	vld [tilespmem:s18+$0xFFFFFE20]  }
0x383: {  	v8 =	vld [tilespmem:s7+$0xFFFFFE60]  }
0x384: {  	v3 =	vld.idx.msk [tilespmem:v3+s4+$0x0], $0xffff  }
0x385: {  	v5 =	vld.idx.msk [tilespmem:v5+s4+$0x0], $0xffff  }
0x386: {  	v6 =	vld.idx.msk [tilespmem:v6+s4+$0x0], $0xffff  }
0x387: {  	v1 =	vld.idx.msk [tilespmem:v1+s4+$0x0], $0xffff;
	[tilespmem:s9+$0xD0] =	vst v2  }
0x388: {  	v2 =	vld [tilespmem:s7+$0xFFFFFFF0]  }
0x389: {  	v7 =	vld.idx.msk [tilespmem:v7+s4+$0x0], $0xffff  }
0x38a: {  	v4 =	vld.idx.msk [tilespmem:v4+s4+$0x0], $0xffff;
	[tilespmem:s9+$0xFFFFFFD0] =	vst v3  }
0x38b: {  	[tilespmem:s8+$0x90] =	vst v5;
	v3 =	vld.idx.msk [tilespmem:v8+s4+$0x0], $0xffff  }
0x38c: {  	[tilespmem:s8+$0xFFFFFF90] =	vst v6;
	v5 =	vld [tilespmem:s18+$0xFFFFFFB0]  }
0x38d: {  	v6 =	vld [tilespmem:s18+$0xFFFFFEB0];
	[tilespmem:s8+$0x10] =	vst v1  }
0x38e: {  	v1 =	vld [tilespmem:s18+$0xFFFFFF30]  }
0x38f: {  	v8 =	vld [tilespmem:s7+$0xFFFFFEF0];
	[tilespmem:s9+$0x50] =	vst v7  }
0x390: {  	[tilespmem:s8+$0xFFFFFF10] =	vst v4;
	v2 =	vld.idx.msk [tilespmem:v2+s4+$0x0], $0xffff  }
0x391: {  	v4 =	vld [tilespmem:s18+$0xFFFFFE30];
	[tilespmem:s9+$0xFFFFFF50] =	vst v3  }
0x392: {  	v3 =	vld [tilespmem:s7+$0xFFFFFE70]  }
0x393: {  	v7 =	vld [tilespmem:s7+$0xFFFFFF70]  }
0x394: {  	v5 =	vld.idx.msk [tilespmem:v5+s4+$0x0], $0xffff  }
0x395: {  	v6 =	vld.idx.msk [tilespmem:v6+s4+$0x0], $0xffff  }
0x396: {  	v1 =	vld.idx.msk [tilespmem:v1+s4+$0x0], $0xffff;
	[tilespmem:s9+$0xE0] =	vst v2  }
0x397: {  	v2 =	vld [tilespmem:s7+$0x0]  }
0x398: {  	v8 =	vld.idx.msk [tilespmem:v8+s4+$0x0], $0xffff  }
0x399: {  	v4 =	vld.idx.msk [tilespmem:v4+s4+$0x0], $0xffff  }
0x39a: {  	[tilespmem:s8+$0xA0] =	vst v5;
	v3 =	vld.idx.msk [tilespmem:v3+s4+$0x0], $0xffff  }
0x39b: {  	[tilespmem:s8+$0xFFFFFFA0] =	vst v6;
	v5 =	vld [tilespmem:s18+$0xFFFFFFC0]  }
0x39c: {  	v6 =	vld [tilespmem:s18+$0xFFFFFEC0];
	[tilespmem:s8+$0x20] =	vst v1  }
0x39d: {  	v1 =	vld [tilespmem:s18+$0xFFFFFF40]  }
0x39e: {  	[tilespmem:s9+$0xFFFFFFE0] =	vst v8;
	v7 =	vld.idx.msk [tilespmem:v7+s4+$0x0], $0xffff  }
0x39f: {  	[tilespmem:s8+$0xFFFFFF20] =	vst v4;
	v2 =	vld.idx.msk [tilespmem:v2+s4+$0x0], $0xffff  }
0x3a0: {  	v4 =	vld [tilespmem:s18+$0xFFFFFE40];
	[tilespmem:s9+$0xFFFFFF60] =	vst v3  }
0x3a1: {  	v3 =	vld [tilespmem:s7+$0xFFFFFE80]  }
0x3a2: {  	v8 =	vld [tilespmem:s7+$0xFFFFFF00]  }
0x3a3: {  	v5 =	vld.idx.msk [tilespmem:v5+s4+$0x0], $0xffff  }
0x3a4: {  	v9 =	vld.idx.msk [tilespmem:v6+s4+$0x0], $0xffff;
	[tilespmem:s9+$0x60] =	vst v7  }
0x3a5: {  	v7 =	vld.idx.msk [tilespmem:v1+s4+$0x0], $0xffff;
	[tilespmem:s9+$0xF0] =	vst v2  }
0x3a6: {  	v2 =	vld [tilespmem:s7+$0xFFFFFF80];
	s7 =	smov.u32 s18  }
0x3a7: {  	v10 =	vld.idx.msk [tilespmem:v0+s4+$0x0], $0xffff  }
0x3a8: {  	v6 =	vld.idx.msk [tilespmem:v4+s4+$0x0], $0xffff  }
.Ltmp15:
0x3a9: {  	[tilespmem:s8+$0xB0] =	vst v5;
	v1 =	vld.idx.msk [tilespmem:v3+s4+$0x0], $0xffff;
	(pc) =	sbr.rel @p3 .LBB2_14-.Ltmp15, $4  }
0x3aa: {  	[tilespmem:s8+$0xFFFFFFB0] =	vst v9;
	v4 =	vld [tilespmem:s18+$0xFFFFFFD0]  }
0x3ab: {  	v3 =	vld [tilespmem:s18+$0xFFFFFED0];
	[tilespmem:s8+$0x30] =	vst v7;
	v0 =	vmov v2  }
0x3ac: {  	v5 =	vld [tilespmem:s18+$0xFFFFFF50]  }
0x3ad: {  	s18 =	sadd.s32 $0x200, s18;
	v2 =	vld.idx.msk [tilespmem:v8+s4+$0x0], $0xffff;
	[tilespmem:s6+$0x70] =	vst v10;
	s6 =	smov.u32 s9;
	s9 =	smov.u32 s8  }
.Ltmp16:
0x3ae: {  	_ = 	snop;
	(pc) =	sbr.rel .LBB2_15-.Ltmp16, $1  }
0x3af: {  	_ =	sdelay $0x3  }
.LBB2_17:
0x3b0: {  	p3 =	sne.s32 s15, $0x0  }
.Ltmp17:
0x3b1: {  	_ = 	snop;
	(pc) =	sbr.rel @p3 .LBB2_20-.Ltmp17, $4  }
0x3b2: {  	s6 =	simm.s32 @!p0 $0x5  }
0x3b3: {  	_ =	swait.ge @!p0 [sflag:s6], $0x1800  }
0x3b4: {  	[sflag:s6] =	ssyncset.done @!p0 $0x0  }
0x3b5: {  	s30 =	simm.s32 $0x18700;
	[sflag:s6] =	ssyncadd.s32 @!p0 $0xFFFFE800  }
.Ltmp18:
0x3b6: {  	(pc) =	sbr.rel .LBB2_19-.Ltmp18, $2  }
0x3b7: {  	_ =	sdelay $0x2  }
0x3b8: {  	s15 =	sor.u32 $0x1, s0  }
.LBB2_20:
0x3b9: {  	p3 =	sne.s32 s0, $0xF  }
0x3ba: {  	p3 =	por !p1, !p3  }
0x3bb: {  	s15 =	sadd.s32 $0x1, s0;
	p3 =	por !p3, !p3  }
0x3bc: {  	p4 =	seq.s32 s15, $0x10;
	s6 =	smul.u32 @p3 $0x1800, s15  }
0x3bd: {  	p4 =	por !p1, !p4;
	s7 =	sshrl.u32 @p3 s2, $0x3  }
0x3be: {  	s8 =	simm.s32 @p3 $0x1C05;
	p4 =	por !p4, !p4;
	s6 =	sadd.s32 @p3 s5, s6  }
0x3bf: {  	[spmem:s7], [sflag:s8] =	dma.local @p3 [hbm:s6], $0x1800  }
.Ltmp19:
0x3c0: {  	s6 =	sshrl.u32 @p4 s2, $0x3;
	s7 =	simm.s32 @p4 $0x1C05;
	(pc) =	sbr.rel .LBB2_21-.Ltmp19, $4  }
0x3c1: {  	[spmem:s6], [sflag:s7] =	dma.local @p4 [hbm:s12], $0x1000  }
0x3c2: {  	[tilespmem:s30], [sflag:$0x1] =	stream.linear.gather [spmem:s3], $0x2000, $0x38;
	[tilespmem:$0x1FF00] =	vst v63  }
0x3c3: {  	s0 =	smul.u32 $0xC, s0;
	s28 =	simm.s32 $0x0  }
0x3c4: {  	[tilespmem:s21], [sflag:$0x2] =	stream.linear.gather [spmem:s13], $0x2000, $0x38;
	[tilespmem:$0x1FF00] =	vst v63  }
.LBB2_32:
0x3c5: {  	s28 =	sadd.s32 $0x1, s28  }
0x3c6: {  	p5 =	sne.s32 s28, $0x6  }
.Ltmp20:
0x3c7: {  	_ = 	snop;
	(pc) =	sbr.rel @!p5 .LBB2_33-.Ltmp20, $1  }
0x3c8: {  	_ =	sdelay $0x3  }
.LBB2_21:
0x3c9: {  	s6 =	sand.u32 $0x1, s28  }
0x3ca: {  	p5 =	seq.s32 s6, $0x1  }
.Ltmp21:
0x3cb: {  	_ = 	snop;
	(pc) =	sbr.rel @p5 .LBB2_27-.Ltmp21, $1  }
0x3cc: {  	_ =	sdelay $0x3  }
0x3cd: {  	s7 =	sshll.u32 s28, $0x1  }
0x3ce: {  	_ =	swait.ge [sflag:s29], $0x2000;
	s8 =	sadd.s32 s0, s7  }
0x3cf: {  	[sflag:s29] =	ssyncset.done $0x0;
	p5 =	seq.s32 s8, $0x0  }
0x3d0: {  	[sflag:s29] =	ssyncadd.s32 $0xFFFFE000;
	s9 =	simm.s32 @!p5 $0x3  }
0x3d1: {  	_ =	swait.ge @!p5 [sflag:s9], $0x1000  }
0x3d2: {  	[sflag:s9] =	ssyncset.done @!p5 $0x0  }
0x3d3: {  	s20 =	simm.s32 $0x18800;
	[sflag:s9] =	ssyncadd.s32 @!p5 $0xFFFFF000  }
0x3d4: {  	v0 =	vld [tilespmem:s20+$0x80]  }
0x3d5: {  	v1 =	vld [tilespmem:s20+$0xFFFFFF80]  }
0x3d6: {  	v2 =	vld [tilespmem:s20+$0x0];
	_ =	sdelay $0x2  }
0x3d7: {  	v3 =	vld [tilespmem:s20+$0xFFFFFF00];
	_ =	sdelay $0x2  }
0x3d8: {  	v0 =	vld.idx.msk [tilespmem:v0+s4+$0x0], $0xffff  }
0x3d9: {  	v1 =	vld.idx.msk [tilespmem:v1+s4+$0x0], $0xffff  }
0x3da: {  	v2 =	vld.idx.msk [tilespmem:v2+s4+$0x0], $0xffff;
	_ =	sdelay $0x1  }
0x3db: {  	s11 =	simm.s32 $0x1C800  }
0x3dc: {  	v3 =	vld.idx.msk [tilespmem:v3+s4+$0x0], $0xffff;
	[tilespmem:s11+$0x80] =	vst v0  }
0x3dd: {  	[tilespmem:s11+$0xFFFFFF80] =	vst v1;
	v0 =	vld [tilespmem:s20+$0x90]  }
0x3de: {  	[tilespmem:s11+$0x0] =	vst v2;
	v1 =	vld [tilespmem:s20+$0xFFFFFF90]  }
0x3df: {  	v2 =	vld [tilespmem:s20+$0x10];
	_ =	sdelay $0x1  }
0x3e0: {  	[tilespmem:s11+$0xFFFFFF00] =	vst v3  }
0x3e1: {  	v3 =	vld [tilespmem:s20+$0xFFFFFF10];
	_ =	sdelay $0x2  }
0x3e2: {  	v0 =	vld.idx.msk [tilespmem:v0+s4+$0x0], $0xffff  }
0x3e3: {  	v1 =	vld.idx.msk [tilespmem:v1+s4+$0x0], $0xffff  }
0x3e4: {  	v2 =	vld.idx.msk [tilespmem:v2+s4+$0x0], $0xffff;
	_ =	sdelay $0x2  }
0x3e5: {  	v3 =	vld.idx.msk [tilespmem:v3+s4+$0x0], $0xffff;
	[tilespmem:s11+$0x90] =	vst v0  }
0x3e6: {  	[tilespmem:s11+$0xFFFFFF90] =	vst v1;
	v0 =	vld [tilespmem:s20+$0xA0]  }
0x3e7: {  	[tilespmem:s11+$0x10] =	vst v2;
	v1 =	vld [tilespmem:s20+$0xFFFFFFA0]  }
0x3e8: {  	v2 =	vld [tilespmem:s20+$0x20];
	_ =	sdelay $0x1  }
0x3e9: {  	[tilespmem:s11+$0xFFFFFF10] =	vst v3  }
0x3ea: {  	v3 =	vld [tilespmem:s20+$0xFFFFFF20]  }
0x3eb: {  	s19 =	simm.s32 $0x18A00  }
0x3ec: {  	v4 =	vld [tilespmem:s19+$0x80]  }
0x3ed: {  	v0 =	vld.idx.msk [tilespmem:v0+s4+$0x0], $0xffff  }
0x3ee: {  	v1 =	vld.idx.msk [tilespmem:v1+s4+$0x0], $0xffff  }
0x3ef: {  	v2 =	vld.idx.msk [tilespmem:v2+s4+$0x0], $0xffff;
	_ =	sdelay $0x1  }
0x3f0: {  	v5 =	vld [tilespmem:s19+$0xFFFFFF80]  }
0x3f1: {  	v3 =	vld.idx.msk [tilespmem:v3+s4+$0x0], $0xffff;
	[tilespmem:s11+$0xA0] =	vst v0  }
0x3f2: {  	[tilespmem:s11+$0xFFFFFFA0] =	vst v1;
	v0 =	vld [tilespmem:s20+$0xB0]  }
0x3f3: {  	[tilespmem:s11+$0x20] =	vst v2;
	v1 =	vld [tilespmem:s20+$0xFFFFFFB0]  }
0x3f4: {  	v2 =	vld [tilespmem:s20+$0x30];
	_ =	sdelay $0x1  }
0x3f5: {  	v4 =	vld.idx.msk [tilespmem:v4+s4+$0x0], $0xffff;
	[tilespmem:s11+$0xFFFFFF20] =	vst v3  }
0x3f6: {  	v3 =	vld [tilespmem:s20+$0xFFFFFF30]  }
0x3f7: {  	v5 =	vld.idx.msk [tilespmem:v5+s4+$0x0], $0xffff  }
0x3f8: {  	v6 =	vld [tilespmem:s19+$0x0]  }
0x3f9: {  	v0 =	vld.idx.msk [tilespmem:v0+s4+$0x0], $0xffff  }
0x3fa: {  	s18 =	simm.s32 $0x1CA00;
	v1 =	vld.idx.msk [tilespmem:v1+s4+$0x0], $0xffff  }
0x3fb: {  	[tilespmem:s18+$0x80] =	vst v4;
	v2 =	vld.idx.msk [tilespmem:v2+s4+$0x0], $0xffff  }
0x3fc: {  	[tilespmem:s18+$0xFFFFFF80] =	vst v5;
	v4 =	vld [tilespmem:s19+$0x90]  }
0x3fd: {  	v5 =	vld [tilespmem:s19+$0xFFFFFF90]  }
0x3fe: {  	v3 =	vld.idx.msk [tilespmem:v3+s4+$0x0], $0xffff;
	[tilespmem:s11+$0xB0] =	vst v0  }
0x3ff: {  	[tilespmem:s11+$0xFFFFFFB0] =	vst v1;
	v0 =	vld [tilespmem:s20+$0xC0]  }
0x400: {  	[tilespmem:s11+$0x30] =	vst v2;
	v1 =	vld [tilespmem:s20+$0xFFFFFFC0]  }
0x401: {  	v2 =	vld [tilespmem:s20+$0x40]  }
0x402: {  	v7 =	vld [tilespmem:s19+$0xFFFFFF00]  }
0x403: {  	v6 =	vld.idx.msk [tilespmem:v6+s4+$0x0], $0xffff  }
0x404: {  	v4 =	vld.idx.msk [tilespmem:v4+s4+$0x0], $0xffff;
	[tilespmem:s11+$0xFFFFFF30] =	vst v3  }
0x405: {  	v3 =	vld [tilespmem:s20+$0xFFFFFF40]  }
0x406: {  	v5 =	vld.idx.msk [tilespmem:v5+s4+$0x0], $0xffff  }
0x407: {  	v0 =	vld.idx.msk [tilespmem:v0+s4+$0x0], $0xffff  }
0x408: {  	v1 =	vld.idx.msk [tilespmem:v1+s4+$0x0], $0xffff  }
0x409: {  	[tilespmem:s18+$0x0] =	vst v6;
	v2 =	vld.idx.msk [tilespmem:v2+s4+$0x0], $0xffff  }
0x40a: {  	[tilespmem:s18+$0x90] =	vst v4  }
0x40b: {  	v7 =	vld.idx.msk [tilespmem:v7+s4+$0x0], $0xffff;
	[tilespmem:s18+$0xFFFFFF90] =	vst v5  }
0x40c: {  	v5 =	vld [tilespmem:s19+$0xA0];
	[tilespmem:s11+$0xC0] =	vst v0  }
0x40d: {  	[tilespmem:s11+$0xFFFFFFC0] =	vst v1;
	v1 =	vld.idx.msk [tilespmem:v3+s4+$0x0], $0xffff  }
0x40e: {  	[tilespmem:s11+$0x40] =	vst v2;
	v2 =	vld [tilespmem:s19+$0x10]  }
0x40f: {  	v0 =	vld [tilespmem:s20+$0xD0]  }
0x410: {  	v3 =	vld [tilespmem:s20+$0xFFFFFFD0]  }
0x411: {  	[tilespmem:s18+$0xFFFFFF00] =	vst v7;
	v6 =	vld [tilespmem:s20+$0x50]  }
0x412: {  	[tilespmem:s11+$0xFFFFFF40] =	vst v1;
	v1 =	vld [tilespmem:s19+$0xFFFFFF10]  }
0x413: {  	v7 =	vld [tilespmem:s20+$0xFFFFFF50];
	_ =	sdelay $0x1  }
0x414: {  	v5 =	vld.idx.msk [tilespmem:v5+s4+$0x0], $0xffff  }
0x415: {  	v2 =	vld.idx.msk [tilespmem:v2+s4+$0x0], $0xffff  }
0x416: {  	v0 =	vld.idx.msk [tilespmem:v0+s4+$0x0], $0xffff  }
0x417: {  	v3 =	vld.idx.msk [tilespmem:v3+s4+$0x0], $0xffff  }
0x418: {  	v6 =	vld.idx.msk [tilespmem:v6+s4+$0x0], $0xffff  }
0x419: {  	v1 =	vld.idx.msk [tilespmem:v1+s4+$0x0], $0xffff  }
0x41a: {  	v4 =	vld.idx.msk [tilespmem:v7+s4+$0x0], $0xffff  }
0x41b: {  	[tilespmem:s18+$0x10] =	vst v2;
	v7 =	vld [tilespmem:s19+$0xFFFFFFA0]  }
0x41c: {  	[tilespmem:s11+$0xD0] =	vst v0;
	v2 =	vld [tilespmem:s19+$0x20]  }
0x41d: {  	[tilespmem:s11+$0xFFFFFFD0] =	vst v3;
	v0 =	vld [tilespmem:s20+$0xE0]  }
0x41e: {  	v3 =	vld [tilespmem:s20+$0xFFFFFFE0];
	[tilespmem:s18+$0xFFFFFF10] =	vst v1  }
0x41f: {  	v1 =	vld [tilespmem:s19+$0xFFFFFF20];
	[tilespmem:s11+$0xFFFFFF50] =	vst v4  }
0x420: {  	[tilespmem:s18+$0xA0] =	vst v5;
	v4 =	vld [tilespmem:s20+$0xFFFFFF60]  }
0x421: {  	v5 =	vld [tilespmem:s19+$0xB0];
	[tilespmem:s11+$0x50] =	vst v6  }
0x422: {  	v6 =	vld [tilespmem:s20+$0x60]  }
0x423: {  	v7 =	vld.idx.msk [tilespmem:v7+s4+$0x0], $0xffff  }
0x424: {  	v2 =	vld.idx.msk [tilespmem:v2+s4+$0x0], $0xffff  }
0x425: {  	v0 =	vld.idx.msk [tilespmem:v0+s4+$0x0], $0xffff  }
0x426: {  	v3 =	vld.idx.msk [tilespmem:v3+s4+$0x0], $0xffff  }
0x427: {  	v1 =	vld.idx.msk [tilespmem:v1+s4+$0x0], $0xffff  }
0x428: {  	[tilespmem:s18+$0xFFFFFFA0] =	vst v7;
	v4 =	vld.idx.msk [tilespmem:v4+s4+$0x0], $0xffff  }
0x429: {  	[tilespmem:s18+$0x20] =	vst v2;
	v7 =	vld [tilespmem:s19+$0xFFFFFFB0]  }
0x42a: {  	[tilespmem:s11+$0xE0] =	vst v0;
	v2 =	vld [tilespmem:s19+$0x30]  }
0x42b: {  	v0 =	vld [tilespmem:s20+$0xF0]  }
0x42c: {  	v6 =	vld.idx.msk [tilespmem:v6+s4+$0x0], $0xffff;
	[tilespmem:s18+$0xFFFFFF20] =	vst v1  }
0x42d: {  	[tilespmem:s11+$0xFFFFFFE0] =	vst v3;
	v1 =	vld [tilespmem:s19+$0xFFFFFF30]  }
0x42e: {  	v3 =	vld.idx.msk [tilespmem:v5+s4+$0x0], $0xffff;
	[tilespmem:s11+$0xFFFFFF60] =	vst v4  }
0x42f: {  	v4 =	vld [tilespmem:s20+$0xFFFFFF70]  }
0x430: {  	v9 =	vld [tilespmem:s20+$0xFFFFFFF0]  }
0x431: {  	v5 =	vld.idx.msk [tilespmem:v7+s4+$0x0], $0xffff  }
0x432: {  	v2 =	vld.idx.msk [tilespmem:v2+s4+$0x0], $0xffff  }
0x433: {  	[tilespmem:s11+$0x60] =	vst v6;
	v8 =	vld.idx.msk [tilespmem:v0+s4+$0x0], $0xffff  }
0x434: {  	v0 =	vld [tilespmem:s20+$0x70]  }
0x435: {  	[tilespmem:s18+$0xB0] =	vst v3;
	v6 =	vld.idx.msk [tilespmem:v1+s4+$0x0], $0xffff  }
0x436: {  	[tilespmem:s18+$0xFFFFFFB0] =	vst v5;
	v5 =	vld [tilespmem:s19+$0xC0]  }
0x437: {  	v1 =	vld.idx.msk [tilespmem:v4+s4+$0x0], $0xffff  }
0x438: {  	[tilespmem:s18+$0x30] =	vst v2;
	v2 =	vld.idx.msk [tilespmem:v9+s4+$0x0], $0xffff  }
0x439: {  	v3 =	vld [tilespmem:s19+$0xFFFFFFC0]  }
0x43a: {  	s10 =	simm.s32 $0x4;
	s9 =	simm.s32 $0x1CA00;
	s20 =	simm.s32 $0x18C00;
	v4 =	vld [tilespmem:s19+$0x40];
	[tilespmem:s11+$0xF0] =	vst v8  }
.LBB2_23:
0x43b: {  	v7 =	vld [tilespmem:s20+$0x80];
	s10 =	sadd.s32 $0x4, s10;
	[tilespmem:s18+$0xFFFFFF30] =	vst v6  }
0x43c: {  	v6 =	vld [tilespmem:s20+$0xFFFFFF80];
	p5 =	slt.u32 s10, $0x1C;
	[tilespmem:s11+$0xFFFFFF70] =	vst v1  }
0x43d: {  	v1 =	vld [tilespmem:s20+$0x0]  }
0x43e: {  	v8 =	vld [tilespmem:s20+$0xFFFFFF00]  }
0x43f: {  	v5 =	vld.idx.msk [tilespmem:v5+s4+$0x0], $0xffff  }
0x440: {  	v9 =	vld [tilespmem:s19+$0xFFFFFF40];
	[tilespmem:s11+$0xFFFFFFF0] =	vst v2  }
0x441: {  	v2 =	vld.idx.msk [tilespmem:v3+s4+$0x0], $0xffff  }
0x442: {  	v3 =	vld.idx.msk [tilespmem:v4+s4+$0x0], $0xffff  }
0x443: {  	v4 =	vld.idx.msk [tilespmem:v7+s4+$0x0], $0xffff  }
0x444: {  	v6 =	vld.idx.msk [tilespmem:v6+s4+$0x0], $0xffff  }
0x445: {  	v1 =	vld.idx.msk [tilespmem:v1+s4+$0x0], $0xffff;
	[tilespmem:s18+$0xC0] =	vst v5  }
0x446: {  	v5 =	vld [tilespmem:s19+$0xD0]  }
0x447: {  	v7 =	vld.idx.msk [tilespmem:v8+s4+$0x0], $0xffff;
	[tilespmem:s18+$0xFFFFFFC0] =	vst v2  }
0x448: {  	s18 =	sadd.s32 $0x200, s18;
	v2 =	vld.idx.msk [tilespmem:v9+s4+$0x0], $0xffff;
	[tilespmem:s9+$0x40] =	vst v3  }
0x449: {  	[tilespmem:s18+$0x80] =	vst v4;
	v3 =	vld [tilespmem:s19+$0xFFFFFFD0]  }
0x44a: {  	[tilespmem:s18+$0xFFFFFF80] =	vst v6;
	v4 =	vld [tilespmem:s20+$0x90]  }
0x44b: {  	v6 =	vld [tilespmem:s20+$0xFFFFFF90];
	[tilespmem:s18+$0x0] =	vst v1  }
0x44c: {  	v1 =	vld [tilespmem:s20+$0x10]  }
0x44d: {  	[tilespmem:s18+$0xFFFFFF00] =	vst v7;
	v7 =	vld [tilespmem:s19+$0x50]  }
0x44e: {  	[tilespmem:s9+$0xFFFFFF40] =	vst v2;
	v2 =	vld.idx.msk [tilespmem:v5+s4+$0x0], $0xffff  }
0x44f: {  	v5 =	vld [tilespmem:s20+$0xFFFFFF10]  }
0x450: {  	v8 =	vld [tilespmem:s19+$0xFFFFFF50]  }
0x451: {  	v3 =	vld.idx.msk [tilespmem:v3+s4+$0x0], $0xffff  }
0x452: {  	v4 =	vld.idx.msk [tilespmem:v4+s4+$0x0], $0xffff  }
0x453: {  	v6 =	vld.idx.msk [tilespmem:v6+s4+$0x0], $0xffff  }
0x454: {  	v1 =	vld.idx.msk [tilespmem:v1+s4+$0x0], $0xffff;
	[tilespmem:s9+$0xD0] =	vst v2  }
0x455: {  	v2 =	vld [tilespmem:s19+$0xE0]  }
0x456: {  	v7 =	vld.idx.msk [tilespmem:v7+s4+$0x0], $0xffff  }
0x457: {  	v5 =	vld.idx.msk [tilespmem:v5+s4+$0x0], $0xffff;
	[tilespmem:s9+$0xFFFFFFD0] =	vst v3  }
0x458: {  	[tilespmem:s18+$0x90] =	vst v4;
	v3 =	vld.idx.msk [tilespmem:v8+s4+$0x0], $0xffff  }
0x459: {  	[tilespmem:s18+$0xFFFFFF90] =	vst v6;
	v4 =	vld [tilespmem:s20+$0xA0]  }
0x45a: {  	v6 =	vld [tilespmem:s20+$0xFFFFFFA0];
	[tilespmem:s18+$0x10] =	vst v1  }
0x45b: {  	v1 =	vld [tilespmem:s20+$0x20]  }
0x45c: {  	v8 =	vld [tilespmem:s19+$0xFFFFFFE0];
	[tilespmem:s9+$0x50] =	vst v7  }
0x45d: {  	[tilespmem:s18+$0xFFFFFF10] =	vst v5;
	v2 =	vld.idx.msk [tilespmem:v2+s4+$0x0], $0xffff  }
0x45e: {  	v5 =	vld [tilespmem:s20+$0xFFFFFF20];
	[tilespmem:s9+$0xFFFFFF50] =	vst v3  }
0x45f: {  	v3 =	vld [tilespmem:s19+$0xFFFFFF60]  }
0x460: {  	v7 =	vld [tilespmem:s19+$0x60]  }
0x461: {  	v4 =	vld.idx.msk [tilespmem:v4+s4+$0x0], $0xffff  }
0x462: {  	v6 =	vld.idx.msk [tilespmem:v6+s4+$0x0], $0xffff  }
0x463: {  	v1 =	vld.idx.msk [tilespmem:v1+s4+$0x0], $0xffff;
	[tilespmem:s9+$0xE0] =	vst v2  }
0x464: {  	v2 =	vld [tilespmem:s19+$0xF0]  }
0x465: {  	v8 =	vld.idx.msk [tilespmem:v8+s4+$0x0], $0xffff  }
0x466: {  	v5 =	vld.idx.msk [tilespmem:v5+s4+$0x0], $0xffff  }
0x467: {  	[tilespmem:s18+$0xA0] =	vst v4;
	v3 =	vld.idx.msk [tilespmem:v3+s4+$0x0], $0xffff  }
0x468: {  	[tilespmem:s18+$0xFFFFFFA0] =	vst v6;
	v4 =	vld [tilespmem:s20+$0xB0]  }
0x469: {  	v6 =	vld [tilespmem:s20+$0xFFFFFFB0];
	[tilespmem:s18+$0x20] =	vst v1  }
0x46a: {  	v1 =	vld [tilespmem:s20+$0x30]  }
0x46b: {  	[tilespmem:s9+$0xFFFFFFE0] =	vst v8;
	v7 =	vld.idx.msk [tilespmem:v7+s4+$0x0], $0xffff  }
0x46c: {  	[tilespmem:s18+$0xFFFFFF20] =	vst v5;
	v2 =	vld.idx.msk [tilespmem:v2+s4+$0x0], $0xffff  }
0x46d: {  	v5 =	vld [tilespmem:s20+$0xFFFFFF30];
	[tilespmem:s9+$0xFFFFFF60] =	vst v3  }
0x46e: {  	v3 =	vld [tilespmem:s19+$0xFFFFFF70]  }
0x46f: {  	v8 =	vld [tilespmem:s19+$0xFFFFFFF0]  }
0x470: {  	v4 =	vld.idx.msk [tilespmem:v4+s4+$0x0], $0xffff  }
0x471: {  	v9 =	vld.idx.msk [tilespmem:v6+s4+$0x0], $0xffff;
	[tilespmem:s9+$0x60] =	vst v7  }
0x472: {  	v7 =	vld.idx.msk [tilespmem:v1+s4+$0x0], $0xffff;
	[tilespmem:s9+$0xF0] =	vst v2  }
0x473: {  	v2 =	vld [tilespmem:s19+$0x70];
	s19 =	smov.u32 s20  }
0x474: {  	v10 =	vld.idx.msk [tilespmem:v0+s4+$0x0], $0xffff  }
0x475: {  	v6 =	vld.idx.msk [tilespmem:v5+s4+$0x0], $0xffff  }
.Ltmp22:
0x476: {  	[tilespmem:s18+$0xB0] =	vst v4;
	v1 =	vld.idx.msk [tilespmem:v3+s4+$0x0], $0xffff;
	(pc) =	sbr.rel @p5 .LBB2_23-.Ltmp22, $4  }
0x477: {  	[tilespmem:s18+$0xFFFFFFB0] =	vst v9;
	v5 =	vld [tilespmem:s20+$0xC0]  }
0x478: {  	v3 =	vld [tilespmem:s20+$0xFFFFFFC0];
	[tilespmem:s18+$0x30] =	vst v7;
	v0 =	vmov v2  }
0x479: {  	v4 =	vld [tilespmem:s20+$0x40]  }
0x47a: {  	s20 =	sadd.s32 $0x200, s20;
	v2 =	vld.idx.msk [tilespmem:v8+s4+$0x0], $0xffff;
	[tilespmem:s11+$0x70] =	vst v10;
	s11 =	smov.u32 s9;
	s9 =	smov.u32 s18  }
0x47b: {  	[tilespmem:s18+$0xFFFFFF30] =	vst v6  }
0x47c: {  	v6 =	vld [tilespmem:s19+$0xFFFFFF40];
	_ =	sdelay $0x4  }
0x47d: {  	v5 =	vld.idx.msk [tilespmem:v5+s4+$0x0], $0xffff  }
0x47e: {  	v3 =	vld.idx.msk [tilespmem:v3+s4+$0x0], $0xffff  }
0x47f: {  	v4 =	vld.idx.msk [tilespmem:v4+s4+$0x0], $0xffff  }
0x480: {  	v6 =	vld.idx.msk [tilespmem:v6+s4+$0x0], $0xffff;
	_ =	sdelay $0x1  }
0x481: {  	[tilespmem:s18+$0xC0] =	vst v5  }
0x482: {  	v5 =	vld [tilespmem:s19+$0xD0];
	[tilespmem:s18+$0xFFFFFFC0] =	vst v3  }
0x483: {  	[tilespmem:s9+$0x40] =	vst v4;
	v4 =	vld [tilespmem:s19+$0xFFFFFFD0]  }
0x484: {  	[tilespmem:s9+$0xFFFFFF40] =	vst v6;
	v6 =	vld [tilespmem:s19+$0x50]  }
0x485: {  	v3 =	vld [tilespmem:s19+$0xFFFFFF50];
	_ =	sdelay $0x4  }
0x486: {  	v5 =	vld.idx.msk [tilespmem:v5+s4+$0x0], $0xffff  }
0x487: {  	v4 =	vld.idx.msk [tilespmem:v4+s4+$0x0], $0xffff  }
0x488: {  	v6 =	vld.idx.msk [tilespmem:v6+s4+$0x0], $0xffff  }
0x489: {  	v3 =	vld.idx.msk [tilespmem:v3+s4+$0x0], $0xffff;
	_ =	sdelay $0x1  }
0x48a: {  	[tilespmem:s9+$0xD0] =	vst v5  }
0x48b: {  	v5 =	vld [tilespmem:s19+$0xE0];
	[tilespmem:s9+$0xFFFFFFD0] =	vst v4  }
0x48c: {  	v4 =	vld [tilespmem:s19+$0xFFFFFFE0];
	[tilespmem:s9+$0x50] =	vst v6  }
0x48d: {  	[tilespmem:s9+$0xFFFFFF50] =	vst v3;
	v6 =	vld [tilespmem:s19+$0x60]  }
0x48e: {  	v3 =	vld [tilespmem:s19+$0xFFFFFF60];
	_ =	sdelay $0x4  }
0x48f: {  	v5 =	vld.idx.msk [tilespmem:v5+s4+$0x0], $0xffff  }
0x490: {  	v4 =	vld.idx.msk [tilespmem:v4+s4+$0x0], $0xffff  }
0x491: {  	v6 =	vld.idx.msk [tilespmem:v6+s4+$0x0], $0xffff  }
0x492: {  	v3 =	vld.idx.msk [tilespmem:v3+s4+$0x0], $0xffff;
	_ =	sdelay $0x1  }
0x493: {  	[tilespmem:s9+$0xE0] =	vst v5  }
0x494: {  	v5 =	vld [tilespmem:s19+$0xF0];
	[tilespmem:s9+$0xFFFFFFE0] =	vst v4  }
0x495: {  	v4 =	vld [tilespmem:s19+$0xFFFFFFF0];
	[tilespmem:s9+$0x60] =	vst v6  }
0x496: {  	[tilespmem:s9+$0xFFFFFF60] =	vst v3;
	v6 =	vld [tilespmem:s19+$0x70]  }
0x497: {  	v3 =	vld [tilespmem:s19+$0xFFFFFF70];
	_ =	sdelay $0x3  }
0x498: {  	v0 =	vld.idx.msk [tilespmem:v0+s4+$0x0], $0xffff  }
0x499: {  	v5 =	vld.idx.msk [tilespmem:v5+s4+$0x0], $0xffff  }
0x49a: {  	[tilespmem:s11+$0xFFFFFF70] =	vst v1;
	v1 =	vld.idx.msk [tilespmem:v4+s4+$0x0], $0xffff  }
0x49b: {  	[tilespmem:s11+$0xFFFFFFF0] =	vst v2;
	v2 =	vld.idx.msk [tilespmem:v6+s4+$0x0], $0xffff  }
0x49c: {  	v3 =	vld.idx.msk [tilespmem:v3+s4+$0x0], $0xffff  }
0x49d: {  	[tilespmem:s11+$0x70] =	vst v0  }
0x49e: {  	s8 =	sshll.u32 s8, $0x12;
	[tilespmem:s9+$0xF0] =	vst v5  }
0x49f: {  	s7 =	sadd.s32 s7, s0;
	s8 =	sor.u32 s31, s8;
	[tilespmem:s9+$0xFFFFFFF0] =	vst v1  }
0x4a0: {  	s7 =	sadd.s32 $0x1, s7;
	s8 =	sshrl.u32 s8, $0x3;
	[tilespmem:s9+$0x70] =	vst v2  }
0x4a1: {  	p5 =	seq.s32 s7, $0x1;
	s8 =	sadd.s32 s1, s8;
	[tilespmem:s9+$0xFFFFFF70] =	vst v3  }
0x4a2: {  	[hbm4b:s8+s16] =	stream.strided.scatter [tilespmem:s24], [sflag:$0x3], $0x1000, s17, s16, $0x38;
	[tilespmem:$0x1FF00] =	vst v63  }
0x4a3: {  	s8 =	simm.s32 @!p5 $0x4  }
0x4a4: {  	_ =	swait.ge @!p5 [sflag:s8], $0x1000  }
0x4a5: {  	[sflag:s8] =	ssyncset.done @!p5 $0x0  }
0x4a6: {  	s20 =	simm.s32 $0x198F0;
	[sflag:s8] =	ssyncadd.s32 @!p5 $0xFFFFF000  }
0x4a7: {  	v0 =	vld [tilespmem:s20+$0xFFFFFF90]  }
0x4a8: {  	v1 =	vld [tilespmem:s20+$0xFFFFFE90]  }
0x4a9: {  	v2 =	vld [tilespmem:s20+$0xFFFFFF10];
	_ =	sdelay $0x2  }
0x4aa: {  	v3 =	vld [tilespmem:s20+$0xFFFFFE10];
	_ =	sdelay $0x2  }
0x4ab: {  	v0 =	vld.idx.msk [tilespmem:v0+s4+$0x0], $0xffff  }
0x4ac: {  	v1 =	vld.idx.msk [tilespmem:v1+s4+$0x0], $0xffff  }
0x4ad: {  	v2 =	vld.idx.msk [tilespmem:v2+s4+$0x0], $0xffff;
	_ =	sdelay $0x1  }
0x4ae: {  	s8 =	simm.s32 $0x1D800  }
0x4af: {  	v3 =	vld.idx.msk [tilespmem:v3+s4+$0x0], $0xffff;
	[tilespmem:s8+$0x80] =	vst v0  }
0x4b0: {  	[tilespmem:s8+$0xFFFFFF80] =	vst v1;
	v0 =	vld [tilespmem:s20+$0xFFFFFFA0]  }
0x4b1: {  	[tilespmem:s8+$0x0] =	vst v2;
	v1 =	vld [tilespmem:s20+$0xFFFFFEA0]  }
0x4b2: {  	v2 =	vld [tilespmem:s20+$0xFFFFFF20];
	_ =	sdelay $0x1  }
0x4b3: {  	[tilespmem:s8+$0xFFFFFF00] =	vst v3  }
0x4b4: {  	v3 =	vld [tilespmem:s20+$0xFFFFFE20];
	_ =	sdelay $0x2  }
0x4b5: {  	v0 =	vld.idx.msk [tilespmem:v0+s4+$0x0], $0xffff  }
0x4b6: {  	v1 =	vld.idx.msk [tilespmem:v1+s4+$0x0], $0xffff  }
0x4b7: {  	v2 =	vld.idx.msk [tilespmem:v2+s4+$0x0], $0xffff;
	_ =	sdelay $0x2  }
0x4b8: {  	v3 =	vld.idx.msk [tilespmem:v3+s4+$0x0], $0xffff;
	[tilespmem:s8+$0x90] =	vst v0  }
0x4b9: {  	[tilespmem:s8+$0xFFFFFF90] =	vst v1;
	v0 =	vld [tilespmem:s20+$0xFFFFFFB0]  }
0x4ba: {  	[tilespmem:s8+$0x10] =	vst v2;
	v1 =	vld [tilespmem:s20+$0xFFFFFEB0]  }
0x4bb: {  	v2 =	vld [tilespmem:s20+$0xFFFFFF30];
	_ =	sdelay $0x1  }
0x4bc: {  	[tilespmem:s8+$0xFFFFFF10] =	vst v3  }
0x4bd: {  	v3 =	vld [tilespmem:s20+$0xFFFFFE30]  }
0x4be: {  	s11 =	simm.s32 $0x19AF0  }
0x4bf: {  	v4 =	vld [tilespmem:s11+$0xFFFFFF90]  }
0x4c0: {  	v0 =	vld.idx.msk [tilespmem:v0+s4+$0x0], $0xffff  }
0x4c1: {  	v1 =	vld.idx.msk [tilespmem:v1+s4+$0x0], $0xffff  }
0x4c2: {  	v2 =	vld.idx.msk [tilespmem:v2+s4+$0x0], $0xffff;
	_ =	sdelay $0x1  }
0x4c3: {  	v5 =	vld [tilespmem:s11+$0xFFFFFE90]  }
0x4c4: {  	v3 =	vld.idx.msk [tilespmem:v3+s4+$0x0], $0xffff;
	[tilespmem:s8+$0xA0] =	vst v0  }
0x4c5: {  	[tilespmem:s8+$0xFFFFFFA0] =	vst v1;
	v0 =	vld [tilespmem:s20+$0xFFFFFFC0]  }
0x4c6: {  	[tilespmem:s8+$0x20] =	vst v2;
	v1 =	vld [tilespmem:s20+$0xFFFFFEC0]  }
0x4c7: {  	v2 =	vld [tilespmem:s20+$0xFFFFFF40];
	_ =	sdelay $0x1  }
0x4c8: {  	v4 =	vld.idx.msk [tilespmem:v4+s4+$0x0], $0xffff;
	[tilespmem:s8+$0xFFFFFF20] =	vst v3  }
0x4c9: {  	v3 =	vld [tilespmem:s20+$0xFFFFFE40]  }
0x4ca: {  	v5 =	vld.idx.msk [tilespmem:v5+s4+$0x0], $0xffff  }
0x4cb: {  	v6 =	vld [tilespmem:s11+$0xFFFFFF10]  }
0x4cc: {  	v0 =	vld.idx.msk [tilespmem:v0+s4+$0x0], $0xffff  }
0x4cd: {  	s18 =	simm.s32 $0x1DA00;
	v1 =	vld.idx.msk [tilespmem:v1+s4+$0x0], $0xffff  }
0x4ce: {  	[tilespmem:s18+$0x80] =	vst v4;
	v2 =	vld.idx.msk [tilespmem:v2+s4+$0x0], $0xffff  }
0x4cf: {  	[tilespmem:s18+$0xFFFFFF80] =	vst v5;
	v4 =	vld [tilespmem:s11+$0xFFFFFFA0]  }
0x4d0: {  	v5 =	vld [tilespmem:s11+$0xFFFFFEA0]  }
0x4d1: {  	v3 =	vld.idx.msk [tilespmem:v3+s4+$0x0], $0xffff;
	[tilespmem:s8+$0xB0] =	vst v0  }
0x4d2: {  	[tilespmem:s8+$0xFFFFFFB0] =	vst v1;
	v0 =	vld [tilespmem:s20+$0xFFFFFFD0]  }
0x4d3: {  	[tilespmem:s8+$0x30] =	vst v2;
	v1 =	vld [tilespmem:s20+$0xFFFFFED0]  }
0x4d4: {  	v2 =	vld [tilespmem:s20+$0xFFFFFF50]  }
0x4d5: {  	v7 =	vld [tilespmem:s11+$0xFFFFFE10]  }
0x4d6: {  	v6 =	vld.idx.msk [tilespmem:v6+s4+$0x0], $0xffff  }
0x4d7: {  	v4 =	vld.idx.msk [tilespmem:v4+s4+$0x0], $0xffff;
	[tilespmem:s8+$0xFFFFFF30] =	vst v3  }
0x4d8: {  	v3 =	vld [tilespmem:s20+$0xFFFFFE50]  }
0x4d9: {  	v5 =	vld.idx.msk [tilespmem:v5+s4+$0x0], $0xffff  }
0x4da: {  	v0 =	vld.idx.msk [tilespmem:v0+s4+$0x0], $0xffff  }
0x4db: {  	v1 =	vld.idx.msk [tilespmem:v1+s4+$0x0], $0xffff  }
0x4dc: {  	[tilespmem:s18+$0x0] =	vst v6;
	v2 =	vld.idx.msk [tilespmem:v2+s4+$0x0], $0xffff  }
0x4dd: {  	[tilespmem:s18+$0x90] =	vst v4  }
0x4de: {  	v7 =	vld.idx.msk [tilespmem:v7+s4+$0x0], $0xffff;
	[tilespmem:s18+$0xFFFFFF90] =	vst v5  }
0x4df: {  	v5 =	vld [tilespmem:s11+$0xFFFFFFB0];
	[tilespmem:s8+$0xC0] =	vst v0  }
0x4e0: {  	[tilespmem:s8+$0xFFFFFFC0] =	vst v1;
	v1 =	vld.idx.msk [tilespmem:v3+s4+$0x0], $0xffff  }
0x4e1: {  	[tilespmem:s8+$0x40] =	vst v2;
	v2 =	vld [tilespmem:s11+$0xFFFFFF20]  }
0x4e2: {  	v0 =	vld [tilespmem:s20+$0xFFFFFFE0]  }
0x4e3: {  	v3 =	vld [tilespmem:s20+$0xFFFFFEE0]  }
0x4e4: {  	[tilespmem:s18+$0xFFFFFF00] =	vst v7;
	v6 =	vld [tilespmem:s20+$0xFFFFFF60]  }
0x4e5: {  	[tilespmem:s8+$0xFFFFFF40] =	vst v1;
	v1 =	vld [tilespmem:s11+$0xFFFFFE20]  }
0x4e6: {  	v7 =	vld [tilespmem:s20+$0xFFFFFE60];
	_ =	sdelay $0x1  }
0x4e7: {  	v5 =	vld.idx.msk [tilespmem:v5+s4+$0x0], $0xffff  }
0x4e8: {  	v2 =	vld.idx.msk [tilespmem:v2+s4+$0x0], $0xffff  }
0x4e9: {  	v0 =	vld.idx.msk [tilespmem:v0+s4+$0x0], $0xffff  }
0x4ea: {  	v3 =	vld.idx.msk [tilespmem:v3+s4+$0x0], $0xffff  }
0x4eb: {  	v6 =	vld.idx.msk [tilespmem:v6+s4+$0x0], $0xffff  }
0x4ec: {  	v1 =	vld.idx.msk [tilespmem:v1+s4+$0x0], $0xffff  }
0x4ed: {  	v4 =	vld.idx.msk [tilespmem:v7+s4+$0x0], $0xffff  }
0x4ee: {  	[tilespmem:s18+$0x10] =	vst v2;
	v7 =	vld [tilespmem:s11+$0xFFFFFEB0]  }
0x4ef: {  	[tilespmem:s8+$0xD0] =	vst v0;
	v2 =	vld [tilespmem:s11+$0xFFFFFF30]  }
0x4f0: {  	[tilespmem:s8+$0xFFFFFFD0] =	vst v3;
	v0 =	vld [tilespmem:s20+$0xFFFFFFF0]  }
0x4f1: {  	v3 =	vld [tilespmem:s20+$0xFFFFFEF0];
	[tilespmem:s18+$0xFFFFFF10] =	vst v1  }
0x4f2: {  	v1 =	vld [tilespmem:s11+$0xFFFFFE30];
	[tilespmem:s8+$0xFFFFFF50] =	vst v4  }
0x4f3: {  	[tilespmem:s18+$0xA0] =	vst v5;
	v4 =	vld [tilespmem:s20+$0xFFFFFE70]  }
0x4f4: {  	v5 =	vld [tilespmem:s11+$0xFFFFFFC0];
	[tilespmem:s8+$0x50] =	vst v6  }
0x4f5: {  	v6 =	vld [tilespmem:s20+$0xFFFFFF70]  }
0x4f6: {  	v7 =	vld.idx.msk [tilespmem:v7+s4+$0x0], $0xffff  }
0x4f7: {  	v2 =	vld.idx.msk [tilespmem:v2+s4+$0x0], $0xffff  }
0x4f8: {  	v0 =	vld.idx.msk [tilespmem:v0+s4+$0x0], $0xffff  }
0x4f9: {  	v3 =	vld.idx.msk [tilespmem:v3+s4+$0x0], $0xffff  }
0x4fa: {  	v1 =	vld.idx.msk [tilespmem:v1+s4+$0x0], $0xffff  }
0x4fb: {  	[tilespmem:s18+$0xFFFFFFA0] =	vst v7;
	v4 =	vld.idx.msk [tilespmem:v4+s4+$0x0], $0xffff  }
0x4fc: {  	[tilespmem:s18+$0x20] =	vst v2;
	v7 =	vld [tilespmem:s11+$0xFFFFFEC0]  }
0x4fd: {  	[tilespmem:s8+$0xE0] =	vst v0;
	v2 =	vld [tilespmem:s11+$0xFFFFFF40]  }
0x4fe: {  	v0 =	vld [tilespmem:s20+$0x0]  }
0x4ff: {  	v6 =	vld.idx.msk [tilespmem:v6+s4+$0x0], $0xffff;
	[tilespmem:s18+$0xFFFFFF20] =	vst v1  }
0x500: {  	[tilespmem:s8+$0xFFFFFFE0] =	vst v3;
	v1 =	vld [tilespmem:s11+$0xFFFFFE40]  }
0x501: {  	v3 =	vld.idx.msk [tilespmem:v5+s4+$0x0], $0xffff;
	[tilespmem:s8+$0xFFFFFF60] =	vst v4  }
0x502: {  	v4 =	vld [tilespmem:s20+$0xFFFFFE80]  }
0x503: {  	v9 =	vld [tilespmem:s20+$0xFFFFFF00]  }
0x504: {  	v5 =	vld.idx.msk [tilespmem:v7+s4+$0x0], $0xffff  }
0x505: {  	v2 =	vld.idx.msk [tilespmem:v2+s4+$0x0], $0xffff  }
0x506: {  	[tilespmem:s8+$0x60] =	vst v6;
	v8 =	vld.idx.msk [tilespmem:v0+s4+$0x0], $0xffff  }
0x507: {  	v0 =	vld [tilespmem:s20+$0xFFFFFF80]  }
0x508: {  	[tilespmem:s18+$0xB0] =	vst v3;
	v6 =	vld.idx.msk [tilespmem:v1+s4+$0x0], $0xffff  }
0x509: {  	[tilespmem:s18+$0xFFFFFFB0] =	vst v5;
	v5 =	vld [tilespmem:s11+$0xFFFFFFD0]  }
0x50a: {  	v1 =	vld.idx.msk [tilespmem:v4+s4+$0x0], $0xffff  }
0x50b: {  	[tilespmem:s18+$0x30] =	vst v2;
	v2 =	vld.idx.msk [tilespmem:v9+s4+$0x0], $0xffff  }
0x50c: {  	v3 =	vld [tilespmem:s11+$0xFFFFFED0]  }
0x50d: {  	s10 =	simm.s32 $0x4;
	s19 =	simm.s32 $0x19CF0;
	s9 =	simm.s32 $0x1DA00;
	v4 =	vld [tilespmem:s11+$0xFFFFFF50];
	[tilespmem:s8+$0xF0] =	vst v8  }
.LBB2_25:
0x50e: {  	v7 =	vld [tilespmem:s19+$0xFFFFFF90];
	s10 =	sadd.s32 $0x4, s10;
	[tilespmem:s18+$0xFFFFFF30] =	vst v6  }
0x50f: {  	v6 =	vld [tilespmem:s19+$0xFFFFFE90];
	p5 =	slt.u32 s10, $0x1C;
	[tilespmem:s8+$0xFFFFFF70] =	vst v1  }
0x510: {  	v1 =	vld [tilespmem:s19+$0xFFFFFF10]  }
0x511: {  	v8 =	vld [tilespmem:s19+$0xFFFFFE10]  }
0x512: {  	v5 =	vld.idx.msk [tilespmem:v5+s4+$0x0], $0xffff  }
0x513: {  	v9 =	vld [tilespmem:s11+$0xFFFFFE50];
	[tilespmem:s8+$0xFFFFFFF0] =	vst v2  }
0x514: {  	v2 =	vld.idx.msk [tilespmem:v3+s4+$0x0], $0xffff  }
0x515: {  	v3 =	vld.idx.msk [tilespmem:v4+s4+$0x0], $0xffff  }
0x516: {  	v4 =	vld.idx.msk [tilespmem:v7+s4+$0x0], $0xffff  }
0x517: {  	v6 =	vld.idx.msk [tilespmem:v6+s4+$0x0], $0xffff  }
0x518: {  	v1 =	vld.idx.msk [tilespmem:v1+s4+$0x0], $0xffff;
	[tilespmem:s18+$0xC0] =	vst v5  }
0x519: {  	v5 =	vld [tilespmem:s11+$0xFFFFFFE0]  }
0x51a: {  	v7 =	vld.idx.msk [tilespmem:v8+s4+$0x0], $0xffff;
	[tilespmem:s18+$0xFFFFFFC0] =	vst v2  }
0x51b: {  	s18 =	sadd.s32 $0x200, s18;
	v2 =	vld.idx.msk [tilespmem:v9+s4+$0x0], $0xffff;
	[tilespmem:s9+$0x40] =	vst v3  }
0x51c: {  	[tilespmem:s18+$0x80] =	vst v4;
	v3 =	vld [tilespmem:s11+$0xFFFFFEE0]  }
0x51d: {  	[tilespmem:s18+$0xFFFFFF80] =	vst v6;
	v4 =	vld [tilespmem:s19+$0xFFFFFFA0]  }
0x51e: {  	v6 =	vld [tilespmem:s19+$0xFFFFFEA0];
	[tilespmem:s18+$0x0] =	vst v1  }
0x51f: {  	v1 =	vld [tilespmem:s19+$0xFFFFFF20]  }
0x520: {  	[tilespmem:s18+$0xFFFFFF00] =	vst v7;
	v7 =	vld [tilespmem:s11+$0xFFFFFF60]  }
0x521: {  	[tilespmem:s9+$0xFFFFFF40] =	vst v2;
	v2 =	vld.idx.msk [tilespmem:v5+s4+$0x0], $0xffff  }
0x522: {  	v5 =	vld [tilespmem:s19+$0xFFFFFE20]  }
0x523: {  	v8 =	vld [tilespmem:s11+$0xFFFFFE60]  }
0x524: {  	v3 =	vld.idx.msk [tilespmem:v3+s4+$0x0], $0xffff  }
0x525: {  	v4 =	vld.idx.msk [tilespmem:v4+s4+$0x0], $0xffff  }
0x526: {  	v6 =	vld.idx.msk [tilespmem:v6+s4+$0x0], $0xffff  }
0x527: {  	v1 =	vld.idx.msk [tilespmem:v1+s4+$0x0], $0xffff;
	[tilespmem:s9+$0xD0] =	vst v2  }
0x528: {  	v2 =	vld [tilespmem:s11+$0xFFFFFFF0]  }
0x529: {  	v7 =	vld.idx.msk [tilespmem:v7+s4+$0x0], $0xffff  }
0x52a: {  	v5 =	vld.idx.msk [tilespmem:v5+s4+$0x0], $0xffff;
	[tilespmem:s9+$0xFFFFFFD0] =	vst v3  }
0x52b: {  	[tilespmem:s18+$0x90] =	vst v4;
	v3 =	vld.idx.msk [tilespmem:v8+s4+$0x0], $0xffff  }
0x52c: {  	[tilespmem:s18+$0xFFFFFF90] =	vst v6;
	v4 =	vld [tilespmem:s19+$0xFFFFFFB0]  }
0x52d: {  	v6 =	vld [tilespmem:s19+$0xFFFFFEB0];
	[tilespmem:s18+$0x10] =	vst v1  }
0x52e: {  	v1 =	vld [tilespmem:s19+$0xFFFFFF30]  }
0x52f: {  	v8 =	vld [tilespmem:s11+$0xFFFFFEF0];
	[tilespmem:s9+$0x50] =	vst v7  }
0x530: {  	[tilespmem:s18+$0xFFFFFF10] =	vst v5;
	v2 =	vld.idx.msk [tilespmem:v2+s4+$0x0], $0xffff  }
0x531: {  	v5 =	vld [tilespmem:s19+$0xFFFFFE30];
	[tilespmem:s9+$0xFFFFFF50] =	vst v3  }
0x532: {  	v3 =	vld [tilespmem:s11+$0xFFFFFE70]  }
0x533: {  	v7 =	vld [tilespmem:s11+$0xFFFFFF70]  }
0x534: {  	v4 =	vld.idx.msk [tilespmem:v4+s4+$0x0], $0xffff  }
0x535: {  	v6 =	vld.idx.msk [tilespmem:v6+s4+$0x0], $0xffff  }
0x536: {  	v1 =	vld.idx.msk [tilespmem:v1+s4+$0x0], $0xffff;
	[tilespmem:s9+$0xE0] =	vst v2  }
0x537: {  	v2 =	vld [tilespmem:s11+$0x0]  }
0x538: {  	v8 =	vld.idx.msk [tilespmem:v8+s4+$0x0], $0xffff  }
0x539: {  	v5 =	vld.idx.msk [tilespmem:v5+s4+$0x0], $0xffff  }
0x53a: {  	[tilespmem:s18+$0xA0] =	vst v4;
	v3 =	vld.idx.msk [tilespmem:v3+s4+$0x0], $0xffff  }
0x53b: {  	[tilespmem:s18+$0xFFFFFFA0] =	vst v6;
	v4 =	vld [tilespmem:s19+$0xFFFFFFC0]  }
0x53c: {  	v6 =	vld [tilespmem:s19+$0xFFFFFEC0];
	[tilespmem:s18+$0x20] =	vst v1  }
0x53d: {  	v1 =	vld [tilespmem:s19+$0xFFFFFF40]  }
0x53e: {  	[tilespmem:s9+$0xFFFFFFE0] =	vst v8;
	v7 =	vld.idx.msk [tilespmem:v7+s4+$0x0], $0xffff  }
0x53f: {  	[tilespmem:s18+$0xFFFFFF20] =	vst v5;
	v2 =	vld.idx.msk [tilespmem:v2+s4+$0x0], $0xffff  }
0x540: {  	v5 =	vld [tilespmem:s19+$0xFFFFFE40];
	[tilespmem:s9+$0xFFFFFF60] =	vst v3  }
0x541: {  	v3 =	vld [tilespmem:s11+$0xFFFFFE80]  }
0x542: {  	v8 =	vld [tilespmem:s11+$0xFFFFFF00]  }
0x543: {  	v4 =	vld.idx.msk [tilespmem:v4+s4+$0x0], $0xffff  }
0x544: {  	v9 =	vld.idx.msk [tilespmem:v6+s4+$0x0], $0xffff;
	[tilespmem:s9+$0x60] =	vst v7  }
0x545: {  	v7 =	vld.idx.msk [tilespmem:v1+s4+$0x0], $0xffff;
	[tilespmem:s9+$0xF0] =	vst v2  }
0x546: {  	v2 =	vld [tilespmem:s11+$0xFFFFFF80];
	s11 =	smov.u32 s19  }
0x547: {  	v10 =	vld.idx.msk [tilespmem:v0+s4+$0x0], $0xffff  }
0x548: {  	v6 =	vld.idx.msk [tilespmem:v5+s4+$0x0], $0xffff  }
.Ltmp23:
0x549: {  	[tilespmem:s18+$0xB0] =	vst v4;
	v1 =	vld.idx.msk [tilespmem:v3+s4+$0x0], $0xffff;
	(pc) =	sbr.rel @p5 .LBB2_25-.Ltmp23, $4  }
0x54a: {  	[tilespmem:s18+$0xFFFFFFB0] =	vst v9;
	v5 =	vld [tilespmem:s19+$0xFFFFFFD0]  }
0x54b: {  	v3 =	vld [tilespmem:s19+$0xFFFFFED0];
	[tilespmem:s18+$0x30] =	vst v7;
	v0 =	vmov v2  }
0x54c: {  	v4 =	vld [tilespmem:s19+$0xFFFFFF50]  }
0x54d: {  	s19 =	sadd.s32 $0x200, s19;
	v2 =	vld.idx.msk [tilespmem:v8+s4+$0x0], $0xffff;
	[tilespmem:s8+$0x70] =	vst v10;
	s8 =	smov.u32 s9;
	s9 =	smov.u32 s18  }
0x54e: {  	[tilespmem:s18+$0xFFFFFF30] =	vst v6  }
0x54f: {  	v6 =	vld [tilespmem:s11+$0xFFFFFE50];
	_ =	sdelay $0x4  }
0x550: {  	v5 =	vld.idx.msk [tilespmem:v5+s4+$0x0], $0xffff  }
0x551: {  	v3 =	vld.idx.msk [tilespmem:v3+s4+$0x0], $0xffff  }
0x552: {  	v4 =	vld.idx.msk [tilespmem:v4+s4+$0x0], $0xffff  }
0x553: {  	v6 =	vld.idx.msk [tilespmem:v6+s4+$0x0], $0xffff;
	_ =	sdelay $0x1  }
0x554: {  	[tilespmem:s18+$0xC0] =	vst v5  }
0x555: {  	v5 =	vld [tilespmem:s11+$0xFFFFFFE0];
	[tilespmem:s18+$0xFFFFFFC0] =	vst v3  }
0x556: {  	[tilespmem:s9+$0x40] =	vst v4;
	v60 =	vld [tilespmem:s11+$0xFFFFFEE0]  }
0x557: {  	v61 =	vld [tilespmem:s11+$0xFFFFFF60];
	[tilespmem:s9+$0xFFFFFF40] =	vst v6  }
0x558: {  	v59 =	vld [tilespmem:s11+$0xFFFFFE60];
	_ =	sdelay $0x4  }
0x559: {  	v5 =	vld.idx.msk [tilespmem:v5+s4+$0x0], $0xffff  }
0x55a: {  	v4 =	vld.idx.msk [tilespmem:v60+s4+$0x0], $0xffff  }
0x55b: {  	v6 =	vld.idx.msk [tilespmem:v61+s4+$0x0], $0xffff  }
0x55c: {  	v3 =	vld.idx.msk [tilespmem:v59+s4+$0x0], $0xffff;
	_ =	sdelay $0x1  }
0x55d: {  	[tilespmem:s9+$0xD0] =	vst v5  }
0x55e: {  	v5 =	vld [tilespmem:s11+$0xFFFFFFF0];
	[tilespmem:s9+$0xFFFFFFD0] =	vst v4  }
0x55f: {  	v4 =	vld [tilespmem:s11+$0xFFFFFEF0];
	[tilespmem:s9+$0x50] =	vst v6  }
0x560: {  	v6 =	vld [tilespmem:s11+$0xFFFFFF70];
	[tilespmem:s9+$0xFFFFFF50] =	vst v3  }
0x561: {  	v3 =	vld [tilespmem:s11+$0xFFFFFE70];
	_ =	sdelay $0x4  }
0x562: {  	v5 =	vld.idx.msk [tilespmem:v5+s4+$0x0], $0xffff  }
0x563: {  	v4 =	vld.idx.msk [tilespmem:v4+s4+$0x0], $0xffff  }
0x564: {  	v6 =	vld.idx.msk [tilespmem:v6+s4+$0x0], $0xffff  }
0x565: {  	v3 =	vld.idx.msk [tilespmem:v3+s4+$0x0], $0xffff;
	_ =	sdelay $0x1  }
0x566: {  	[tilespmem:s9+$0xE0] =	vst v5  }
0x567: {  	v5 =	vld [tilespmem:s11+$0x0];
	[tilespmem:s9+$0xFFFFFFE0] =	vst v4  }
0x568: {  	v4 =	vld [tilespmem:s11+$0xFFFFFF00];
	[tilespmem:s9+$0x60] =	vst v6  }
0x569: {  	v6 =	vld [tilespmem:s11+$0xFFFFFF80];
	[tilespmem:s9+$0xFFFFFF60] =	vst v3  }
0x56a: {  	v3 =	vld [tilespmem:s11+$0xFFFFFE80];
	_ =	sdelay $0x3  }
0x56b: {  	v0 =	vld.idx.msk [tilespmem:v0+s4+$0x0], $0xffff  }
0x56c: {  	v5 =	vld.idx.msk [tilespmem:v5+s4+$0x0], $0xffff  }
0x56d: {  	v62 =	vld.idx.msk [tilespmem:v4+s4+$0x0], $0xffff  }
0x56e: {  	[tilespmem:s8+$0xFFFFFF70] =	vst v1;
	v63 =	vld.idx.msk [tilespmem:v6+s4+$0x0], $0xffff  }
0x56f: {  	[tilespmem:s8+$0xFFFFFFF0] =	vst v2;
	v3 =	vld.idx.msk [tilespmem:v3+s4+$0x0], $0xffff  }
0x570: {  	[tilespmem:s8+$0x70] =	vst v0  }
0x571: {  	s7 =	sshll.u32 s7, $0x12;
	[tilespmem:s9+$0xF0] =	vst v5  }
0x572: {  	s7 =	sor.u32 s31, s7;
	[tilespmem:s9+$0xFFFFFFF0] =	vst v62  }
0x573: {  	s7 =	sshrl.u32 s7, $0x3;
	[tilespmem:s9+$0x70] =	vst v63  }
0x574: {  	p5 =	sgt.u32 s28, $0x3;
	s7 =	sadd.s32 s1, s7;
	[tilespmem:s9+$0xFFFFFF70] =	vst v3  }
0x575: {  	[hbm4b:s7+s16] =	stream.strided.scatter [tilespmem:s26], [sflag:$0x4], $0x1000, s17, s16, $0x38;
	[tilespmem:$0x1FF00] =	vst v63  }
0x576: {  	s7 =	sshll.u32 @!p5 s28, $0xD  }
0x577: {  	s7 =	sand.u32 @!p5 $0x3FFFE000, s7  }
0x578: {  	s7 =	sadd.s32 @!p5 s7, s3  }
0x579: {  	s8 =	simm.s32 @!p5 $0x18700;
	s7 =	sadd.s32 @!p5 $0x4000, s7  }
0x57a: {  	[tilespmem:s8], [sflag:$0x1] =	stream.linear.gather @!p5 [spmem:s7], $0x2000, $0x38;
	[tilespmem:$0x1FF00] =	vst v63  }
0x57b: {  	p5 =	seq.s32 s6, $0x0  }
.Ltmp24:
0x57c: {  	_ = 	snop;
	(pc) =	sbr.rel @p5 .LBB2_32-.Ltmp24, $1  }
0x57d: {  	_ =	sdelay $0x3  }
.LBB2_27:
0x57e: {  	_ =	swait.ge [sflag:s22], $0x2000  }
0x57f: {  	[sflag:s22] =	ssyncset.done $0x0  }
0x580: {  	[sflag:s22] =	ssyncadd.s32 $0xFFFFE000  }
0x581: {  	_ =	swait.ge [sflag:s23], $0x1000  }
0x582: {  	[sflag:s23] =	ssyncset.done $0x0  }
0x583: {  	s9 =	simm.s32 $0x1A800;
	[sflag:s23] =	ssyncadd.s32 $0xFFFFF000  }
0x584: {  	v0 =	vld [tilespmem:s9+$0x80]  }
0x585: {  	v1 =	vld [tilespmem:s9+$0xFFFFFF80]  }
0x586: {  	v2 =	vld [tilespmem:s9+$0x0];
	_ =	sdelay $0x2  }
0x587: {  	v3 =	vld [tilespmem:s9+$0xFFFFFF00];
	_ =	sdelay $0x2  }
0x588: {  	v0 =	vld.idx.msk [tilespmem:v0+s4+$0x0], $0xffff  }
0x589: {  	v1 =	vld.idx.msk [tilespmem:v1+s4+$0x0], $0xffff  }
0x58a: {  	v2 =	vld.idx.msk [tilespmem:v2+s4+$0x0], $0xffff;
	_ =	sdelay $0x1  }
0x58b: {  	s6 =	simm.s32 $0x1C800  }
0x58c: {  	v3 =	vld.idx.msk [tilespmem:v3+s4+$0x0], $0xffff;
	[tilespmem:s6+$0x80] =	vst v0  }
0x58d: {  	[tilespmem:s6+$0xFFFFFF80] =	vst v1;
	v0 =	vld [tilespmem:s9+$0x90]  }
0x58e: {  	[tilespmem:s6+$0x0] =	vst v2;
	v1 =	vld [tilespmem:s9+$0xFFFFFF90]  }
0x58f: {  	v2 =	vld [tilespmem:s9+$0x10];
	_ =	sdelay $0x1  }
0x590: {  	[tilespmem:s6+$0xFFFFFF00] =	vst v3  }
0x591: {  	v3 =	vld [tilespmem:s9+$0xFFFFFF10];
	_ =	sdelay $0x2  }
0x592: {  	v0 =	vld.idx.msk [tilespmem:v0+s4+$0x0], $0xffff  }
0x593: {  	v1 =	vld.idx.msk [tilespmem:v1+s4+$0x0], $0xffff  }
0x594: {  	v2 =	vld.idx.msk [tilespmem:v2+s4+$0x0], $0xffff;
	_ =	sdelay $0x2  }
0x595: {  	v3 =	vld.idx.msk [tilespmem:v3+s4+$0x0], $0xffff;
	[tilespmem:s6+$0x90] =	vst v0  }
0x596: {  	[tilespmem:s6+$0xFFFFFF90] =	vst v1;
	v0 =	vld [tilespmem:s9+$0xA0]  }
0x597: {  	[tilespmem:s6+$0x10] =	vst v2;
	v1 =	vld [tilespmem:s9+$0xFFFFFFA0]  }
0x598: {  	v2 =	vld [tilespmem:s9+$0x20];
	_ =	sdelay $0x1  }
0x599: {  	[tilespmem:s6+$0xFFFFFF10] =	vst v3  }
0x59a: {  	v3 =	vld [tilespmem:s9+$0xFFFFFF20]  }
0x59b: {  	s7 =	simm.s32 $0x1AA00  }
0x59c: {  	v4 =	vld [tilespmem:s7+$0x80]  }
0x59d: {  	v0 =	vld.idx.msk [tilespmem:v0+s4+$0x0], $0xffff  }
0x59e: {  	v1 =	vld.idx.msk [tilespmem:v1+s4+$0x0], $0xffff  }
0x59f: {  	v2 =	vld.idx.msk [tilespmem:v2+s4+$0x0], $0xffff;
	_ =	sdelay $0x1  }
0x5a0: {  	v5 =	vld [tilespmem:s7+$0xFFFFFF80]  }
0x5a1: {  	v3 =	vld.idx.msk [tilespmem:v3+s4+$0x0], $0xffff;
	[tilespmem:s6+$0xA0] =	vst v0  }
0x5a2: {  	[tilespmem:s6+$0xFFFFFFA0] =	vst v1;
	v0 =	vld [tilespmem:s9+$0xB0]  }
0x5a3: {  	[tilespmem:s6+$0x20] =	vst v2;
	v1 =	vld [tilespmem:s9+$0xFFFFFFB0]  }
0x5a4: {  	v2 =	vld [tilespmem:s9+$0x30];
	_ =	sdelay $0x1  }
0x5a5: {  	v4 =	vld.idx.msk [tilespmem:v4+s4+$0x0], $0xffff;
	[tilespmem:s6+$0xFFFFFF20] =	vst v3  }
0x5a6: {  	v3 =	vld [tilespmem:s9+$0xFFFFFF30]  }
0x5a7: {  	v5 =	vld.idx.msk [tilespmem:v5+s4+$0x0], $0xffff  }
0x5a8: {  	v6 =	vld [tilespmem:s7+$0x0]  }
0x5a9: {  	v0 =	vld.idx.msk [tilespmem:v0+s4+$0x0], $0xffff  }
0x5aa: {  	s8 =	simm.s32 $0x1CA00;
	v1 =	vld.idx.msk [tilespmem:v1+s4+$0x0], $0xffff  }
0x5ab: {  	[tilespmem:s8+$0x80] =	vst v4;
	v2 =	vld.idx.msk [tilespmem:v2+s4+$0x0], $0xffff  }
0x5ac: {  	[tilespmem:s8+$0xFFFFFF80] =	vst v5;
	v4 =	vld [tilespmem:s7+$0x90]  }
0x5ad: {  	v5 =	vld [tilespmem:s7+$0xFFFFFF90]  }
0x5ae: {  	v3 =	vld.idx.msk [tilespmem:v3+s4+$0x0], $0xffff;
	[tilespmem:s6+$0xB0] =	vst v0  }
0x5af: {  	[tilespmem:s6+$0xFFFFFFB0] =	vst v1;
	v0 =	vld [tilespmem:s9+$0xC0]  }
0x5b0: {  	[tilespmem:s6+$0x30] =	vst v2;
	v1 =	vld [tilespmem:s9+$0xFFFFFFC0]  }
0x5b1: {  	v2 =	vld [tilespmem:s9+$0x40]  }
0x5b2: {  	v7 =	vld [tilespmem:s7+$0xFFFFFF00]  }
0x5b3: {  	v6 =	vld.idx.msk [tilespmem:v6+s4+$0x0], $0xffff  }
0x5b4: {  	v4 =	vld.idx.msk [tilespmem:v4+s4+$0x0], $0xffff;
	[tilespmem:s6+$0xFFFFFF30] =	vst v3  }
0x5b5: {  	v3 =	vld [tilespmem:s9+$0xFFFFFF40]  }
0x5b6: {  	v5 =	vld.idx.msk [tilespmem:v5+s4+$0x0], $0xffff  }
0x5b7: {  	v0 =	vld.idx.msk [tilespmem:v0+s4+$0x0], $0xffff  }
0x5b8: {  	v1 =	vld.idx.msk [tilespmem:v1+s4+$0x0], $0xffff  }
0x5b9: {  	[tilespmem:s8+$0x0] =	vst v6;
	v2 =	vld.idx.msk [tilespmem:v2+s4+$0x0], $0xffff  }
0x5ba: {  	[tilespmem:s8+$0x90] =	vst v4  }
0x5bb: {  	v7 =	vld.idx.msk [tilespmem:v7+s4+$0x0], $0xffff;
	[tilespmem:s8+$0xFFFFFF90] =	vst v5  }
0x5bc: {  	v5 =	vld [tilespmem:s7+$0xA0];
	[tilespmem:s6+$0xC0] =	vst v0  }
0x5bd: {  	[tilespmem:s6+$0xFFFFFFC0] =	vst v1;
	v1 =	vld.idx.msk [tilespmem:v3+s4+$0x0], $0xffff  }
0x5be: {  	[tilespmem:s6+$0x40] =	vst v2;
	v2 =	vld [tilespmem:s7+$0x10]  }
0x5bf: {  	v0 =	vld [tilespmem:s9+$0xD0]  }
0x5c0: {  	v3 =	vld [tilespmem:s9+$0xFFFFFFD0]  }
0x5c1: {  	[tilespmem:s8+$0xFFFFFF00] =	vst v7;
	v6 =	vld [tilespmem:s9+$0x50]  }
0x5c2: {  	[tilespmem:s6+$0xFFFFFF40] =	vst v1;
	v1 =	vld [tilespmem:s7+$0xFFFFFF10]  }
0x5c3: {  	v7 =	vld [tilespmem:s9+$0xFFFFFF50];
	_ =	sdelay $0x1  }
0x5c4: {  	v5 =	vld.idx.msk [tilespmem:v5+s4+$0x0], $0xffff  }
0x5c5: {  	v2 =	vld.idx.msk [tilespmem:v2+s4+$0x0], $0xffff  }
0x5c6: {  	v0 =	vld.idx.msk [tilespmem:v0+s4+$0x0], $0xffff  }
0x5c7: {  	v3 =	vld.idx.msk [tilespmem:v3+s4+$0x0], $0xffff  }
0x5c8: {  	v6 =	vld.idx.msk [tilespmem:v6+s4+$0x0], $0xffff  }
0x5c9: {  	v1 =	vld.idx.msk [tilespmem:v1+s4+$0x0], $0xffff  }
0x5ca: {  	v4 =	vld.idx.msk [tilespmem:v7+s4+$0x0], $0xffff  }
0x5cb: {  	[tilespmem:s8+$0x10] =	vst v2;
	v7 =	vld [tilespmem:s7+$0xFFFFFFA0]  }
0x5cc: {  	[tilespmem:s6+$0xD0] =	vst v0;
	v2 =	vld [tilespmem:s7+$0x20]  }
0x5cd: {  	[tilespmem:s6+$0xFFFFFFD0] =	vst v3;
	v0 =	vld [tilespmem:s9+$0xE0]  }
0x5ce: {  	v3 =	vld [tilespmem:s9+$0xFFFFFFE0];
	[tilespmem:s8+$0xFFFFFF10] =	vst v1  }
0x5cf: {  	v1 =	vld [tilespmem:s7+$0xFFFFFF20];
	[tilespmem:s6+$0xFFFFFF50] =	vst v4  }
0x5d0: {  	[tilespmem:s8+$0xA0] =	vst v5;
	v4 =	vld [tilespmem:s9+$0xFFFFFF60]  }
0x5d1: {  	v5 =	vld [tilespmem:s7+$0xB0];
	[tilespmem:s6+$0x50] =	vst v6  }
0x5d2: {  	v6 =	vld [tilespmem:s9+$0x60]  }
0x5d3: {  	v7 =	vld.idx.msk [tilespmem:v7+s4+$0x0], $0xffff  }
0x5d4: {  	v2 =	vld.idx.msk [tilespmem:v2+s4+$0x0], $0xffff  }
0x5d5: {  	v0 =	vld.idx.msk [tilespmem:v0+s4+$0x0], $0xffff  }
0x5d6: {  	v3 =	vld.idx.msk [tilespmem:v3+s4+$0x0], $0xffff  }
0x5d7: {  	v1 =	vld.idx.msk [tilespmem:v1+s4+$0x0], $0xffff  }
0x5d8: {  	[tilespmem:s8+$0xFFFFFFA0] =	vst v7;
	v4 =	vld.idx.msk [tilespmem:v4+s4+$0x0], $0xffff  }
0x5d9: {  	[tilespmem:s8+$0x20] =	vst v2;
	v7 =	vld [tilespmem:s7+$0xFFFFFFB0]  }
0x5da: {  	[tilespmem:s6+$0xE0] =	vst v0;
	v2 =	vld [tilespmem:s7+$0x30]  }
0x5db: {  	v0 =	vld [tilespmem:s9+$0xF0]  }
0x5dc: {  	v6 =	vld.idx.msk [tilespmem:v6+s4+$0x0], $0xffff;
	[tilespmem:s8+$0xFFFFFF20] =	vst v1  }
0x5dd: {  	[tilespmem:s6+$0xFFFFFFE0] =	vst v3;
	v1 =	vld [tilespmem:s7+$0xFFFFFF30]  }
0x5de: {  	v3 =	vld.idx.msk [tilespmem:v5+s4+$0x0], $0xffff;
	[tilespmem:s6+$0xFFFFFF60] =	vst v4  }
0x5df: {  	v4 =	vld [tilespmem:s9+$0xFFFFFF70]  }
0x5e0: {  	v9 =	vld [tilespmem:s9+$0xFFFFFFF0]  }
0x5e1: {  	v5 =	vld.idx.msk [tilespmem:v7+s4+$0x0], $0xffff  }
0x5e2: {  	v2 =	vld.idx.msk [tilespmem:v2+s4+$0x0], $0xffff  }
0x5e3: {  	[tilespmem:s6+$0x60] =	vst v6;
	v8 =	vld.idx.msk [tilespmem:v0+s4+$0x0], $0xffff  }
0x5e4: {  	v0 =	vld [tilespmem:s9+$0x70]  }
0x5e5: {  	[tilespmem:s8+$0xB0] =	vst v3;
	v6 =	vld.idx.msk [tilespmem:v1+s4+$0x0], $0xffff  }
0x5e6: {  	[tilespmem:s8+$0xFFFFFFB0] =	vst v5;
	v5 =	vld [tilespmem:s7+$0xC0]  }
0x5e7: {  	v1 =	vld.idx.msk [tilespmem:v4+s4+$0x0], $0xffff  }
0x5e8: {  	[tilespmem:s8+$0x30] =	vst v2;
	v2 =	vld.idx.msk [tilespmem:v9+s4+$0x0], $0xffff  }
0x5e9: {  	v3 =	vld [tilespmem:s7+$0xFFFFFFC0]  }
0x5ea: {  	s10 =	simm.s32 $0x1AC00;
	s11 =	simm.s32 $0x1CA00;
	s9 =	simm.s32 $0x4;
	v4 =	vld [tilespmem:s7+$0x40];
	[tilespmem:s6+$0xF0] =	vst v8  }
.LBB2_28:
0x5eb: {  	v7 =	vld [tilespmem:s10+$0x80];
	s9 =	sadd.s32 $0x4, s9;
	[tilespmem:s8+$0xFFFFFF30] =	vst v6  }
0x5ec: {  	v6 =	vld [tilespmem:s10+$0xFFFFFF80];
	p5 =	slt.u32 s9, $0x1C;
	[tilespmem:s6+$0xFFFFFF70] =	vst v1  }
0x5ed: {  	v1 =	vld [tilespmem:s10+$0x0]  }
0x5ee: {  	v8 =	vld [tilespmem:s10+$0xFFFFFF00]  }
0x5ef: {  	v5 =	vld.idx.msk [tilespmem:v5+s4+$0x0], $0xffff  }
0x5f0: {  	v9 =	vld [tilespmem:s7+$0xFFFFFF40];
	[tilespmem:s6+$0xFFFFFFF0] =	vst v2  }
0x5f1: {  	v2 =	vld.idx.msk [tilespmem:v3+s4+$0x0], $0xffff  }
0x5f2: {  	v3 =	vld.idx.msk [tilespmem:v4+s4+$0x0], $0xffff  }
0x5f3: {  	v4 =	vld.idx.msk [tilespmem:v7+s4+$0x0], $0xffff  }
0x5f4: {  	v6 =	vld.idx.msk [tilespmem:v6+s4+$0x0], $0xffff  }
0x5f5: {  	v1 =	vld.idx.msk [tilespmem:v1+s4+$0x0], $0xffff;
	[tilespmem:s8+$0xC0] =	vst v5  }
0x5f6: {  	v5 =	vld [tilespmem:s7+$0xD0]  }
0x5f7: {  	v7 =	vld.idx.msk [tilespmem:v8+s4+$0x0], $0xffff;
	[tilespmem:s8+$0xFFFFFFC0] =	vst v2  }
0x5f8: {  	s8 =	sadd.s32 $0x200, s8;
	v2 =	vld.idx.msk [tilespmem:v9+s4+$0x0], $0xffff;
	[tilespmem:s11+$0x40] =	vst v3  }
0x5f9: {  	[tilespmem:s8+$0x80] =	vst v4;
	v3 =	vld [tilespmem:s7+$0xFFFFFFD0]  }
0x5fa: {  	[tilespmem:s8+$0xFFFFFF80] =	vst v6;
	v4 =	vld [tilespmem:s10+$0x90]  }
0x5fb: {  	v6 =	vld [tilespmem:s10+$0xFFFFFF90];
	[tilespmem:s8+$0x0] =	vst v1  }
0x5fc: {  	v1 =	vld [tilespmem:s10+$0x10]  }
0x5fd: {  	[tilespmem:s8+$0xFFFFFF00] =	vst v7;
	v7 =	vld [tilespmem:s7+$0x50]  }
0x5fe: {  	[tilespmem:s11+$0xFFFFFF40] =	vst v2;
	v2 =	vld.idx.msk [tilespmem:v5+s4+$0x0], $0xffff  }
0x5ff: {  	v5 =	vld [tilespmem:s10+$0xFFFFFF10]  }
0x600: {  	v8 =	vld [tilespmem:s7+$0xFFFFFF50]  }
0x601: {  	v3 =	vld.idx.msk [tilespmem:v3+s4+$0x0], $0xffff  }
0x602: {  	v4 =	vld.idx.msk [tilespmem:v4+s4+$0x0], $0xffff  }
0x603: {  	v6 =	vld.idx.msk [tilespmem:v6+s4+$0x0], $0xffff  }
0x604: {  	v1 =	vld.idx.msk [tilespmem:v1+s4+$0x0], $0xffff;
	[tilespmem:s11+$0xD0] =	vst v2  }
0x605: {  	v2 =	vld [tilespmem:s7+$0xE0]  }
0x606: {  	v7 =	vld.idx.msk [tilespmem:v7+s4+$0x0], $0xffff  }
0x607: {  	v5 =	vld.idx.msk [tilespmem:v5+s4+$0x0], $0xffff;
	[tilespmem:s11+$0xFFFFFFD0] =	vst v3  }
0x608: {  	[tilespmem:s8+$0x90] =	vst v4;
	v3 =	vld.idx.msk [tilespmem:v8+s4+$0x0], $0xffff  }
0x609: {  	[tilespmem:s8+$0xFFFFFF90] =	vst v6;
	v4 =	vld [tilespmem:s10+$0xA0]  }
0x60a: {  	v6 =	vld [tilespmem:s10+$0xFFFFFFA0];
	[tilespmem:s8+$0x10] =	vst v1  }
0x60b: {  	v1 =	vld [tilespmem:s10+$0x20]  }
0x60c: {  	v8 =	vld [tilespmem:s7+$0xFFFFFFE0];
	[tilespmem:s11+$0x50] =	vst v7  }
0x60d: {  	[tilespmem:s8+$0xFFFFFF10] =	vst v5;
	v2 =	vld.idx.msk [tilespmem:v2+s4+$0x0], $0xffff  }
0x60e: {  	v5 =	vld [tilespmem:s10+$0xFFFFFF20];
	[tilespmem:s11+$0xFFFFFF50] =	vst v3  }
0x60f: {  	v3 =	vld [tilespmem:s7+$0xFFFFFF60]  }
0x610: {  	v7 =	vld [tilespmem:s7+$0x60]  }
0x611: {  	v4 =	vld.idx.msk [tilespmem:v4+s4+$0x0], $0xffff  }
0x612: {  	v6 =	vld.idx.msk [tilespmem:v6+s4+$0x0], $0xffff  }
0x613: {  	v1 =	vld.idx.msk [tilespmem:v1+s4+$0x0], $0xffff;
	[tilespmem:s11+$0xE0] =	vst v2  }
0x614: {  	v2 =	vld [tilespmem:s7+$0xF0]  }
0x615: {  	v8 =	vld.idx.msk [tilespmem:v8+s4+$0x0], $0xffff  }
0x616: {  	v5 =	vld.idx.msk [tilespmem:v5+s4+$0x0], $0xffff  }
0x617: {  	[tilespmem:s8+$0xA0] =	vst v4;
	v3 =	vld.idx.msk [tilespmem:v3+s4+$0x0], $0xffff  }
0x618: {  	[tilespmem:s8+$0xFFFFFFA0] =	vst v6;
	v4 =	vld [tilespmem:s10+$0xB0]  }
0x619: {  	v6 =	vld [tilespmem:s10+$0xFFFFFFB0];
	[tilespmem:s8+$0x20] =	vst v1  }
0x61a: {  	v1 =	vld [tilespmem:s10+$0x30]  }
0x61b: {  	[tilespmem:s11+$0xFFFFFFE0] =	vst v8;
	v7 =	vld.idx.msk [tilespmem:v7+s4+$0x0], $0xffff  }
0x61c: {  	[tilespmem:s8+$0xFFFFFF20] =	vst v5;
	v2 =	vld.idx.msk [tilespmem:v2+s4+$0x0], $0xffff  }
0x61d: {  	v5 =	vld [tilespmem:s10+$0xFFFFFF30];
	[tilespmem:s11+$0xFFFFFF60] =	vst v3  }
0x61e: {  	v3 =	vld [tilespmem:s7+$0xFFFFFF70]  }
0x61f: {  	v8 =	vld [tilespmem:s7+$0xFFFFFFF0]  }
0x620: {  	v4 =	vld.idx.msk [tilespmem:v4+s4+$0x0], $0xffff  }
0x621: {  	v9 =	vld.idx.msk [tilespmem:v6+s4+$0x0], $0xffff;
	[tilespmem:s11+$0x60] =	vst v7  }
0x622: {  	v7 =	vld.idx.msk [tilespmem:v1+s4+$0x0], $0xffff;
	[tilespmem:s11+$0xF0] =	vst v2  }
0x623: {  	v2 =	vld [tilespmem:s7+$0x70];
	s7 =	smov.u32 s10  }
0x624: {  	v10 =	vld.idx.msk [tilespmem:v0+s4+$0x0], $0xffff  }
0x625: {  	v6 =	vld.idx.msk [tilespmem:v5+s4+$0x0], $0xffff  }
.Ltmp25:
0x626: {  	[tilespmem:s8+$0xB0] =	vst v4;
	v1 =	vld.idx.msk [tilespmem:v3+s4+$0x0], $0xffff;
	(pc) =	sbr.rel @p5 .LBB2_28-.Ltmp25, $4  }
0x627: {  	[tilespmem:s8+$0xFFFFFFB0] =	vst v9;
	v5 =	vld [tilespmem:s10+$0xC0]  }
0x628: {  	v3 =	vld [tilespmem:s10+$0xFFFFFFC0];
	[tilespmem:s8+$0x30] =	vst v7;
	v0 =	vmov v2  }
0x629: {  	v4 =	vld [tilespmem:s10+$0x40]  }
0x62a: {  	s10 =	sadd.s32 $0x200, s10;
	v2 =	vld.idx.msk [tilespmem:v8+s4+$0x0], $0xffff;
	[tilespmem:s6+$0x70] =	vst v10;
	s6 =	smov.u32 s11;
	s11 =	smov.u32 s8  }
0x62b: {  	[tilespmem:s8+$0xFFFFFF30] =	vst v6  }
0x62c: {  	v6 =	vld [tilespmem:s7+$0xFFFFFF40];
	_ =	sdelay $0x4  }
0x62d: {  	v5 =	vld.idx.msk [tilespmem:v5+s4+$0x0], $0xffff  }
0x62e: {  	v3 =	vld.idx.msk [tilespmem:v3+s4+$0x0], $0xffff  }
0x62f: {  	v4 =	vld.idx.msk [tilespmem:v4+s4+$0x0], $0xffff  }
0x630: {  	v6 =	vld.idx.msk [tilespmem:v6+s4+$0x0], $0xffff;
	_ =	sdelay $0x1  }
0x631: {  	[tilespmem:s8+$0xC0] =	vst v5  }
0x632: {  	v5 =	vld [tilespmem:s7+$0xD0];
	[tilespmem:s8+$0xFFFFFFC0] =	vst v3  }
0x633: {  	[tilespmem:s11+$0x40] =	vst v4;
	v4 =	vld [tilespmem:s7+$0xFFFFFFD0]  }
0x634: {  	[tilespmem:s11+$0xFFFFFF40] =	vst v6;
	v6 =	vld [tilespmem:s7+$0x50]  }
0x635: {  	v3 =	vld [tilespmem:s7+$0xFFFFFF50];
	_ =	sdelay $0x4  }
0x636: {  	v5 =	vld.idx.msk [tilespmem:v5+s4+$0x0], $0xffff  }
0x637: {  	v4 =	vld.idx.msk [tilespmem:v4+s4+$0x0], $0xffff  }
0x638: {  	v6 =	vld.idx.msk [tilespmem:v6+s4+$0x0], $0xffff  }
0x639: {  	v3 =	vld.idx.msk [tilespmem:v3+s4+$0x0], $0xffff;
	_ =	sdelay $0x1  }
0x63a: {  	[tilespmem:s11+$0xD0] =	vst v5  }
0x63b: {  	v5 =	vld [tilespmem:s7+$0xE0];
	[tilespmem:s11+$0xFFFFFFD0] =	vst v4  }
0x63c: {  	v4 =	vld [tilespmem:s7+$0xFFFFFFE0];
	[tilespmem:s11+$0x50] =	vst v6  }
0x63d: {  	[tilespmem:s11+$0xFFFFFF50] =	vst v3;
	v6 =	vld [tilespmem:s7+$0x60]  }
0x63e: {  	v3 =	vld [tilespmem:s7+$0xFFFFFF60];
	_ =	sdelay $0x4  }
0x63f: {  	v5 =	vld.idx.msk [tilespmem:v5+s4+$0x0], $0xffff  }
0x640: {  	v4 =	vld.idx.msk [tilespmem:v4+s4+$0x0], $0xffff  }
0x641: {  	v6 =	vld.idx.msk [tilespmem:v6+s4+$0x0], $0xffff  }
0x642: {  	v3 =	vld.idx.msk [tilespmem:v3+s4+$0x0], $0xffff;
	_ =	sdelay $0x1  }
0x643: {  	[tilespmem:s11+$0xE0] =	vst v5  }
0x644: {  	v5 =	vld [tilespmem:s7+$0xF0];
	[tilespmem:s11+$0xFFFFFFE0] =	vst v4  }
0x645: {  	v4 =	vld [tilespmem:s7+$0xFFFFFFF0];
	[tilespmem:s11+$0x60] =	vst v6  }
0x646: {  	[tilespmem:s11+$0xFFFFFF60] =	vst v3;
	v6 =	vld [tilespmem:s7+$0x70]  }
0x647: {  	v3 =	vld [tilespmem:s7+$0xFFFFFF70];
	_ =	sdelay $0x3  }
0x648: {  	v0 =	vld.idx.msk [tilespmem:v0+s4+$0x0], $0xffff  }
0x649: {  	v5 =	vld.idx.msk [tilespmem:v5+s4+$0x0], $0xffff  }
0x64a: {  	[tilespmem:s6+$0xFFFFFF70] =	vst v1;
	v1 =	vld.idx.msk [tilespmem:v4+s4+$0x0], $0xffff  }
0x64b: {  	[tilespmem:s6+$0xFFFFFFF0] =	vst v2;
	v2 =	vld.idx.msk [tilespmem:v6+s4+$0x0], $0xffff  }
0x64c: {  	s19 =	sshll.u32 s28, $0x1;
	v3 =	vld.idx.msk [tilespmem:v3+s4+$0x0], $0xffff  }
0x64d: {  	s9 =	sadd.s32 s0, s19;
	[tilespmem:s6+$0x70] =	vst v0  }
0x64e: {  	s20 =	sshll.u32 s9, $0x12;
	[tilespmem:s11+$0xF0] =	vst v5  }
0x64f: {  	s6 =	sor.u32 s31, s20;
	[tilespmem:s11+$0xFFFFFFF0] =	vst v1  }
0x650: {  	s6 =	sshrl.u32 s6, $0x3;
	[tilespmem:s11+$0x70] =	vst v2  }
0x651: {  	s6 =	sadd.s32 s1, s6;
	[tilespmem:s11+$0xFFFFFF70] =	vst v3  }
0x652: {  	[hbm4b:s6+s16] =	stream.strided.scatter [tilespmem:s24], [sflag:$0x3], $0x1000, s17, s16, $0x38;
	[tilespmem:$0x1FF00] =	vst v63  }
0x653: {  	_ =	swait.ge [sflag:s25], $0x1000  }
0x654: {  	[sflag:s25] =	ssyncset.done $0x0  }
0x655: {  	s10 =	simm.s32 $0x1B8F0;
	[sflag:s25] =	ssyncadd.s32 $0xFFFFF000  }
0x656: {  	v0 =	vld [tilespmem:s10+$0xFFFFFF90]  }
0x657: {  	v1 =	vld [tilespmem:s10+$0xFFFFFE90]  }
0x658: {  	v2 =	vld [tilespmem:s10+$0xFFFFFF10];
	_ =	sdelay $0x2  }
0x659: {  	v3 =	vld [tilespmem:s10+$0xFFFFFE10];
	_ =	sdelay $0x2  }
0x65a: {  	v0 =	vld.idx.msk [tilespmem:v0+s4+$0x0], $0xffff  }
0x65b: {  	v1 =	vld.idx.msk [tilespmem:v1+s4+$0x0], $0xffff  }
0x65c: {  	v2 =	vld.idx.msk [tilespmem:v2+s4+$0x0], $0xffff;
	_ =	sdelay $0x1  }
0x65d: {  	s6 =	simm.s32 $0x1D800  }
0x65e: {  	v3 =	vld.idx.msk [tilespmem:v3+s4+$0x0], $0xffff;
	[tilespmem:s6+$0x80] =	vst v0  }
0x65f: {  	[tilespmem:s6+$0xFFFFFF80] =	vst v1;
	v0 =	vld [tilespmem:s10+$0xFFFFFFA0]  }
0x660: {  	[tilespmem:s6+$0x0] =	vst v2;
	v1 =	vld [tilespmem:s10+$0xFFFFFEA0]  }
0x661: {  	v2 =	vld [tilespmem:s10+$0xFFFFFF20];
	_ =	sdelay $0x1  }
0x662: {  	[tilespmem:s6+$0xFFFFFF00] =	vst v3  }
0x663: {  	v3 =	vld [tilespmem:s10+$0xFFFFFE20];
	_ =	sdelay $0x2  }
0x664: {  	v0 =	vld.idx.msk [tilespmem:v0+s4+$0x0], $0xffff  }
0x665: {  	v1 =	vld.idx.msk [tilespmem:v1+s4+$0x0], $0xffff  }
0x666: {  	v2 =	vld.idx.msk [tilespmem:v2+s4+$0x0], $0xffff;
	_ =	sdelay $0x2  }
0x667: {  	v3 =	vld.idx.msk [tilespmem:v3+s4+$0x0], $0xffff;
	[tilespmem:s6+$0x90] =	vst v0  }
0x668: {  	[tilespmem:s6+$0xFFFFFF90] =	vst v1;
	v0 =	vld [tilespmem:s10+$0xFFFFFFB0]  }
0x669: {  	[tilespmem:s6+$0x10] =	vst v2;
	v1 =	vld [tilespmem:s10+$0xFFFFFEB0]  }
0x66a: {  	v2 =	vld [tilespmem:s10+$0xFFFFFF30];
	_ =	sdelay $0x1  }
0x66b: {  	[tilespmem:s6+$0xFFFFFF10] =	vst v3  }
0x66c: {  	v3 =	vld [tilespmem:s10+$0xFFFFFE30]  }
0x66d: {  	s7 =	simm.s32 $0x1BAF0  }
0x66e: {  	v4 =	vld [tilespmem:s7+$0xFFFFFF90]  }
0x66f: {  	v0 =	vld.idx.msk [tilespmem:v0+s4+$0x0], $0xffff  }
0x670: {  	v1 =	vld.idx.msk [tilespmem:v1+s4+$0x0], $0xffff  }
0x671: {  	v2 =	vld.idx.msk [tilespmem:v2+s4+$0x0], $0xffff;
	_ =	sdelay $0x1  }
0x672: {  	v5 =	vld [tilespmem:s7+$0xFFFFFE90]  }
0x673: {  	v3 =	vld.idx.msk [tilespmem:v3+s4+$0x0], $0xffff;
	[tilespmem:s6+$0xA0] =	vst v0  }
0x674: {  	[tilespmem:s6+$0xFFFFFFA0] =	vst v1;
	v0 =	vld [tilespmem:s10+$0xFFFFFFC0]  }
0x675: {  	[tilespmem:s6+$0x20] =	vst v2;
	v1 =	vld [tilespmem:s10+$0xFFFFFEC0]  }
0x676: {  	v2 =	vld [tilespmem:s10+$0xFFFFFF40];
	_ =	sdelay $0x1  }
0x677: {  	v4 =	vld.idx.msk [tilespmem:v4+s4+$0x0], $0xffff;
	[tilespmem:s6+$0xFFFFFF20] =	vst v3  }
0x678: {  	v3 =	vld [tilespmem:s10+$0xFFFFFE40]  }
0x679: {  	v5 =	vld.idx.msk [tilespmem:v5+s4+$0x0], $0xffff  }
0x67a: {  	v6 =	vld [tilespmem:s7+$0xFFFFFF10]  }
0x67b: {  	v0 =	vld.idx.msk [tilespmem:v0+s4+$0x0], $0xffff  }
0x67c: {  	s8 =	simm.s32 $0x1DA00;
	v1 =	vld.idx.msk [tilespmem:v1+s4+$0x0], $0xffff  }
0x67d: {  	[tilespmem:s8+$0x80] =	vst v4;
	v2 =	vld.idx.msk [tilespmem:v2+s4+$0x0], $0xffff  }
0x67e: {  	[tilespmem:s8+$0xFFFFFF80] =	vst v5;
	v4 =	vld [tilespmem:s7+$0xFFFFFFA0]  }
0x67f: {  	v5 =	vld [tilespmem:s7+$0xFFFFFEA0]  }
0x680: {  	v3 =	vld.idx.msk [tilespmem:v3+s4+$0x0], $0xffff;
	[tilespmem:s6+$0xB0] =	vst v0  }
0x681: {  	[tilespmem:s6+$0xFFFFFFB0] =	vst v1;
	v0 =	vld [tilespmem:s10+$0xFFFFFFD0]  }
0x682: {  	[tilespmem:s6+$0x30] =	vst v2;
	v1 =	vld [tilespmem:s10+$0xFFFFFED0]  }
0x683: {  	v2 =	vld [tilespmem:s10+$0xFFFFFF50]  }
0x684: {  	v7 =	vld [tilespmem:s7+$0xFFFFFE10]  }
0x685: {  	v6 =	vld.idx.msk [tilespmem:v6+s4+$0x0], $0xffff  }
0x686: {  	v4 =	vld.idx.msk [tilespmem:v4+s4+$0x0], $0xffff;
	[tilespmem:s6+$0xFFFFFF30] =	vst v3  }
0x687: {  	v3 =	vld [tilespmem:s10+$0xFFFFFE50]  }
0x688: {  	v5 =	vld.idx.msk [tilespmem:v5+s4+$0x0], $0xffff  }
0x689: {  	v0 =	vld.idx.msk [tilespmem:v0+s4+$0x0], $0xffff  }
0x68a: {  	v1 =	vld.idx.msk [tilespmem:v1+s4+$0x0], $0xffff  }
0x68b: {  	[tilespmem:s8+$0x0] =	vst v6;
	v2 =	vld.idx.msk [tilespmem:v2+s4+$0x0], $0xffff  }
0x68c: {  	[tilespmem:s8+$0x90] =	vst v4  }
0x68d: {  	v7 =	vld.idx.msk [tilespmem:v7+s4+$0x0], $0xffff;
	[tilespmem:s8+$0xFFFFFF90] =	vst v5  }
0x68e: {  	v5 =	vld [tilespmem:s7+$0xFFFFFFB0];
	[tilespmem:s6+$0xC0] =	vst v0  }
0x68f: {  	[tilespmem:s6+$0xFFFFFFC0] =	vst v1;
	v1 =	vld.idx.msk [tilespmem:v3+s4+$0x0], $0xffff  }
0x690: {  	[tilespmem:s6+$0x40] =	vst v2;
	v2 =	vld [tilespmem:s7+$0xFFFFFF20]  }
0x691: {  	v0 =	vld [tilespmem:s10+$0xFFFFFFE0]  }
0x692: {  	v3 =	vld [tilespmem:s10+$0xFFFFFEE0]  }
0x693: {  	[tilespmem:s8+$0xFFFFFF00] =	vst v7;
	v6 =	vld [tilespmem:s10+$0xFFFFFF60]  }
0x694: {  	[tilespmem:s6+$0xFFFFFF40] =	vst v1;
	v1 =	vld [tilespmem:s7+$0xFFFFFE20]  }
0x695: {  	v7 =	vld [tilespmem:s10+$0xFFFFFE60];
	_ =	sdelay $0x1  }
0x696: {  	v5 =	vld.idx.msk [tilespmem:v5+s4+$0x0], $0xffff  }
0x697: {  	v2 =	vld.idx.msk [tilespmem:v2+s4+$0x0], $0xffff  }
0x698: {  	v0 =	vld.idx.msk [tilespmem:v0+s4+$0x0], $0xffff  }
0x699: {  	v3 =	vld.idx.msk [tilespmem:v3+s4+$0x0], $0xffff  }
0x69a: {  	v6 =	vld.idx.msk [tilespmem:v6+s4+$0x0], $0xffff  }
0x69b: {  	v1 =	vld.idx.msk [tilespmem:v1+s4+$0x0], $0xffff  }
0x69c: {  	v4 =	vld.idx.msk [tilespmem:v7+s4+$0x0], $0xffff  }
0x69d: {  	[tilespmem:s8+$0x10] =	vst v2;
	v7 =	vld [tilespmem:s7+$0xFFFFFEB0]  }
0x69e: {  	[tilespmem:s6+$0xD0] =	vst v0;
	v2 =	vld [tilespmem:s7+$0xFFFFFF30]  }
0x69f: {  	[tilespmem:s6+$0xFFFFFFD0] =	vst v3;
	v0 =	vld [tilespmem:s10+$0xFFFFFFF0]  }
0x6a0: {  	v3 =	vld [tilespmem:s10+$0xFFFFFEF0];
	[tilespmem:s8+$0xFFFFFF10] =	vst v1  }
0x6a1: {  	v1 =	vld [tilespmem:s7+$0xFFFFFE30];
	[tilespmem:s6+$0xFFFFFF50] =	vst v4  }
0x6a2: {  	[tilespmem:s8+$0xA0] =	vst v5;
	v4 =	vld [tilespmem:s10+$0xFFFFFE70]  }
0x6a3: {  	v5 =	vld [tilespmem:s7+$0xFFFFFFC0];
	[tilespmem:s6+$0x50] =	vst v6  }
0x6a4: {  	v6 =	vld [tilespmem:s10+$0xFFFFFF70]  }
0x6a5: {  	v7 =	vld.idx.msk [tilespmem:v7+s4+$0x0], $0xffff  }
0x6a6: {  	v2 =	vld.idx.msk [tilespmem:v2+s4+$0x0], $0xffff  }
0x6a7: {  	v0 =	vld.idx.msk [tilespmem:v0+s4+$0x0], $0xffff  }
0x6a8: {  	v3 =	vld.idx.msk [tilespmem:v3+s4+$0x0], $0xffff  }
0x6a9: {  	v1 =	vld.idx.msk [tilespmem:v1+s4+$0x0], $0xffff  }
0x6aa: {  	[tilespmem:s8+$0xFFFFFFA0] =	vst v7;
	v4 =	vld.idx.msk [tilespmem:v4+s4+$0x0], $0xffff  }
0x6ab: {  	[tilespmem:s8+$0x20] =	vst v2;
	v7 =	vld [tilespmem:s7+$0xFFFFFEC0]  }
0x6ac: {  	[tilespmem:s6+$0xE0] =	vst v0;
	v2 =	vld [tilespmem:s7+$0xFFFFFF40]  }
0x6ad: {  	v0 =	vld [tilespmem:s10+$0x0]  }
0x6ae: {  	v6 =	vld.idx.msk [tilespmem:v6+s4+$0x0], $0xffff;
	[tilespmem:s8+$0xFFFFFF20] =	vst v1  }
0x6af: {  	v1 =	vld [tilespmem:s7+$0xFFFFFE40];
	[tilespmem:s6+$0xFFFFFF60] =	vst v4  }
0x6b0: {  	v4 =	vld [tilespmem:s10+$0xFFFFFE80]  }
0x6b1: {  	[tilespmem:s6+$0xFFFFFFE0] =	vst v3;
	v3 =	vld.idx.msk [tilespmem:v5+s4+$0x0], $0xffff  }
0x6b2: {  	v9 =	vld [tilespmem:s10+$0xFFFFFF00]  }
0x6b3: {  	v5 =	vld.idx.msk [tilespmem:v7+s4+$0x0], $0xffff  }
0x6b4: {  	v2 =	vld.idx.msk [tilespmem:v2+s4+$0x0], $0xffff  }
0x6b5: {  	[tilespmem:s6+$0x60] =	vst v6;
	v8 =	vld.idx.msk [tilespmem:v0+s4+$0x0], $0xffff  }
0x6b6: {  	v0 =	vld [tilespmem:s10+$0xFFFFFF80]  }
0x6b7: {  	v6 =	vld.idx.msk [tilespmem:v1+s4+$0x0], $0xffff  }
0x6b8: {  	[tilespmem:s8+$0xB0] =	vst v3;
	v1 =	vld.idx.msk [tilespmem:v4+s4+$0x0], $0xffff  }
0x6b9: {  	[tilespmem:s8+$0xFFFFFFB0] =	vst v5;
	v4 =	vld [tilespmem:s7+$0xFFFFFFD0]  }
0x6ba: {  	[tilespmem:s8+$0x30] =	vst v2;
	v2 =	vld.idx.msk [tilespmem:v9+s4+$0x0], $0xffff  }
0x6bb: {  	s18 =	simm.s32 $0x1BCF0;
	v3 =	vld [tilespmem:s7+$0xFFFFFED0]  }
0x6bc: {  	s11 =	sadd.s32 $0x1, s9;
	s9 =	simm.s32 $0x1DA00;
	s10 =	simm.s32 $0x4;
	v5 =	vld [tilespmem:s7+$0xFFFFFF50];
	[tilespmem:s6+$0xF0] =	vst v8  }
.LBB2_30:
0x6bd: {  	v7 =	vld [tilespmem:s18+$0xFFFFFF90];
	s10 =	sadd.s32 $0x4, s10;
	[tilespmem:s8+$0xFFFFFF30] =	vst v6  }
0x6be: {  	v6 =	vld [tilespmem:s18+$0xFFFFFE90];
	p5 =	slt.u32 s10, $0x1C;
	[tilespmem:s6+$0xFFFFFF70] =	vst v1  }
0x6bf: {  	v1 =	vld [tilespmem:s18+$0xFFFFFF10]  }
0x6c0: {  	v8 =	vld [tilespmem:s18+$0xFFFFFE10]  }
0x6c1: {  	v4 =	vld.idx.msk [tilespmem:v4+s4+$0x0], $0xffff  }
0x6c2: {  	v9 =	vld [tilespmem:s7+$0xFFFFFE50];
	[tilespmem:s6+$0xFFFFFFF0] =	vst v2  }
0x6c3: {  	v2 =	vld.idx.msk [tilespmem:v3+s4+$0x0], $0xffff  }
0x6c4: {  	v3 =	vld.idx.msk [tilespmem:v5+s4+$0x0], $0xffff  }
0x6c5: {  	v5 =	vld.idx.msk [tilespmem:v7+s4+$0x0], $0xffff  }
0x6c6: {  	v6 =	vld.idx.msk [tilespmem:v6+s4+$0x0], $0xffff  }
0x6c7: {  	v1 =	vld.idx.msk [tilespmem:v1+s4+$0x0], $0xffff;
	[tilespmem:s8+$0xC0] =	vst v4  }
0x6c8: {  	v4 =	vld [tilespmem:s7+$0xFFFFFFE0]  }
0x6c9: {  	v7 =	vld.idx.msk [tilespmem:v8+s4+$0x0], $0xffff;
	[tilespmem:s8+$0xFFFFFFC0] =	vst v2  }
0x6ca: {  	s8 =	sadd.s32 $0x200, s8;
	v2 =	vld.idx.msk [tilespmem:v9+s4+$0x0], $0xffff;
	[tilespmem:s9+$0x40] =	vst v3  }
0x6cb: {  	[tilespmem:s8+$0x80] =	vst v5;
	v3 =	vld [tilespmem:s7+$0xFFFFFEE0]  }
0x6cc: {  	[tilespmem:s8+$0xFFFFFF80] =	vst v6;
	v5 =	vld [tilespmem:s18+$0xFFFFFFA0]  }
0x6cd: {  	v6 =	vld [tilespmem:s18+$0xFFFFFEA0];
	[tilespmem:s8+$0x0] =	vst v1  }
0x6ce: {  	v1 =	vld [tilespmem:s18+$0xFFFFFF20]  }
0x6cf: {  	[tilespmem:s8+$0xFFFFFF00] =	vst v7;
	v7 =	vld [tilespmem:s7+$0xFFFFFF60]  }
0x6d0: {  	[tilespmem:s9+$0xFFFFFF40] =	vst v2;
	v2 =	vld.idx.msk [tilespmem:v4+s4+$0x0], $0xffff  }
0x6d1: {  	v4 =	vld [tilespmem:s18+$0xFFFFFE20]  }
0x6d2: {  	v8 =	vld [tilespmem:s7+$0xFFFFFE60]  }
0x6d3: {  	v3 =	vld.idx.msk [tilespmem:v3+s4+$0x0], $0xffff  }
0x6d4: {  	v5 =	vld.idx.msk [tilespmem:v5+s4+$0x0], $0xffff  }
0x6d5: {  	v6 =	vld.idx.msk [tilespmem:v6+s4+$0x0], $0xffff  }
0x6d6: {  	v1 =	vld.idx.msk [tilespmem:v1+s4+$0x0], $0xffff;
	[tilespmem:s9+$0xD0] =	vst v2  }
0x6d7: {  	v2 =	vld [tilespmem:s7+$0xFFFFFFF0]  }
0x6d8: {  	v7 =	vld.idx.msk [tilespmem:v7+s4+$0x0], $0xffff  }
0x6d9: {  	v4 =	vld.idx.msk [tilespmem:v4+s4+$0x0], $0xffff;
	[tilespmem:s9+$0xFFFFFFD0] =	vst v3  }
0x6da: {  	[tilespmem:s8+$0x90] =	vst v5;
	v3 =	vld.idx.msk [tilespmem:v8+s4+$0x0], $0xffff  }
0x6db: {  	[tilespmem:s8+$0xFFFFFF90] =	vst v6;
	v5 =	vld [tilespmem:s18+$0xFFFFFFB0]  }
0x6dc: {  	v6 =	vld [tilespmem:s18+$0xFFFFFEB0];
	[tilespmem:s8+$0x10] =	vst v1  }
0x6dd: {  	v1 =	vld [tilespmem:s18+$0xFFFFFF30]  }
0x6de: {  	v8 =	vld [tilespmem:s7+$0xFFFFFEF0];
	[tilespmem:s9+$0x50] =	vst v7  }
0x6df: {  	[tilespmem:s8+$0xFFFFFF10] =	vst v4;
	v2 =	vld.idx.msk [tilespmem:v2+s4+$0x0], $0xffff  }
0x6e0: {  	v4 =	vld [tilespmem:s18+$0xFFFFFE30];
	[tilespmem:s9+$0xFFFFFF50] =	vst v3  }
0x6e1: {  	v3 =	vld [tilespmem:s7+$0xFFFFFE70]  }
0x6e2: {  	v7 =	vld [tilespmem:s7+$0xFFFFFF70]  }
0x6e3: {  	v5 =	vld.idx.msk [tilespmem:v5+s4+$0x0], $0xffff  }
0x6e4: {  	v6 =	vld.idx.msk [tilespmem:v6+s4+$0x0], $0xffff  }
0x6e5: {  	v1 =	vld.idx.msk [tilespmem:v1+s4+$0x0], $0xffff;
	[tilespmem:s9+$0xE0] =	vst v2  }
0x6e6: {  	v2 =	vld [tilespmem:s7+$0x0]  }
0x6e7: {  	v8 =	vld.idx.msk [tilespmem:v8+s4+$0x0], $0xffff  }
0x6e8: {  	v4 =	vld.idx.msk [tilespmem:v4+s4+$0x0], $0xffff  }
0x6e9: {  	[tilespmem:s8+$0xA0] =	vst v5;
	v3 =	vld.idx.msk [tilespmem:v3+s4+$0x0], $0xffff  }
0x6ea: {  	[tilespmem:s8+$0xFFFFFFA0] =	vst v6;
	v5 =	vld [tilespmem:s18+$0xFFFFFFC0]  }
0x6eb: {  	v6 =	vld [tilespmem:s18+$0xFFFFFEC0];
	[tilespmem:s8+$0x20] =	vst v1  }
0x6ec: {  	v1 =	vld [tilespmem:s18+$0xFFFFFF40]  }
0x6ed: {  	[tilespmem:s9+$0xFFFFFFE0] =	vst v8;
	v7 =	vld.idx.msk [tilespmem:v7+s4+$0x0], $0xffff  }
0x6ee: {  	[tilespmem:s8+$0xFFFFFF20] =	vst v4;
	v2 =	vld.idx.msk [tilespmem:v2+s4+$0x0], $0xffff  }
0x6ef: {  	v4 =	vld [tilespmem:s18+$0xFFFFFE40];
	[tilespmem:s9+$0xFFFFFF60] =	vst v3  }
0x6f0: {  	v3 =	vld [tilespmem:s7+$0xFFFFFE80]  }
0x6f1: {  	v8 =	vld [tilespmem:s7+$0xFFFFFF00]  }
0x6f2: {  	v5 =	vld.idx.msk [tilespmem:v5+s4+$0x0], $0xffff  }
0x6f3: {  	v9 =	vld.idx.msk [tilespmem:v6+s4+$0x0], $0xffff;
	[tilespmem:s9+$0x60] =	vst v7  }
0x6f4: {  	v7 =	vld.idx.msk [tilespmem:v1+s4+$0x0], $0xffff;
	[tilespmem:s9+$0xF0] =	vst v2  }
0x6f5: {  	v2 =	vld [tilespmem:s7+$0xFFFFFF80];
	s7 =	smov.u32 s18  }
0x6f6: {  	v10 =	vld.idx.msk [tilespmem:v0+s4+$0x0], $0xffff  }
0x6f7: {  	v6 =	vld.idx.msk [tilespmem:v4+s4+$0x0], $0xffff  }
.Ltmp26:
0x6f8: {  	[tilespmem:s8+$0xB0] =	vst v5;
	v1 =	vld.idx.msk [tilespmem:v3+s4+$0x0], $0xffff;
	(pc) =	sbr.rel @p5 .LBB2_30-.Ltmp26, $4  }
0x6f9: {  	[tilespmem:s8+$0xFFFFFFB0] =	vst v9;
	v4 =	vld [tilespmem:s18+$0xFFFFFFD0]  }
0x6fa: {  	v3 =	vld [tilespmem:s18+$0xFFFFFED0];
	[tilespmem:s8+$0x30] =	vst v7;
	v0 =	vmov v2  }
0x6fb: {  	v5 =	vld [tilespmem:s18+$0xFFFFFF50]  }
0x6fc: {  	s18 =	sadd.s32 $0x200, s18;
	v2 =	vld.idx.msk [tilespmem:v8+s4+$0x0], $0xffff;
	[tilespmem:s6+$0x70] =	vst v10;
	s6 =	smov.u32 s9;
	s9 =	smov.u32 s8  }
0x6fd: {  	[tilespmem:s8+$0xFFFFFF30] =	vst v6  }
0x6fe: {  	v6 =	vld [tilespmem:s7+$0xFFFFFE50];
	_ =	sdelay $0x4  }
0x6ff: {  	v4 =	vld.idx.msk [tilespmem:v4+s4+$0x0], $0xffff  }
0x700: {  	v3 =	vld.idx.msk [tilespmem:v3+s4+$0x0], $0xffff  }
0x701: {  	v5 =	vld.idx.msk [tilespmem:v5+s4+$0x0], $0xffff  }
0x702: {  	v6 =	vld.idx.msk [tilespmem:v6+s4+$0x0], $0xffff;
	_ =	sdelay $0x1  }
0x703: {  	[tilespmem:s8+$0xC0] =	vst v4  }
0x704: {  	v4 =	vld [tilespmem:s7+$0xFFFFFFE0];
	[tilespmem:s8+$0xFFFFFFC0] =	vst v3  }
0x705: {  	[tilespmem:s9+$0x40] =	vst v5;
	v60 =	vld [tilespmem:s7+$0xFFFFFEE0]  }
0x706: {  	v61 =	vld [tilespmem:s7+$0xFFFFFF60];
	[tilespmem:s9+$0xFFFFFF40] =	vst v6  }
0x707: {  	v59 =	vld [tilespmem:s7+$0xFFFFFE60];
	_ =	sdelay $0x4  }
0x708: {  	v4 =	vld.idx.msk [tilespmem:v4+s4+$0x0], $0xffff  }
0x709: {  	v5 =	vld.idx.msk [tilespmem:v60+s4+$0x0], $0xffff  }
0x70a: {  	v6 =	vld.idx.msk [tilespmem:v61+s4+$0x0], $0xffff  }
0x70b: {  	v3 =	vld.idx.msk [tilespmem:v59+s4+$0x0], $0xffff;
	_ =	sdelay $0x1  }
0x70c: {  	[tilespmem:s9+$0xD0] =	vst v4  }
0x70d: {  	v4 =	vld [tilespmem:s7+$0xFFFFFFF0];
	[tilespmem:s9+$0xFFFFFFD0] =	vst v5  }
0x70e: {  	v5 =	vld [tilespmem:s7+$0xFFFFFEF0];
	[tilespmem:s9+$0x50] =	vst v6  }
0x70f: {  	v6 =	vld [tilespmem:s7+$0xFFFFFF70];
	[tilespmem:s9+$0xFFFFFF50] =	vst v3  }
0x710: {  	v3 =	vld [tilespmem:s7+$0xFFFFFE70];
	_ =	sdelay $0x4  }
0x711: {  	v4 =	vld.idx.msk [tilespmem:v4+s4+$0x0], $0xffff  }
0x712: {  	v5 =	vld.idx.msk [tilespmem:v5+s4+$0x0], $0xffff  }
0x713: {  	v6 =	vld.idx.msk [tilespmem:v6+s4+$0x0], $0xffff  }
0x714: {  	v3 =	vld.idx.msk [tilespmem:v3+s4+$0x0], $0xffff;
	_ =	sdelay $0x1  }
0x715: {  	[tilespmem:s9+$0xE0] =	vst v4  }
0x716: {  	v4 =	vld [tilespmem:s7+$0x0];
	[tilespmem:s9+$0xFFFFFFE0] =	vst v5  }
0x717: {  	v5 =	vld [tilespmem:s7+$0xFFFFFF00];
	[tilespmem:s9+$0x60] =	vst v6  }
0x718: {  	v6 =	vld [tilespmem:s7+$0xFFFFFF80];
	[tilespmem:s9+$0xFFFFFF60] =	vst v3  }
0x719: {  	v3 =	vld [tilespmem:s7+$0xFFFFFE80];
	_ =	sdelay $0x3  }
0x71a: {  	v0 =	vld.idx.msk [tilespmem:v0+s4+$0x0], $0xffff  }
0x71b: {  	v4 =	vld.idx.msk [tilespmem:v4+s4+$0x0], $0xffff  }
0x71c: {  	v62 =	vld.idx.msk [tilespmem:v5+s4+$0x0], $0xffff  }
0x71d: {  	[tilespmem:s6+$0xFFFFFF70] =	vst v1;
	v63 =	vld.idx.msk [tilespmem:v6+s4+$0x0], $0xffff  }
0x71e: {  	[tilespmem:s6+$0xFFFFFFF0] =	vst v2;
	v3 =	vld.idx.msk [tilespmem:v3+s4+$0x0], $0xffff  }
0x71f: {  	[tilespmem:s6+$0x70] =	vst v0  }
0x720: {  	s20 =	sshll.u32 s11, $0x12;
	[tilespmem:s9+$0xF0] =	vst v4  }
0x721: {  	s6 =	sor.u32 s31, s20;
	[tilespmem:s9+$0xFFFFFFF0] =	vst v62  }
0x722: {  	s6 =	sshrl.u32 s6, $0x3;
	[tilespmem:s9+$0x70] =	vst v63  }
0x723: {  	p5 =	sgt.u32 s28, $0x3;
	s6 =	sadd.s32 s1, s6;
	[tilespmem:s9+$0xFFFFFF70] =	vst v3  }
0x724: {  	[hbm4b:s6+s16] =	stream.strided.scatter [tilespmem:s26], [sflag:$0x4], $0x1000, s17, s16, $0x38;
	[tilespmem:$0x1FF00] =	vst v63  }
.Ltmp27:
0x725: {  	s6 =	sshll.u32 @!p5 s28, $0xD;
	(pc) =	sbr.rel .LBB2_32-.Ltmp27, $4  }
0x726: {  	s6 =	sand.u32 @!p5 $0x3FFFE000, s6  }
0x727: {  	s6 =	sadd.s32 @!p5 s6, s3  }
0x728: {  	s7 =	simm.s32 @!p5 $0x1A700;
	s6 =	sadd.s32 @!p5 $0x4000, s6  }
0x729: {  	[tilespmem:s7], [sflag:$0x2] =	stream.linear.gather @!p5 [spmem:s6], $0x2000, $0x38;
	[tilespmem:$0x1FF00] =	vst v63  }
.LBB2_34:
0x72a: {  	s0 =	simm.s32 $0x5  }
0x72b: {  	_ =	swait.ge [sflag:s0], $0x1000  }
0x72c: {  	[sflag:s0] =	ssyncset.done $0x0  }
0x72d: {  	[sflag:s0] =	ssyncadd.s32 $0xFFFFF000  }
0x72e: {  	[bflag:$0x0] =	sbarrier.arrive $0xFFFF  }
.LBB2_35:
.Ltmp28:
0x72f: {  	(pc) =	sbr.rel .LBB2_36-.Ltmp28, $4  }
0x730: {  	[tilespmem:s30], [sflag:$0x1] =	stream.linear.gather [spmem:s2], $0x2000, $0x38;
	[tilespmem:$0x1FF00] =	vst v63  }
0x731: {  	s0 =	rddreg [dreg:$0x9]  }
0x732: {  	[tilespmem:s21], [sflag:$0x2] =	stream.linear.gather [spmem:s0], $0x2000, $0x38;
	[tilespmem:$0x1FF00] =	vst v63  }
0x733: {  	s0 =	simm.s32 $0x0  }
.LBB2_46:
0x734: {  	[tilespmem:s11+$0xFFFFFF30] =	vst v6  }
0x735: {  	v6 =	vld [tilespmem:s8+$0xFFFFFE50];
	_ =	sdelay $0x4  }
0x736: {  	v5 =	vld.idx.msk [tilespmem:v5+s4+$0x0], $0xffff  }
0x737: {  	v3 =	vld.idx.msk [tilespmem:v3+s4+$0x0], $0xffff  }
0x738: {  	v4 =	vld.idx.msk [tilespmem:v4+s4+$0x0], $0xffff  }
0x739: {  	v6 =	vld.idx.msk [tilespmem:v6+s4+$0x0], $0xffff;
	_ =	sdelay $0x1  }
0x73a: {  	[tilespmem:s11+$0xC0] =	vst v5  }
0x73b: {  	[tilespmem:s11+$0xFFFFFFC0] =	vst v3;
	v5 =	vld [tilespmem:s8+$0xFFFFFFE0]  }
0x73c: {  	[tilespmem:s9+$0x40] =	vst v4;
	v60 =	vld [tilespmem:s8+$0xFFFFFEE0]  }
0x73d: {  	v61 =	vld [tilespmem:s8+$0xFFFFFF60];
	[tilespmem:s9+$0xFFFFFF40] =	vst v6  }
0x73e: {  	v59 =	vld [tilespmem:s8+$0xFFFFFE60];
	_ =	sdelay $0x4  }
0x73f: {  	v5 =	vld.idx.msk [tilespmem:v5+s4+$0x0], $0xffff  }
0x740: {  	v4 =	vld.idx.msk [tilespmem:v60+s4+$0x0], $0xffff  }
0x741: {  	v6 =	vld.idx.msk [tilespmem:v61+s4+$0x0], $0xffff  }
0x742: {  	v3 =	vld.idx.msk [tilespmem:v59+s4+$0x0], $0xffff;
	_ =	sdelay $0x1  }
0x743: {  	[tilespmem:s9+$0xD0] =	vst v5  }
0x744: {  	[tilespmem:s9+$0xFFFFFFD0] =	vst v4;
	v5 =	vld [tilespmem:s8+$0xFFFFFFF0]  }
0x745: {  	[tilespmem:s9+$0x50] =	vst v6;
	v4 =	vld [tilespmem:s8+$0xFFFFFEF0]  }
0x746: {  	v6 =	vld [tilespmem:s8+$0xFFFFFF70];
	[tilespmem:s9+$0xFFFFFF50] =	vst v3  }
0x747: {  	v3 =	vld [tilespmem:s8+$0xFFFFFE70];
	_ =	sdelay $0x4  }
0x748: {  	v5 =	vld.idx.msk [tilespmem:v5+s4+$0x0], $0xffff  }
0x749: {  	v4 =	vld.idx.msk [tilespmem:v4+s4+$0x0], $0xffff  }
0x74a: {  	v6 =	vld.idx.msk [tilespmem:v6+s4+$0x0], $0xffff  }
0x74b: {  	v3 =	vld.idx.msk [tilespmem:v3+s4+$0x0], $0xffff;
	_ =	sdelay $0x1  }
0x74c: {  	[tilespmem:s9+$0xE0] =	vst v5  }
0x74d: {  	[tilespmem:s9+$0xFFFFFFE0] =	vst v4;
	v5 =	vld [tilespmem:s8+$0x0]  }
0x74e: {  	[tilespmem:s9+$0x60] =	vst v6;
	v4 =	vld [tilespmem:s8+$0xFFFFFF00]  }
0x74f: {  	v6 =	vld [tilespmem:s8+$0xFFFFFF80];
	[tilespmem:s9+$0xFFFFFF60] =	vst v3  }
0x750: {  	v3 =	vld [tilespmem:s8+$0xFFFFFE80];
	_ =	sdelay $0x3  }
0x751: {  	v0 =	vld.idx.msk [tilespmem:v0+s4+$0x0], $0xffff  }
0x752: {  	v5 =	vld.idx.msk [tilespmem:v5+s4+$0x0], $0xffff  }
0x753: {  	v62 =	vld.idx.msk [tilespmem:v4+s4+$0x0], $0xffff  }
0x754: {  	[tilespmem:s7+$0xFFFFFF70] =	vst v1;
	v63 =	vld.idx.msk [tilespmem:v6+s4+$0x0], $0xffff  }
0x755: {  	[tilespmem:s7+$0xFFFFFFF0] =	vst v2;
	v3 =	vld.idx.msk [tilespmem:v3+s4+$0x0], $0xffff  }
0x756: {  	[tilespmem:s7+$0x70] =	vst v0  }
0x757: {  	[tilespmem:s9+$0xF0] =	vst v5  }
0x758: {  	[tilespmem:s9+$0xFFFFFFF0] =	vst v62  }
0x759: {  	s6 =	sor.u32 $0x608000, s6;
	[tilespmem:s9+$0x70] =	vst v63  }
0x75a: {  	p3 =	sgt.u32 s0, $0x1;
	s6 =	sadd.s32 s1, s6;
	[tilespmem:s9+$0xFFFFFF70] =	vst v3  }
0x75b: {  	[hbm4b:s6+s16] =	stream.strided.scatter [tilespmem:s26], [sflag:$0x4], $0x1000, s17, s16, $0x38;
	[tilespmem:$0x1FF00] =	vst v63  }
0x75c: {  	s6 =	sshll.u32 @!p3 s0, $0xD  }
0x75d: {  	s6 =	sand.u32 @!p3 $0x3FFFE000, s6  }
0x75e: {  	s6 =	sadd.s32 @!p3 s6, s2  }
0x75f: {  	s7 =	simm.s32 @!p3 $0x1A700;
	s6 =	sadd.s32 @!p3 $0x4000, s6  }
0x760: {  	[tilespmem:s7], [sflag:$0x2] =	stream.linear.gather @!p3 [spmem:s6], $0x2000, $0x38;
	[tilespmem:$0x1FF00] =	vst v63  }
.LBB2_47:
0x761: {  	s0 =	sadd.s32 $0x1, s0  }
0x762: {  	p3 =	sne.s32 s0, $0x4  }
.Ltmp29:
0x763: {  	_ = 	snop;
	(pc) =	sbr.rel @!p3 .LBB2_48-.Ltmp29, $1  }
0x764: {  	_ =	sdelay $0x3  }
.LBB2_36:
0x765: {  	s6 =	sand.u32 $0x1, s0  }
0x766: {  	p3 =	seq.s32 s6, $0x1  }
.Ltmp30:
0x767: {  	_ = 	snop;
	(pc) =	sbr.rel @p3 .LBB2_42-.Ltmp30, $1  }
0x768: {  	_ =	sdelay $0x3  }
0x769: {  	_ =	swait.ge [sflag:s29], $0x2000  }
0x76a: {  	[sflag:s29] =	ssyncset.done $0x0  }
0x76b: {  	[sflag:s29] =	ssyncadd.s32 $0xFFFFE000  }
0x76c: {  	_ =	swait.ge [sflag:s23], $0x1000  }
0x76d: {  	[sflag:s23] =	ssyncset.done $0x0  }
0x76e: {  	s9 =	simm.s32 $0x18800;
	[sflag:s23] =	ssyncadd.s32 $0xFFFFF000  }
0x76f: {  	v0 =	vld [tilespmem:s9+$0x80]  }
0x770: {  	v1 =	vld [tilespmem:s9+$0xFFFFFF80]  }
0x771: {  	v2 =	vld [tilespmem:s9+$0x0];
	_ =	sdelay $0x2  }
0x772: {  	v3 =	vld [tilespmem:s9+$0xFFFFFF00];
	_ =	sdelay $0x2  }
0x773: {  	v0 =	vld.idx.msk [tilespmem:v0+s4+$0x0], $0xffff  }
0x774: {  	v1 =	vld.idx.msk [tilespmem:v1+s4+$0x0], $0xffff  }
0x775: {  	v2 =	vld.idx.msk [tilespmem:v2+s4+$0x0], $0xffff;
	_ =	sdelay $0x1  }
0x776: {  	s7 =	simm.s32 $0x1C800  }
0x777: {  	v3 =	vld.idx.msk [tilespmem:v3+s4+$0x0], $0xffff;
	[tilespmem:s7+$0x80] =	vst v0  }
0x778: {  	[tilespmem:s7+$0xFFFFFF80] =	vst v1;
	v0 =	vld [tilespmem:s9+$0x90]  }
0x779: {  	[tilespmem:s7+$0x0] =	vst v2;
	v1 =	vld [tilespmem:s9+$0xFFFFFF90]  }
0x77a: {  	v2 =	vld [tilespmem:s9+$0x10];
	_ =	sdelay $0x1  }
0x77b: {  	[tilespmem:s7+$0xFFFFFF00] =	vst v3  }
0x77c: {  	v3 =	vld [tilespmem:s9+$0xFFFFFF10];
	_ =	sdelay $0x2  }
0x77d: {  	v0 =	vld.idx.msk [tilespmem:v0+s4+$0x0], $0xffff  }
0x77e: {  	v1 =	vld.idx.msk [tilespmem:v1+s4+$0x0], $0xffff  }
0x77f: {  	v2 =	vld.idx.msk [tilespmem:v2+s4+$0x0], $0xffff;
	_ =	sdelay $0x2  }
0x780: {  	v3 =	vld.idx.msk [tilespmem:v3+s4+$0x0], $0xffff;
	[tilespmem:s7+$0x90] =	vst v0  }
0x781: {  	[tilespmem:s7+$0xFFFFFF90] =	vst v1;
	v0 =	vld [tilespmem:s9+$0xA0]  }
0x782: {  	[tilespmem:s7+$0x10] =	vst v2;
	v1 =	vld [tilespmem:s9+$0xFFFFFFA0]  }
0x783: {  	v2 =	vld [tilespmem:s9+$0x20];
	_ =	sdelay $0x1  }
0x784: {  	[tilespmem:s7+$0xFFFFFF10] =	vst v3  }
0x785: {  	v3 =	vld [tilespmem:s9+$0xFFFFFF20]  }
0x786: {  	s8 =	simm.s32 $0x18A00  }
0x787: {  	v4 =	vld [tilespmem:s8+$0x80]  }
0x788: {  	v0 =	vld.idx.msk [tilespmem:v0+s4+$0x0], $0xffff  }
0x789: {  	v1 =	vld.idx.msk [tilespmem:v1+s4+$0x0], $0xffff  }
0x78a: {  	v2 =	vld.idx.msk [tilespmem:v2+s4+$0x0], $0xffff;
	_ =	sdelay $0x1  }
0x78b: {  	v5 =	vld [tilespmem:s8+$0xFFFFFF80]  }
0x78c: {  	v3 =	vld.idx.msk [tilespmem:v3+s4+$0x0], $0xffff;
	[tilespmem:s7+$0xA0] =	vst v0  }
0x78d: {  	[tilespmem:s7+$0xFFFFFFA0] =	vst v1;
	v0 =	vld [tilespmem:s9+$0xB0]  }
0x78e: {  	[tilespmem:s7+$0x20] =	vst v2;
	v1 =	vld [tilespmem:s9+$0xFFFFFFB0]  }
0x78f: {  	v2 =	vld [tilespmem:s9+$0x30];
	_ =	sdelay $0x1  }
0x790: {  	v4 =	vld.idx.msk [tilespmem:v4+s4+$0x0], $0xffff;
	[tilespmem:s7+$0xFFFFFF20] =	vst v3  }
0x791: {  	v3 =	vld [tilespmem:s9+$0xFFFFFF30]  }
0x792: {  	v5 =	vld.idx.msk [tilespmem:v5+s4+$0x0], $0xffff  }
0x793: {  	v6 =	vld [tilespmem:s8+$0x0]  }
0x794: {  	v0 =	vld.idx.msk [tilespmem:v0+s4+$0x0], $0xffff  }
0x795: {  	s11 =	simm.s32 $0x1CA00;
	v1 =	vld.idx.msk [tilespmem:v1+s4+$0x0], $0xffff  }
0x796: {  	[tilespmem:s11+$0x80] =	vst v4;
	v2 =	vld.idx.msk [tilespmem:v2+s4+$0x0], $0xffff  }
0x797: {  	[tilespmem:s11+$0xFFFFFF80] =	vst v5;
	v4 =	vld [tilespmem:s8+$0x90]  }
0x798: {  	v5 =	vld [tilespmem:s8+$0xFFFFFF90]  }
0x799: {  	v3 =	vld.idx.msk [tilespmem:v3+s4+$0x0], $0xffff;
	[tilespmem:s7+$0xB0] =	vst v0  }
0x79a: {  	[tilespmem:s7+$0xFFFFFFB0] =	vst v1;
	v0 =	vld [tilespmem:s9+$0xC0]  }
0x79b: {  	[tilespmem:s7+$0x30] =	vst v2;
	v1 =	vld [tilespmem:s9+$0xFFFFFFC0]  }
0x79c: {  	v2 =	vld [tilespmem:s9+$0x40]  }
0x79d: {  	v7 =	vld [tilespmem:s8+$0xFFFFFF00]  }
0x79e: {  	v6 =	vld.idx.msk [tilespmem:v6+s4+$0x0], $0xffff  }
0x79f: {  	v4 =	vld.idx.msk [tilespmem:v4+s4+$0x0], $0xffff;
	[tilespmem:s7+$0xFFFFFF30] =	vst v3  }
0x7a0: {  	v3 =	vld [tilespmem:s9+$0xFFFFFF40]  }
0x7a1: {  	v5 =	vld.idx.msk [tilespmem:v5+s4+$0x0], $0xffff  }
0x7a2: {  	v0 =	vld.idx.msk [tilespmem:v0+s4+$0x0], $0xffff  }
0x7a3: {  	v1 =	vld.idx.msk [tilespmem:v1+s4+$0x0], $0xffff  }
0x7a4: {  	[tilespmem:s11+$0x0] =	vst v6;
	v2 =	vld.idx.msk [tilespmem:v2+s4+$0x0], $0xffff  }
0x7a5: {  	[tilespmem:s11+$0x90] =	vst v4  }
0x7a6: {  	v7 =	vld.idx.msk [tilespmem:v7+s4+$0x0], $0xffff;
	[tilespmem:s11+$0xFFFFFF90] =	vst v5  }
0x7a7: {  	v5 =	vld [tilespmem:s8+$0xA0];
	[tilespmem:s7+$0xC0] =	vst v0  }
0x7a8: {  	[tilespmem:s7+$0xFFFFFFC0] =	vst v1;
	v1 =	vld.idx.msk [tilespmem:v3+s4+$0x0], $0xffff  }
0x7a9: {  	[tilespmem:s7+$0x40] =	vst v2;
	v2 =	vld [tilespmem:s8+$0x10]  }
0x7aa: {  	v0 =	vld [tilespmem:s9+$0xD0]  }
0x7ab: {  	v3 =	vld [tilespmem:s9+$0xFFFFFFD0]  }
0x7ac: {  	[tilespmem:s11+$0xFFFFFF00] =	vst v7;
	v6 =	vld [tilespmem:s9+$0x50]  }
0x7ad: {  	[tilespmem:s7+$0xFFFFFF40] =	vst v1;
	v1 =	vld [tilespmem:s8+$0xFFFFFF10]  }
0x7ae: {  	v7 =	vld [tilespmem:s9+$0xFFFFFF50];
	_ =	sdelay $0x1  }
0x7af: {  	v5 =	vld.idx.msk [tilespmem:v5+s4+$0x0], $0xffff  }
0x7b0: {  	v2 =	vld.idx.msk [tilespmem:v2+s4+$0x0], $0xffff  }
0x7b1: {  	v0 =	vld.idx.msk [tilespmem:v0+s4+$0x0], $0xffff  }
0x7b2: {  	v3 =	vld.idx.msk [tilespmem:v3+s4+$0x0], $0xffff  }
0x7b3: {  	v6 =	vld.idx.msk [tilespmem:v6+s4+$0x0], $0xffff  }
0x7b4: {  	v1 =	vld.idx.msk [tilespmem:v1+s4+$0x0], $0xffff  }
0x7b5: {  	v4 =	vld.idx.msk [tilespmem:v7+s4+$0x0], $0xffff  }
0x7b6: {  	[tilespmem:s11+$0x10] =	vst v2;
	v7 =	vld [tilespmem:s8+$0xFFFFFFA0]  }
0x7b7: {  	[tilespmem:s7+$0xD0] =	vst v0;
	v2 =	vld [tilespmem:s8+$0x20]  }
0x7b8: {  	[tilespmem:s7+$0xFFFFFFD0] =	vst v3;
	v0 =	vld [tilespmem:s9+$0xE0]  }
0x7b9: {  	v3 =	vld [tilespmem:s9+$0xFFFFFFE0];
	[tilespmem:s11+$0xFFFFFF10] =	vst v1  }
0x7ba: {  	v1 =	vld [tilespmem:s8+$0xFFFFFF20];
	[tilespmem:s7+$0xFFFFFF50] =	vst v4  }
0x7bb: {  	[tilespmem:s11+$0xA0] =	vst v5;
	v4 =	vld [tilespmem:s9+$0xFFFFFF60]  }
0x7bc: {  	v5 =	vld [tilespmem:s8+$0xB0];
	[tilespmem:s7+$0x50] =	vst v6  }
0x7bd: {  	v6 =	vld [tilespmem:s9+$0x60]  }
0x7be: {  	v7 =	vld.idx.msk [tilespmem:v7+s4+$0x0], $0xffff  }
0x7bf: {  	v2 =	vld.idx.msk [tilespmem:v2+s4+$0x0], $0xffff  }
0x7c0: {  	v0 =	vld.idx.msk [tilespmem:v0+s4+$0x0], $0xffff  }
0x7c1: {  	v3 =	vld.idx.msk [tilespmem:v3+s4+$0x0], $0xffff  }
0x7c2: {  	v1 =	vld.idx.msk [tilespmem:v1+s4+$0x0], $0xffff  }
0x7c3: {  	[tilespmem:s11+$0xFFFFFFA0] =	vst v7;
	v4 =	vld.idx.msk [tilespmem:v4+s4+$0x0], $0xffff  }
0x7c4: {  	[tilespmem:s11+$0x20] =	vst v2;
	v7 =	vld [tilespmem:s8+$0xFFFFFFB0]  }
0x7c5: {  	[tilespmem:s7+$0xE0] =	vst v0;
	v2 =	vld [tilespmem:s8+$0x30]  }
0x7c6: {  	v0 =	vld [tilespmem:s9+$0xF0]  }
0x7c7: {  	v6 =	vld.idx.msk [tilespmem:v6+s4+$0x0], $0xffff;
	[tilespmem:s11+$0xFFFFFF20] =	vst v1  }
0x7c8: {  	[tilespmem:s7+$0xFFFFFFE0] =	vst v3;
	v1 =	vld [tilespmem:s8+$0xFFFFFF30]  }
0x7c9: {  	v3 =	vld.idx.msk [tilespmem:v5+s4+$0x0], $0xffff;
	[tilespmem:s7+$0xFFFFFF60] =	vst v4  }
0x7ca: {  	v4 =	vld [tilespmem:s9+$0xFFFFFF70]  }
0x7cb: {  	v9 =	vld [tilespmem:s9+$0xFFFFFFF0]  }
0x7cc: {  	v5 =	vld.idx.msk [tilespmem:v7+s4+$0x0], $0xffff  }
0x7cd: {  	v2 =	vld.idx.msk [tilespmem:v2+s4+$0x0], $0xffff  }
0x7ce: {  	[tilespmem:s7+$0x60] =	vst v6;
	v8 =	vld.idx.msk [tilespmem:v0+s4+$0x0], $0xffff  }
0x7cf: {  	v0 =	vld [tilespmem:s9+$0x70]  }
0x7d0: {  	[tilespmem:s11+$0xB0] =	vst v3;
	v6 =	vld.idx.msk [tilespmem:v1+s4+$0x0], $0xffff  }
0x7d1: {  	[tilespmem:s11+$0xFFFFFFB0] =	vst v5;
	v5 =	vld [tilespmem:s8+$0xC0]  }
0x7d2: {  	v1 =	vld.idx.msk [tilespmem:v4+s4+$0x0], $0xffff  }
0x7d3: {  	[tilespmem:s11+$0x30] =	vst v2;
	v2 =	vld.idx.msk [tilespmem:v9+s4+$0x0], $0xffff  }
0x7d4: {  	v3 =	vld [tilespmem:s8+$0xFFFFFFC0]  }
0x7d5: {  	s10 =	simm.s32 $0x18C00;
	s15 =	simm.s32 $0x1CA00;
	s9 =	simm.s32 $0x4;
	v4 =	vld [tilespmem:s8+$0x40];
	[tilespmem:s7+$0xF0] =	vst v8  }
.LBB2_38:
0x7d6: {  	v7 =	vld [tilespmem:s10+$0x80];
	s9 =	sadd.s32 $0x4, s9;
	[tilespmem:s11+$0xFFFFFF30] =	vst v6  }
0x7d7: {  	v6 =	vld [tilespmem:s10+$0xFFFFFF80];
	p3 =	slt.u32 s9, $0x1C;
	[tilespmem:s7+$0xFFFFFF70] =	vst v1  }
0x7d8: {  	v1 =	vld [tilespmem:s10+$0x0]  }
0x7d9: {  	v8 =	vld [tilespmem:s10+$0xFFFFFF00]  }
0x7da: {  	v5 =	vld.idx.msk [tilespmem:v5+s4+$0x0], $0xffff  }
0x7db: {  	v9 =	vld [tilespmem:s8+$0xFFFFFF40];
	[tilespmem:s7+$0xFFFFFFF0] =	vst v2  }
0x7dc: {  	v2 =	vld.idx.msk [tilespmem:v3+s4+$0x0], $0xffff  }
0x7dd: {  	v3 =	vld.idx.msk [tilespmem:v4+s4+$0x0], $0xffff  }
0x7de: {  	v4 =	vld.idx.msk [tilespmem:v7+s4+$0x0], $0xffff  }
0x7df: {  	v6 =	vld.idx.msk [tilespmem:v6+s4+$0x0], $0xffff  }
0x7e0: {  	v1 =	vld.idx.msk [tilespmem:v1+s4+$0x0], $0xffff;
	[tilespmem:s11+$0xC0] =	vst v5  }
0x7e1: {  	v5 =	vld [tilespmem:s8+$0xD0]  }
0x7e2: {  	v7 =	vld.idx.msk [tilespmem:v8+s4+$0x0], $0xffff;
	[tilespmem:s11+$0xFFFFFFC0] =	vst v2  }
0x7e3: {  	s11 =	sadd.s32 $0x200, s11;
	v2 =	vld.idx.msk [tilespmem:v9+s4+$0x0], $0xffff;
	[tilespmem:s15+$0x40] =	vst v3  }
0x7e4: {  	[tilespmem:s11+$0x80] =	vst v4;
	v3 =	vld [tilespmem:s8+$0xFFFFFFD0]  }
0x7e5: {  	[tilespmem:s11+$0xFFFFFF80] =	vst v6;
	v4 =	vld [tilespmem:s10+$0x90]  }
0x7e6: {  	v6 =	vld [tilespmem:s10+$0xFFFFFF90];
	[tilespmem:s11+$0x0] =	vst v1  }
0x7e7: {  	v1 =	vld [tilespmem:s10+$0x10]  }
0x7e8: {  	[tilespmem:s11+$0xFFFFFF00] =	vst v7;
	v7 =	vld [tilespmem:s8+$0x50]  }
0x7e9: {  	[tilespmem:s15+$0xFFFFFF40] =	vst v2;
	v2 =	vld.idx.msk [tilespmem:v5+s4+$0x0], $0xffff  }
0x7ea: {  	v5 =	vld [tilespmem:s10+$0xFFFFFF10]  }
0x7eb: {  	v8 =	vld [tilespmem:s8+$0xFFFFFF50]  }
0x7ec: {  	v3 =	vld.idx.msk [tilespmem:v3+s4+$0x0], $0xffff  }
0x7ed: {  	v4 =	vld.idx.msk [tilespmem:v4+s4+$0x0], $0xffff  }
0x7ee: {  	v6 =	vld.idx.msk [tilespmem:v6+s4+$0x0], $0xffff  }
0x7ef: {  	v1 =	vld.idx.msk [tilespmem:v1+s4+$0x0], $0xffff;
	[tilespmem:s15+$0xD0] =	vst v2  }
0x7f0: {  	v2 =	vld [tilespmem:s8+$0xE0]  }
0x7f1: {  	v7 =	vld.idx.msk [tilespmem:v7+s4+$0x0], $0xffff  }
0x7f2: {  	v5 =	vld.idx.msk [tilespmem:v5+s4+$0x0], $0xffff;
	[tilespmem:s15+$0xFFFFFFD0] =	vst v3  }
0x7f3: {  	[tilespmem:s11+$0x90] =	vst v4;
	v3 =	vld.idx.msk [tilespmem:v8+s4+$0x0], $0xffff  }
0x7f4: {  	[tilespmem:s11+$0xFFFFFF90] =	vst v6;
	v4 =	vld [tilespmem:s10+$0xA0]  }
0x7f5: {  	v6 =	vld [tilespmem:s10+$0xFFFFFFA0];
	[tilespmem:s11+$0x10] =	vst v1  }
0x7f6: {  	v1 =	vld [tilespmem:s10+$0x20]  }
0x7f7: {  	v8 =	vld [tilespmem:s8+$0xFFFFFFE0];
	[tilespmem:s15+$0x50] =	vst v7  }
0x7f8: {  	[tilespmem:s11+$0xFFFFFF10] =	vst v5;
	v2 =	vld.idx.msk [tilespmem:v2+s4+$0x0], $0xffff  }
0x7f9: {  	v5 =	vld [tilespmem:s10+$0xFFFFFF20];
	[tilespmem:s15+$0xFFFFFF50] =	vst v3  }
0x7fa: {  	v3 =	vld [tilespmem:s8+$0xFFFFFF60]  }
0x7fb: {  	v7 =	vld [tilespmem:s8+$0x60]  }
0x7fc: {  	v4 =	vld.idx.msk [tilespmem:v4+s4+$0x0], $0xffff  }
0x7fd: {  	v6 =	vld.idx.msk [tilespmem:v6+s4+$0x0], $0xffff  }
0x7fe: {  	v1 =	vld.idx.msk [tilespmem:v1+s4+$0x0], $0xffff;
	[tilespmem:s15+$0xE0] =	vst v2  }
0x7ff: {  	v2 =	vld [tilespmem:s8+$0xF0]  }
0x800: {  	v8 =	vld.idx.msk [tilespmem:v8+s4+$0x0], $0xffff  }
0x801: {  	v5 =	vld.idx.msk [tilespmem:v5+s4+$0x0], $0xffff  }
0x802: {  	[tilespmem:s11+$0xA0] =	vst v4;
	v3 =	vld.idx.msk [tilespmem:v3+s4+$0x0], $0xffff  }
0x803: {  	[tilespmem:s11+$0xFFFFFFA0] =	vst v6;
	v4 =	vld [tilespmem:s10+$0xB0]  }
0x804: {  	v6 =	vld [tilespmem:s10+$0xFFFFFFB0];
	[tilespmem:s11+$0x20] =	vst v1  }
0x805: {  	v1 =	vld [tilespmem:s10+$0x30]  }
0x806: {  	[tilespmem:s15+$0xFFFFFFE0] =	vst v8;
	v7 =	vld.idx.msk [tilespmem:v7+s4+$0x0], $0xffff  }
0x807: {  	[tilespmem:s11+$0xFFFFFF20] =	vst v5;
	v2 =	vld.idx.msk [tilespmem:v2+s4+$0x0], $0xffff  }
0x808: {  	v5 =	vld [tilespmem:s10+$0xFFFFFF30];
	[tilespmem:s15+$0xFFFFFF60] =	vst v3  }
0x809: {  	v3 =	vld [tilespmem:s8+$0xFFFFFF70]  }
0x80a: {  	v8 =	vld [tilespmem:s8+$0xFFFFFFF0]  }
0x80b: {  	v4 =	vld.idx.msk [tilespmem:v4+s4+$0x0], $0xffff  }
0x80c: {  	v9 =	vld.idx.msk [tilespmem:v6+s4+$0x0], $0xffff;
	[tilespmem:s15+$0x60] =	vst v7  }
0x80d: {  	v7 =	vld.idx.msk [tilespmem:v1+s4+$0x0], $0xffff;
	[tilespmem:s15+$0xF0] =	vst v2  }
0x80e: {  	v2 =	vld [tilespmem:s8+$0x70];
	s8 =	smov.u32 s10  }
0x80f: {  	v10 =	vld.idx.msk [tilespmem:v0+s4+$0x0], $0xffff  }
0x810: {  	v6 =	vld.idx.msk [tilespmem:v5+s4+$0x0], $0xffff  }
.Ltmp31:
0x811: {  	[tilespmem:s11+$0xB0] =	vst v4;
	v1 =	vld.idx.msk [tilespmem:v3+s4+$0x0], $0xffff;
	(pc) =	sbr.rel @p3 .LBB2_38-.Ltmp31, $4  }
0x812: {  	[tilespmem:s11+$0xFFFFFFB0] =	vst v9;
	v5 =	vld [tilespmem:s10+$0xC0]  }
0x813: {  	v3 =	vld [tilespmem:s10+$0xFFFFFFC0];
	[tilespmem:s11+$0x30] =	vst v7;
	v0 =	vmov v2  }
0x814: {  	v4 =	vld [tilespmem:s10+$0x40]  }
0x815: {  	s10 =	sadd.s32 $0x200, s10;
	v2 =	vld.idx.msk [tilespmem:v8+s4+$0x0], $0xffff;
	[tilespmem:s7+$0x70] =	vst v10;
	s7 =	smov.u32 s15;
	s15 =	smov.u32 s11  }
0x816: {  	[tilespmem:s11+$0xFFFFFF30] =	vst v6  }
0x817: {  	v6 =	vld [tilespmem:s8+$0xFFFFFF40];
	_ =	sdelay $0x4  }
0x818: {  	v5 =	vld.idx.msk [tilespmem:v5+s4+$0x0], $0xffff  }
0x819: {  	v3 =	vld.idx.msk [tilespmem:v3+s4+$0x0], $0xffff  }
0x81a: {  	v4 =	vld.idx.msk [tilespmem:v4+s4+$0x0], $0xffff  }
0x81b: {  	v6 =	vld.idx.msk [tilespmem:v6+s4+$0x0], $0xffff;
	_ =	sdelay $0x1  }
0x81c: {  	[tilespmem:s11+$0xC0] =	vst v5  }
0x81d: {  	v5 =	vld [tilespmem:s8+$0xD0];
	[tilespmem:s11+$0xFFFFFFC0] =	vst v3  }
0x81e: {  	[tilespmem:s15+$0x40] =	vst v4;
	v4 =	vld [tilespmem:s8+$0xFFFFFFD0]  }
0x81f: {  	[tilespmem:s15+$0xFFFFFF40] =	vst v6;
	v6 =	vld [tilespmem:s8+$0x50]  }
0x820: {  	v3 =	vld [tilespmem:s8+$0xFFFFFF50];
	_ =	sdelay $0x4  }
0x821: {  	v5 =	vld.idx.msk [tilespmem:v5+s4+$0x0], $0xffff  }
0x822: {  	v4 =	vld.idx.msk [tilespmem:v4+s4+$0x0], $0xffff  }
0x823: {  	v6 =	vld.idx.msk [tilespmem:v6+s4+$0x0], $0xffff  }
0x824: {  	v3 =	vld.idx.msk [tilespmem:v3+s4+$0x0], $0xffff;
	_ =	sdelay $0x1  }
0x825: {  	[tilespmem:s15+$0xD0] =	vst v5  }
0x826: {  	v5 =	vld [tilespmem:s8+$0xE0];
	[tilespmem:s15+$0xFFFFFFD0] =	vst v4  }
0x827: {  	v4 =	vld [tilespmem:s8+$0xFFFFFFE0];
	[tilespmem:s15+$0x50] =	vst v6  }
0x828: {  	[tilespmem:s15+$0xFFFFFF50] =	vst v3;
	v6 =	vld [tilespmem:s8+$0x60]  }
0x829: {  	v3 =	vld [tilespmem:s8+$0xFFFFFF60];
	_ =	sdelay $0x4  }
0x82a: {  	v5 =	vld.idx.msk [tilespmem:v5+s4+$0x0], $0xffff  }
0x82b: {  	v4 =	vld.idx.msk [tilespmem:v4+s4+$0x0], $0xffff  }
0x82c: {  	v6 =	vld.idx.msk [tilespmem:v6+s4+$0x0], $0xffff  }
0x82d: {  	v3 =	vld.idx.msk [tilespmem:v3+s4+$0x0], $0xffff;
	_ =	sdelay $0x1  }
0x82e: {  	[tilespmem:s15+$0xE0] =	vst v5  }
0x82f: {  	v5 =	vld [tilespmem:s8+$0xF0];
	[tilespmem:s15+$0xFFFFFFE0] =	vst v4  }
0x830: {  	v4 =	vld [tilespmem:s8+$0xFFFFFFF0];
	[tilespmem:s15+$0x60] =	vst v6  }
0x831: {  	[tilespmem:s15+$0xFFFFFF60] =	vst v3;
	v6 =	vld [tilespmem:s8+$0x70]  }
0x832: {  	v3 =	vld [tilespmem:s8+$0xFFFFFF70];
	_ =	sdelay $0x3  }
0x833: {  	v0 =	vld.idx.msk [tilespmem:v0+s4+$0x0], $0xffff  }
0x834: {  	v5 =	vld.idx.msk [tilespmem:v5+s4+$0x0], $0xffff  }
0x835: {  	[tilespmem:s7+$0xFFFFFF70] =	vst v1;
	v1 =	vld.idx.msk [tilespmem:v4+s4+$0x0], $0xffff  }
0x836: {  	[tilespmem:s7+$0xFFFFFFF0] =	vst v2;
	v2 =	vld.idx.msk [tilespmem:v6+s4+$0x0], $0xffff  }
0x837: {  	v3 =	vld.idx.msk [tilespmem:v3+s4+$0x0], $0xffff  }
0x838: {  	s19 =	sshll.u32 s0, $0x13;
	[tilespmem:s7+$0x70] =	vst v0  }
0x839: {  	s20 =	sor.u32 s31, s19;
	[tilespmem:s15+$0xF0] =	vst v5  }
0x83a: {  	s7 =	sshrl.u32 s20, $0x3;
	[tilespmem:s15+$0xFFFFFFF0] =	vst v1  }
0x83b: {  	s28 =	sor.u32 $0x600000, s7;
	[tilespmem:s15+$0x70] =	vst v2  }
0x83c: {  	s8 =	sadd.s32 s1, s28;
	[tilespmem:s15+$0xFFFFFF70] =	vst v3  }
0x83d: {  	[hbm4b:s8+s16] =	stream.strided.scatter [tilespmem:s24], [sflag:$0x3], $0x1000, s17, s16, $0x38;
	[tilespmem:$0x1FF00] =	vst v63  }
0x83e: {  	_ =	swait.ge [sflag:s25], $0x1000  }
0x83f: {  	[sflag:s25] =	ssyncset.done $0x0  }
0x840: {  	s9 =	simm.s32 $0x198F0;
	[sflag:s25] =	ssyncadd.s32 $0xFFFFF000  }
0x841: {  	v0 =	vld [tilespmem:s9+$0xFFFFFF90]  }
0x842: {  	v1 =	vld [tilespmem:s9+$0xFFFFFE90]  }
0x843: {  	v2 =	vld [tilespmem:s9+$0xFFFFFF10];
	_ =	sdelay $0x2  }
0x844: {  	v3 =	vld [tilespmem:s9+$0xFFFFFE10];
	_ =	sdelay $0x2  }
0x845: {  	v0 =	vld.idx.msk [tilespmem:v0+s4+$0x0], $0xffff  }
0x846: {  	v1 =	vld.idx.msk [tilespmem:v1+s4+$0x0], $0xffff  }
0x847: {  	v2 =	vld.idx.msk [tilespmem:v2+s4+$0x0], $0xffff;
	_ =	sdelay $0x1  }
0x848: {  	s8 =	simm.s32 $0x1D800  }
0x849: {  	v3 =	vld.idx.msk [tilespmem:v3+s4+$0x0], $0xffff;
	[tilespmem:s8+$0x80] =	vst v0  }
0x84a: {  	[tilespmem:s8+$0xFFFFFF80] =	vst v1;
	v0 =	vld [tilespmem:s9+$0xFFFFFFA0]  }
0x84b: {  	[tilespmem:s8+$0x0] =	vst v2;
	v1 =	vld [tilespmem:s9+$0xFFFFFEA0]  }
0x84c: {  	v2 =	vld [tilespmem:s9+$0xFFFFFF20];
	_ =	sdelay $0x1  }
0x84d: {  	[tilespmem:s8+$0xFFFFFF00] =	vst v3  }
0x84e: {  	v3 =	vld [tilespmem:s9+$0xFFFFFE20];
	_ =	sdelay $0x2  }
0x84f: {  	v0 =	vld.idx.msk [tilespmem:v0+s4+$0x0], $0xffff  }
0x850: {  	v1 =	vld.idx.msk [tilespmem:v1+s4+$0x0], $0xffff  }
0x851: {  	v2 =	vld.idx.msk [tilespmem:v2+s4+$0x0], $0xffff;
	_ =	sdelay $0x2  }
0x852: {  	v3 =	vld.idx.msk [tilespmem:v3+s4+$0x0], $0xffff;
	[tilespmem:s8+$0x90] =	vst v0  }
0x853: {  	[tilespmem:s8+$0xFFFFFF90] =	vst v1;
	v0 =	vld [tilespmem:s9+$0xFFFFFFB0]  }
0x854: {  	[tilespmem:s8+$0x10] =	vst v2;
	v1 =	vld [tilespmem:s9+$0xFFFFFEB0]  }
0x855: {  	v2 =	vld [tilespmem:s9+$0xFFFFFF30];
	_ =	sdelay $0x1  }
0x856: {  	[tilespmem:s8+$0xFFFFFF10] =	vst v3  }
0x857: {  	v3 =	vld [tilespmem:s9+$0xFFFFFE30]  }
0x858: {  	s11 =	simm.s32 $0x19AF0  }
0x859: {  	v4 =	vld [tilespmem:s11+$0xFFFFFF90]  }
0x85a: {  	v0 =	vld.idx.msk [tilespmem:v0+s4+$0x0], $0xffff  }
0x85b: {  	v1 =	vld.idx.msk [tilespmem:v1+s4+$0x0], $0xffff  }
0x85c: {  	v2 =	vld.idx.msk [tilespmem:v2+s4+$0x0], $0xffff;
	_ =	sdelay $0x1  }
0x85d: {  	v5 =	vld [tilespmem:s11+$0xFFFFFE90]  }
0x85e: {  	v3 =	vld.idx.msk [tilespmem:v3+s4+$0x0], $0xffff;
	[tilespmem:s8+$0xA0] =	vst v0  }
0x85f: {  	[tilespmem:s8+$0xFFFFFFA0] =	vst v1;
	v0 =	vld [tilespmem:s9+$0xFFFFFFC0]  }
0x860: {  	[tilespmem:s8+$0x20] =	vst v2;
	v1 =	vld [tilespmem:s9+$0xFFFFFEC0]  }
0x861: {  	v2 =	vld [tilespmem:s9+$0xFFFFFF40];
	_ =	sdelay $0x1  }
0x862: {  	v4 =	vld.idx.msk [tilespmem:v4+s4+$0x0], $0xffff;
	[tilespmem:s8+$0xFFFFFF20] =	vst v3  }
0x863: {  	v3 =	vld [tilespmem:s9+$0xFFFFFE40]  }
0x864: {  	v5 =	vld.idx.msk [tilespmem:v5+s4+$0x0], $0xffff  }
0x865: {  	v6 =	vld [tilespmem:s11+$0xFFFFFF10]  }
0x866: {  	v0 =	vld.idx.msk [tilespmem:v0+s4+$0x0], $0xffff  }
0x867: {  	s15 =	simm.s32 $0x1DA00;
	v1 =	vld.idx.msk [tilespmem:v1+s4+$0x0], $0xffff  }
0x868: {  	[tilespmem:s15+$0x80] =	vst v4;
	v2 =	vld.idx.msk [tilespmem:v2+s4+$0x0], $0xffff  }
0x869: {  	[tilespmem:s15+$0xFFFFFF80] =	vst v5;
	v4 =	vld [tilespmem:s11+$0xFFFFFFA0]  }
0x86a: {  	v5 =	vld [tilespmem:s11+$0xFFFFFEA0]  }
0x86b: {  	v3 =	vld.idx.msk [tilespmem:v3+s4+$0x0], $0xffff;
	[tilespmem:s8+$0xB0] =	vst v0  }
0x86c: {  	[tilespmem:s8+$0xFFFFFFB0] =	vst v1;
	v0 =	vld [tilespmem:s9+$0xFFFFFFD0]  }
0x86d: {  	[tilespmem:s8+$0x30] =	vst v2;
	v1 =	vld [tilespmem:s9+$0xFFFFFED0]  }
0x86e: {  	v2 =	vld [tilespmem:s9+$0xFFFFFF50]  }
0x86f: {  	v7 =	vld [tilespmem:s11+$0xFFFFFE10]  }
0x870: {  	v6 =	vld.idx.msk [tilespmem:v6+s4+$0x0], $0xffff  }
0x871: {  	v4 =	vld.idx.msk [tilespmem:v4+s4+$0x0], $0xffff;
	[tilespmem:s8+$0xFFFFFF30] =	vst v3  }
0x872: {  	v3 =	vld [tilespmem:s9+$0xFFFFFE50]  }
0x873: {  	v5 =	vld.idx.msk [tilespmem:v5+s4+$0x0], $0xffff  }
0x874: {  	v0 =	vld.idx.msk [tilespmem:v0+s4+$0x0], $0xffff  }
0x875: {  	v1 =	vld.idx.msk [tilespmem:v1+s4+$0x0], $0xffff  }
0x876: {  	[tilespmem:s15+$0x0] =	vst v6;
	v2 =	vld.idx.msk [tilespmem:v2+s4+$0x0], $0xffff  }
0x877: {  	[tilespmem:s15+$0x90] =	vst v4  }
0x878: {  	v7 =	vld.idx.msk [tilespmem:v7+s4+$0x0], $0xffff;
	[tilespmem:s15+$0xFFFFFF90] =	vst v5  }
0x879: {  	v5 =	vld [tilespmem:s11+$0xFFFFFFB0];
	[tilespmem:s8+$0xC0] =	vst v0  }
0x87a: {  	[tilespmem:s8+$0xFFFFFFC0] =	vst v1;
	v1 =	vld.idx.msk [tilespmem:v3+s4+$0x0], $0xffff  }
0x87b: {  	[tilespmem:s8+$0x40] =	vst v2;
	v2 =	vld [tilespmem:s11+$0xFFFFFF20]  }
0x87c: {  	v0 =	vld [tilespmem:s9+$0xFFFFFFE0]  }
0x87d: {  	v3 =	vld [tilespmem:s9+$0xFFFFFEE0]  }
0x87e: {  	[tilespmem:s15+$0xFFFFFF00] =	vst v7;
	v6 =	vld [tilespmem:s9+$0xFFFFFF60]  }
0x87f: {  	[tilespmem:s8+$0xFFFFFF40] =	vst v1;
	v1 =	vld [tilespmem:s11+$0xFFFFFE20]  }
0x880: {  	v7 =	vld [tilespmem:s9+$0xFFFFFE60];
	_ =	sdelay $0x1  }
0x881: {  	v5 =	vld.idx.msk [tilespmem:v5+s4+$0x0], $0xffff  }
0x882: {  	v2 =	vld.idx.msk [tilespmem:v2+s4+$0x0], $0xffff  }
0x883: {  	v0 =	vld.idx.msk [tilespmem:v0+s4+$0x0], $0xffff  }
0x884: {  	v3 =	vld.idx.msk [tilespmem:v3+s4+$0x0], $0xffff  }
0x885: {  	v6 =	vld.idx.msk [tilespmem:v6+s4+$0x0], $0xffff  }
0x886: {  	v1 =	vld.idx.msk [tilespmem:v1+s4+$0x0], $0xffff  }
0x887: {  	v4 =	vld.idx.msk [tilespmem:v7+s4+$0x0], $0xffff  }
0x888: {  	[tilespmem:s15+$0x10] =	vst v2;
	v7 =	vld [tilespmem:s11+$0xFFFFFEB0]  }
0x889: {  	[tilespmem:s8+$0xD0] =	vst v0;
	v2 =	vld [tilespmem:s11+$0xFFFFFF30]  }
0x88a: {  	[tilespmem:s8+$0xFFFFFFD0] =	vst v3;
	v0 =	vld [tilespmem:s9+$0xFFFFFFF0]  }
0x88b: {  	v3 =	vld [tilespmem:s9+$0xFFFFFEF0];
	[tilespmem:s15+$0xFFFFFF10] =	vst v1  }
0x88c: {  	v1 =	vld [tilespmem:s11+$0xFFFFFE30];
	[tilespmem:s8+$0xFFFFFF50] =	vst v4  }
0x88d: {  	[tilespmem:s15+$0xA0] =	vst v5;
	v4 =	vld [tilespmem:s9+$0xFFFFFE70]  }
0x88e: {  	v5 =	vld [tilespmem:s11+$0xFFFFFFC0];
	[tilespmem:s8+$0x50] =	vst v6  }
0x88f: {  	v6 =	vld [tilespmem:s9+$0xFFFFFF70]  }
0x890: {  	v7 =	vld.idx.msk [tilespmem:v7+s4+$0x0], $0xffff  }
0x891: {  	v2 =	vld.idx.msk [tilespmem:v2+s4+$0x0], $0xffff  }
0x892: {  	v0 =	vld.idx.msk [tilespmem:v0+s4+$0x0], $0xffff  }
0x893: {  	v3 =	vld.idx.msk [tilespmem:v3+s4+$0x0], $0xffff  }
0x894: {  	v1 =	vld.idx.msk [tilespmem:v1+s4+$0x0], $0xffff  }
0x895: {  	[tilespmem:s15+$0xFFFFFFA0] =	vst v7;
	v4 =	vld.idx.msk [tilespmem:v4+s4+$0x0], $0xffff  }
0x896: {  	[tilespmem:s15+$0x20] =	vst v2;
	v7 =	vld [tilespmem:s11+$0xFFFFFEC0]  }
0x897: {  	[tilespmem:s8+$0xE0] =	vst v0;
	v2 =	vld [tilespmem:s11+$0xFFFFFF40]  }
0x898: {  	v0 =	vld [tilespmem:s9+$0x0]  }
0x899: {  	v6 =	vld.idx.msk [tilespmem:v6+s4+$0x0], $0xffff;
	[tilespmem:s15+$0xFFFFFF20] =	vst v1  }
0x89a: {  	[tilespmem:s8+$0xFFFFFFE0] =	vst v3;
	v1 =	vld [tilespmem:s11+$0xFFFFFE40]  }
0x89b: {  	v3 =	vld.idx.msk [tilespmem:v5+s4+$0x0], $0xffff;
	[tilespmem:s8+$0xFFFFFF60] =	vst v4  }
0x89c: {  	v4 =	vld [tilespmem:s9+$0xFFFFFE80]  }
0x89d: {  	v9 =	vld [tilespmem:s9+$0xFFFFFF00]  }
0x89e: {  	v5 =	vld.idx.msk [tilespmem:v7+s4+$0x0], $0xffff  }
0x89f: {  	v2 =	vld.idx.msk [tilespmem:v2+s4+$0x0], $0xffff  }
0x8a0: {  	[tilespmem:s8+$0x60] =	vst v6;
	v8 =	vld.idx.msk [tilespmem:v0+s4+$0x0], $0xffff  }
0x8a1: {  	v0 =	vld [tilespmem:s9+$0xFFFFFF80]  }
0x8a2: {  	[tilespmem:s15+$0xB0] =	vst v3;
	v6 =	vld.idx.msk [tilespmem:v1+s4+$0x0], $0xffff  }
0x8a3: {  	[tilespmem:s15+$0xFFFFFFB0] =	vst v5;
	v5 =	vld [tilespmem:s11+$0xFFFFFFD0]  }
0x8a4: {  	v1 =	vld.idx.msk [tilespmem:v4+s4+$0x0], $0xffff  }
0x8a5: {  	[tilespmem:s15+$0x30] =	vst v2;
	v2 =	vld.idx.msk [tilespmem:v9+s4+$0x0], $0xffff  }
0x8a6: {  	v3 =	vld [tilespmem:s11+$0xFFFFFED0]  }
0x8a7: {  	s10 =	simm.s32 $0x4;
	s18 =	simm.s32 $0x19CF0;
	s9 =	simm.s32 $0x1DA00;
	v4 =	vld [tilespmem:s11+$0xFFFFFF50];
	[tilespmem:s8+$0xF0] =	vst v8  }
.LBB2_40:
0x8a8: {  	v7 =	vld [tilespmem:s18+$0xFFFFFF90];
	s10 =	sadd.s32 $0x4, s10;
	[tilespmem:s15+$0xFFFFFF30] =	vst v6  }
0x8a9: {  	v6 =	vld [tilespmem:s18+$0xFFFFFE90];
	p3 =	slt.u32 s10, $0x1C;
	[tilespmem:s8+$0xFFFFFF70] =	vst v1  }
0x8aa: {  	v1 =	vld [tilespmem:s18+$0xFFFFFF10]  }
0x8ab: {  	v8 =	vld [tilespmem:s18+$0xFFFFFE10]  }
0x8ac: {  	v5 =	vld.idx.msk [tilespmem:v5+s4+$0x0], $0xffff  }
0x8ad: {  	v9 =	vld [tilespmem:s11+$0xFFFFFE50];
	[tilespmem:s8+$0xFFFFFFF0] =	vst v2  }
0x8ae: {  	v2 =	vld.idx.msk [tilespmem:v3+s4+$0x0], $0xffff  }
0x8af: {  	v3 =	vld.idx.msk [tilespmem:v4+s4+$0x0], $0xffff  }
0x8b0: {  	v4 =	vld.idx.msk [tilespmem:v7+s4+$0x0], $0xffff  }
0x8b1: {  	v6 =	vld.idx.msk [tilespmem:v6+s4+$0x0], $0xffff  }
0x8b2: {  	v1 =	vld.idx.msk [tilespmem:v1+s4+$0x0], $0xffff;
	[tilespmem:s15+$0xC0] =	vst v5  }
0x8b3: {  	v5 =	vld [tilespmem:s11+$0xFFFFFFE0]  }
0x8b4: {  	v7 =	vld.idx.msk [tilespmem:v8+s4+$0x0], $0xffff;
	[tilespmem:s15+$0xFFFFFFC0] =	vst v2  }
0x8b5: {  	s15 =	sadd.s32 $0x200, s15;
	v2 =	vld.idx.msk [tilespmem:v9+s4+$0x0], $0xffff;
	[tilespmem:s9+$0x40] =	vst v3  }
0x8b6: {  	[tilespmem:s15+$0x80] =	vst v4;
	v3 =	vld [tilespmem:s11+$0xFFFFFEE0]  }
0x8b7: {  	[tilespmem:s15+$0xFFFFFF80] =	vst v6;
	v4 =	vld [tilespmem:s18+$0xFFFFFFA0]  }
0x8b8: {  	v6 =	vld [tilespmem:s18+$0xFFFFFEA0];
	[tilespmem:s15+$0x0] =	vst v1  }
0x8b9: {  	v1 =	vld [tilespmem:s18+$0xFFFFFF20]  }
0x8ba: {  	[tilespmem:s15+$0xFFFFFF00] =	vst v7;
	v7 =	vld [tilespmem:s11+$0xFFFFFF60]  }
0x8bb: {  	[tilespmem:s9+$0xFFFFFF40] =	vst v2;
	v2 =	vld.idx.msk [tilespmem:v5+s4+$0x0], $0xffff  }
0x8bc: {  	v5 =	vld [tilespmem:s18+$0xFFFFFE20]  }
0x8bd: {  	v8 =	vld [tilespmem:s11+$0xFFFFFE60]  }
0x8be: {  	v3 =	vld.idx.msk [tilespmem:v3+s4+$0x0], $0xffff  }
0x8bf: {  	v4 =	vld.idx.msk [tilespmem:v4+s4+$0x0], $0xffff  }
0x8c0: {  	v6 =	vld.idx.msk [tilespmem:v6+s4+$0x0], $0xffff  }
0x8c1: {  	v1 =	vld.idx.msk [tilespmem:v1+s4+$0x0], $0xffff;
	[tilespmem:s9+$0xD0] =	vst v2  }
0x8c2: {  	v2 =	vld [tilespmem:s11+$0xFFFFFFF0]  }
0x8c3: {  	v7 =	vld.idx.msk [tilespmem:v7+s4+$0x0], $0xffff  }
0x8c4: {  	v5 =	vld.idx.msk [tilespmem:v5+s4+$0x0], $0xffff;
	[tilespmem:s9+$0xFFFFFFD0] =	vst v3  }
0x8c5: {  	[tilespmem:s15+$0x90] =	vst v4;
	v3 =	vld.idx.msk [tilespmem:v8+s4+$0x0], $0xffff  }
0x8c6: {  	[tilespmem:s15+$0xFFFFFF90] =	vst v6;
	v4 =	vld [tilespmem:s18+$0xFFFFFFB0]  }
0x8c7: {  	v6 =	vld [tilespmem:s18+$0xFFFFFEB0];
	[tilespmem:s15+$0x10] =	vst v1  }
0x8c8: {  	v1 =	vld [tilespmem:s18+$0xFFFFFF30]  }
0x8c9: {  	v8 =	vld [tilespmem:s11+$0xFFFFFEF0];
	[tilespmem:s9+$0x50] =	vst v7  }
0x8ca: {  	[tilespmem:s15+$0xFFFFFF10] =	vst v5;
	v2 =	vld.idx.msk [tilespmem:v2+s4+$0x0], $0xffff  }
0x8cb: {  	v5 =	vld [tilespmem:s18+$0xFFFFFE30];
	[tilespmem:s9+$0xFFFFFF50] =	vst v3  }
0x8cc: {  	v3 =	vld [tilespmem:s11+$0xFFFFFE70]  }
0x8cd: {  	v7 =	vld [tilespmem:s11+$0xFFFFFF70]  }
0x8ce: {  	v4 =	vld.idx.msk [tilespmem:v4+s4+$0x0], $0xffff  }
0x8cf: {  	v6 =	vld.idx.msk [tilespmem:v6+s4+$0x0], $0xffff  }
0x8d0: {  	v1 =	vld.idx.msk [tilespmem:v1+s4+$0x0], $0xffff;
	[tilespmem:s9+$0xE0] =	vst v2  }
0x8d1: {  	v2 =	vld [tilespmem:s11+$0x0]  }
0x8d2: {  	v8 =	vld.idx.msk [tilespmem:v8+s4+$0x0], $0xffff  }
0x8d3: {  	v5 =	vld.idx.msk [tilespmem:v5+s4+$0x0], $0xffff  }
0x8d4: {  	[tilespmem:s15+$0xA0] =	vst v4;
	v3 =	vld.idx.msk [tilespmem:v3+s4+$0x0], $0xffff  }
0x8d5: {  	[tilespmem:s15+$0xFFFFFFA0] =	vst v6;
	v4 =	vld [tilespmem:s18+$0xFFFFFFC0]  }
0x8d6: {  	v6 =	vld [tilespmem:s18+$0xFFFFFEC0];
	[tilespmem:s15+$0x20] =	vst v1  }
0x8d7: {  	v1 =	vld [tilespmem:s18+$0xFFFFFF40]  }
0x8d8: {  	[tilespmem:s9+$0xFFFFFFE0] =	vst v8;
	v7 =	vld.idx.msk [tilespmem:v7+s4+$0x0], $0xffff  }
0x8d9: {  	[tilespmem:s15+$0xFFFFFF20] =	vst v5;
	v2 =	vld.idx.msk [tilespmem:v2+s4+$0x0], $0xffff  }
0x8da: {  	v5 =	vld [tilespmem:s18+$0xFFFFFE40];
	[tilespmem:s9+$0xFFFFFF60] =	vst v3  }
0x8db: {  	v3 =	vld [tilespmem:s11+$0xFFFFFE80]  }
0x8dc: {  	v8 =	vld [tilespmem:s11+$0xFFFFFF00]  }
0x8dd: {  	v4 =	vld.idx.msk [tilespmem:v4+s4+$0x0], $0xffff  }
0x8de: {  	v9 =	vld.idx.msk [tilespmem:v6+s4+$0x0], $0xffff;
	[tilespmem:s9+$0x60] =	vst v7  }
0x8df: {  	v7 =	vld.idx.msk [tilespmem:v1+s4+$0x0], $0xffff;
	[tilespmem:s9+$0xF0] =	vst v2  }
0x8e0: {  	v2 =	vld [tilespmem:s11+$0xFFFFFF80];
	s11 =	smov.u32 s18  }
0x8e1: {  	v10 =	vld.idx.msk [tilespmem:v0+s4+$0x0], $0xffff  }
0x8e2: {  	v6 =	vld.idx.msk [tilespmem:v5+s4+$0x0], $0xffff  }
.Ltmp32:
0x8e3: {  	[tilespmem:s15+$0xB0] =	vst v4;
	v1 =	vld.idx.msk [tilespmem:v3+s4+$0x0], $0xffff;
	(pc) =	sbr.rel @p3 .LBB2_40-.Ltmp32, $4  }
0x8e4: {  	[tilespmem:s15+$0xFFFFFFB0] =	vst v9;
	v5 =	vld [tilespmem:s18+$0xFFFFFFD0]  }
0x8e5: {  	v3 =	vld [tilespmem:s18+$0xFFFFFED0];
	[tilespmem:s15+$0x30] =	vst v7;
	v0 =	vmov v2  }
0x8e6: {  	v4 =	vld [tilespmem:s18+$0xFFFFFF50]  }
0x8e7: {  	s18 =	sadd.s32 $0x200, s18;
	v2 =	vld.idx.msk [tilespmem:v8+s4+$0x0], $0xffff;
	[tilespmem:s8+$0x70] =	vst v10;
	s8 =	smov.u32 s9;
	s9 =	smov.u32 s15  }
0x8e8: {  	[tilespmem:s15+$0xFFFFFF30] =	vst v6  }
0x8e9: {  	v6 =	vld [tilespmem:s11+$0xFFFFFE50];
	_ =	sdelay $0x4  }
0x8ea: {  	v5 =	vld.idx.msk [tilespmem:v5+s4+$0x0], $0xffff  }
0x8eb: {  	v3 =	vld.idx.msk [tilespmem:v3+s4+$0x0], $0xffff  }
0x8ec: {  	v4 =	vld.idx.msk [tilespmem:v4+s4+$0x0], $0xffff  }
0x8ed: {  	v6 =	vld.idx.msk [tilespmem:v6+s4+$0x0], $0xffff;
	_ =	sdelay $0x1  }
0x8ee: {  	[tilespmem:s15+$0xC0] =	vst v5  }
0x8ef: {  	v5 =	vld [tilespmem:s11+$0xFFFFFFE0];
	[tilespmem:s15+$0xFFFFFFC0] =	vst v3  }
0x8f0: {  	[tilespmem:s9+$0x40] =	vst v4;
	v60 =	vld [tilespmem:s11+$0xFFFFFEE0]  }
0x8f1: {  	v61 =	vld [tilespmem:s11+$0xFFFFFF60];
	[tilespmem:s9+$0xFFFFFF40] =	vst v6  }
0x8f2: {  	v59 =	vld [tilespmem:s11+$0xFFFFFE60];
	_ =	sdelay $0x4  }
0x8f3: {  	v5 =	vld.idx.msk [tilespmem:v5+s4+$0x0], $0xffff  }
0x8f4: {  	v4 =	vld.idx.msk [tilespmem:v60+s4+$0x0], $0xffff  }
0x8f5: {  	v6 =	vld.idx.msk [tilespmem:v61+s4+$0x0], $0xffff  }
0x8f6: {  	v3 =	vld.idx.msk [tilespmem:v59+s4+$0x0], $0xffff;
	_ =	sdelay $0x1  }
0x8f7: {  	[tilespmem:s9+$0xD0] =	vst v5  }
0x8f8: {  	v5 =	vld [tilespmem:s11+$0xFFFFFFF0];
	[tilespmem:s9+$0xFFFFFFD0] =	vst v4  }
0x8f9: {  	v4 =	vld [tilespmem:s11+$0xFFFFFEF0];
	[tilespmem:s9+$0x50] =	vst v6  }
0x8fa: {  	v6 =	vld [tilespmem:s11+$0xFFFFFF70];
	[tilespmem:s9+$0xFFFFFF50] =	vst v3  }
0x8fb: {  	v3 =	vld [tilespmem:s11+$0xFFFFFE70];
	_ =	sdelay $0x4  }
0x8fc: {  	v5 =	vld.idx.msk [tilespmem:v5+s4+$0x0], $0xffff  }
0x8fd: {  	v4 =	vld.idx.msk [tilespmem:v4+s4+$0x0], $0xffff  }
0x8fe: {  	v6 =	vld.idx.msk [tilespmem:v6+s4+$0x0], $0xffff  }
0x8ff: {  	v3 =	vld.idx.msk [tilespmem:v3+s4+$0x0], $0xffff;
	_ =	sdelay $0x1  }
0x900: {  	[tilespmem:s9+$0xE0] =	vst v5  }
0x901: {  	v5 =	vld [tilespmem:s11+$0x0];
	[tilespmem:s9+$0xFFFFFFE0] =	vst v4  }
0x902: {  	v4 =	vld [tilespmem:s11+$0xFFFFFF00];
	[tilespmem:s9+$0x60] =	vst v6  }
0x903: {  	v6 =	vld [tilespmem:s11+$0xFFFFFF80];
	[tilespmem:s9+$0xFFFFFF60] =	vst v3  }
0x904: {  	v3 =	vld [tilespmem:s11+$0xFFFFFE80];
	_ =	sdelay $0x3  }
0x905: {  	v0 =	vld.idx.msk [tilespmem:v0+s4+$0x0], $0xffff  }
0x906: {  	v5 =	vld.idx.msk [tilespmem:v5+s4+$0x0], $0xffff  }
0x907: {  	v62 =	vld.idx.msk [tilespmem:v4+s4+$0x0], $0xffff  }
0x908: {  	[tilespmem:s8+$0xFFFFFF70] =	vst v1;
	v63 =	vld.idx.msk [tilespmem:v6+s4+$0x0], $0xffff  }
0x909: {  	[tilespmem:s8+$0xFFFFFFF0] =	vst v2;
	v3 =	vld.idx.msk [tilespmem:v3+s4+$0x0], $0xffff  }
0x90a: {  	[tilespmem:s8+$0x70] =	vst v0  }
0x90b: {  	[tilespmem:s9+$0xF0] =	vst v5  }
0x90c: {  	[tilespmem:s9+$0xFFFFFFF0] =	vst v62  }
0x90d: {  	s7 =	sor.u32 $0x608000, s7;
	[tilespmem:s9+$0x70] =	vst v63  }
0x90e: {  	p3 =	sgt.u32 s0, $0x1;
	s7 =	sadd.s32 s1, s7;
	[tilespmem:s9+$0xFFFFFF70] =	vst v3  }
0x90f: {  	[hbm4b:s7+s16] =	stream.strided.scatter [tilespmem:s26], [sflag:$0x4], $0x1000, s17, s16, $0x38;
	[tilespmem:$0x1FF00] =	vst v63  }
0x910: {  	s7 =	simm.s32 @!p3 $0x18700  }
0x911: {  	[tilespmem:s7], [sflag:$0x1] =	stream.linear.gather @!p3 [spmem:s14], $0x2000, $0x38;
	[tilespmem:$0x1FF00] =	vst v63  }
0x912: {  	p3 =	seq.s32 s6, $0x0  }
.Ltmp33:
0x913: {  	_ = 	snop;
	(pc) =	sbr.rel @p3 .LBB2_47-.Ltmp33, $1  }
0x914: {  	_ =	sdelay $0x3  }
.LBB2_42:
0x915: {  	_ =	swait.ge [sflag:s22], $0x2000  }
0x916: {  	[sflag:s22] =	ssyncset.done $0x0  }
0x917: {  	[sflag:s22] =	ssyncadd.s32 $0xFFFFE000  }
0x918: {  	_ =	swait.ge [sflag:s23], $0x1000  }
0x919: {  	[sflag:s23] =	ssyncset.done $0x0  }
0x91a: {  	s9 =	simm.s32 $0x1A800;
	[sflag:s23] =	ssyncadd.s32 $0xFFFFF000  }
0x91b: {  	v0 =	vld [tilespmem:s9+$0x80]  }
0x91c: {  	v1 =	vld [tilespmem:s9+$0xFFFFFF80]  }
0x91d: {  	v2 =	vld [tilespmem:s9+$0x0];
	_ =	sdelay $0x2  }
0x91e: {  	v3 =	vld [tilespmem:s9+$0xFFFFFF00];
	_ =	sdelay $0x2  }
0x91f: {  	v0 =	vld.idx.msk [tilespmem:v0+s4+$0x0], $0xffff  }
0x920: {  	v1 =	vld.idx.msk [tilespmem:v1+s4+$0x0], $0xffff  }
0x921: {  	v2 =	vld.idx.msk [tilespmem:v2+s4+$0x0], $0xffff;
	_ =	sdelay $0x1  }
0x922: {  	s6 =	simm.s32 $0x1C800  }
0x923: {  	v3 =	vld.idx.msk [tilespmem:v3+s4+$0x0], $0xffff;
	[tilespmem:s6+$0x80] =	vst v0  }
0x924: {  	[tilespmem:s6+$0xFFFFFF80] =	vst v1;
	v0 =	vld [tilespmem:s9+$0x90]  }
0x925: {  	[tilespmem:s6+$0x0] =	vst v2;
	v1 =	vld [tilespmem:s9+$0xFFFFFF90]  }
0x926: {  	v2 =	vld [tilespmem:s9+$0x10];
	_ =	sdelay $0x1  }
0x927: {  	[tilespmem:s6+$0xFFFFFF00] =	vst v3  }
0x928: {  	v3 =	vld [tilespmem:s9+$0xFFFFFF10];
	_ =	sdelay $0x2  }
0x929: {  	v0 =	vld.idx.msk [tilespmem:v0+s4+$0x0], $0xffff  }
0x92a: {  	v1 =	vld.idx.msk [tilespmem:v1+s4+$0x0], $0xffff  }
0x92b: {  	v2 =	vld.idx.msk [tilespmem:v2+s4+$0x0], $0xffff;
	_ =	sdelay $0x2  }
0x92c: {  	v3 =	vld.idx.msk [tilespmem:v3+s4+$0x0], $0xffff;
	[tilespmem:s6+$0x90] =	vst v0  }
0x92d: {  	[tilespmem:s6+$0xFFFFFF90] =	vst v1;
	v0 =	vld [tilespmem:s9+$0xA0]  }
0x92e: {  	[tilespmem:s6+$0x10] =	vst v2;
	v1 =	vld [tilespmem:s9+$0xFFFFFFA0]  }
0x92f: {  	v2 =	vld [tilespmem:s9+$0x20];
	_ =	sdelay $0x1  }
0x930: {  	[tilespmem:s6+$0xFFFFFF10] =	vst v3  }
0x931: {  	v3 =	vld [tilespmem:s9+$0xFFFFFF20]  }
0x932: {  	s7 =	simm.s32 $0x1AA00  }
0x933: {  	v4 =	vld [tilespmem:s7+$0x80]  }
0x934: {  	v0 =	vld.idx.msk [tilespmem:v0+s4+$0x0], $0xffff  }
0x935: {  	v1 =	vld.idx.msk [tilespmem:v1+s4+$0x0], $0xffff  }
0x936: {  	v2 =	vld.idx.msk [tilespmem:v2+s4+$0x0], $0xffff;
	_ =	sdelay $0x1  }
0x937: {  	v5 =	vld [tilespmem:s7+$0xFFFFFF80]  }
0x938: {  	v3 =	vld.idx.msk [tilespmem:v3+s4+$0x0], $0xffff;
	[tilespmem:s6+$0xA0] =	vst v0  }
0x939: {  	[tilespmem:s6+$0xFFFFFFA0] =	vst v1;
	v0 =	vld [tilespmem:s9+$0xB0]  }
0x93a: {  	[tilespmem:s6+$0x20] =	vst v2;
	v1 =	vld [tilespmem:s9+$0xFFFFFFB0]  }
0x93b: {  	v2 =	vld [tilespmem:s9+$0x30];
	_ =	sdelay $0x1  }
0x93c: {  	v4 =	vld.idx.msk [tilespmem:v4+s4+$0x0], $0xffff;
	[tilespmem:s6+$0xFFFFFF20] =	vst v3  }
0x93d: {  	v3 =	vld [tilespmem:s9+$0xFFFFFF30]  }
0x93e: {  	v5 =	vld.idx.msk [tilespmem:v5+s4+$0x0], $0xffff  }
0x93f: {  	v6 =	vld [tilespmem:s7+$0x0]  }
0x940: {  	v0 =	vld.idx.msk [tilespmem:v0+s4+$0x0], $0xffff  }
0x941: {  	s8 =	simm.s32 $0x1CA00;
	v1 =	vld.idx.msk [tilespmem:v1+s4+$0x0], $0xffff  }
0x942: {  	[tilespmem:s8+$0x80] =	vst v4;
	v2 =	vld.idx.msk [tilespmem:v2+s4+$0x0], $0xffff  }
0x943: {  	[tilespmem:s8+$0xFFFFFF80] =	vst v5;
	v4 =	vld [tilespmem:s7+$0x90]  }
0x944: {  	v5 =	vld [tilespmem:s7+$0xFFFFFF90]  }
0x945: {  	v3 =	vld.idx.msk [tilespmem:v3+s4+$0x0], $0xffff;
	[tilespmem:s6+$0xB0] =	vst v0  }
0x946: {  	[tilespmem:s6+$0xFFFFFFB0] =	vst v1;
	v0 =	vld [tilespmem:s9+$0xC0]  }
0x947: {  	[tilespmem:s6+$0x30] =	vst v2;
	v1 =	vld [tilespmem:s9+$0xFFFFFFC0]  }
0x948: {  	v2 =	vld [tilespmem:s9+$0x40]  }
0x949: {  	v7 =	vld [tilespmem:s7+$0xFFFFFF00]  }
0x94a: {  	v6 =	vld.idx.msk [tilespmem:v6+s4+$0x0], $0xffff  }
0x94b: {  	v4 =	vld.idx.msk [tilespmem:v4+s4+$0x0], $0xffff;
	[tilespmem:s6+$0xFFFFFF30] =	vst v3  }
0x94c: {  	v3 =	vld [tilespmem:s9+$0xFFFFFF40]  }
0x94d: {  	v5 =	vld.idx.msk [tilespmem:v5+s4+$0x0], $0xffff  }
0x94e: {  	v0 =	vld.idx.msk [tilespmem:v0+s4+$0x0], $0xffff  }
0x94f: {  	v1 =	vld.idx.msk [tilespmem:v1+s4+$0x0], $0xffff  }
0x950: {  	[tilespmem:s8+$0x0] =	vst v6;
	v2 =	vld.idx.msk [tilespmem:v2+s4+$0x0], $0xffff  }
0x951: {  	[tilespmem:s8+$0x90] =	vst v4  }
0x952: {  	v7 =	vld.idx.msk [tilespmem:v7+s4+$0x0], $0xffff;
	[tilespmem:s8+$0xFFFFFF90] =	vst v5  }
0x953: {  	v5 =	vld [tilespmem:s7+$0xA0];
	[tilespmem:s6+$0xC0] =	vst v0  }
0x954: {  	[tilespmem:s6+$0xFFFFFFC0] =	vst v1;
	v1 =	vld.idx.msk [tilespmem:v3+s4+$0x0], $0xffff  }
0x955: {  	[tilespmem:s6+$0x40] =	vst v2;
	v2 =	vld [tilespmem:s7+$0x10]  }
0x956: {  	v0 =	vld [tilespmem:s9+$0xD0]  }
0x957: {  	v3 =	vld [tilespmem:s9+$0xFFFFFFD0]  }
0x958: {  	[tilespmem:s8+$0xFFFFFF00] =	vst v7;
	v6 =	vld [tilespmem:s9+$0x50]  }
0x959: {  	[tilespmem:s6+$0xFFFFFF40] =	vst v1;
	v1 =	vld [tilespmem:s7+$0xFFFFFF10]  }
0x95a: {  	v7 =	vld [tilespmem:s9+$0xFFFFFF50];
	_ =	sdelay $0x1  }
0x95b: {  	v5 =	vld.idx.msk [tilespmem:v5+s4+$0x0], $0xffff  }
0x95c: {  	v2 =	vld.idx.msk [tilespmem:v2+s4+$0x0], $0xffff  }
0x95d: {  	v0 =	vld.idx.msk [tilespmem:v0+s4+$0x0], $0xffff  }
0x95e: {  	v3 =	vld.idx.msk [tilespmem:v3+s4+$0x0], $0xffff  }
0x95f: {  	v6 =	vld.idx.msk [tilespmem:v6+s4+$0x0], $0xffff  }
0x960: {  	v1 =	vld.idx.msk [tilespmem:v1+s4+$0x0], $0xffff  }
0x961: {  	v4 =	vld.idx.msk [tilespmem:v7+s4+$0x0], $0xffff  }
0x962: {  	[tilespmem:s8+$0x10] =	vst v2;
	v7 =	vld [tilespmem:s7+$0xFFFFFFA0]  }
0x963: {  	[tilespmem:s6+$0xD0] =	vst v0;
	v2 =	vld [tilespmem:s7+$0x20]  }
0x964: {  	[tilespmem:s6+$0xFFFFFFD0] =	vst v3;
	v0 =	vld [tilespmem:s9+$0xE0]  }
0x965: {  	v3 =	vld [tilespmem:s9+$0xFFFFFFE0];
	[tilespmem:s8+$0xFFFFFF10] =	vst v1  }
0x966: {  	v1 =	vld [tilespmem:s7+$0xFFFFFF20];
	[tilespmem:s6+$0xFFFFFF50] =	vst v4  }
0x967: {  	[tilespmem:s8+$0xA0] =	vst v5;
	v4 =	vld [tilespmem:s9+$0xFFFFFF60]  }
0x968: {  	v5 =	vld [tilespmem:s7+$0xB0];
	[tilespmem:s6+$0x50] =	vst v6  }
0x969: {  	v6 =	vld [tilespmem:s9+$0x60]  }
0x96a: {  	v7 =	vld.idx.msk [tilespmem:v7+s4+$0x0], $0xffff  }
0x96b: {  	v2 =	vld.idx.msk [tilespmem:v2+s4+$0x0], $0xffff  }
0x96c: {  	v0 =	vld.idx.msk [tilespmem:v0+s4+$0x0], $0xffff  }
0x96d: {  	v3 =	vld.idx.msk [tilespmem:v3+s4+$0x0], $0xffff  }
0x96e: {  	v1 =	vld.idx.msk [tilespmem:v1+s4+$0x0], $0xffff  }
0x96f: {  	[tilespmem:s8+$0xFFFFFFA0] =	vst v7;
	v4 =	vld.idx.msk [tilespmem:v4+s4+$0x0], $0xffff  }
0x970: {  	[tilespmem:s8+$0x20] =	vst v2;
	v7 =	vld [tilespmem:s7+$0xFFFFFFB0]  }
0x971: {  	[tilespmem:s6+$0xE0] =	vst v0;
	v2 =	vld [tilespmem:s7+$0x30]  }
0x972: {  	v0 =	vld [tilespmem:s9+$0xF0]  }
0x973: {  	v6 =	vld.idx.msk [tilespmem:v6+s4+$0x0], $0xffff;
	[tilespmem:s8+$0xFFFFFF20] =	vst v1  }
0x974: {  	[tilespmem:s6+$0xFFFFFFE0] =	vst v3;
	v1 =	vld [tilespmem:s7+$0xFFFFFF30]  }
0x975: {  	v3 =	vld.idx.msk [tilespmem:v5+s4+$0x0], $0xffff;
	[tilespmem:s6+$0xFFFFFF60] =	vst v4  }
0x976: {  	v4 =	vld [tilespmem:s9+$0xFFFFFF70]  }
0x977: {  	v9 =	vld [tilespmem:s9+$0xFFFFFFF0]  }
0x978: {  	v5 =	vld.idx.msk [tilespmem:v7+s4+$0x0], $0xffff  }
0x979: {  	v2 =	vld.idx.msk [tilespmem:v2+s4+$0x0], $0xffff  }
0x97a: {  	[tilespmem:s6+$0x60] =	vst v6;
	v8 =	vld.idx.msk [tilespmem:v0+s4+$0x0], $0xffff  }
0x97b: {  	v0 =	vld [tilespmem:s9+$0x70]  }
0x97c: {  	[tilespmem:s8+$0xB0] =	vst v3;
	v6 =	vld.idx.msk [tilespmem:v1+s4+$0x0], $0xffff  }
0x97d: {  	[tilespmem:s8+$0xFFFFFFB0] =	vst v5;
	v5 =	vld [tilespmem:s7+$0xC0]  }
0x97e: {  	v1 =	vld.idx.msk [tilespmem:v4+s4+$0x0], $0xffff  }
0x97f: {  	[tilespmem:s8+$0x30] =	vst v2;
	v2 =	vld.idx.msk [tilespmem:v9+s4+$0x0], $0xffff  }
0x980: {  	v3 =	vld [tilespmem:s7+$0xFFFFFFC0]  }
0x981: {  	s10 =	simm.s32 $0x1AC00;
	s11 =	simm.s32 $0x1CA00;
	s9 =	simm.s32 $0x4;
	v4 =	vld [tilespmem:s7+$0x40];
	[tilespmem:s6+$0xF0] =	vst v8  }
.LBB2_43:
0x982: {  	v7 =	vld [tilespmem:s10+$0x80];
	s9 =	sadd.s32 $0x4, s9;
	[tilespmem:s8+$0xFFFFFF30] =	vst v6  }
0x983: {  	v6 =	vld [tilespmem:s10+$0xFFFFFF80];
	p3 =	slt.u32 s9, $0x1C;
	[tilespmem:s6+$0xFFFFFF70] =	vst v1  }
0x984: {  	v1 =	vld [tilespmem:s10+$0x0]  }
0x985: {  	v8 =	vld [tilespmem:s10+$0xFFFFFF00]  }
0x986: {  	v5 =	vld.idx.msk [tilespmem:v5+s4+$0x0], $0xffff  }
0x987: {  	v9 =	vld [tilespmem:s7+$0xFFFFFF40];
	[tilespmem:s6+$0xFFFFFFF0] =	vst v2  }
0x988: {  	v2 =	vld.idx.msk [tilespmem:v3+s4+$0x0], $0xffff  }
0x989: {  	v3 =	vld.idx.msk [tilespmem:v4+s4+$0x0], $0xffff  }
0x98a: {  	v4 =	vld.idx.msk [tilespmem:v7+s4+$0x0], $0xffff  }
0x98b: {  	v6 =	vld.idx.msk [tilespmem:v6+s4+$0x0], $0xffff  }
0x98c: {  	v1 =	vld.idx.msk [tilespmem:v1+s4+$0x0], $0xffff;
	[tilespmem:s8+$0xC0] =	vst v5  }
0x98d: {  	v5 =	vld [tilespmem:s7+$0xD0]  }
0x98e: {  	v7 =	vld.idx.msk [tilespmem:v8+s4+$0x0], $0xffff;
	[tilespmem:s8+$0xFFFFFFC0] =	vst v2  }
0x98f: {  	s8 =	sadd.s32 $0x200, s8;
	v2 =	vld.idx.msk [tilespmem:v9+s4+$0x0], $0xffff;
	[tilespmem:s11+$0x40] =	vst v3  }
0x990: {  	[tilespmem:s8+$0x80] =	vst v4;
	v3 =	vld [tilespmem:s7+$0xFFFFFFD0]  }
0x991: {  	[tilespmem:s8+$0xFFFFFF80] =	vst v6;
	v4 =	vld [tilespmem:s10+$0x90]  }
0x992: {  	v6 =	vld [tilespmem:s10+$0xFFFFFF90];
	[tilespmem:s8+$0x0] =	vst v1  }
0x993: {  	v1 =	vld [tilespmem:s10+$0x10]  }
0x994: {  	[tilespmem:s8+$0xFFFFFF00] =	vst v7;
	v7 =	vld [tilespmem:s7+$0x50]  }
0x995: {  	[tilespmem:s11+$0xFFFFFF40] =	vst v2;
	v2 =	vld.idx.msk [tilespmem:v5+s4+$0x0], $0xffff  }
0x996: {  	v5 =	vld [tilespmem:s10+$0xFFFFFF10]  }
0x997: {  	v8 =	vld [tilespmem:s7+$0xFFFFFF50]  }
0x998: {  	v3 =	vld.idx.msk [tilespmem:v3+s4+$0x0], $0xffff  }
0x999: {  	v4 =	vld.idx.msk [tilespmem:v4+s4+$0x0], $0xffff  }
0x99a: {  	v6 =	vld.idx.msk [tilespmem:v6+s4+$0x0], $0xffff  }
0x99b: {  	v1 =	vld.idx.msk [tilespmem:v1+s4+$0x0], $0xffff;
	[tilespmem:s11+$0xD0] =	vst v2  }
0x99c: {  	v2 =	vld [tilespmem:s7+$0xE0]  }
0x99d: {  	v7 =	vld.idx.msk [tilespmem:v7+s4+$0x0], $0xffff  }
0x99e: {  	v5 =	vld.idx.msk [tilespmem:v5+s4+$0x0], $0xffff;
	[tilespmem:s11+$0xFFFFFFD0] =	vst v3  }
0x99f: {  	[tilespmem:s8+$0x90] =	vst v4;
	v3 =	vld.idx.msk [tilespmem:v8+s4+$0x0], $0xffff  }
0x9a0: {  	[tilespmem:s8+$0xFFFFFF90] =	vst v6;
	v4 =	vld [tilespmem:s10+$0xA0]  }
0x9a1: {  	v6 =	vld [tilespmem:s10+$0xFFFFFFA0];
	[tilespmem:s8+$0x10] =	vst v1  }
0x9a2: {  	v1 =	vld [tilespmem:s10+$0x20]  }
0x9a3: {  	v8 =	vld [tilespmem:s7+$0xFFFFFFE0];
	[tilespmem:s11+$0x50] =	vst v7  }
0x9a4: {  	[tilespmem:s8+$0xFFFFFF10] =	vst v5;
	v2 =	vld.idx.msk [tilespmem:v2+s4+$0x0], $0xffff  }
0x9a5: {  	v5 =	vld [tilespmem:s10+$0xFFFFFF20];
	[tilespmem:s11+$0xFFFFFF50] =	vst v3  }
0x9a6: {  	v3 =	vld [tilespmem:s7+$0xFFFFFF60]  }
0x9a7: {  	v7 =	vld [tilespmem:s7+$0x60]  }
0x9a8: {  	v4 =	vld.idx.msk [tilespmem:v4+s4+$0x0], $0xffff  }
0x9a9: {  	v6 =	vld.idx.msk [tilespmem:v6+s4+$0x0], $0xffff  }
0x9aa: {  	v1 =	vld.idx.msk [tilespmem:v1+s4+$0x0], $0xffff;
	[tilespmem:s11+$0xE0] =	vst v2  }
0x9ab: {  	v2 =	vld [tilespmem:s7+$0xF0]  }
0x9ac: {  	v8 =	vld.idx.msk [tilespmem:v8+s4+$0x0], $0xffff  }
0x9ad: {  	v5 =	vld.idx.msk [tilespmem:v5+s4+$0x0], $0xffff  }
0x9ae: {  	[tilespmem:s8+$0xA0] =	vst v4;
	v3 =	vld.idx.msk [tilespmem:v3+s4+$0x0], $0xffff  }
0x9af: {  	[tilespmem:s8+$0xFFFFFFA0] =	vst v6;
	v4 =	vld [tilespmem:s10+$0xB0]  }
0x9b0: {  	v6 =	vld [tilespmem:s10+$0xFFFFFFB0];
	[tilespmem:s8+$0x20] =	vst v1  }
0x9b1: {  	v1 =	vld [tilespmem:s10+$0x30]  }
0x9b2: {  	[tilespmem:s11+$0xFFFFFFE0] =	vst v8;
	v7 =	vld.idx.msk [tilespmem:v7+s4+$0x0], $0xffff  }
0x9b3: {  	[tilespmem:s8+$0xFFFFFF20] =	vst v5;
	v2 =	vld.idx.msk [tilespmem:v2+s4+$0x0], $0xffff  }
0x9b4: {  	v5 =	vld [tilespmem:s10+$0xFFFFFF30];
	[tilespmem:s11+$0xFFFFFF60] =	vst v3  }
0x9b5: {  	v3 =	vld [tilespmem:s7+$0xFFFFFF70]  }
0x9b6: {  	v8 =	vld [tilespmem:s7+$0xFFFFFFF0]  }
0x9b7: {  	v4 =	vld.idx.msk [tilespmem:v4+s4+$0x0], $0xffff  }
0x9b8: {  	v9 =	vld.idx.msk [tilespmem:v6+s4+$0x0], $0xffff;
	[tilespmem:s11+$0x60] =	vst v7  }
0x9b9: {  	v7 =	vld.idx.msk [tilespmem:v1+s4+$0x0], $0xffff;
	[tilespmem:s11+$0xF0] =	vst v2  }
0x9ba: {  	v2 =	vld [tilespmem:s7+$0x70];
	s7 =	smov.u32 s10  }
0x9bb: {  	v10 =	vld.idx.msk [tilespmem:v0+s4+$0x0], $0xffff  }
0x9bc: {  	v6 =	vld.idx.msk [tilespmem:v5+s4+$0x0], $0xffff  }
.Ltmp34:
0x9bd: {  	[tilespmem:s8+$0xB0] =	vst v4;
	v1 =	vld.idx.msk [tilespmem:v3+s4+$0x0], $0xffff;
	(pc) =	sbr.rel @p3 .LBB2_43-.Ltmp34, $4  }
0x9be: {  	[tilespmem:s8+$0xFFFFFFB0] =	vst v9;
	v5 =	vld [tilespmem:s10+$0xC0]  }
0x9bf: {  	v3 =	vld [tilespmem:s10+$0xFFFFFFC0];
	[tilespmem:s8+$0x30] =	vst v7;
	v0 =	vmov v2  }
0x9c0: {  	v4 =	vld [tilespmem:s10+$0x40]  }
0x9c1: {  	s10 =	sadd.s32 $0x200, s10;
	v2 =	vld.idx.msk [tilespmem:v8+s4+$0x0], $0xffff;
	[tilespmem:s6+$0x70] =	vst v10;
	s6 =	smov.u32 s11;
	s11 =	smov.u32 s8  }
0x9c2: {  	[tilespmem:s8+$0xFFFFFF30] =	vst v6  }
0x9c3: {  	v6 =	vld [tilespmem:s7+$0xFFFFFF40];
	_ =	sdelay $0x4  }
0x9c4: {  	v5 =	vld.idx.msk [tilespmem:v5+s4+$0x0], $0xffff  }
0x9c5: {  	v3 =	vld.idx.msk [tilespmem:v3+s4+$0x0], $0xffff  }
0x9c6: {  	v4 =	vld.idx.msk [tilespmem:v4+s4+$0x0], $0xffff  }
0x9c7: {  	v6 =	vld.idx.msk [tilespmem:v6+s4+$0x0], $0xffff;
	_ =	sdelay $0x1  }
0x9c8: {  	[tilespmem:s8+$0xC0] =	vst v5  }
0x9c9: {  	v5 =	vld [tilespmem:s7+$0xD0];
	[tilespmem:s8+$0xFFFFFFC0] =	vst v3  }
0x9ca: {  	[tilespmem:s11+$0x40] =	vst v4;
	v4 =	vld [tilespmem:s7+$0xFFFFFFD0]  }
0x9cb: {  	[tilespmem:s11+$0xFFFFFF40] =	vst v6;
	v6 =	vld [tilespmem:s7+$0x50]  }
0x9cc: {  	v3 =	vld [tilespmem:s7+$0xFFFFFF50];
	_ =	sdelay $0x4  }
0x9cd: {  	v5 =	vld.idx.msk [tilespmem:v5+s4+$0x0], $0xffff  }
0x9ce: {  	v4 =	vld.idx.msk [tilespmem:v4+s4+$0x0], $0xffff  }
0x9cf: {  	v6 =	vld.idx.msk [tilespmem:v6+s4+$0x0], $0xffff  }
0x9d0: {  	v3 =	vld.idx.msk [tilespmem:v3+s4+$0x0], $0xffff;
	_ =	sdelay $0x1  }
0x9d1: {  	[tilespmem:s11+$0xD0] =	vst v5  }
0x9d2: {  	v5 =	vld [tilespmem:s7+$0xE0];
	[tilespmem:s11+$0xFFFFFFD0] =	vst v4  }
0x9d3: {  	v4 =	vld [tilespmem:s7+$0xFFFFFFE0];
	[tilespmem:s11+$0x50] =	vst v6  }
0x9d4: {  	[tilespmem:s11+$0xFFFFFF50] =	vst v3;
	v6 =	vld [tilespmem:s7+$0x60]  }
0x9d5: {  	v3 =	vld [tilespmem:s7+$0xFFFFFF60];
	_ =	sdelay $0x4  }
0x9d6: {  	v5 =	vld.idx.msk [tilespmem:v5+s4+$0x0], $0xffff  }
0x9d7: {  	v4 =	vld.idx.msk [tilespmem:v4+s4+$0x0], $0xffff  }
0x9d8: {  	v6 =	vld.idx.msk [tilespmem:v6+s4+$0x0], $0xffff  }
0x9d9: {  	v3 =	vld.idx.msk [tilespmem:v3+s4+$0x0], $0xffff;
	_ =	sdelay $0x1  }
0x9da: {  	[tilespmem:s11+$0xE0] =	vst v5  }
0x9db: {  	v5 =	vld [tilespmem:s7+$0xF0];
	[tilespmem:s11+$0xFFFFFFE0] =	vst v4  }
0x9dc: {  	v4 =	vld [tilespmem:s7+$0xFFFFFFF0];
	[tilespmem:s11+$0x60] =	vst v6  }
0x9dd: {  	[tilespmem:s11+$0xFFFFFF60] =	vst v3;
	v6 =	vld [tilespmem:s7+$0x70]  }
0x9de: {  	v3 =	vld [tilespmem:s7+$0xFFFFFF70];
	_ =	sdelay $0x3  }
0x9df: {  	v0 =	vld.idx.msk [tilespmem:v0+s4+$0x0], $0xffff  }
0x9e0: {  	v5 =	vld.idx.msk [tilespmem:v5+s4+$0x0], $0xffff  }
0x9e1: {  	[tilespmem:s6+$0xFFFFFF70] =	vst v1;
	v1 =	vld.idx.msk [tilespmem:v4+s4+$0x0], $0xffff  }
0x9e2: {  	[tilespmem:s6+$0xFFFFFFF0] =	vst v2;
	v2 =	vld.idx.msk [tilespmem:v6+s4+$0x0], $0xffff  }
0x9e3: {  	v3 =	vld.idx.msk [tilespmem:v3+s4+$0x0], $0xffff  }
0x9e4: {  	s19 =	sshll.u32 s0, $0x13;
	[tilespmem:s6+$0x70] =	vst v0  }
0x9e5: {  	s20 =	sor.u32 s31, s19;
	[tilespmem:s11+$0xF0] =	vst v5  }
0x9e6: {  	s6 =	sshrl.u32 s20, $0x3;
	[tilespmem:s11+$0xFFFFFFF0] =	vst v1  }
0x9e7: {  	s28 =	sor.u32 $0x600000, s6;
	[tilespmem:s11+$0x70] =	vst v2  }
0x9e8: {  	s7 =	sadd.s32 s1, s28;
	[tilespmem:s11+$0xFFFFFF70] =	vst v3  }
0x9e9: {  	[hbm4b:s7+s16] =	stream.strided.scatter [tilespmem:s24], [sflag:$0x3], $0x1000, s17, s16, $0x38;
	[tilespmem:$0x1FF00] =	vst v63  }
0x9ea: {  	_ =	swait.ge [sflag:s25], $0x1000  }
0x9eb: {  	[sflag:s25] =	ssyncset.done $0x0  }
0x9ec: {  	s9 =	simm.s32 $0x1B8F0;
	[sflag:s25] =	ssyncadd.s32 $0xFFFFF000  }
0x9ed: {  	v0 =	vld [tilespmem:s9+$0xFFFFFF90]  }
0x9ee: {  	v1 =	vld [tilespmem:s9+$0xFFFFFE90]  }
0x9ef: {  	v2 =	vld [tilespmem:s9+$0xFFFFFF10];
	_ =	sdelay $0x2  }
0x9f0: {  	v3 =	vld [tilespmem:s9+$0xFFFFFE10];
	_ =	sdelay $0x2  }
0x9f1: {  	v0 =	vld.idx.msk [tilespmem:v0+s4+$0x0], $0xffff  }
0x9f2: {  	v1 =	vld.idx.msk [tilespmem:v1+s4+$0x0], $0xffff  }
0x9f3: {  	v2 =	vld.idx.msk [tilespmem:v2+s4+$0x0], $0xffff;
	_ =	sdelay $0x1  }
0x9f4: {  	s7 =	simm.s32 $0x1D800  }
0x9f5: {  	v3 =	vld.idx.msk [tilespmem:v3+s4+$0x0], $0xffff;
	[tilespmem:s7+$0x80] =	vst v0  }
0x9f6: {  	[tilespmem:s7+$0xFFFFFF80] =	vst v1;
	v0 =	vld [tilespmem:s9+$0xFFFFFFA0]  }
0x9f7: {  	[tilespmem:s7+$0x0] =	vst v2;
	v1 =	vld [tilespmem:s9+$0xFFFFFEA0]  }
0x9f8: {  	v2 =	vld [tilespmem:s9+$0xFFFFFF20];
	_ =	sdelay $0x1  }
0x9f9: {  	[tilespmem:s7+$0xFFFFFF00] =	vst v3  }
0x9fa: {  	v3 =	vld [tilespmem:s9+$0xFFFFFE20];
	_ =	sdelay $0x2  }
0x9fb: {  	v0 =	vld.idx.msk [tilespmem:v0+s4+$0x0], $0xffff  }
0x9fc: {  	v1 =	vld.idx.msk [tilespmem:v1+s4+$0x0], $0xffff  }
0x9fd: {  	v2 =	vld.idx.msk [tilespmem:v2+s4+$0x0], $0xffff;
	_ =	sdelay $0x2  }
0x9fe: {  	v3 =	vld.idx.msk [tilespmem:v3+s4+$0x0], $0xffff;
	[tilespmem:s7+$0x90] =	vst v0  }
0x9ff: {  	[tilespmem:s7+$0xFFFFFF90] =	vst v1;
	v0 =	vld [tilespmem:s9+$0xFFFFFFB0]  }
0xa00: {  	[tilespmem:s7+$0x10] =	vst v2;
	v1 =	vld [tilespmem:s9+$0xFFFFFEB0]  }
0xa01: {  	v2 =	vld [tilespmem:s9+$0xFFFFFF30];
	_ =	sdelay $0x1  }
0xa02: {  	[tilespmem:s7+$0xFFFFFF10] =	vst v3  }
0xa03: {  	v3 =	vld [tilespmem:s9+$0xFFFFFE30]  }
0xa04: {  	s8 =	simm.s32 $0x1BAF0  }
0xa05: {  	v4 =	vld [tilespmem:s8+$0xFFFFFF90]  }
0xa06: {  	v0 =	vld.idx.msk [tilespmem:v0+s4+$0x0], $0xffff  }
0xa07: {  	v1 =	vld.idx.msk [tilespmem:v1+s4+$0x0], $0xffff  }
0xa08: {  	v2 =	vld.idx.msk [tilespmem:v2+s4+$0x0], $0xffff;
	_ =	sdelay $0x1  }
0xa09: {  	v5 =	vld [tilespmem:s8+$0xFFFFFE90]  }
0xa0a: {  	v3 =	vld.idx.msk [tilespmem:v3+s4+$0x0], $0xffff;
	[tilespmem:s7+$0xA0] =	vst v0  }
0xa0b: {  	[tilespmem:s7+$0xFFFFFFA0] =	vst v1;
	v0 =	vld [tilespmem:s9+$0xFFFFFFC0]  }
0xa0c: {  	[tilespmem:s7+$0x20] =	vst v2;
	v1 =	vld [tilespmem:s9+$0xFFFFFEC0]  }
0xa0d: {  	v2 =	vld [tilespmem:s9+$0xFFFFFF40];
	_ =	sdelay $0x1  }
0xa0e: {  	v4 =	vld.idx.msk [tilespmem:v4+s4+$0x0], $0xffff;
	[tilespmem:s7+$0xFFFFFF20] =	vst v3  }
0xa0f: {  	v3 =	vld [tilespmem:s9+$0xFFFFFE40]  }
0xa10: {  	v5 =	vld.idx.msk [tilespmem:v5+s4+$0x0], $0xffff  }
0xa11: {  	v6 =	vld [tilespmem:s8+$0xFFFFFF10]  }
0xa12: {  	v0 =	vld.idx.msk [tilespmem:v0+s4+$0x0], $0xffff  }
0xa13: {  	s11 =	simm.s32 $0x1DA00;
	v1 =	vld.idx.msk [tilespmem:v1+s4+$0x0], $0xffff  }
0xa14: {  	[tilespmem:s11+$0x80] =	vst v4;
	v2 =	vld.idx.msk [tilespmem:v2+s4+$0x0], $0xffff  }
0xa15: {  	[tilespmem:s11+$0xFFFFFF80] =	vst v5;
	v4 =	vld [tilespmem:s8+$0xFFFFFFA0]  }
0xa16: {  	v5 =	vld [tilespmem:s8+$0xFFFFFEA0]  }
0xa17: {  	v3 =	vld.idx.msk [tilespmem:v3+s4+$0x0], $0xffff;
	[tilespmem:s7+$0xB0] =	vst v0  }
0xa18: {  	[tilespmem:s7+$0xFFFFFFB0] =	vst v1;
	v0 =	vld [tilespmem:s9+$0xFFFFFFD0]  }
0xa19: {  	[tilespmem:s7+$0x30] =	vst v2;
	v1 =	vld [tilespmem:s9+$0xFFFFFED0]  }
0xa1a: {  	v2 =	vld [tilespmem:s9+$0xFFFFFF50]  }
0xa1b: {  	v7 =	vld [tilespmem:s8+$0xFFFFFE10]  }
0xa1c: {  	v6 =	vld.idx.msk [tilespmem:v6+s4+$0x0], $0xffff  }
0xa1d: {  	v4 =	vld.idx.msk [tilespmem:v4+s4+$0x0], $0xffff;
	[tilespmem:s7+$0xFFFFFF30] =	vst v3  }
0xa1e: {  	v3 =	vld [tilespmem:s9+$0xFFFFFE50]  }
0xa1f: {  	v5 =	vld.idx.msk [tilespmem:v5+s4+$0x0], $0xffff  }
0xa20: {  	v0 =	vld.idx.msk [tilespmem:v0+s4+$0x0], $0xffff  }
0xa21: {  	v1 =	vld.idx.msk [tilespmem:v1+s4+$0x0], $0xffff  }
0xa22: {  	[tilespmem:s11+$0x0] =	vst v6;
	v2 =	vld.idx.msk [tilespmem:v2+s4+$0x0], $0xffff  }
0xa23: {  	[tilespmem:s11+$0x90] =	vst v4  }
0xa24: {  	v7 =	vld.idx.msk [tilespmem:v7+s4+$0x0], $0xffff;
	[tilespmem:s11+$0xFFFFFF90] =	vst v5  }
0xa25: {  	v5 =	vld [tilespmem:s8+$0xFFFFFFB0];
	[tilespmem:s7+$0xC0] =	vst v0  }
0xa26: {  	[tilespmem:s7+$0xFFFFFFC0] =	vst v1;
	v1 =	vld.idx.msk [tilespmem:v3+s4+$0x0], $0xffff  }
0xa27: {  	[tilespmem:s7+$0x40] =	vst v2;
	v2 =	vld [tilespmem:s8+$0xFFFFFF20]  }
0xa28: {  	v0 =	vld [tilespmem:s9+$0xFFFFFFE0]  }
0xa29: {  	v3 =	vld [tilespmem:s9+$0xFFFFFEE0]  }
0xa2a: {  	[tilespmem:s11+$0xFFFFFF00] =	vst v7;
	v6 =	vld [tilespmem:s9+$0xFFFFFF60]  }
0xa2b: {  	[tilespmem:s7+$0xFFFFFF40] =	vst v1;
	v1 =	vld [tilespmem:s8+$0xFFFFFE20]  }
0xa2c: {  	v7 =	vld [tilespmem:s9+$0xFFFFFE60];
	_ =	sdelay $0x1  }
0xa2d: {  	v5 =	vld.idx.msk [tilespmem:v5+s4+$0x0], $0xffff  }
0xa2e: {  	v2 =	vld.idx.msk [tilespmem:v2+s4+$0x0], $0xffff  }
0xa2f: {  	v0 =	vld.idx.msk [tilespmem:v0+s4+$0x0], $0xffff  }
0xa30: {  	v3 =	vld.idx.msk [tilespmem:v3+s4+$0x0], $0xffff  }
0xa31: {  	v6 =	vld.idx.msk [tilespmem:v6+s4+$0x0], $0xffff  }
0xa32: {  	v1 =	vld.idx.msk [tilespmem:v1+s4+$0x0], $0xffff  }
0xa33: {  	v4 =	vld.idx.msk [tilespmem:v7+s4+$0x0], $0xffff  }
0xa34: {  	[tilespmem:s11+$0x10] =	vst v2;
	v7 =	vld [tilespmem:s8+$0xFFFFFEB0]  }
0xa35: {  	[tilespmem:s7+$0xD0] =	vst v0;
	v2 =	vld [tilespmem:s8+$0xFFFFFF30]  }
0xa36: {  	[tilespmem:s7+$0xFFFFFFD0] =	vst v3;
	v0 =	vld [tilespmem:s9+$0xFFFFFFF0]  }
0xa37: {  	v3 =	vld [tilespmem:s9+$0xFFFFFEF0];
	[tilespmem:s11+$0xFFFFFF10] =	vst v1  }
0xa38: {  	v1 =	vld [tilespmem:s8+$0xFFFFFE30];
	[tilespmem:s7+$0xFFFFFF50] =	vst v4  }
0xa39: {  	[tilespmem:s11+$0xA0] =	vst v5;
	v4 =	vld [tilespmem:s9+$0xFFFFFE70]  }
0xa3a: {  	v5 =	vld [tilespmem:s8+$0xFFFFFFC0];
	[tilespmem:s7+$0x50] =	vst v6  }
0xa3b: {  	v6 =	vld [tilespmem:s9+$0xFFFFFF70]  }
0xa3c: {  	v7 =	vld.idx.msk [tilespmem:v7+s4+$0x0], $0xffff  }
0xa3d: {  	v2 =	vld.idx.msk [tilespmem:v2+s4+$0x0], $0xffff  }
0xa3e: {  	v0 =	vld.idx.msk [tilespmem:v0+s4+$0x0], $0xffff  }
0xa3f: {  	v3 =	vld.idx.msk [tilespmem:v3+s4+$0x0], $0xffff  }
0xa40: {  	v1 =	vld.idx.msk [tilespmem:v1+s4+$0x0], $0xffff  }
0xa41: {  	[tilespmem:s11+$0xFFFFFFA0] =	vst v7;
	v4 =	vld.idx.msk [tilespmem:v4+s4+$0x0], $0xffff  }
0xa42: {  	[tilespmem:s11+$0x20] =	vst v2;
	v7 =	vld [tilespmem:s8+$0xFFFFFEC0]  }
0xa43: {  	[tilespmem:s7+$0xE0] =	vst v0;
	v2 =	vld [tilespmem:s8+$0xFFFFFF40]  }
0xa44: {  	v0 =	vld [tilespmem:s9+$0x0]  }
0xa45: {  	v6 =	vld.idx.msk [tilespmem:v6+s4+$0x0], $0xffff;
	[tilespmem:s11+$0xFFFFFF20] =	vst v1  }
0xa46: {  	[tilespmem:s7+$0xFFFFFFE0] =	vst v3;
	v1 =	vld [tilespmem:s8+$0xFFFFFE40]  }
0xa47: {  	v3 =	vld.idx.msk [tilespmem:v5+s4+$0x0], $0xffff;
	[tilespmem:s7+$0xFFFFFF60] =	vst v4  }
0xa48: {  	v4 =	vld [tilespmem:s9+$0xFFFFFE80]  }
0xa49: {  	v9 =	vld [tilespmem:s9+$0xFFFFFF00]  }
0xa4a: {  	v5 =	vld.idx.msk [tilespmem:v7+s4+$0x0], $0xffff  }
0xa4b: {  	v2 =	vld.idx.msk [tilespmem:v2+s4+$0x0], $0xffff  }
0xa4c: {  	[tilespmem:s7+$0x60] =	vst v6;
	v8 =	vld.idx.msk [tilespmem:v0+s4+$0x0], $0xffff  }
0xa4d: {  	v0 =	vld [tilespmem:s9+$0xFFFFFF80]  }
0xa4e: {  	[tilespmem:s11+$0xB0] =	vst v3;
	v6 =	vld.idx.msk [tilespmem:v1+s4+$0x0], $0xffff  }
0xa4f: {  	[tilespmem:s11+$0xFFFFFFB0] =	vst v5;
	v5 =	vld [tilespmem:s8+$0xFFFFFFD0]  }
0xa50: {  	v1 =	vld.idx.msk [tilespmem:v4+s4+$0x0], $0xffff  }
0xa51: {  	[tilespmem:s11+$0x30] =	vst v2;
	v2 =	vld.idx.msk [tilespmem:v9+s4+$0x0], $0xffff  }
0xa52: {  	v3 =	vld [tilespmem:s8+$0xFFFFFED0]  }
0xa53: {  	s10 =	simm.s32 $0x4;
	s15 =	simm.s32 $0x1BCF0;
	s9 =	simm.s32 $0x1DA00;
	v4 =	vld [tilespmem:s8+$0xFFFFFF50];
	[tilespmem:s7+$0xF0] =	vst v8  }
.LBB2_45:
0xa54: {  	v7 =	vld [tilespmem:s15+$0xFFFFFF90];
	s10 =	sadd.s32 $0x4, s10;
	[tilespmem:s11+$0xFFFFFF30] =	vst v6  }
0xa55: {  	v6 =	vld [tilespmem:s15+$0xFFFFFE90];
	p3 =	slt.u32 s10, $0x1C;
	[tilespmem:s7+$0xFFFFFF70] =	vst v1  }
0xa56: {  	v1 =	vld [tilespmem:s15+$0xFFFFFF10]  }
0xa57: {  	v8 =	vld [tilespmem:s15+$0xFFFFFE10]  }
0xa58: {  	v5 =	vld.idx.msk [tilespmem:v5+s4+$0x0], $0xffff  }
0xa59: {  	v9 =	vld [tilespmem:s8+$0xFFFFFE50];
	[tilespmem:s7+$0xFFFFFFF0] =	vst v2  }
0xa5a: {  	v2 =	vld.idx.msk [tilespmem:v3+s4+$0x0], $0xffff  }
0xa5b: {  	v3 =	vld.idx.msk [tilespmem:v4+s4+$0x0], $0xffff  }
0xa5c: {  	v4 =	vld.idx.msk [tilespmem:v7+s4+$0x0], $0xffff  }
0xa5d: {  	v6 =	vld.idx.msk [tilespmem:v6+s4+$0x0], $0xffff  }
0xa5e: {  	v1 =	vld.idx.msk [tilespmem:v1+s4+$0x0], $0xffff;
	[tilespmem:s11+$0xC0] =	vst v5  }
0xa5f: {  	v5 =	vld [tilespmem:s8+$0xFFFFFFE0]  }
0xa60: {  	v7 =	vld.idx.msk [tilespmem:v8+s4+$0x0], $0xffff;
	[tilespmem:s11+$0xFFFFFFC0] =	vst v2  }
0xa61: {  	s11 =	sadd.s32 $0x200, s11;
	v2 =	vld.idx.msk [tilespmem:v9+s4+$0x0], $0xffff;
	[tilespmem:s9+$0x40] =	vst v3  }
0xa62: {  	[tilespmem:s11+$0x80] =	vst v4;
	v3 =	vld [tilespmem:s8+$0xFFFFFEE0]  }
0xa63: {  	[tilespmem:s11+$0xFFFFFF80] =	vst v6;
	v4 =	vld [tilespmem:s15+$0xFFFFFFA0]  }
0xa64: {  	v6 =	vld [tilespmem:s15+$0xFFFFFEA0];
	[tilespmem:s11+$0x0] =	vst v1  }
0xa65: {  	v1 =	vld [tilespmem:s15+$0xFFFFFF20]  }
0xa66: {  	[tilespmem:s11+$0xFFFFFF00] =	vst v7;
	v7 =	vld [tilespmem:s8+$0xFFFFFF60]  }
0xa67: {  	[tilespmem:s9+$0xFFFFFF40] =	vst v2;
	v2 =	vld.idx.msk [tilespmem:v5+s4+$0x0], $0xffff  }
0xa68: {  	v5 =	vld [tilespmem:s15+$0xFFFFFE20]  }
0xa69: {  	v8 =	vld [tilespmem:s8+$0xFFFFFE60]  }
0xa6a: {  	v3 =	vld.idx.msk [tilespmem:v3+s4+$0x0], $0xffff  }
0xa6b: {  	v4 =	vld.idx.msk [tilespmem:v4+s4+$0x0], $0xffff  }
0xa6c: {  	v6 =	vld.idx.msk [tilespmem:v6+s4+$0x0], $0xffff  }
0xa6d: {  	v1 =	vld.idx.msk [tilespmem:v1+s4+$0x0], $0xffff;
	[tilespmem:s9+$0xD0] =	vst v2  }
0xa6e: {  	v2 =	vld [tilespmem:s8+$0xFFFFFFF0]  }
0xa6f: {  	v7 =	vld.idx.msk [tilespmem:v7+s4+$0x0], $0xffff  }
0xa70: {  	v5 =	vld.idx.msk [tilespmem:v5+s4+$0x0], $0xffff;
	[tilespmem:s9+$0xFFFFFFD0] =	vst v3  }
0xa71: {  	[tilespmem:s11+$0x90] =	vst v4;
	v3 =	vld.idx.msk [tilespmem:v8+s4+$0x0], $0xffff  }
0xa72: {  	[tilespmem:s11+$0xFFFFFF90] =	vst v6;
	v4 =	vld [tilespmem:s15+$0xFFFFFFB0]  }
0xa73: {  	v6 =	vld [tilespmem:s15+$0xFFFFFEB0];
	[tilespmem:s11+$0x10] =	vst v1  }
0xa74: {  	v1 =	vld [tilespmem:s15+$0xFFFFFF30]  }
0xa75: {  	v8 =	vld [tilespmem:s8+$0xFFFFFEF0];
	[tilespmem:s9+$0x50] =	vst v7  }
0xa76: {  	[tilespmem:s11+$0xFFFFFF10] =	vst v5;
	v2 =	vld.idx.msk [tilespmem:v2+s4+$0x0], $0xffff  }
0xa77: {  	v5 =	vld [tilespmem:s15+$0xFFFFFE30];
	[tilespmem:s9+$0xFFFFFF50] =	vst v3  }
0xa78: {  	v3 =	vld [tilespmem:s8+$0xFFFFFE70]  }
0xa79: {  	v7 =	vld [tilespmem:s8+$0xFFFFFF70]  }
0xa7a: {  	v4 =	vld.idx.msk [tilespmem:v4+s4+$0x0], $0xffff  }
0xa7b: {  	v6 =	vld.idx.msk [tilespmem:v6+s4+$0x0], $0xffff  }
0xa7c: {  	v1 =	vld.idx.msk [tilespmem:v1+s4+$0x0], $0xffff;
	[tilespmem:s9+$0xE0] =	vst v2  }
0xa7d: {  	v2 =	vld [tilespmem:s8+$0x0]  }
0xa7e: {  	v8 =	vld.idx.msk [tilespmem:v8+s4+$0x0], $0xffff  }
0xa7f: {  	v5 =	vld.idx.msk [tilespmem:v5+s4+$0x0], $0xffff  }
0xa80: {  	[tilespmem:s11+$0xA0] =	vst v4;
	v3 =	vld.idx.msk [tilespmem:v3+s4+$0x0], $0xffff  }
0xa81: {  	[tilespmem:s11+$0xFFFFFFA0] =	vst v6;
	v4 =	vld [tilespmem:s15+$0xFFFFFFC0]  }
0xa82: {  	v6 =	vld [tilespmem:s15+$0xFFFFFEC0];
	[tilespmem:s11+$0x20] =	vst v1  }
0xa83: {  	v1 =	vld [tilespmem:s15+$0xFFFFFF40]  }
0xa84: {  	[tilespmem:s9+$0xFFFFFFE0] =	vst v8;
	v7 =	vld.idx.msk [tilespmem:v7+s4+$0x0], $0xffff  }
0xa85: {  	[tilespmem:s11+$0xFFFFFF20] =	vst v5;
	v2 =	vld.idx.msk [tilespmem:v2+s4+$0x0], $0xffff  }
0xa86: {  	v5 =	vld [tilespmem:s15+$0xFFFFFE40];
	[tilespmem:s9+$0xFFFFFF60] =	vst v3  }
0xa87: {  	v3 =	vld [tilespmem:s8+$0xFFFFFE80]  }
0xa88: {  	v8 =	vld [tilespmem:s8+$0xFFFFFF00]  }
0xa89: {  	v4 =	vld.idx.msk [tilespmem:v4+s4+$0x0], $0xffff  }
0xa8a: {  	v9 =	vld.idx.msk [tilespmem:v6+s4+$0x0], $0xffff;
	[tilespmem:s9+$0x60] =	vst v7  }
0xa8b: {  	v7 =	vld.idx.msk [tilespmem:v1+s4+$0x0], $0xffff;
	[tilespmem:s9+$0xF0] =	vst v2  }
0xa8c: {  	v2 =	vld [tilespmem:s8+$0xFFFFFF80];
	s8 =	smov.u32 s15  }
0xa8d: {  	v10 =	vld.idx.msk [tilespmem:v0+s4+$0x0], $0xffff  }
0xa8e: {  	v6 =	vld.idx.msk [tilespmem:v5+s4+$0x0], $0xffff  }
.Ltmp35:
0xa8f: {  	[tilespmem:s11+$0xB0] =	vst v4;
	v1 =	vld.idx.msk [tilespmem:v3+s4+$0x0], $0xffff;
	(pc) =	sbr.rel @p3 .LBB2_45-.Ltmp35, $4  }
0xa90: {  	[tilespmem:s11+$0xFFFFFFB0] =	vst v9;
	v5 =	vld [tilespmem:s15+$0xFFFFFFD0]  }
0xa91: {  	v3 =	vld [tilespmem:s15+$0xFFFFFED0];
	[tilespmem:s11+$0x30] =	vst v7;
	v0 =	vmov v2  }
0xa92: {  	v4 =	vld [tilespmem:s15+$0xFFFFFF50]  }
0xa93: {  	s15 =	sadd.s32 $0x200, s15;
	v2 =	vld.idx.msk [tilespmem:v8+s4+$0x0], $0xffff;
	[tilespmem:s7+$0x70] =	vst v10;
	s7 =	smov.u32 s9;
	s9 =	smov.u32 s11  }
.Ltmp36:
0xa94: {  	_ = 	snop;
	(pc) =	sbr.rel .LBB2_46-.Ltmp36, $1  }
0xa95: {  	_ =	sdelay $0x3  }
.LBB2_50:
0xa96: {  	_ =	sfence.sel $0x180000  }
0xa97: {  	[bflag:$0x0] =	sbarrier.arrive $0xFFFF  }
0xa98: {  	_ =	strace $0x90000047  }
0xa99: {  	[bflag:$0x2] =	sbarrier.arrive $0xFFFF  }
0xa9a: {  	s0 =	rddreg [dreg:$0x4]  }
0xa9b: {  	s0 =	sadd.s32 @!p0 $0x100000, s0  }
0xa9c: {  	[sflag:s0] =	ssyncadd.tile.s32 @!p0 $0x1;
	_ =	shalt  }
.Lfunc_end2:
_tile_overlayer_lowered:
.L_overlay_start_2:
0xa9d: {  	(tag) =	ssettag $0x2  }
0xa9e: {  	s0 =	rddreg [dreg:$0x0];
	s2 =	stileid.u32  }
0xa9f: {  	s1 =	rddreg [dreg:$0x1];
	p0 =	sne.s32 s2, $0x0  }
0xaa0: {  	s3 =	rddreg [dreg:$0x2];
	[bflag:$0x3] =	sbarrier.arrive $0xFFFF;
	s2 =	simm.s32 @!p0 $0x1C06  }
0xaa1: {  	[timem:s3], [sflag:s2] =	dma.local @!p0 [hbm:s0], s1  }
0xaa2: {  	s0 =	simm.s32 @!p0 $0x6  }
0xaa3: {  	_ =	swait.ge @!p0 [sflag:s0], s1  }
0xaa4: {  	s1 =	ssub.s32 @!p0 $0x0, s1;
	[sflag:s0] =	ssyncset.done @!p0 $0x0  }
0xaa5: {  	[sflag:s0] =	ssyncadd.s32 @!p0 s1  }
0xaa6: {  	[bflag:$0x3] =	sbarrier.arrive $0xFFFF  }
0xaa7: {  	_ =	shalt  }

</sc_bundles>
